<compile_context>
chip_gen: v7x
topology: tpu7x:2x2x1
jax: 0.10.2.dev20260603
libtpu: 0.0.44.dev20260713+nightly
codegen_flags: <defaults>
</compile_context>

<pallas_src>
import functools

import jax
import jax.numpy as jnp
from jax import lax
from jax.experimental import pallas as pl
from jax.experimental.pallas import tpu as pltpu
from jax.experimental.pallas import tpu_sc as plsc

N = 10000
E = 320000
D = 128
L = 3
G = 8
NEG_SLOPE = 0.01
EPS = 1e-5
RESIDUAL_START = 1

NC = 2
NS = 16
STRIPE = 632
NPAD = NS * STRIPE
TRASH = N
CH = 112
NCHUNK = 180
NCPAD = NCHUNK + 3
EPADT = NCHUNK * CH
R = 1000
NB = N // R

_mesh = plsc.VectorSubcoreMesh(
    core_axis_name="c", subcore_axis_name="s", num_cores=NC, num_subcores=NS)



@functools.partial(
    pl.kernel,
    out_type=jax.ShapeDtypeStruct((NC, NPAD, D), jnp.float32),
    mesh=_mesh,
    scratch_types=[
        pltpu.VMEM_SHARED((NPAD, D), jnp.float32),
        pltpu.VMEM((2, 3, 2, CH), jnp.int32),
        pltpu.VMEM((3, CH, D), jnp.float32),
        pltpu.SemaphoreType.DMA,
        pltpu.SemaphoreType.DMA,
        pltpu.SemaphoreType.DMA,
        pltpu.SemaphoreType.DMA,
        pltpu.SemaphoreType.DMA,
        pltpu.SemaphoreType.DMA,
    ],
)
def _agg_kernel(h_hbm, edges_hbm, zeros_hbm, agg_hbm,
                acc_s, pblk_v, buf_v, g0, g1, g2, s0, s1, s2):
    c = lax.axis_index("c")
    s = lax.axis_index("s")
    rows = pl.ds(s * STRIPE, STRIPE)
    gsems = (g0, g1, g2)
    ssems = (s0, s1, s2)
    pltpu.sync_copy(zeros_hbm, acc_s.at[rows])
    plsc.subcore_barrier()

    pltpu.sync_copy(edges_hbm.at[s, pl.ds(0, 3)], pblk_v.at[1])
    for k in range(3):
        pltpu.async_copy(h_hbm.at[pblk_v.at[1, k, c]], buf_v.at[k], gsems[k])

    def loop(g, carry):
        b = 3 * g
        p = lax.rem(g, 2)
        pltpu.sync_copy(edges_hbm.at[s, pl.ds(b + 3, 3)], pblk_v.at[p])
        for k in range(3):
            pltpu.make_async_copy(
                h_hbm.at[pblk_v.at[1 - p, k, c]], buf_v.at[k],
                gsems[k]).wait()
            pltpu.async_copy(buf_v.at[k], acc_s.at[pblk_v.at[1 - p, k, 1 - c]],
                             ssems[k], add=True)
        for k in range(3):
            ck = b + k

            @pl.when(ck + 3 < NCHUNK)
            def _():
                pltpu.make_async_copy(
                    buf_v.at[k], acc_s.at[pblk_v.at[1 - p, k, 1 - c]],
                    ssems[k]).wait()
                pltpu.async_copy(h_hbm.at[pblk_v.at[p, k, c]], buf_v.at[k],
                                 gsems[k])
        return carry

    lax.fori_loop(0, NCHUNK // 3, loop, 0)
    for k in range(3):
        pltpu.make_async_copy(
            buf_v.at[k], acc_s.at[pblk_v.at[0, k, 1]], ssems[k]).wait()
    plsc.subcore_barrier()
    pltpu.sync_copy(acc_s.at[rows], agg_hbm.at[c, rows])


@functools.partial(
    pl.kernel,
    out_type=jax.ShapeDtypeStruct((NC, NPAD, D), jnp.float32),
    mesh=_mesh,
    scratch_types=[
        pltpu.VMEM_SHARED((NPAD, D), jnp.float32),
        pltpu.VMEM((2, 3, 2, CH), jnp.int32),
        pltpu.VMEM((CH, D), jnp.float32),
        pltpu.SemaphoreType.DMA,
        pltpu.SemaphoreType.DMA,
        pltpu.SemaphoreType.DMA,
    ],
)
def _deg_kernel(edges_hbm, zeros_hbm, ones_hbm, deg_hbm,
                dacc_s, pblk_v, ones_v, s0, s1, s2):
    c = lax.axis_index("c")
    s = lax.axis_index("s")
    rows = pl.ds(s * STRIPE, STRIPE)
    ssems = (s0, s1, s2)
    pltpu.sync_copy(zeros_hbm, dacc_s.at[rows])
    pltpu.sync_copy(ones_hbm, ones_v)
    plsc.subcore_barrier()

    pltpu.sync_copy(edges_hbm.at[s, pl.ds(0, 3)], pblk_v.at[1])
    for k in range(3):
        pltpu.async_copy(ones_v, dacc_s.at[pblk_v.at[1, k, 1 - c]], ssems[k],
                         add=True)

    def loop(g, carry):
        b = 3 * g
        p = lax.rem(g, 2)
        pltpu.sync_copy(edges_hbm.at[s, pl.ds(b + 3, 3)], pblk_v.at[p])
        for k in range(3):
            ck = b + k
            pltpu.make_async_copy(
                ones_v, dacc_s.at[pblk_v.at[1 - p, k, 1 - c]],
                ssems[k]).wait()

            @pl.when(ck + 3 < NCHUNK)
            def _():
                pltpu.async_copy(ones_v, dacc_s.at[pblk_v.at[p, k, 1 - c]],
                                 ssems[k], add=True)
        return carry

    lax.fori_loop(0, NCHUNK // 3, loop, 0)
    plsc.subcore_barrier()
    pltpu.sync_copy(dacc_s.at[rows], deg_hbm.at[c, rows])



def _mm_stats_body(h_b, af_b, ab_b, ii_b, io_b, b3_b, wl_r, wr_r, bias_r,
                   xn_o, s1_o, s2_o, cnt_o, s1_s, s2_s, cnt_s):
    i = pl.program_id(0)

    @pl.when(i == 0)
    def _init():
        s1_s[...] = jnp.zeros_like(s1_s)
        s2_s[...] = jnp.zeros_like(s2_s)
        cnt_s[...] = jnp.zeros_like(cnt_s)

    m = 0.5 * (af_b[0] * ii_b[...] + ab_b[0] * io_b[...])
    xn = (jnp.dot(m, wl_r[...], preferred_element_type=jnp.float32)
          + jnp.dot(h_b[...], wr_r[...], preferred_element_type=jnp.float32)
          + bias_r[...])
    xn_o[...] = xn

    bvec = b3_b[0, 0, :]
    onehot_t = (lax.broadcasted_iota(jnp.int32, (G, R), 0)
                == bvec[None, :]).astype(jnp.float32)
    s1_s[...] += lax.dot_general(onehot_t, xn, (((1,), (0,)), ((), ())),
                                 preferred_element_type=jnp.float32)
    s2_s[...] += lax.dot_general(onehot_t, xn * xn, (((1,), (0,)), ((), ())),
                                 preferred_element_type=jnp.float32)
    cnt_s[...] += jnp.broadcast_to(jnp.sum(onehot_t, axis=1)[:, None], (G, D))

    @pl.when(i == NB - 1)
    def _fin():
        s1_o[...] = s1_s[...]
        s2_o[...] = s2_s[...]
        cnt_o[...] = cnt_s[...]


def _mm_stats(h, agg, ii, io, b3, wl, wr, bias):
    blk = lambda i: (i, 0)
    rep = lambda i: (0, 0)
    fwd = lambda i: (0, i, 0)
    bwd = lambda i: (1, i, 0)
    return pl.pallas_call(
        _mm_stats_body,
        grid=(NB,),
        in_specs=[
            pl.BlockSpec((R, D), blk),
            pl.BlockSpec((1, R, D), fwd),
            pl.BlockSpec((1, R, D), bwd),
            pl.BlockSpec((R, D), blk),
            pl.BlockSpec((R, D), blk),
            pl.BlockSpec((1, 1, R), lambda i: (i, 0, 0)),
            pl.BlockSpec((D, D), rep),
            pl.BlockSpec((D, D), rep),
            pl.BlockSpec((1, D), rep),
        ],
        out_specs=[
            pl.BlockSpec((R, D), blk),
            pl.BlockSpec((G, D), rep),
            pl.BlockSpec((G, D), rep),
            pl.BlockSpec((G, D), rep),
        ],
        out_shape=[
            jax.ShapeDtypeStruct((N, D), jnp.float32),
            jax.ShapeDtypeStruct((G, D), jnp.float32),
            jax.ShapeDtypeStruct((G, D), jnp.float32),
            jax.ShapeDtypeStruct((G, D), jnp.float32),
        ],
        scratch_shapes=[pltpu.VMEM((G, D), jnp.float32)] * 3,
    )(h, agg, agg, ii, io, b3, wl, wr, bias)


def _norm_body(residual, pool, xn_b, hp_b, b3_b, s1_r, s2_r, cnt_r, w_r, bb_r,
               a_r, out_o, *scratch):
    i = pl.program_id(0)
    cg = jnp.maximum(cnt_r[...], 1.0)
    mean = s1_r[...] / cg
    alpha = a_r[...]
    var = s2_r[...] / cg - (2.0 * alpha - alpha * alpha) * mean * mean
    inv_std = lax.rsqrt(var + EPS)

    bvec = b3_b[0, 0, :]
    onehot_t = (lax.broadcasted_iota(jnp.int32, (G, R), 0)
                == bvec[None, :]).astype(jnp.float32)
    mean_b = lax.dot_general(onehot_t, mean, (((0,), (0,)), ((), ())),
                             preferred_element_type=jnp.float32)
    istd_b = lax.dot_general(onehot_t, inv_std, (((0,), (0,)), ((), ())),
                             preferred_element_type=jnp.float32)
    y = w_r[...] * (xn_b[...] - alpha * mean_b) * istd_b + bb_r[...]
    y = jnp.where(y >= 0.0, y, NEG_SLOPE * y)
    if residual:
        y = y + hp_b[...]

    if pool:
        pool_s = scratch[0]

        @pl.when(i == 0)
        def _init():
            pool_s[...] = jnp.zeros_like(pool_s)

        pool_s[...] += lax.dot_general(onehot_t, y, (((1,), (0,)), ((), ())),
                                       preferred_element_type=jnp.float32)

        @pl.when(i == NB - 1)
        def _fin():
            out_o[...] = pool_s[...] / cg
    else:
        out_o[...] = y


def _norm_apply(xn, hprev, b3, s1, s2, cnt, w, bb, a, residual, pool):
    blk = lambda i: (i, 0)
    rep = lambda i: (0, 0)
    if pool:
        out_spec = pl.BlockSpec((G, D), rep)
        out_shape = jax.ShapeDtypeStruct((G, D), jnp.float32)
        scratch = [pltpu.VMEM((G, D), jnp.float32)]
    else:
        out_spec = pl.BlockSpec((R, D), blk)
        out_shape = jax.ShapeDtypeStruct((N, D), jnp.float32)
        scratch = []
    return pl.pallas_call(
        functools.partial(_norm_body, residual, pool),
        grid=(NB,),
        in_specs=[
            pl.BlockSpec((R, D), blk),
            pl.BlockSpec((R, D), blk),
            pl.BlockSpec((1, 1, R), lambda i: (i, 0, 0)),
            pl.BlockSpec((G, D), rep),
            pl.BlockSpec((G, D), rep),
            pl.BlockSpec((G, D), rep),
            pl.BlockSpec((1, D), rep),
            pl.BlockSpec((1, D), rep),
            pl.BlockSpec((1, D), rep),
        ],
        out_specs=out_spec,
        out_shape=out_shape,
        scratch_shapes=scratch,
    )(xn, hprev, b3, s1, s2, cnt, w, bb, a)



def kernel(x, edge_index, batch, Wl, Wr, b, gn_w, gn_b, gn_a):
    f32 = jnp.float32
    src = edge_index[0].astype(jnp.int32)
    dst = edge_index[1].astype(jnp.int32)
    pad_e = NS * EPADT - E
    srcp = jnp.concatenate(
        [src, jnp.full((pad_e,), TRASH, jnp.int32)]).reshape(NS, NCHUNK, CH)
    dstp = jnp.concatenate(
        [dst, jnp.full((pad_e,), TRASH, jnp.int32)]).reshape(NS, NCHUNK, CH)
    edges = jnp.stack([srcp, dstp], axis=2)
    edges = jnp.concatenate(
        [edges, jnp.full((NS, NCPAD - NCHUNK, 2, CH), TRASH, jnp.int32)],
        axis=1)

    zeros = jnp.zeros((STRIPE, D), f32)

    batch3 = batch.astype(jnp.int32).reshape(NB, 1, R)

    degf = _deg_kernel(edges, zeros, jnp.ones((CH, D), f32))
    ii = 1.0 / jnp.maximum(degf[0, :N], 1.0)
    io = 1.0 / jnp.maximum(degf[1, :N], 1.0)

    h = x
    out = None
    for i in range(L):
        hp = jnp.pad(h, ((0, NPAD - N), (0, 0)))
        agg = _agg_kernel(hp, edges, zeros)
        xn, s1, s2, cnt = _mm_stats(h, agg, ii, io, batch3,
                                    Wl[i], Wr[i], b[i].reshape(1, D))
        last = i == L - 1
        res = i >= RESIDUAL_START
        nxt = _norm_apply(xn, h, batch3, s1, s2, cnt,
                          gn_w[i].reshape(1, D), gn_b[i].reshape(1, D),
                          gn_a[i].reshape(1, D), residual=res, pool=last)
        if last:
            out = nxt
        else:
            h = nxt
    return out

# --- scband reference (transcript-rebuilt; emitter-appended) ---
"""Pipeline reference for scband-graph-convolution-sage-encoder-48911087567676 (READ-ONLY COPY).

The authoritative reference and input builder live on the scoring server;
editing this copy changes nothing except your own understanding.
"""

import jax, jax.numpy as jnp
import numpy as np

N = 10000
E = 320000
D = 128
L = 3
G = 8
NEG_SLOPE = 0.01
EPS = 1e-5
RESIDUAL_START = 1


def _sage_conv(x, src, dst, Wl, Wr, b):
    # PyG SAGEConv with mean aggregation: lin_l(mean_{j in N(i)} x_j) + lin_r(x_i) + bias
    msg = x[src]
    agg = jax.ops.segment_sum(msg, dst, num_segments=N)
    cnt = jax.ops.segment_sum(jnp.ones((E,), dtype=x.dtype), dst, num_segments=N)
    mean = agg / jnp.maximum(cnt, 1.0)[:, None]
    return mean @ Wl + x @ Wr + b


def _graph_norm(x, batch, w, bb, alpha):
    # PyG GraphNorm: out = w * (x - alpha * mean_b) / sqrt(var_b + eps) + bias
    cnt = jax.ops.segment_sum(jnp.ones((N,), dtype=x.dtype), batch, num_segments=G)
    cnt = jnp.maximum(cnt, 1.0)
    mean = jax.ops.segment_sum(x, batch, num_segments=G) / cnt[:, None]
    out = x - alpha * mean[batch]
    var = jax.ops.segment_sum(out * out, batch, num_segments=G) / cnt[:, None]
    std = jnp.sqrt(var + EPS)
    return w * out / std[batch] + bb


def _forward(x, edge_index, batch, Wl, Wr, b, gn_w, gn_b, gn_a):
    src, dst = edge_index[0], edge_index[1]
    for i in range(L):
        xf = _sage_conv(x, src, dst, Wl[i], Wr[i], b[i])
        xb = _sage_conv(x, dst, src, Wl[i], Wr[i], b[i])  # bidirectional: flipped edges
        xn = 0.5 * (xf + xb)
        xn = _graph_norm(xn, batch, gn_w[i], gn_b[i], gn_a[i])
        xn = jax.nn.leaky_relu(xn, NEG_SLOPE)
        # dropout_p=0.0 -> identity
        x = xn if i < RESIDUAL_START else x + xn
    pooled = jax.ops.segment_sum(x, batch, num_segments=G)
    cnt = jax.ops.segment_sum(jnp.ones((N,), dtype=x.dtype), batch, num_segments=G)
    return pooled / jnp.maximum(cnt, 1.0)[:, None]


def setup_inputs(seed: int = 0):
    key = jax.random.key(seed)
    ks = jax.random.split(key, 9)
    x = jax.random.normal(ks[0], (N, D), dtype=jnp.float32)
    edge_index = jax.random.randint(ks[1], (2, E), 0, N, dtype=jnp.int32)
    batch = jnp.sort(jax.random.randint(ks[2], (N,), 0, G, dtype=jnp.int32))
    Wl = jax.random.normal(ks[3], (L, D, D), dtype=jnp.float32) * 0.05
    Wr = jax.random.normal(ks[4], (L, D, D), dtype=jnp.float32) * 0.05
    b = jnp.zeros((L, D), dtype=jnp.float32)
    gn_w = jnp.ones((L, D), dtype=jnp.float32)
    gn_b = jnp.zeros((L, D), dtype=jnp.float32)
    gn_a = jnp.ones((L, D), dtype=jnp.float32)
    return {"x": x, "edge_index": edge_index, "batch": batch, "Wl": Wl, "Wr": Wr, "b": b, "gn_w": gn_w, "gn_b": gn_b, "gn_a": gn_a}


def reference(x, edge_index, batch, Wl, Wr, b, gn_w, gn_b, gn_a):
    return _forward(x, edge_index, batch, Wl, Wr, b, gn_w, gn_b, gn_a)

if __name__ == "__main__":
    import jax
    _d = setup_inputs()
    print(jax.jit(kernel)(*tuple(_d.values())))

</pallas_src>

<mosaic_0001>
#map = affine_map<(d0, d1) -> (0, 0)>
#map1 = affine_map<(d0, d1) -> (0, 0, 0, 0)>
#map2 = affine_map<(d0, d1) -> (0, 0, 0)>
module attributes {stable_mosaic.version = 14 : i64} {
  func.func @_agg_kernel(%arg0: i32, %arg1: i32, %arg2: memref<10112x128xf32, #tpu.memory_space<hbm>>, %arg3: memref<16x183x2x112xi32, #tpu.memory_space<hbm>>, %arg4: memref<632x128xf32, #tpu.memory_space<hbm>>, %arg5: memref<2x10112x128xf32, #tpu.memory_space<hbm>>, %arg6: memref<10112x128xf32, #tpu.memory_space<vmem_shared>>, %arg7: memref<2x3x2x112xi32, #tpu.memory_space<vmem>>, %arg8: memref<3x112x128xf32, #tpu.memory_space<vmem>>, %arg9: memref<!tpu.dma_semaphore, #tpu.memory_space<semaphore_mem>>, %arg10: memref<!tpu.dma_semaphore, #tpu.memory_space<semaphore_mem>>, %arg11: memref<!tpu.dma_semaphore, #tpu.memory_space<semaphore_mem>>, %arg12: memref<!tpu.dma_semaphore, #tpu.memory_space<semaphore_mem>>, %arg13: memref<!tpu.dma_semaphore, #tpu.memory_space<semaphore_mem>>, %arg14: memref<!tpu.dma_semaphore, #tpu.memory_space<semaphore_mem>>) attributes {dimension_semantics = [#tpu.dimension_semantics<core_parallel>, #tpu.dimension_semantics<subcore_parallel>], iteration_bounds = array<i64: 2, 16>, scalar_prefetch = 0 : i64, scratch_operands = 9 : i64, tpu.core_type = #tpu.core_type<sc_vector_subcore>, window_params = [{transform_indices = #map}, {transform_indices = #map1}, {transform_indices = #map}, {transform_indices = #map2}]} {
    %mul3A = arith.constant 632 : i32
    %mul3A_0 = arith.muli %arg1, %mul3A : i32
    "tpu.region"() ({
      %run_scoped3A_86 = tpu.sem_alloc : memref<!tpu.dma_semaphore, #tpu.memory_space<semaphore_mem>>
      %dma_start3A_87 = arith.constant 0 : i32
      %dma_start3A_88 = tpu.memref_slice %arg6[%mul3A_0, %dma_start3A_87] : memref<10112x128xf32, #tpu.memory_space<vmem_shared>> -> memref<632x128xf32, #tpu.memory_space<vmem_shared>>
      tpu.enqueue_dma source(%arg4 : memref<632x128xf32, #tpu.memory_space<hbm>>) target(%dma_start3A_88 : memref<632x128xf32, #tpu.memory_space<vmem_shared>>) target_semaphore(%run_scoped3A_86 : memref<!tpu.dma_semaphore, #tpu.memory_space<semaphore_mem>>)
      %dma_wait3A_89 = arith.constant 0 : i32
      %dma_wait3A_90 = tpu.memref_slice %arg6[%mul3A_0, %dma_wait3A_89] : memref<10112x128xf32, #tpu.memory_space<vmem_shared>> -> memref<632x128xf32, #tpu.memory_space<vmem_shared>>
      tpu.wait_dma2 semaphore(%run_scoped3A_86 : memref<!tpu.dma_semaphore, #tpu.memory_space<semaphore_mem>>) src(%arg4 : memref<632x128xf32, #tpu.memory_space<hbm>>) dst(%dma_wait3A_90 : memref<632x128xf32, #tpu.memory_space<vmem_shared>>)
      tpu.yield
    }) : () -> ()
    %barrier3A = arith.constant 0 : index
    tpu.barrier barrier_id(%barrier3A)
    %run_scoped3A = arith.constant 1 : i32
    "tpu.region"() ({
      %run_scoped3A_86 = tpu.sem_alloc : memref<!tpu.dma_semaphore, #tpu.memory_space<semaphore_mem>>
      %dma_start3A_87 = arith.constant 0 : i32
      %dma_start3A_88 = arith.constant 0 : i32
      %dma_start3A_89 = arith.constant 0 : i32
      %dma_start3A_90 = tpu.memref_slice %arg7[%run_scoped3A, %dma_start3A_87, %dma_start3A_88, %dma_start3A_89] : memref<2x3x2x112xi32, #tpu.memory_space<vmem>> -> memref<1x3x2x112xi32, #tpu.memory_space<vmem>>
      %dma_start3A_91 = tpu.memref_squeeze %dma_start3A_90 : memref<1x3x2x112xi32, #tpu.memory_space<vmem>> -> memref<3x2x112xi32, #tpu.memory_space<vmem>>
      %dma_start3A_92 = arith.constant 0 : i32
      %dma_start3A_93 = arith.constant 0 : i32
      %dma_start3A_94 = arith.constant 0 : i32
      %dma_start3A_95 = tpu.memref_slice %arg3[%arg1, %dma_start3A_92, %dma_start3A_93, %dma_start3A_94] : memref<16x183x2x112xi32, #tpu.memory_space<hbm>> -> memref<1x3x2x112xi32, #tpu.memory_space<hbm>>
      %dma_start3A_96 = tpu.memref_squeeze %dma_start3A_95 : memref<1x3x2x112xi32, #tpu.memory_space<hbm>> -> memref<3x2x112xi32, #tpu.memory_space<hbm>>
      %dma_start3A_97 = arith.constant 0 : i32
      %dma_start3A_98 = arith.constant 0 : i32
      %dma_start3A_99 = arith.constant 0 : i32
      %dma_start3A_100 = tpu.memref_slice %arg7[%run_scoped3A, %dma_start3A_97, %dma_start3A_98, %dma_start3A_99] : memref<2x3x2x112xi32, #tpu.memory_space<vmem>> -> memref<1x3x2x112xi32, #tpu.memory_space<vmem>>
      %dma_start3A_101 = tpu.memref_squeeze %dma_start3A_100 : memref<1x3x2x112xi32, #tpu.memory_space<vmem>> -> memref<3x2x112xi32, #tpu.memory_space<vmem>>
      %dma_start3A_102 = arith.constant 0 : i32
      %dma_start3A_103 = arith.constant 0 : i32
      %dma_start3A_104 = arith.constant 0 : i32
      %dma_start3A_105 = tpu.memref_slice %arg3[%arg1, %dma_start3A_102, %dma_start3A_103, %dma_start3A_104] : memref<16x183x2x112xi32, #tpu.memory_space<hbm>> -> memref<1x3x2x112xi32, #tpu.memory_space<hbm>>
      %dma_start3A_106 = tpu.memref_squeeze %dma_start3A_105 : memref<1x3x2x112xi32, #tpu.memory_space<hbm>> -> memref<3x2x112xi32, #tpu.memory_space<hbm>>
      tpu.enqueue_dma source(%dma_start3A_106 : memref<3x2x112xi32, #tpu.memory_space<hbm>>) target(%dma_start3A_101 : memref<3x2x112xi32, #tpu.memory_space<vmem>>) target_semaphore(%run_scoped3A_86 : memref<!tpu.dma_semaphore, #tpu.memory_space<semaphore_mem>>)
      %dma_wait3A_107 = arith.constant 0 : i32
      %dma_wait3A_108 = arith.constant 0 : i32
      %dma_wait3A_109 = arith.constant 0 : i32
      %dma_wait3A_110 = tpu.memref_slice %arg7[%run_scoped3A, %dma_wait3A_107, %dma_wait3A_108, %dma_wait3A_109] : memref<2x3x2x112xi32, #tpu.memory_space<vmem>> -> memref<1x3x2x112xi32, #tpu.memory_space<vmem>>
      %dma_wait3A_111 = tpu.memref_squeeze %dma_wait3A_110 : memref<1x3x2x112xi32, #tpu.memory_space<vmem>> -> memref<3x2x112xi32, #tpu.memory_space<vmem>>
      %dma_wait3A_112 = arith.constant 0 : i32
      %dma_wait3A_113 = arith.constant 0 : i32
      %dma_wait3A_114 = arith.constant 0 : i32
      %dma_wait3A_115 = tpu.memref_slice %arg3[%arg1, %dma_wait3A_112, %dma_wait3A_113, %dma_wait3A_114] : memref<16x183x2x112xi32, #tpu.memory_space<hbm>> -> memref<1x3x2x112xi32, #tpu.memory_space<hbm>>
      %dma_wait3A_116 = tpu.memref_squeeze %dma_wait3A_115 : memref<1x3x2x112xi32, #tpu.memory_space<hbm>> -> memref<3x2x112xi32, #tpu.memory_space<hbm>>
      %dma_wait3A_117 = arith.constant 0 : i32
      %dma_wait3A_118 = arith.constant 0 : i32
      %dma_wait3A_119 = arith.constant 0 : i32
      %dma_wait3A_120 = tpu.memref_slice %arg7[%run_scoped3A, %dma_wait3A_117, %dma_wait3A_118, %dma_wait3A_119] : memref<2x3x2x112xi32, #tpu.memory_space<vmem>> -> memref<1x3x2x112xi32, #tpu.memory_space<vmem>>
      %dma_wait3A_121 = tpu.memref_squeeze %dma_wait3A_120 : memref<1x3x2x112xi32, #tpu.memory_space<vmem>> -> memref<3x2x112xi32, #tpu.memory_space<vmem>>
      %dma_wait3A_122 = arith.constant 0 : i32
      %dma_wait3A_123 = arith.constant 0 : i32
      %dma_wait3A_124 = arith.constant 0 : i32
      %dma_wait3A_125 = tpu.memref_slice %arg3[%arg1, %dma_wait3A_122, %dma_wait3A_123, %dma_wait3A_124] : memref<16x183x2x112xi32, #tpu.memory_space<hbm>> -> memref<1x3x2x112xi32, #tpu.memory_space<hbm>>
      %dma_wait3A_126 = tpu.memref_squeeze %dma_wait3A_125 : memref<1x3x2x112xi32, #tpu.memory_space<hbm>> -> memref<3x2x112xi32, #tpu.memory_space<hbm>>
      tpu.wait_dma2 semaphore(%run_scoped3A_86 : memref<!tpu.dma_semaphore, #tpu.memory_space<semaphore_mem>>) src(%dma_wait3A_126 : memref<3x2x112xi32, #tpu.memory_space<hbm>>) dst(%dma_wait3A_121 : memref<3x2x112xi32, #tpu.memory_space<vmem>>)
      tpu.yield
    }) : () -> ()
    %dma_start3A = arith.constant 1 : i32
    %dma_start3A_1 = arith.constant 0 : i32
    %dma_start3A_2 = arith.constant 0 : i32
    %dma_start3A_3 = arith.constant 0 : i32
    %dma_start3A_4 = arith.constant 0 : i32
    %dma_start3A_5 = tpu.memref_slice %arg8[%dma_start3A_2, %dma_start3A_3, %dma_start3A_4] : memref<3x112x128xf32, #tpu.memory_space<vmem>> -> memref<1x112x128xf32, #tpu.memory_space<vmem>>
    %dma_start3A_6 = tpu.memref_squeeze %dma_start3A_5 : memref<1x112x128xf32, #tpu.memory_space<vmem>> -> memref<112x128xf32, #tpu.memory_space<vmem>>
    %dma_start3A_7 = arith.constant 0 : i32
    %dma_start3A_8 = tpu.memref_slice %arg7[%dma_start3A, %dma_start3A_1, %arg0, %dma_start3A_7] : memref<2x3x2x112xi32, #tpu.memory_space<vmem>> -> memref<1x1x1x112xi32, #tpu.memory_space<vmem>>
    %dma_start3A_9 = tpu.memref_squeeze %dma_start3A_8 : memref<1x1x1x112xi32, #tpu.memory_space<vmem>> -> memref<112xi32, #tpu.memory_space<vmem>>
    %dma_start3A_10 = arith.constant 0 : i32
    %dma_start3A_11 = arith.constant 0 : i32
    %dma_start3A_12 = tpu.memref_slice %arg2[%dma_start3A_10, %dma_start3A_11] : memref<10112x128xf32, #tpu.memory_space<hbm>> -> memref<10112x128xf32, #tpu.memory_space<hbm>>
    tpu.enqueue_indirect_dma source(%dma_start3A_12 : memref<10112x128xf32, #tpu.memory_space<hbm>>) target(%dma_start3A_6 : memref<112x128xf32, #tpu.memory_space<vmem>>) offsets(%dma_start3A_9 : memref<112xi32, #tpu.memory_space<vmem>>) semaphore(%arg9 : memref<!tpu.dma_semaphore, #tpu.memory_space<semaphore_mem>>)
    %dma_start3A_13 = arith.constant 1 : i32
    %dma_start3A_14 = arith.constant 1 : i32
    %dma_start3A_15 = arith.constant 1 : i32
    %dma_start3A_16 = arith.constant 0 : i32
    %dma_start3A_17 = arith.constant 0 : i32
    %dma_start3A_18 = tpu.memref_slice %arg8[%dma_start3A_15, %dma_start3A_16, %dma_start3A_17] : memref<3x112x128xf32, #tpu.memory_space<vmem>> -> memref<1x112x128xf32, #tpu.memory_space<vmem>>
    %dma_start3A_19 = tpu.memref_squeeze %dma_start3A_18 : memref<1x112x128xf32, #tpu.memory_space<vmem>> -> memref<112x128xf32, #tpu.memory_space<vmem>>
    %dma_start3A_20 = arith.constant 0 : i32
    %dma_start3A_21 = tpu.memref_slice %arg7[%dma_start3A_13, %dma_start3A_14, %arg0, %dma_start3A_20] : memref<2x3x2x112xi32, #tpu.memory_space<vmem>> -> memref<1x1x1x112xi32, #tpu.memory_space<vmem>>
    %dma_start3A_22 = tpu.memref_squeeze %dma_start3A_21 : memref<1x1x1x112xi32, #tpu.memory_space<vmem>> -> memref<112xi32, #tpu.memory_space<vmem>>
    %dma_start3A_23 = arith.constant 0 : i32
    %dma_start3A_24 = arith.constant 0 : i32
    %dma_start3A_25 = tpu.memref_slice %arg2[%dma_start3A_23, %dma_start3A_24] : memref<10112x128xf32, #tpu.memory_space<hbm>> -> memref<10112x128xf32, #tpu.memory_space<hbm>>
    tpu.enqueue_indirect_dma source(%dma_start3A_25 : memref<10112x128xf32, #tpu.memory_space<hbm>>) target(%dma_start3A_19 : memref<112x128xf32, #tpu.memory_space<vmem>>) offsets(%dma_start3A_22 : memref<112xi32, #tpu.memory_space<vmem>>) semaphore(%arg10 : memref<!tpu.dma_semaphore, #tpu.memory_space<semaphore_mem>>)
    %dma_start3A_26 = arith.constant 1 : i32
    %dma_start3A_27 = arith.constant 2 : i32
    %dma_start3A_28 = arith.constant 2 : i32
    %dma_start3A_29 = arith.constant 0 : i32
    %dma_start3A_30 = arith.constant 0 : i32
    %dma_start3A_31 = tpu.memref_slice %arg8[%dma_start3A_28, %dma_start3A_29, %dma_start3A_30] : memref<3x112x128xf32, #tpu.memory_space<vmem>> -> memref<1x112x128xf32, #tpu.memory_space<vmem>>
    %dma_start3A_32 = tpu.memref_squeeze %dma_start3A_31 : memref<1x112x128xf32, #tpu.memory_space<vmem>> -> memref<112x128xf32, #tpu.memory_space<vmem>>
    %dma_start3A_33 = arith.constant 0 : i32
    %dma_start3A_34 = tpu.memref_slice %arg7[%dma_start3A_26, %dma_start3A_27, %arg0, %dma_start3A_33] : memref<2x3x2x112xi32, #tpu.memory_space<vmem>> -> memref<1x1x1x112xi32, #tpu.memory_space<vmem>>
    %dma_start3A_35 = tpu.memref_squeeze %dma_start3A_34 : memref<1x1x1x112xi32, #tpu.memory_space<vmem>> -> memref<112xi32, #tpu.memory_space<vmem>>
    %dma_start3A_36 = arith.constant 0 : i32
    %dma_start3A_37 = arith.constant 0 : i32
    %dma_start3A_38 = tpu.memref_slice %arg2[%dma_start3A_36, %dma_start3A_37] : memref<10112x128xf32, #tpu.memory_space<hbm>> -> memref<10112x128xf32, #tpu.memory_space<hbm>>
    tpu.enqueue_indirect_dma source(%dma_start3A_38 : memref<10112x128xf32, #tpu.memory_space<hbm>>) target(%dma_start3A_32 : memref<112x128xf32, #tpu.memory_space<vmem>>) offsets(%dma_start3A_35 : memref<112xi32, #tpu.memory_space<vmem>>) semaphore(%arg11 : memref<!tpu.dma_semaphore, #tpu.memory_space<semaphore_mem>>)
    %scan3A = arith.constant 0 : i32
    %scan3A_39 = arith.constant 0 : i32
    %scan3A_40 = arith.constant 60 : i32
    %scan3A_41 = arith.addi %scan3A_39, %scan3A_40 : i32
    %scan3A_42 = arith.constant 1 : i32
    scf.for %scan3A_86 = %scan3A_39 to %scan3A_41 step %scan3A_42  : i32 {
      %mul3A_87 = arith.constant 3 : i32
      %mul3A_88 = arith.muli %mul3A_87, %scan3A_86 : i32
      %rem3A = arith.constant 2 : i32
      %rem3A_89 = arith.remsi %scan3A_86, %rem3A : i32
      %add3A = arith.constant 3 : i32
      %add3A_90 = arith.addi %mul3A_88, %add3A : i32
      "tpu.region"() ({
        %run_scoped3A_204 = tpu.sem_alloc : memref<!tpu.dma_semaphore, #tpu.memory_space<semaphore_mem>>
        %dma_start3A_205 = arith.constant 0 : i32
        %dma_start3A_206 = arith.constant 0 : i32
        %dma_start3A_207 = arith.constant 0 : i32
        %dma_start3A_208 = tpu.memref_slice %arg7[%rem3A_89, %dma_start3A_205, %dma_start3A_206, %dma_start3A_207] : memref<2x3x2x112xi32, #tpu.memory_space<vmem>> -> memref<1x3x2x112xi32, #tpu.memory_space<vmem>>
        %dma_start3A_209 = tpu.memref_squeeze %dma_start3A_208 : memref<1x3x2x112xi32, #tpu.memory_space<vmem>> -> memref<3x2x112xi32, #tpu.memory_space<vmem>>
        %dma_start3A_210 = arith.constant 0 : i32
        %dma_start3A_211 = arith.constant 0 : i32
        %dma_start3A_212 = tpu.memref_slice %arg3[%arg1, %add3A_90, %dma_start3A_210, %dma_start3A_211] : memref<16x183x2x112xi32, #tpu.memory_space<hbm>> -> memref<1x3x2x112xi32, #tpu.memory_space<hbm>>
        %dma_start3A_213 = tpu.memref_squeeze %dma_start3A_212 : memref<1x3x2x112xi32, #tpu.memory_space<hbm>> -> memref<3x2x112xi32, #tpu.memory_space<hbm>>
        %dma_start3A_214 = arith.constant 0 : i32
        %dma_start3A_215 = arith.constant 0 : i32
        %dma_start3A_216 = arith.constant 0 : i32
        %dma_start3A_217 = tpu.memref_slice %arg7[%rem3A_89, %dma_start3A_214, %dma_start3A_215, %dma_start3A_216] : memref<2x3x2x112xi32, #tpu.memory_space<vmem>> -> memref<1x3x2x112xi32, #tpu.memory_space<vmem>>
        %dma_start3A_218 = tpu.memref_squeeze %dma_start3A_217 : memref<1x3x2x112xi32, #tpu.memory_space<vmem>> -> memref<3x2x112xi32, #tpu.memory_space<vmem>>
        %dma_start3A_219 = arith.constant 0 : i32
        %dma_start3A_220 = arith.constant 0 : i32
        %dma_start3A_221 = tpu.memref_slice %arg3[%arg1, %add3A_90, %dma_start3A_219, %dma_start3A_220] : memref<16x183x2x112xi32, #tpu.memory_space<hbm>> -> memref<1x3x2x112xi32, #tpu.memory_space<hbm>>
        %dma_start3A_222 = tpu.memref_squeeze %dma_start3A_221 : memref<1x3x2x112xi32, #tpu.memory_space<hbm>> -> memref<3x2x112xi32, #tpu.memory_space<hbm>>
        tpu.enqueue_dma source(%dma_start3A_222 : memref<3x2x112xi32, #tpu.memory_space<hbm>>) target(%dma_start3A_218 : memref<3x2x112xi32, #tpu.memory_space<vmem>>) target_semaphore(%run_scoped3A_204 : memref<!tpu.dma_semaphore, #tpu.memory_space<semaphore_mem>>)
        %dma_wait3A_223 = arith.constant 0 : i32
        %dma_wait3A_224 = arith.constant 0 : i32
        %dma_wait3A_225 = arith.constant 0 : i32
        %dma_wait3A_226 = tpu.memref_slice %arg7[%rem3A_89, %dma_wait3A_223, %dma_wait3A_224, %dma_wait3A_225] : memref<2x3x2x112xi32, #tpu.memory_space<vmem>> -> memref<1x3x2x112xi32, #tpu.memory_space<vmem>>
        %dma_wait3A_227 = tpu.memref_squeeze %dma_wait3A_226 : memref<1x3x2x112xi32, #tpu.memory_space<vmem>> -> memref<3x2x112xi32, #tpu.memory_space<vmem>>
        %dma_wait3A_228 = arith.constant 0 : i32
        %dma_wait3A_229 = arith.constant 0 : i32
        %dma_wait3A_230 = tpu.memref_slice %arg3[%arg1, %add3A_90, %dma_wait3A_228, %dma_wait3A_229] : memref<16x183x2x112xi32, #tpu.memory_space<hbm>> -> memref<1x3x2x112xi32, #tpu.memory_space<hbm>>
        %dma_wait3A_231 = tpu.memref_squeeze %dma_wait3A_230 : memref<1x3x2x112xi32, #tpu.memory_space<hbm>> -> memref<3x2x112xi32, #tpu.memory_space<hbm>>
        %dma_wait3A_232 = arith.constant 0 : i32
        %dma_wait3A_233 = arith.constant 0 : i32
        %dma_wait3A_234 = arith.constant 0 : i32
        %dma_wait3A_235 = tpu.memref_slice %arg7[%rem3A_89, %dma_wait3A_232, %dma_wait3A_233, %dma_wait3A_234] : memref<2x3x2x112xi32, #tpu.memory_space<vmem>> -> memref<1x3x2x112xi32, #tpu.memory_space<vmem>>
        %dma_wait3A_236 = tpu.memref_squeeze %dma_wait3A_235 : memref<1x3x2x112xi32, #tpu.memory_space<vmem>> -> memref<3x2x112xi32, #tpu.memory_space<vmem>>
        %dma_wait3A_237 = arith.constant 0 : i32
        %dma_wait3A_238 = arith.constant 0 : i32
        %dma_wait3A_239 = tpu.memref_slice %arg3[%arg1, %add3A_90, %dma_wait3A_237, %dma_wait3A_238] : memref<16x183x2x112xi32, #tpu.memory_space<hbm>> -> memref<1x3x2x112xi32, #tpu.memory_space<hbm>>
        %dma_wait3A_240 = tpu.memref_squeeze %dma_wait3A_239 : memref<1x3x2x112xi32, #tpu.memory_space<hbm>> -> memref<3x2x112xi32, #tpu.memory_space<hbm>>
        tpu.wait_dma2 semaphore(%run_scoped3A_204 : memref<!tpu.dma_semaphore, #tpu.memory_space<semaphore_mem>>) src(%dma_wait3A_240 : memref<3x2x112xi32, #tpu.memory_space<hbm>>) dst(%dma_wait3A_236 : memref<3x2x112xi32, #tpu.memory_space<vmem>>)
        tpu.yield
      }) : () -> ()
      %sub3A = arith.constant 1 : i32
      %sub3A_91 = arith.subi %sub3A, %rem3A_89 : i32
      %dma_wait3A_92 = arith.constant 0 : i32
      %dma_wait3A_93 = arith.constant 0 : i32
      %dma_wait3A_94 = arith.constant 0 : i32
      %dma_wait3A_95 = arith.constant 0 : i32
      %dma_wait3A_96 = tpu.memref_slice %arg8[%dma_wait3A_93, %dma_wait3A_94, %dma_wait3A_95] : memref<3x112x128xf32, #tpu.memory_space<vmem>> -> memref<1x112x128xf32, #tpu.memory_space<vmem>>
      %dma_wait3A_97 = tpu.memref_squeeze %dma_wait3A_96 : memref<1x112x128xf32, #tpu.memory_space<vmem>> -> memref<112x128xf32, #tpu.memory_space<vmem>>
      %dma_wait3A_98 = arith.constant 0 : i32
      %dma_wait3A_99 = tpu.memref_slice %arg7[%sub3A_91, %dma_wait3A_92, %arg0, %dma_wait3A_98] : memref<2x3x2x112xi32, #tpu.memory_space<vmem>> -> memref<1x1x1x112xi32, #tpu.memory_space<vmem>>
      %dma_wait3A_100 = tpu.memref_squeeze %dma_wait3A_99 : memref<1x1x1x112xi32, #tpu.memory_space<vmem>> -> memref<112xi32, #tpu.memory_space<vmem>>
      %dma_wait3A_101 = arith.constant 0 : i32
      %dma_wait3A_102 = arith.constant 0 : i32
      %dma_wait3A_103 = tpu.memref_slice %arg2[%dma_wait3A_101, %dma_wait3A_102] : memref<10112x128xf32, #tpu.memory_space<hbm>> -> memref<10112x128xf32, #tpu.memory_space<hbm>>
      tpu.wait_indirect_dma semaphore(%arg9 : memref<!tpu.dma_semaphore, #tpu.memory_space<semaphore_mem>>) src(%dma_wait3A_103 : memref<10112x128xf32, #tpu.memory_space<hbm>>) dst(%dma_wait3A_97 : memref<112x128xf32, #tpu.memory_space<vmem>>)
      %sub3A_104 = arith.constant 1 : i32
      %sub3A_105 = arith.subi %sub3A_104, %rem3A_89 : i32
      %sub3A_106 = arith.constant 1 : i32
      %sub3A_107 = arith.subi %sub3A_106, %arg0 : i32
      %dma_start3A_108 = arith.constant 0 : i32
      %dma_start3A_109 = arith.constant 0 : i32
      %dma_start3A_110 = arith.constant 0 : i32
      %dma_start3A_111 = arith.constant 0 : i32
      %dma_start3A_112 = tpu.memref_slice %arg8[%dma_start3A_108, %dma_start3A_110, %dma_start3A_111] : memref<3x112x128xf32, #tpu.memory_space<vmem>> -> memref<1x112x128xf32, #tpu.memory_space<vmem>>
      %dma_start3A_113 = tpu.memref_squeeze %dma_start3A_112 : memref<1x112x128xf32, #tpu.memory_space<vmem>> -> memref<112x128xf32, #tpu.memory_space<vmem>>
      %dma_start3A_114 = arith.constant 0 : i32
      %dma_start3A_115 = tpu.memref_slice %arg7[%sub3A_105, %dma_start3A_109, %sub3A_107, %dma_start3A_114] : memref<2x3x2x112xi32, #tpu.memory_space<vmem>> -> memref<1x1x1x112xi32, #tpu.memory_space<vmem>>
      %dma_start3A_116 = tpu.memref_squeeze %dma_start3A_115 : memref<1x1x1x112xi32, #tpu.memory_space<vmem>> -> memref<112xi32, #tpu.memory_space<vmem>>
      %dma_start3A_117 = arith.constant 0 : i32
      %dma_start3A_118 = arith.constant 0 : i32
      %dma_start3A_119 = tpu.memref_slice %arg6[%dma_start3A_117, %dma_start3A_118] : memref<10112x128xf32, #tpu.memory_space<vmem_shared>> -> memref<10112x128xf32, #tpu.memory_space<vmem_shared>>
      tpu.enqueue_indirect_dma source(%dma_start3A_113 : memref<112x128xf32, #tpu.memory_space<vmem>>) target(%dma_start3A_119 : memref<10112x128xf32, #tpu.memory_space<vmem_shared>>) offsets(%dma_start3A_116 : memref<112xi32, #tpu.memory_space<vmem>>) semaphore(%arg12 : memref<!tpu.dma_semaphore, #tpu.memory_space<semaphore_mem>>) {add = true}
      %sub3A_120 = arith.constant 1 : i32
      %sub3A_121 = arith.subi %sub3A_120, %rem3A_89 : i32
      %dma_wait3A_122 = arith.constant 1 : i32
      %dma_wait3A_123 = arith.constant 1 : i32
      %dma_wait3A_124 = arith.constant 0 : i32
      %dma_wait3A_125 = arith.constant 0 : i32
      %dma_wait3A_126 = tpu.memref_slice %arg8[%dma_wait3A_123, %dma_wait3A_124, %dma_wait3A_125] : memref<3x112x128xf32, #tpu.memory_space<vmem>> -> memref<1x112x128xf32, #tpu.memory_space<vmem>>
      %dma_wait3A_127 = tpu.memref_squeeze %dma_wait3A_126 : memref<1x112x128xf32, #tpu.memory_space<vmem>> -> memref<112x128xf32, #tpu.memory_space<vmem>>
      %dma_wait3A_128 = arith.constant 0 : i32
      %dma_wait3A_129 = tpu.memref_slice %arg7[%sub3A_121, %dma_wait3A_122, %arg0, %dma_wait3A_128] : memref<2x3x2x112xi32, #tpu.memory_space<vmem>> -> memref<1x1x1x112xi32, #tpu.memory_space<vmem>>
      %dma_wait3A_130 = tpu.memref_squeeze %dma_wait3A_129 : memref<1x1x1x112xi32, #tpu.memory_space<vmem>> -> memref<112xi32, #tpu.memory_space<vmem>>
      %dma_wait3A_131 = arith.constant 0 : i32
      %dma_wait3A_132 = arith.constant 0 : i32
      %dma_wait3A_133 = tpu.memref_slice %arg2[%dma_wait3A_131, %dma_wait3A_132] : memref<10112x128xf32, #tpu.memory_space<hbm>> -> memref<10112x128xf32, #tpu.memory_space<hbm>>
      tpu.wait_indirect_dma semaphore(%arg10 : memref<!tpu.dma_semaphore, #tpu.memory_space<semaphore_mem>>) src(%dma_wait3A_133 : memref<10112x128xf32, #tpu.memory_space<hbm>>) dst(%dma_wait3A_127 : memref<112x128xf32, #tpu.memory_space<vmem>>)
      %sub3A_134 = arith.constant 1 : i32
      %sub3A_135 = arith.subi %sub3A_134, %rem3A_89 : i32
      %sub3A_136 = arith.constant 1 : i32
      %sub3A_137 = arith.subi %sub3A_136, %arg0 : i32
      %dma_start3A_138 = arith.constant 1 : i32
      %dma_start3A_139 = arith.constant 1 : i32
      %dma_start3A_140 = arith.constant 0 : i32
      %dma_start3A_141 = arith.constant 0 : i32
      %dma_start3A_142 = tpu.memref_slice %arg8[%dma_start3A_138, %dma_start3A_140, %dma_start3A_141] : memref<3x112x128xf32, #tpu.memory_space<vmem>> -> memref<1x112x128xf32, #tpu.memory_space<vmem>>
      %dma_start3A_143 = tpu.memref_squeeze %dma_start3A_142 : memref<1x112x128xf32, #tpu.memory_space<vmem>> -> memref<112x128xf32, #tpu.memory_space<vmem>>
      %dma_start3A_144 = arith.constant 0 : i32
      %dma_start3A_145 = tpu.memref_slice %arg7[%sub3A_135, %dma_start3A_139, %sub3A_137, %dma_start3A_144] : memref<2x3x2x112xi32, #tpu.memory_space<vmem>> -> memref<1x1x1x112xi32, #tpu.memory_space<vmem>>
      %dma_start3A_146 = tpu.memref_squeeze %dma_start3A_145 : memref<1x1x1x112xi32, #tpu.memory_space<vmem>> -> memref<112xi32, #tpu.memory_space<vmem>>
      %dma_start3A_147 = arith.constant 0 : i32
      %dma_start3A_148 = arith.constant 0 : i32
      %dma_start3A_149 = tpu.memref_slice %arg6[%dma_start3A_147, %dma_start3A_148] : memref<10112x128xf32, #tpu.memory_space<vmem_shared>> -> memref<10112x128xf32, #tpu.memory_space<vmem_shared>>
      tpu.enqueue_indirect_dma source(%dma_start3A_143 : memref<112x128xf32, #tpu.memory_space<vmem>>) target(%dma_start3A_149 : memref<10112x128xf32, #tpu.memory_space<vmem_shared>>) offsets(%dma_start3A_146 : memref<112xi32, #tpu.memory_space<vmem>>) semaphore(%arg13 : memref<!tpu.dma_semaphore, #tpu.memory_space<semaphore_mem>>) {add = true}
      %sub3A_150 = arith.constant 1 : i32
      %sub3A_151 = arith.subi %sub3A_150, %rem3A_89 : i32
      %dma_wait3A_152 = arith.constant 2 : i32
      %dma_wait3A_153 = arith.constant 2 : i32
      %dma_wait3A_154 = arith.constant 0 : i32
      %dma_wait3A_155 = arith.constant 0 : i32
      %dma_wait3A_156 = tpu.memref_slice %arg8[%dma_wait3A_153, %dma_wait3A_154, %dma_wait3A_155] : memref<3x112x128xf32, #tpu.memory_space<vmem>> -> memref<1x112x128xf32, #tpu.memory_space<vmem>>
      %dma_wait3A_157 = tpu.memref_squeeze %dma_wait3A_156 : memref<1x112x128xf32, #tpu.memory_space<vmem>> -> memref<112x128xf32, #tpu.memory_space<vmem>>
      %dma_wait3A_158 = arith.constant 0 : i32
      %dma_wait3A_159 = tpu.memref_slice %arg7[%sub3A_151, %dma_wait3A_152, %arg0, %dma_wait3A_158] : memref<2x3x2x112xi32, #tpu.memory_space<vmem>> -> memref<1x1x1x112xi32, #tpu.memory_space<vmem>>
      %dma_wait3A_160 = tpu.memref_squeeze %dma_wait3A_159 : memref<1x1x1x112xi32, #tpu.memory_space<vmem>> -> memref<112xi32, #tpu.memory_space<vmem>>
      %dma_wait3A_161 = arith.constant 0 : i32
      %dma_wait3A_162 = arith.constant 0 : i32
      %dma_wait3A_163 = tpu.memref_slice %arg2[%dma_wait3A_161, %dma_wait3A_162] : memref<10112x128xf32, #tpu.memory_space<hbm>> -> memref<10112x128xf32, #tpu.memory_space<hbm>>
      tpu.wait_indirect_dma semaphore(%arg11 : memref<!tpu.dma_semaphore, #tpu.memory_space<semaphore_mem>>) src(%dma_wait3A_163 : memref<10112x128xf32, #tpu.memory_space<hbm>>) dst(%dma_wait3A_157 : memref<112x128xf32, #tpu.memory_space<vmem>>)
      %sub3A_164 = arith.constant 1 : i32
      %sub3A_165 = arith.subi %sub3A_164, %rem3A_89 : i32
      %sub3A_166 = arith.constant 1 : i32
      %sub3A_167 = arith.subi %sub3A_166, %arg0 : i32
      %dma_start3A_168 = arith.constant 2 : i32
      %dma_start3A_169 = arith.constant 2 : i32
      %dma_start3A_170 = arith.constant 0 : i32
      %dma_start3A_171 = arith.constant 0 : i32
      %dma_start3A_172 = tpu.memref_slice %arg8[%dma_start3A_168, %dma_start3A_170, %dma_start3A_171] : memref<3x112x128xf32, #tpu.memory_space<vmem>> -> memref<1x112x128xf32, #tpu.memory_space<vmem>>
      %dma_start3A_173 = tpu.memref_squeeze %dma_start3A_172 : memref<1x112x128xf32, #tpu.memory_space<vmem>> -> memref<112x128xf32, #tpu.memory_space<vmem>>
      %dma_start3A_174 = arith.constant 0 : i32
      %dma_start3A_175 = tpu.memref_slice %arg7[%sub3A_165, %dma_start3A_169, %sub3A_167, %dma_start3A_174] : memref<2x3x2x112xi32, #tpu.memory_space<vmem>> -> memref<1x1x1x112xi32, #tpu.memory_space<vmem>>
      %dma_start3A_176 = tpu.memref_squeeze %dma_start3A_175 : memref<1x1x1x112xi32, #tpu.memory_space<vmem>> -> memref<112xi32, #tpu.memory_space<vmem>>
      %dma_start3A_177 = arith.constant 0 : i32
      %dma_start3A_178 = arith.constant 0 : i32
      %dma_start3A_179 = tpu.memref_slice %arg6[%dma_start3A_177, %dma_start3A_178] : memref<10112x128xf32, #tpu.memory_space<vmem_shared>> -> memref<10112x128xf32, #tpu.memory_space<vmem_shared>>
      tpu.enqueue_indirect_dma source(%dma_start3A_173 : memref<112x128xf32, #tpu.memory_space<vmem>>) target(%dma_start3A_179 : memref<10112x128xf32, #tpu.memory_space<vmem_shared>>) offsets(%dma_start3A_176 : memref<112xi32, #tpu.memory_space<vmem>>) semaphore(%arg14 : memref<!tpu.dma_semaphore, #tpu.memory_space<semaphore_mem>>) {add = true}
      %add3A_180 = arith.constant 0 : i32
      %add3A_181 = arith.addi %mul3A_88, %add3A_180 : i32
      %add3A_182 = arith.constant 3 : i32
      %add3A_183 = arith.addi %add3A_181, %add3A_182 : i32
      %lt3A = arith.constant 180 : i32
      %lt3A_184 = arith.cmpi slt, %add3A_183, %lt3A : i32
      %convert_element_type3A = arith.extui %lt3A_184 : i1 to i32
      %cond3A = arith.constant 0 : i32
      %cond3A_185 = arith.cmpi ne, %convert_element_type3A, %cond3A : i32
      scf.if %cond3A_185 {
        %sub3A_204 = arith.constant 1 : i32
        %sub3A_205 = arith.subi %sub3A_204, %rem3A_89 : i32
        %sub3A_206 = arith.constant 1 : i32
        %sub3A_207 = arith.subi %sub3A_206, %arg0 : i32
        %dma_wait3A_208 = arith.constant 0 : i32
        %dma_wait3A_209 = arith.constant 0 : i32
        %dma_wait3A_210 = arith.constant 0 : i32
        %dma_wait3A_211 = arith.constant 0 : i32
        %dma_wait3A_212 = tpu.memref_slice %arg8[%dma_wait3A_208, %dma_wait3A_210, %dma_wait3A_211] : memref<3x112x128xf32, #tpu.memory_space<vmem>> -> memref<1x112x128xf32, #tpu.memory_space<vmem>>
        %dma_wait3A_213 = tpu.memref_squeeze %dma_wait3A_212 : memref<1x112x128xf32, #tpu.memory_space<vmem>> -> memref<112x128xf32, #tpu.memory_space<vmem>>
        %dma_wait3A_214 = arith.constant 0 : i32
        %dma_wait3A_215 = tpu.memref_slice %arg7[%sub3A_205, %dma_wait3A_209, %sub3A_207, %dma_wait3A_214] : memref<2x3x2x112xi32, #tpu.memory_space<vmem>> -> memref<1x1x1x112xi32, #tpu.memory_space<vmem>>
        %dma_wait3A_216 = tpu.memref_squeeze %dma_wait3A_215 : memref<1x1x1x112xi32, #tpu.memory_space<vmem>> -> memref<112xi32, #tpu.memory_space<vmem>>
        %dma_wait3A_217 = arith.constant 0 : i32
        %dma_wait3A_218 = arith.constant 0 : i32
        %dma_wait3A_219 = tpu.memref_slice %arg6[%dma_wait3A_217, %dma_wait3A_218] : memref<10112x128xf32, #tpu.memory_space<vmem_shared>> -> memref<10112x128xf32, #tpu.memory_space<vmem_shared>>
        tpu.wait_indirect_dma semaphore(%arg12 : memref<!tpu.dma_semaphore, #tpu.memory_space<semaphore_mem>>) src(%dma_wait3A_213 : memref<112x128xf32, #tpu.memory_space<vmem>>) dst(%dma_wait3A_219 : memref<10112x128xf32, #tpu.memory_space<vmem_shared>>)
        %dma_start3A_220 = arith.constant 0 : i32
        %dma_start3A_221 = arith.constant 0 : i32
        %dma_start3A_222 = arith.constant 0 : i32
        %dma_start3A_223 = arith.constant 0 : i32
        %dma_start3A_224 = tpu.memref_slice %arg8[%dma_start3A_221, %dma_start3A_222, %dma_start3A_223] : memref<3x112x128xf32, #tpu.memory_space<vmem>> -> memref<1x112x128xf32, #tpu.memory_space<vmem>>
        %dma_start3A_225 = tpu.memref_squeeze %dma_start3A_224 : memref<1x112x128xf32, #tpu.memory_space<vmem>> -> memref<112x128xf32, #tpu.memory_space<vmem>>
        %dma_start3A_226 = arith.constant 0 : i32
        %dma_start3A_227 = tpu.memref_slice %arg7[%rem3A_89, %dma_start3A_220, %arg0, %dma_start3A_226] : memref<2x3x2x112xi32, #tpu.memory_space<vmem>> -> memref<1x1x1x112xi32, #tpu.memory_space<vmem>>
        %dma_start3A_228 = tpu.memref_squeeze %dma_start3A_227 : memref<1x1x1x112xi32, #tpu.memory_space<vmem>> -> memref<112xi32, #tpu.memory_space<vmem>>
        %dma_start3A_229 = arith.constant 0 : i32
        %dma_start3A_230 = arith.constant 0 : i32
        %dma_start3A_231 = tpu.memref_slice %arg2[%dma_start3A_229, %dma_start3A_230] : memref<10112x128xf32, #tpu.memory_space<hbm>> -> memref<10112x128xf32, #tpu.memory_space<hbm>>
        tpu.enqueue_indirect_dma source(%dma_start3A_231 : memref<10112x128xf32, #tpu.memory_space<hbm>>) target(%dma_start3A_225 : memref<112x128xf32, #tpu.memory_space<vmem>>) offsets(%dma_start3A_228 : memref<112xi32, #tpu.memory_space<vmem>>) semaphore(%arg9 : memref<!tpu.dma_semaphore, #tpu.memory_space<semaphore_mem>>)
      } else {
      }
      %add3A_186 = arith.constant 1 : i32
      %add3A_187 = arith.addi %mul3A_88, %add3A_186 : i32
      %add3A_188 = arith.constant 3 : i32
      %add3A_189 = arith.addi %add3A_187, %add3A_188 : i32
      %lt3A_190 = arith.constant 180 : i32
      %lt3A_191 = arith.cmpi slt, %add3A_189, %lt3A_190 : i32
      %convert_element_type3A_192 = arith.extui %lt3A_191 : i1 to i32
      %cond3A_193 = arith.constant 0 : i32
      %cond3A_194 = arith.cmpi ne, %convert_element_type3A_192, %cond3A_193 : i32
      scf.if %cond3A_194 {
        %sub3A_204 = arith.constant 1 : i32
        %sub3A_205 = arith.subi %sub3A_204, %rem3A_89 : i32
        %sub3A_206 = arith.constant 1 : i32
        %sub3A_207 = arith.subi %sub3A_206, %arg0 : i32
        %dma_wait3A_208 = arith.constant 1 : i32
        %dma_wait3A_209 = arith.constant 1 : i32
        %dma_wait3A_210 = arith.constant 0 : i32
        %dma_wait3A_211 = arith.constant 0 : i32
        %dma_wait3A_212 = tpu.memref_slice %arg8[%dma_wait3A_208, %dma_wait3A_210, %dma_wait3A_211] : memref<3x112x128xf32, #tpu.memory_space<vmem>> -> memref<1x112x128xf32, #tpu.memory_space<vmem>>
        %dma_wait3A_213 = tpu.memref_squeeze %dma_wait3A_212 : memref<1x112x128xf32, #tpu.memory_space<vmem>> -> memref<112x128xf32, #tpu.memory_space<vmem>>
        %dma_wait3A_214 = arith.constant 0 : i32
        %dma_wait3A_215 = tpu.memref_slice %arg7[%sub3A_205, %dma_wait3A_209, %sub3A_207, %dma_wait3A_214] : memref<2x3x2x112xi32, #tpu.memory_space<vmem>> -> memref<1x1x1x112xi32, #tpu.memory_space<vmem>>
        %dma_wait3A_216 = tpu.memref_squeeze %dma_wait3A_215 : memref<1x1x1x112xi32, #tpu.memory_space<vmem>> -> memref<112xi32, #tpu.memory_space<vmem>>
        %dma_wait3A_217 = arith.constant 0 : i32
        %dma_wait3A_218 = arith.constant 0 : i32
        %dma_wait3A_219 = tpu.memref_slice %arg6[%dma_wait3A_217, %dma_wait3A_218] : memref<10112x128xf32, #tpu.memory_space<vmem_shared>> -> memref<10112x128xf32, #tpu.memory_space<vmem_shared>>
        tpu.wait_indirect_dma semaphore(%arg13 : memref<!tpu.dma_semaphore, #tpu.memory_space<semaphore_mem>>) src(%dma_wait3A_213 : memref<112x128xf32, #tpu.memory_space<vmem>>) dst(%dma_wait3A_219 : memref<10112x128xf32, #tpu.memory_space<vmem_shared>>)
        %dma_start3A_220 = arith.constant 1 : i32
        %dma_start3A_221 = arith.constant 1 : i32
        %dma_start3A_222 = arith.constant 0 : i32
        %dma_start3A_223 = arith.constant 0 : i32
        %dma_start3A_224 = tpu.memref_slice %arg8[%dma_start3A_221, %dma_start3A_222, %dma_start3A_223] : memref<3x112x128xf32, #tpu.memory_space<vmem>> -> memref<1x112x128xf32, #tpu.memory_space<vmem>>
        %dma_start3A_225 = tpu.memref_squeeze %dma_start3A_224 : memref<1x112x128xf32, #tpu.memory_space<vmem>> -> memref<112x128xf32, #tpu.memory_space<vmem>>
        %dma_start3A_226 = arith.constant 0 : i32
        %dma_start3A_227 = tpu.memref_slice %arg7[%rem3A_89, %dma_start3A_220, %arg0, %dma_start3A_226] : memref<2x3x2x112xi32, #tpu.memory_space<vmem>> -> memref<1x1x1x112xi32, #tpu.memory_space<vmem>>
        %dma_start3A_228 = tpu.memref_squeeze %dma_start3A_227 : memref<1x1x1x112xi32, #tpu.memory_space<vmem>> -> memref<112xi32, #tpu.memory_space<vmem>>
        %dma_start3A_229 = arith.constant 0 : i32
        %dma_start3A_230 = arith.constant 0 : i32
        %dma_start3A_231 = tpu.memref_slice %arg2[%dma_start3A_229, %dma_start3A_230] : memref<10112x128xf32, #tpu.memory_space<hbm>> -> memref<10112x128xf32, #tpu.memory_space<hbm>>
        tpu.enqueue_indirect_dma source(%dma_start3A_231 : memref<10112x128xf32, #tpu.memory_space<hbm>>) target(%dma_start3A_225 : memref<112x128xf32, #tpu.memory_space<vmem>>) offsets(%dma_start3A_228 : memref<112xi32, #tpu.memory_space<vmem>>) semaphore(%arg10 : memref<!tpu.dma_semaphore, #tpu.memory_space<semaphore_mem>>)
      } else {
      }
      %add3A_195 = arith.constant 2 : i32
      %add3A_196 = arith.addi %mul3A_88, %add3A_195 : i32
      %add3A_197 = arith.constant 3 : i32
      %add3A_198 = arith.addi %add3A_196, %add3A_197 : i32
      %lt3A_199 = arith.constant 180 : i32
      %lt3A_200 = arith.cmpi slt, %add3A_198, %lt3A_199 : i32
      %convert_element_type3A_201 = arith.extui %lt3A_200 : i1 to i32
      %cond3A_202 = arith.constant 0 : i32
      %cond3A_203 = arith.cmpi ne, %convert_element_type3A_201, %cond3A_202 : i32
      scf.if %cond3A_203 {
        %sub3A_204 = arith.constant 1 : i32
        %sub3A_205 = arith.subi %sub3A_204, %rem3A_89 : i32
        %sub3A_206 = arith.constant 1 : i32
        %sub3A_207 = arith.subi %sub3A_206, %arg0 : i32
        %dma_wait3A_208 = arith.constant 2 : i32
        %dma_wait3A_209 = arith.constant 2 : i32
        %dma_wait3A_210 = arith.constant 0 : i32
        %dma_wait3A_211 = arith.constant 0 : i32
        %dma_wait3A_212 = tpu.memref_slice %arg8[%dma_wait3A_208, %dma_wait3A_210, %dma_wait3A_211] : memref<3x112x128xf32, #tpu.memory_space<vmem>> -> memref<1x112x128xf32, #tpu.memory_space<vmem>>
        %dma_wait3A_213 = tpu.memref_squeeze %dma_wait3A_212 : memref<1x112x128xf32, #tpu.memory_space<vmem>> -> memref<112x128xf32, #tpu.memory_space<vmem>>
        %dma_wait3A_214 = arith.constant 0 : i32
        %dma_wait3A_215 = tpu.memref_slice %arg7[%sub3A_205, %dma_wait3A_209, %sub3A_207, %dma_wait3A_214] : memref<2x3x2x112xi32, #tpu.memory_space<vmem>> -> memref<1x1x1x112xi32, #tpu.memory_space<vmem>>
        %dma_wait3A_216 = tpu.memref_squeeze %dma_wait3A_215 : memref<1x1x1x112xi32, #tpu.memory_space<vmem>> -> memref<112xi32, #tpu.memory_space<vmem>>
        %dma_wait3A_217 = arith.constant 0 : i32
        %dma_wait3A_218 = arith.constant 0 : i32
        %dma_wait3A_219 = tpu.memref_slice %arg6[%dma_wait3A_217, %dma_wait3A_218] : memref<10112x128xf32, #tpu.memory_space<vmem_shared>> -> memref<10112x128xf32, #tpu.memory_space<vmem_shared>>
        tpu.wait_indirect_dma semaphore(%arg14 : memref<!tpu.dma_semaphore, #tpu.memory_space<semaphore_mem>>) src(%dma_wait3A_213 : memref<112x128xf32, #tpu.memory_space<vmem>>) dst(%dma_wait3A_219 : memref<10112x128xf32, #tpu.memory_space<vmem_shared>>)
        %dma_start3A_220 = arith.constant 2 : i32
        %dma_start3A_221 = arith.constant 2 : i32
        %dma_start3A_222 = arith.constant 0 : i32
        %dma_start3A_223 = arith.constant 0 : i32
        %dma_start3A_224 = tpu.memref_slice %arg8[%dma_start3A_221, %dma_start3A_222, %dma_start3A_223] : memref<3x112x128xf32, #tpu.memory_space<vmem>> -> memref<1x112x128xf32, #tpu.memory_space<vmem>>
        %dma_start3A_225 = tpu.memref_squeeze %dma_start3A_224 : memref<1x112x128xf32, #tpu.memory_space<vmem>> -> memref<112x128xf32, #tpu.memory_space<vmem>>
        %dma_start3A_226 = arith.constant 0 : i32
        %dma_start3A_227 = tpu.memref_slice %arg7[%rem3A_89, %dma_start3A_220, %arg0, %dma_start3A_226] : memref<2x3x2x112xi32, #tpu.memory_space<vmem>> -> memref<1x1x1x112xi32, #tpu.memory_space<vmem>>
        %dma_start3A_228 = tpu.memref_squeeze %dma_start3A_227 : memref<1x1x1x112xi32, #tpu.memory_space<vmem>> -> memref<112xi32, #tpu.memory_space<vmem>>
        %dma_start3A_229 = arith.constant 0 : i32
        %dma_start3A_230 = arith.constant 0 : i32
        %dma_start3A_231 = tpu.memref_slice %arg2[%dma_start3A_229, %dma_start3A_230] : memref<10112x128xf32, #tpu.memory_space<hbm>> -> memref<10112x128xf32, #tpu.memory_space<hbm>>
        tpu.enqueue_indirect_dma source(%dma_start3A_231 : memref<10112x128xf32, #tpu.memory_space<hbm>>) target(%dma_start3A_225 : memref<112x128xf32, #tpu.memory_space<vmem>>) offsets(%dma_start3A_228 : memref<112xi32, #tpu.memory_space<vmem>>) semaphore(%arg11 : memref<!tpu.dma_semaphore, #tpu.memory_space<semaphore_mem>>)
      } else {
      }
    }
    %scan3A_43 = arith.constant 60 : i32
    %dma_wait3A = arith.constant 0 : i32
    %dma_wait3A_44 = arith.constant 0 : i32
    %dma_wait3A_45 = arith.constant 0 : i32
    %dma_wait3A_46 = arith.constant 1 : i32
    %dma_wait3A_47 = arith.constant 0 : i32
    %dma_wait3A_48 = arith.constant 0 : i32
    %dma_wait3A_49 = tpu.memref_slice %arg8[%dma_wait3A, %dma_wait3A_47, %dma_wait3A_48] : memref<3x112x128xf32, #tpu.memory_space<vmem>> -> memref<1x112x128xf32, #tpu.memory_space<vmem>>
    %dma_wait3A_50 = tpu.memref_squeeze %dma_wait3A_49 : memref<1x112x128xf32, #tpu.memory_space<vmem>> -> memref<112x128xf32, #tpu.memory_space<vmem>>
    %dma_wait3A_51 = arith.constant 0 : i32
    %dma_wait3A_52 = tpu.memref_slice %arg7[%dma_wait3A_44, %dma_wait3A_45, %dma_wait3A_46, %dma_wait3A_51] : memref<2x3x2x112xi32, #tpu.memory_space<vmem>> -> memref<1x1x1x112xi32, #tpu.memory_space<vmem>>
    %dma_wait3A_53 = tpu.memref_squeeze %dma_wait3A_52 : memref<1x1x1x112xi32, #tpu.memory_space<vmem>> -> memref<112xi32, #tpu.memory_space<vmem>>
    %dma_wait3A_54 = arith.constant 0 : i32
    %dma_wait3A_55 = arith.constant 0 : i32
    %dma_wait3A_56 = tpu.memref_slice %arg6[%dma_wait3A_54, %dma_wait3A_55] : memref<10112x128xf32, #tpu.memory_space<vmem_shared>> -> memref<10112x128xf32, #tpu.memory_space<vmem_shared>>
    tpu.wait_indirect_dma semaphore(%arg12 : memref<!tpu.dma_semaphore, #tpu.memory_space<semaphore_mem>>) src(%dma_wait3A_50 : memref<112x128xf32, #tpu.memory_space<vmem>>) dst(%dma_wait3A_56 : memref<10112x128xf32, #tpu.memory_space<vmem_shared>>)
    %dma_wait3A_57 = arith.constant 1 : i32
    %dma_wait3A_58 = arith.constant 0 : i32
    %dma_wait3A_59 = arith.constant 1 : i32
    %dma_wait3A_60 = arith.constant 1 : i32
    %dma_wait3A_61 = arith.constant 0 : i32
    %dma_wait3A_62 = arith.constant 0 : i32
    %dma_wait3A_63 = tpu.memref_slice %arg8[%dma_wait3A_57, %dma_wait3A_61, %dma_wait3A_62] : memref<3x112x128xf32, #tpu.memory_space<vmem>> -> memref<1x112x128xf32, #tpu.memory_space<vmem>>
    %dma_wait3A_64 = tpu.memref_squeeze %dma_wait3A_63 : memref<1x112x128xf32, #tpu.memory_space<vmem>> -> memref<112x128xf32, #tpu.memory_space<vmem>>
    %dma_wait3A_65 = arith.constant 0 : i32
    %dma_wait3A_66 = tpu.memref_slice %arg7[%dma_wait3A_58, %dma_wait3A_59, %dma_wait3A_60, %dma_wait3A_65] : memref<2x3x2x112xi32, #tpu.memory_space<vmem>> -> memref<1x1x1x112xi32, #tpu.memory_space<vmem>>
    %dma_wait3A_67 = tpu.memref_squeeze %dma_wait3A_66 : memref<1x1x1x112xi32, #tpu.memory_space<vmem>> -> memref<112xi32, #tpu.memory_space<vmem>>
    %dma_wait3A_68 = arith.constant 0 : i32
    %dma_wait3A_69 = arith.constant 0 : i32
    %dma_wait3A_70 = tpu.memref_slice %arg6[%dma_wait3A_68, %dma_wait3A_69] : memref<10112x128xf32, #tpu.memory_space<vmem_shared>> -> memref<10112x128xf32, #tpu.memory_space<vmem_shared>>
    tpu.wait_indirect_dma semaphore(%arg13 : memref<!tpu.dma_semaphore, #tpu.memory_space<semaphore_mem>>) src(%dma_wait3A_64 : memref<112x128xf32, #tpu.memory_space<vmem>>) dst(%dma_wait3A_70 : memref<10112x128xf32, #tpu.memory_space<vmem_shared>>)
    %dma_wait3A_71 = arith.constant 2 : i32
    %dma_wait3A_72 = arith.constant 0 : i32
    %dma_wait3A_73 = arith.constant 2 : i32
    %dma_wait3A_74 = arith.constant 1 : i32
    %dma_wait3A_75 = arith.constant 0 : i32
    %dma_wait3A_76 = arith.constant 0 : i32
    %dma_wait3A_77 = tpu.memref_slice %arg8[%dma_wait3A_71, %dma_wait3A_75, %dma_wait3A_76] : memref<3x112x128xf32, #tpu.memory_space<vmem>> -> memref<1x112x128xf32, #tpu.memory_space<vmem>>
    %dma_wait3A_78 = tpu.memref_squeeze %dma_wait3A_77 : memref<1x112x128xf32, #tpu.memory_space<vmem>> -> memref<112x128xf32, #tpu.memory_space<vmem>>
    %dma_wait3A_79 = arith.constant 0 : i32
    %dma_wait3A_80 = tpu.memref_slice %arg7[%dma_wait3A_72, %dma_wait3A_73, %dma_wait3A_74, %dma_wait3A_79] : memref<2x3x2x112xi32, #tpu.memory_space<vmem>> -> memref<1x1x1x112xi32, #tpu.memory_space<vmem>>
    %dma_wait3A_81 = tpu.memref_squeeze %dma_wait3A_80 : memref<1x1x1x112xi32, #tpu.memory_space<vmem>> -> memref<112xi32, #tpu.memory_space<vmem>>
    %dma_wait3A_82 = arith.constant 0 : i32
    %dma_wait3A_83 = arith.constant 0 : i32
    %dma_wait3A_84 = tpu.memref_slice %arg6[%dma_wait3A_82, %dma_wait3A_83] : memref<10112x128xf32, #tpu.memory_space<vmem_shared>> -> memref<10112x128xf32, #tpu.memory_space<vmem_shared>>
    tpu.wait_indirect_dma semaphore(%arg14 : memref<!tpu.dma_semaphore, #tpu.memory_space<semaphore_mem>>) src(%dma_wait3A_78 : memref<112x128xf32, #tpu.memory_space<vmem>>) dst(%dma_wait3A_84 : memref<10112x128xf32, #tpu.memory_space<vmem_shared>>)
    %barrier3A_85 = arith.constant 0 : index
    tpu.barrier barrier_id(%barrier3A_85)
    "tpu.region"() ({
      %run_scoped3A_86 = tpu.sem_alloc : memref<!tpu.dma_semaphore, #tpu.memory_space<semaphore_mem>>
      %dma_start3A_87 = arith.constant 0 : i32
      %dma_start3A_88 = tpu.memref_slice %arg5[%arg0, %mul3A_0, %dma_start3A_87] : memref<2x10112x128xf32, #tpu.memory_space<hbm>> -> memref<1x632x128xf32, #tpu.memory_space<hbm>>
      %dma_start3A_89 = tpu.memref_squeeze %dma_start3A_88 : memref<1x632x128xf32, #tpu.memory_space<hbm>> -> memref<632x128xf32, #tpu.memory_space<hbm>>
      %dma_start3A_90 = arith.constant 0 : i32
      %dma_start3A_91 = tpu.memref_slice %arg6[%mul3A_0, %dma_start3A_90] : memref<10112x128xf32, #tpu.memory_space<vmem_shared>> -> memref<632x128xf32, #tpu.memory_space<vmem_shared>>
      tpu.enqueue_dma source(%dma_start3A_91 : memref<632x128xf32, #tpu.memory_space<vmem_shared>>) target(%dma_start3A_89 : memref<632x128xf32, #tpu.memory_space<hbm>>) target_semaphore(%run_scoped3A_86 : memref<!tpu.dma_semaphore, #tpu.memory_space<semaphore_mem>>)
      %dma_wait3A_92 = arith.constant 0 : i32
      %dma_wait3A_93 = tpu.memref_slice %arg5[%arg0, %mul3A_0, %dma_wait3A_92] : memref<2x10112x128xf32, #tpu.memory_space<hbm>> -> memref<1x632x128xf32, #tpu.memory_space<hbm>>
      %dma_wait3A_94 = tpu.memref_squeeze %dma_wait3A_93 : memref<1x632x128xf32, #tpu.memory_space<hbm>> -> memref<632x128xf32, #tpu.memory_space<hbm>>
      %dma_wait3A_95 = arith.constant 0 : i32
      %dma_wait3A_96 = tpu.memref_slice %arg6[%mul3A_0, %dma_wait3A_95] : memref<10112x128xf32, #tpu.memory_space<vmem_shared>> -> memref<632x128xf32, #tpu.memory_space<vmem_shared>>
      tpu.wait_dma2 semaphore(%run_scoped3A_86 : memref<!tpu.dma_semaphore, #tpu.memory_space<semaphore_mem>>) src(%dma_wait3A_96 : memref<632x128xf32, #tpu.memory_space<vmem_shared>>) dst(%dma_wait3A_94 : memref<632x128xf32, #tpu.memory_space<hbm>>)
      tpu.yield
    }) : () -> ()
    return
  }
}

#map = affine_map<(d0, d1) -> (0, 0)>
#map1 = affine_map<(d0, d1) -> (0, 0, 0, 0)>
#map2 = affine_map<(d0, d1) -> (0, 0, 0)>
module attributes {stable_mosaic.version = 14 : i64} {
  func.func @_agg_kernel(%arg0: i32, %arg1: i32, %arg2: memref<10112x128xf32, #tpu.memory_space<hbm>>, %arg3: memref<16x183x2x112xi32, #tpu.memory_space<hbm>>, %arg4: memref<632x128xf32, #tpu.memory_space<hbm>>, %arg5: memref<2x10112x128xf32, #tpu.memory_space<hbm>>, %arg6: memref<10112x128xf32, #tpu.memory_space<vmem_shared>>, %arg7: memref<2x3x2x112xi32, #tpu.memory_space<vmem>>, %arg8: memref<3x112x128xf32, #tpu.memory_space<vmem>>, %arg9: memref<!tpu.dma_semaphore, #tpu.memory_space<semaphore_mem>>, %arg10: memref<!tpu.dma_semaphore, #tpu.memory_space<semaphore_mem>>, %arg11: memref<!tpu.dma_semaphore, #tpu.memory_space<semaphore_mem>>, %arg12: memref<!tpu.dma_semaphore, #tpu.memory_space<semaphore_mem>>, %arg13: memref<!tpu.dma_semaphore, #tpu.memory_space<semaphore_mem>>, %arg14: memref<!tpu.dma_semaphore, #tpu.memory_space<semaphore_mem>>) attributes {dimension_semantics = [#tpu.dimension_semantics<core_parallel>, #tpu.dimension_semantics<subcore_parallel>], iteration_bounds = array<i64: 2, 16>, scalar_prefetch = 0 : i64, scratch_operands = 9 : i64, tpu.core_type = #tpu.core_type<sc_vector_subcore>, window_params = [{transform_indices = #map}, {transform_indices = #map1}, {transform_indices = #map}, {transform_indices = #map2}]} {
    %mul3A = arith.constant 632 : i32
    %mul3A_0 = arith.muli %arg1, %mul3A : i32
    "tpu.region"() ({
      %run_scoped3A_86 = tpu.sem_alloc : memref<!tpu.dma_semaphore, #tpu.memory_space<semaphore_mem>>
      %dma_start3A_87 = arith.constant 0 : i32
      %dma_start3A_88 = tpu.memref_slice %arg6[%mul3A_0, %dma_start3A_87] : memref<10112x128xf32, #tpu.memory_space<vmem_shared>> -> memref<632x128xf32, #tpu.memory_space<vmem_shared>>
      tpu.enqueue_dma source(%arg4 : memref<632x128xf32, #tpu.memory_space<hbm>>) target(%dma_start3A_88 : memref<632x128xf32, #tpu.memory_space<vmem_shared>>) target_semaphore(%run_scoped3A_86 : memref<!tpu.dma_semaphore, #tpu.memory_space<semaphore_mem>>)
      %dma_wait3A_89 = arith.constant 0 : i32
      %dma_wait3A_90 = tpu.memref_slice %arg6[%mul3A_0, %dma_wait3A_89] : memref<10112x128xf32, #tpu.memory_space<vmem_shared>> -> memref<632x128xf32, #tpu.memory_space<vmem_shared>>
      tpu.wait_dma2 semaphore(%run_scoped3A_86 : memref<!tpu.dma_semaphore, #tpu.memory_space<semaphore_mem>>) src(%arg4 : memref<632x128xf32, #tpu.memory_space<hbm>>) dst(%dma_wait3A_90 : memref<632x128xf32, #tpu.memory_space<vmem_shared>>)
      tpu.yield
    }) : () -> ()
    %barrier3A = arith.constant 0 : index
    tpu.barrier barrier_id(%barrier3A)
    %run_scoped3A = arith.constant 1 : i32
    "tpu.region"() ({
      %run_scoped3A_86 = tpu.sem_alloc : memref<!tpu.dma_semaphore, #tpu.memory_space<semaphore_mem>>
      %dma_start3A_87 = arith.constant 0 : i32
      %dma_start3A_88 = arith.constant 0 : i32
      %dma_start3A_89 = arith.constant 0 : i32
      %dma_start3A_90 = tpu.memref_slice %arg7[%run_scoped3A, %dma_start3A_87, %dma_start3A_88, %dma_start3A_89] : memref<2x3x2x112xi32, #tpu.memory_space<vmem>> -> memref<1x3x2x112xi32, #tpu.memory_space<vmem>>
      %dma_start3A_91 = tpu.memref_squeeze %dma_start3A_90 : memref<1x3x2x112xi32, #tpu.memory_space<vmem>> -> memref<3x2x112xi32, #tpu.memory_space<vmem>>
      %dma_start3A_92 = arith.constant 0 : i32
      %dma_start3A_93 = arith.constant 0 : i32
      %dma_start3A_94 = arith.constant 0 : i32
      %dma_start3A_95 = tpu.memref_slice %arg3[%arg1, %dma_start3A_92, %dma_start3A_93, %dma_start3A_94] : memref<16x183x2x112xi32, #tpu.memory_space<hbm>> -> memref<1x3x2x112xi32, #tpu.memory_space<hbm>>
      %dma_start3A_96 = tpu.memref_squeeze %dma_start3A_95 : memref<1x3x2x112xi32, #tpu.memory_space<hbm>> -> memref<3x2x112xi32, #tpu.memory_space<hbm>>
      %dma_start3A_97 = arith.constant 0 : i32
      %dma_start3A_98 = arith.constant 0 : i32
      %dma_start3A_99 = arith.constant 0 : i32
      %dma_start3A_100 = tpu.memref_slice %arg7[%run_scoped3A, %dma_start3A_97, %dma_start3A_98, %dma_start3A_99] : memref<2x3x2x112xi32, #tpu.memory_space<vmem>> -> memref<1x3x2x112xi32, #tpu.memory_space<vmem>>
      %dma_start3A_101 = tpu.memref_squeeze %dma_start3A_100 : memref<1x3x2x112xi32, #tpu.memory_space<vmem>> -> memref<3x2x112xi32, #tpu.memory_space<vmem>>
      %dma_start3A_102 = arith.constant 0 : i32
      %dma_start3A_103 = arith.constant 0 : i32
      %dma_start3A_104 = arith.constant 0 : i32
      %dma_start3A_105 = tpu.memref_slice %arg3[%arg1, %dma_start3A_102, %dma_start3A_103, %dma_start3A_104] : memref<16x183x2x112xi32, #tpu.memory_space<hbm>> -> memref<1x3x2x112xi32, #tpu.memory_space<hbm>>
      %dma_start3A_106 = tpu.memref_squeeze %dma_start3A_105 : memref<1x3x2x112xi32, #tpu.memory_space<hbm>> -> memref<3x2x112xi32, #tpu.memory_space<hbm>>
      tpu.enqueue_dma source(%dma_start3A_106 : memref<3x2x112xi32, #tpu.memory_space<hbm>>) target(%dma_start3A_101 : memref<3x2x112xi32, #tpu.memory_space<vmem>>) target_semaphore(%run_scoped3A_86 : memref<!tpu.dma_semaphore, #tpu.memory_space<semaphore_mem>>)
      %dma_wait3A_107 = arith.constant 0 : i32
      %dma_wait3A_108 = arith.constant 0 : i32
      %dma_wait3A_109 = arith.constant 0 : i32
      %dma_wait3A_110 = tpu.memref_slice %arg7[%run_scoped3A, %dma_wait3A_107, %dma_wait3A_108, %dma_wait3A_109] : memref<2x3x2x112xi32, #tpu.memory_space<vmem>> -> memref<1x3x2x112xi32, #tpu.memory_space<vmem>>
      %dma_wait3A_111 = tpu.memref_squeeze %dma_wait3A_110 : memref<1x3x2x112xi32, #tpu.memory_space<vmem>> -> memref<3x2x112xi32, #tpu.memory_space<vmem>>
      %dma_wait3A_112 = arith.constant 0 : i32
      %dma_wait3A_113 = arith.constant 0 : i32
      %dma_wait3A_114 = arith.constant 0 : i32
      %dma_wait3A_115 = tpu.memref_slice %arg3[%arg1, %dma_wait3A_112, %dma_wait3A_113, %dma_wait3A_114] : memref<16x183x2x112xi32, #tpu.memory_space<hbm>> -> memref<1x3x2x112xi32, #tpu.memory_space<hbm>>
      %dma_wait3A_116 = tpu.memref_squeeze %dma_wait3A_115 : memref<1x3x2x112xi32, #tpu.memory_space<hbm>> -> memref<3x2x112xi32, #tpu.memory_space<hbm>>
      %dma_wait3A_117 = arith.constant 0 : i32
      %dma_wait3A_118 = arith.constant 0 : i32
      %dma_wait3A_119 = arith.constant 0 : i32
      %dma_wait3A_120 = tpu.memref_slice %arg7[%run_scoped3A, %dma_wait3A_117, %dma_wait3A_118, %dma_wait3A_119] : memref<2x3x2x112xi32, #tpu.memory_space<vmem>> -> memref<1x3x2x112xi32, #tpu.memory_space<vmem>>
      %dma_wait3A_121 = tpu.memref_squeeze %dma_wait3A_120 : memref<1x3x2x112xi32, #tpu.memory_space<vmem>> -> memref<3x2x112xi32, #tpu.memory_space<vmem>>
      %dma_wait3A_122 = arith.constant 0 : i32
      %dma_wait3A_123 = arith.constant 0 : i32
      %dma_wait3A_124 = arith.constant 0 : i32
      %dma_wait3A_125 = tpu.memref_slice %arg3[%arg1, %dma_wait3A_122, %dma_wait3A_123, %dma_wait3A_124] : memref<16x183x2x112xi32, #tpu.memory_space<hbm>> -> memref<1x3x2x112xi32, #tpu.memory_space<hbm>>
      %dma_wait3A_126 = tpu.memref_squeeze %dma_wait3A_125 : memref<1x3x2x112xi32, #tpu.memory_space<hbm>> -> memref<3x2x112xi32, #tpu.memory_space<hbm>>
      tpu.wait_dma2 semaphore(%run_scoped3A_86 : memref<!tpu.dma_semaphore, #tpu.memory_space<semaphore_mem>>) src(%dma_wait3A_126 : memref<3x2x112xi32, #tpu.memory_space<hbm>>) dst(%dma_wait3A_121 : memref<3x2x112xi32, #tpu.memory_space<vmem>>)
      tpu.yield
    }) : () -> ()
    %dma_start3A = arith.constant 1 : i32
    %dma_start3A_1 = arith.constant 0 : i32
    %dma_start3A_2 = arith.constant 0 : i32
    %dma_start3A_3 = arith.constant 0 : i32
    %dma_start3A_4 = arith.constant 0 : i32
    %dma_start3A_5 = tpu.memref_slice %arg8[%dma_start3A_2, %dma_start3A_3, %dma_start3A_4] : memref<3x112x128xf32, #tpu.memory_space<vmem>> -> memref<1x112x128xf32, #tpu.memory_space<vmem>>
    %dma_start3A_6 = tpu.memref_squeeze %dma_start3A_5 : memref<1x112x128xf32, #tpu.memory_space<vmem>> -> memref<112x128xf32, #tpu.memory_space<vmem>>
    %dma_start3A_7 = arith.constant 0 : i32
    %dma_start3A_8 = tpu.memref_slice %arg7[%dma_start3A, %dma_start3A_1, %arg0, %dma_start3A_7] : memref<2x3x2x112xi32, #tpu.memory_space<vmem>> -> memref<1x1x1x112xi32, #tpu.memory_space<vmem>>
    %dma_start3A_9 = tpu.memref_squeeze %dma_start3A_8 : memref<1x1x1x112xi32, #tpu.memory_space<vmem>> -> memref<112xi32, #tpu.memory_space<vmem>>
    %dma_start3A_10 = arith.constant 0 : i32
    %dma_start3A_11 = arith.constant 0 : i32
    %dma_start3A_12 = tpu.memref_slice %arg2[%dma_start3A_10, %dma_start3A_11] : memref<10112x128xf32, #tpu.memory_space<hbm>> -> memref<10112x128xf32, #tpu.memory_space<hbm>>
    tpu.enqueue_indirect_dma source(%dma_start3A_12 : memref<10112x128xf32, #tpu.memory_space<hbm>>) target(%dma_start3A_6 : memref<112x128xf32, #tpu.memory_space<vmem>>) offsets(%dma_start3A_9 : memref<112xi32, #tpu.memory_space<vmem>>) semaphore(%arg9 : memref<!tpu.dma_semaphore, #tpu.memory_space<semaphore_mem>>)
    %dma_start3A_13 = arith.constant 1 : i32
    %dma_start3A_14 = arith.constant 1 : i32
    %dma_start3A_15 = arith.constant 1 : i32
    %dma_start3A_16 = arith.constant 0 : i32
    %dma_start3A_17 = arith.constant 0 : i32
    %dma_start3A_18 = tpu.memref_slice %arg8[%dma_start3A_15, %dma_start3A_16, %dma_start3A_17] : memref<3x112x128xf32, #tpu.memory_space<vmem>> -> memref<1x112x128xf32, #tpu.memory_space<vmem>>
    %dma_start3A_19 = tpu.memref_squeeze %dma_start3A_18 : memref<1x112x128xf32, #tpu.memory_space<vmem>> -> memref<112x128xf32, #tpu.memory_space<vmem>>
    %dma_start3A_20 = arith.constant 0 : i32
    %dma_start3A_21 = tpu.memref_slice %arg7[%dma_start3A_13, %dma_start3A_14, %arg0, %dma_start3A_20] : memref<2x3x2x112xi32, #tpu.memory_space<vmem>> -> memref<1x1x1x112xi32, #tpu.memory_space<vmem>>
    %dma_start3A_22 = tpu.memref_squeeze %dma_start3A_21 : memref<1x1x1x112xi32, #tpu.memory_space<vmem>> -> memref<112xi32, #tpu.memory_space<vmem>>
    %dma_start3A_23 = arith.constant 0 : i32
    %dma_start3A_24 = arith.constant 0 : i32
    %dma_start3A_25 = tpu.memref_slice %arg2[%dma_start3A_23, %dma_start3A_24] : memref<10112x128xf32, #tpu.memory_space<hbm>> -> memref<10112x128xf32, #tpu.memory_space<hbm>>
    tpu.enqueue_indirect_dma source(%dma_start3A_25 : memref<10112x128xf32, #tpu.memory_space<hbm>>) target(%dma_start3A_19 : memref<112x128xf32, #tpu.memory_space<vmem>>) offsets(%dma_start3A_22 : memref<112xi32, #tpu.memory_space<vmem>>) semaphore(%arg10 : memref<!tpu.dma_semaphore, #tpu.memory_space<semaphore_mem>>)
    %dma_start3A_26 = arith.constant 1 : i32
    %dma_start3A_27 = arith.constant 2 : i32
    %dma_start3A_28 = arith.constant 2 : i32
    %dma_start3A_29 = arith.constant 0 : i32
    %dma_start3A_30 = arith.constant 0 : i32
    %dma_start3A_31 = tpu.memref_slice %arg8[%dma_start3A_28, %dma_start3A_29, %dma_start3A_30] : memref<3x112x128xf32, #tpu.memory_space<vmem>> -> memref<1x112x128xf32, #tpu.memory_space<vmem>>
    %dma_start3A_32 = tpu.memref_squeeze %dma_start3A_31 : memref<1x112x128xf32, #tpu.memory_space<vmem>> -> memref<112x128xf32, #tpu.memory_space<vmem>>
    %dma_start3A_33 = arith.constant 0 : i32
    %dma_start3A_34 = tpu.memref_slice %arg7[%dma_start3A_26, %dma_start3A_27, %arg0, %dma_start3A_33] : memref<2x3x2x112xi32, #tpu.memory_space<vmem>> -> memref<1x1x1x112xi32, #tpu.memory_space<vmem>>
    %dma_start3A_35 = tpu.memref_squeeze %dma_start3A_34 : memref<1x1x1x112xi32, #tpu.memory_space<vmem>> -> memref<112xi32, #tpu.memory_space<vmem>>
    %dma_start3A_36 = arith.constant 0 : i32
    %dma_start3A_37 = arith.constant 0 : i32
    %dma_start3A_38 = tpu.memref_slice %arg2[%dma_start3A_36, %dma_start3A_37] : memref<10112x128xf32, #tpu.memory_space<hbm>> -> memref<10112x128xf32, #tpu.memory_space<hbm>>
    tpu.enqueue_indirect_dma source(%dma_start3A_38 : memref<10112x128xf32, #tpu.memory_space<hbm>>) target(%dma_start3A_32 : memref<112x128xf32, #tpu.memory_space<vmem>>) offsets(%dma_start3A_35 : memref<112xi32, #tpu.memory_space<vmem>>) semaphore(%arg11 : memref<!tpu.dma_semaphore, #tpu.memory_space<semaphore_mem>>)
    %scan3A = arith.constant 0 : i32
    %scan3A_39 = arith.constant 0 : i32
    %scan3A_40 = arith.constant 60 : i32
    %scan3A_41 = arith.addi %scan3A_39, %scan3A_40 : i32
    %scan3A_42 = arith.constant 1 : i32
    scf.for %scan3A_86 = %scan3A_39 to %scan3A_41 step %scan3A_42  : i32 {
      %mul3A_87 = arith.constant 3 : i32
      %mul3A_88 = arith.muli %mul3A_87, %scan3A_86 : i32
      %rem3A = arith.constant 2 : i32
      %rem3A_89 = arith.remsi %scan3A_86, %rem3A : i32
      %add3A = arith.constant 3 : i32
      %add3A_90 = arith.addi %mul3A_88, %add3A : i32
      "tpu.region"() ({
        %run_scoped3A_204 = tpu.sem_alloc : memref<!tpu.dma_semaphore, #tpu.memory_space<semaphore_mem>>
        %dma_start3A_205 = arith.constant 0 : i32
        %dma_start3A_206 = arith.constant 0 : i32
        %dma_start3A_207 = arith.constant 0 : i32
        %dma_start3A_208 = tpu.memref_slice %arg7[%rem3A_89, %dma_start3A_205, %dma_start3A_206, %dma_start3A_207] : memref<2x3x2x112xi32, #tpu.memory_space<vmem>> -> memref<1x3x2x112xi32, #tpu.memory_space<vmem>>
        %dma_start3A_209 = tpu.memref_squeeze %dma_start3A_208 : memref<1x3x2x112xi32, #tpu.memory_space<vmem>> -> memref<3x2x112xi32, #tpu.memory_space<vmem>>
        %dma_start3A_210 = arith.constant 0 : i32
        %dma_start3A_211 = arith.constant 0 : i32
        %dma_start3A_212 = tpu.memref_slice %arg3[%arg1, %add3A_90, %dma_start3A_210, %dma_start3A_211] : memref<16x183x2x112xi32, #tpu.memory_space<hbm>> -> memref<1x3x2x112xi32, #tpu.memory_space<hbm>>
        %dma_start3A_213 = tpu.memref_squeeze %dma_start3A_212 : memref<1x3x2x112xi32, #tpu.memory_space<hbm>> -> memref<3x2x112xi32, #tpu.memory_space<hbm>>
        %dma_start3A_214 = arith.constant 0 : i32
        %dma_start3A_215 = arith.constant 0 : i32
        %dma_start3A_216 = arith.constant 0 : i32
        %dma_start3A_217 = tpu.memref_slice %arg7[%rem3A_89, %dma_start3A_214, %dma_start3A_215, %dma_start3A_216] : memref<2x3x2x112xi32, #tpu.memory_space<vmem>> -> memref<1x3x2x112xi32, #tpu.memory_space<vmem>>
        %dma_start3A_218 = tpu.memref_squeeze %dma_start3A_217 : memref<1x3x2x112xi32, #tpu.memory_space<vmem>> -> memref<3x2x112xi32, #tpu.memory_space<vmem>>
        %dma_start3A_219 = arith.constant 0 : i32
        %dma_start3A_220 = arith.constant 0 : i32
        %dma_start3A_221 = tpu.memref_slice %arg3[%arg1, %add3A_90, %dma_start3A_219, %dma_start3A_220] : memref<16x183x2x112xi32, #tpu.memory_space<hbm>> -> memref<1x3x2x112xi32, #tpu.memory_space<hbm>>
        %dma_start3A_222 = tpu.memref_squeeze %dma_start3A_221 : memref<1x3x2x112xi32, #tpu.memory_space<hbm>> -> memref<3x2x112xi32, #tpu.memory_space<hbm>>
        tpu.enqueue_dma source(%dma_start3A_222 : memref<3x2x112xi32, #tpu.memory_space<hbm>>) target(%dma_start3A_218 : memref<3x2x112xi32, #tpu.memory_space<vmem>>) target_semaphore(%run_scoped3A_204 : memref<!tpu.dma_semaphore, #tpu.memory_space<semaphore_mem>>)
        %dma_wait3A_223 = arith.constant 0 : i32
        %dma_wait3A_224 = arith.constant 0 : i32
        %dma_wait3A_225 = arith.constant 0 : i32
        %dma_wait3A_226 = tpu.memref_slice %arg7[%rem3A_89, %dma_wait3A_223, %dma_wait3A_224, %dma_wait3A_225] : memref<2x3x2x112xi32, #tpu.memory_space<vmem>> -> memref<1x3x2x112xi32, #tpu.memory_space<vmem>>
        %dma_wait3A_227 = tpu.memref_squeeze %dma_wait3A_226 : memref<1x3x2x112xi32, #tpu.memory_space<vmem>> -> memref<3x2x112xi32, #tpu.memory_space<vmem>>
        %dma_wait3A_228 = arith.constant 0 : i32
        %dma_wait3A_229 = arith.constant 0 : i32
        %dma_wait3A_230 = tpu.memref_slice %arg3[%arg1, %add3A_90, %dma_wait3A_228, %dma_wait3A_229] : memref<16x183x2x112xi32, #tpu.memory_space<hbm>> -> memref<1x3x2x112xi32, #tpu.memory_space<hbm>>
        %dma_wait3A_231 = tpu.memref_squeeze %dma_wait3A_230 : memref<1x3x2x112xi32, #tpu.memory_space<hbm>> -> memref<3x2x112xi32, #tpu.memory_space<hbm>>
        %dma_wait3A_232 = arith.constant 0 : i32
        %dma_wait3A_233 = arith.constant 0 : i32
        %dma_wait3A_234 = arith.constant 0 : i32
        %dma_wait3A_235 = tpu.memref_slice %arg7[%rem3A_89, %dma_wait3A_232, %dma_wait3A_233, %dma_wait3A_234] : memref<2x3x2x112xi32, #tpu.memory_space<vmem>> -> memref<1x3x2x112xi32, #tpu.memory_space<vmem>>
        %dma_wait3A_236 = tpu.memref_squeeze %dma_wait3A_235 : memref<1x3x2x112xi32, #tpu.memory_space<vmem>> -> memref<3x2x112xi32, #tpu.memory_space<vmem>>
        %dma_wait3A_237 = arith.constant 0 : i32
        %dma_wait3A_238 = arith.constant 0 : i32
        %dma_wait3A_239 = tpu.memref_slice %arg3[%arg1, %add3A_90, %dma_wait3A_237, %dma_wait3A_238] : memref<16x183x2x112xi32, #tpu.memory_space<hbm>> -> memref<1x3x2x112xi32, #tpu.memory_space<hbm>>
        %dma_wait3A_240 = tpu.memref_squeeze %dma_wait3A_239 : memref<1x3x2x112xi32, #tpu.memory_space<hbm>> -> memref<3x2x112xi32, #tpu.memory_space<hbm>>
        tpu.wait_dma2 semaphore(%run_scoped3A_204 : memref<!tpu.dma_semaphore, #tpu.memory_space<semaphore_mem>>) src(%dma_wait3A_240 : memref<3x2x112xi32, #tpu.memory_space<hbm>>) dst(%dma_wait3A_236 : memref<3x2x112xi32, #tpu.memory_space<vmem>>)
        tpu.yield
      }) : () -> ()
      %sub3A = arith.constant 1 : i32
      %sub3A_91 = arith.subi %sub3A, %rem3A_89 : i32
      %dma_wait3A_92 = arith.constant 0 : i32
      %dma_wait3A_93 = arith.constant 0 : i32
      %dma_wait3A_94 = arith.constant 0 : i32
      %dma_wait3A_95 = arith.constant 0 : i32
      %dma_wait3A_96 = tpu.memref_slice %arg8[%dma_wait3A_93, %dma_wait3A_94, %dma_wait3A_95] : memref<3x112x128xf32, #tpu.memory_space<vmem>> -> memref<1x112x128xf32, #tpu.memory_space<vmem>>
      %dma_wait3A_97 = tpu.memref_squeeze %dma_wait3A_96 : memref<1x112x128xf32, #tpu.memory_space<vmem>> -> memref<112x128xf32, #tpu.memory_space<vmem>>
      %dma_wait3A_98 = arith.constant 0 : i32
      %dma_wait3A_99 = tpu.memref_slice %arg7[%sub3A_91, %dma_wait3A_92, %arg0, %dma_wait3A_98] : memref<2x3x2x112xi32, #tpu.memory_space<vmem>> -> memref<1x1x1x112xi32, #tpu.memory_space<vmem>>
      %dma_wait3A_100 = tpu.memref_squeeze %dma_wait3A_99 : memref<1x1x1x112xi32, #tpu.memory_space<vmem>> -> memref<112xi32, #tpu.memory_space<vmem>>
      %dma_wait3A_101 = arith.constant 0 : i32
      %dma_wait3A_102 = arith.constant 0 : i32
      %dma_wait3A_103 = tpu.memref_slice %arg2[%dma_wait3A_101, %dma_wait3A_102] : memref<10112x128xf32, #tpu.memory_space<hbm>> -> memref<10112x128xf32, #tpu.memory_space<hbm>>
      tpu.wait_indirect_dma semaphore(%arg9 : memref<!tpu.dma_semaphore, #tpu.memory_space<semaphore_mem>>) src(%dma_wait3A_103 : memref<10112x128xf32, #tpu.memory_space<hbm>>) dst(%dma_wait3A_97 : memref<112x128xf32, #tpu.memory_space<vmem>>)
      %sub3A_104 = arith.constant 1 : i32
      %sub3A_105 = arith.subi %sub3A_104, %rem3A_89 : i32
      %sub3A_106 = arith.constant 1 : i32
      %sub3A_107 = arith.subi %sub3A_106, %arg0 : i32
      %dma_start3A_108 = arith.constant 0 : i32
      %dma_start3A_109 = arith.constant 0 : i32
      %dma_start3A_110 = arith.constant 0 : i32
      %dma_start3A_111 = arith.constant 0 : i32
      %dma_start3A_112 = tpu.memref_slice %arg8[%dma_start3A_108, %dma_start3A_110, %dma_start3A_111] : memref<3x112x128xf32, #tpu.memory_space<vmem>> -> memref<1x112x128xf32, #tpu.memory_space<vmem>>
      %dma_start3A_113 = tpu.memref_squeeze %dma_start3A_112 : memref<1x112x128xf32, #tpu.memory_space<vmem>> -> memref<112x128xf32, #tpu.memory_space<vmem>>
      %dma_start3A_114 = arith.constant 0 : i32
      %dma_start3A_115 = tpu.memref_slice %arg7[%sub3A_105, %dma_start3A_109, %sub3A_107, %dma_start3A_114] : memref<2x3x2x112xi32, #tpu.memory_space<vmem>> -> memref<1x1x1x112xi32, #tpu.memory_space<vmem>>
      %dma_start3A_116 = tpu.memref_squeeze %dma_start3A_115 : memref<1x1x1x112xi32, #tpu.memory_space<vmem>> -> memref<112xi32, #tpu.memory_space<vmem>>
      %dma_start3A_117 = arith.constant 0 : i32
      %dma_start3A_118 = arith.constant 0 : i32
      %dma_start3A_119 = tpu.memref_slice %arg6[%dma_start3A_117, %dma_start3A_118] : memref<10112x128xf32, #tpu.memory_space<vmem_shared>> -> memref<10112x128xf32, #tpu.memory_space<vmem_shared>>
      tpu.enqueue_indirect_dma source(%dma_start3A_113 : memref<112x128xf32, #tpu.memory_space<vmem>>) target(%dma_start3A_119 : memref<10112x128xf32, #tpu.memory_space<vmem_shared>>) offsets(%dma_start3A_116 : memref<112xi32, #tpu.memory_space<vmem>>) semaphore(%arg12 : memref<!tpu.dma_semaphore, #tpu.memory_space<semaphore_mem>>) {add = true}
      %sub3A_120 = arith.constant 1 : i32
      %sub3A_121 = arith.subi %sub3A_120, %rem3A_89 : i32
      %dma_wait3A_122 = arith.constant 1 : i32
      %dma_wait3A_123 = arith.constant 1 : i32
      %dma_wait3A_124 = arith.constant 0 : i32
      %dma_wait3A_125 = arith.constant 0 : i32
      %dma_wait3A_126 = tpu.memref_slice %arg8[%dma_wait3A_123, %dma_wait3A_124, %dma_wait3A_125] : memref<3x112x128xf32, #tpu.memory_space<vmem>> -> memref<1x112x128xf32, #tpu.memory_space<vmem>>
      %dma_wait3A_127 = tpu.memref_squeeze %dma_wait3A_126 : memref<1x112x128xf32, #tpu.memory_space<vmem>> -> memref<112x128xf32, #tpu.memory_space<vmem>>
      %dma_wait3A_128 = arith.constant 0 : i32
      %dma_wait3A_129 = tpu.memref_slice %arg7[%sub3A_121, %dma_wait3A_122, %arg0, %dma_wait3A_128] : memref<2x3x2x112xi32, #tpu.memory_space<vmem>> -> memref<1x1x1x112xi32, #tpu.memory_space<vmem>>
      %dma_wait3A_130 = tpu.memref_squeeze %dma_wait3A_129 : memref<1x1x1x112xi32, #tpu.memory_space<vmem>> -> memref<112xi32, #tpu.memory_space<vmem>>
      %dma_wait3A_131 = arith.constant 0 : i32
      %dma_wait3A_132 = arith.constant 0 : i32
      %dma_wait3A_133 = tpu.memref_slice %arg2[%dma_wait3A_131, %dma_wait3A_132] : memref<10112x128xf32, #tpu.memory_space<hbm>> -> memref<10112x128xf32, #tpu.memory_space<hbm>>
      tpu.wait_indirect_dma semaphore(%arg10 : memref<!tpu.dma_semaphore, #tpu.memory_space<semaphore_mem>>) src(%dma_wait3A_133 : memref<10112x128xf32, #tpu.memory_space<hbm>>) dst(%dma_wait3A_127 : memref<112x128xf32, #tpu.memory_space<vmem>>)
      %sub3A_134 = arith.constant 1 : i32
      %sub3A_135 = arith.subi %sub3A_134, %rem3A_89 : i32
      %sub3A_136 = arith.constant 1 : i32
      %sub3A_137 = arith.subi %sub3A_136, %arg0 : i32
      %dma_start3A_138 = arith.constant 1 : i32
      %dma_start3A_139 = arith.constant 1 : i32
      %dma_start3A_140 = arith.constant 0 : i32
      %dma_start3A_141 = arith.constant 0 : i32
      %dma_start3A_142 = tpu.memref_slice %arg8[%dma_start3A_138, %dma_start3A_140, %dma_start3A_141] : memref<3x112x128xf32, #tpu.memory_space<vmem>> -> memref<1x112x128xf32, #tpu.memory_space<vmem>>
      %dma_start3A_143 = tpu.memref_squeeze %dma_start3A_142 : memref<1x112x128xf32, #tpu.memory_space<vmem>> -> memref<112x128xf32, #tpu.memory_space<vmem>>
      %dma_start3A_144 = arith.constant 0 : i32
      %dma_start3A_145 = tpu.memref_slice %arg7[%sub3A_135, %dma_start3A_139, %sub3A_137, %dma_start3A_144] : memref<2x3x2x112xi32, #tpu.memory_space<vmem>> -> memref<1x1x1x112xi32, #tpu.memory_space<vmem>>
      %dma_start3A_146 = tpu.memref_squeeze %dma_start3A_145 : memref<1x1x1x112xi32, #tpu.memory_space<vmem>> -> memref<112xi32, #tpu.memory_space<vmem>>
      %dma_start3A_147 = arith.constant 0 : i32
      %dma_start3A_148 = arith.constant 0 : i32
      %dma_start3A_149 = tpu.memref_slice %arg6[%dma_start3A_147, %dma_start3A_148] : memref<10112x128xf32, #tpu.memory_space<vmem_shared>> -> memref<10112x128xf32, #tpu.memory_space<vmem_shared>>
      tpu.enqueue_indirect_dma source(%dma_start3A_143 : memref<112x128xf32, #tpu.memory_space<vmem>>) target(%dma_start3A_149 : memref<10112x128xf32, #tpu.memory_space<vmem_shared>>) offsets(%dma_start3A_146 : memref<112xi32, #tpu.memory_space<vmem>>) semaphore(%arg13 : memref<!tpu.dma_semaphore, #tpu.memory_space<semaphore_mem>>) {add = true}
      %sub3A_150 = arith.constant 1 : i32
      %sub3A_151 = arith.subi %sub3A_150, %rem3A_89 : i32
      %dma_wait3A_152 = arith.constant 2 : i32
      %dma_wait3A_153 = arith.constant 2 : i32
      %dma_wait3A_154 = arith.constant 0 : i32
      %dma_wait3A_155 = arith.constant 0 : i32
      %dma_wait3A_156 = tpu.memref_slice %arg8[%dma_wait3A_153, %dma_wait3A_154, %dma_wait3A_155] : memref<3x112x128xf32, #tpu.memory_space<vmem>> -> memref<1x112x128xf32, #tpu.memory_space<vmem>>
      %dma_wait3A_157 = tpu.memref_squeeze %dma_wait3A_156 : memref<1x112x128xf32, #tpu.memory_space<vmem>> -> memref<112x128xf32, #tpu.memory_space<vmem>>
      %dma_wait3A_158 = arith.constant 0 : i32
      %dma_wait3A_159 = tpu.memref_slice %arg7[%sub3A_151, %dma_wait3A_152, %arg0, %dma_wait3A_158] : memref<2x3x2x112xi32, #tpu.memory_space<vmem>> -> memref<1x1x1x112xi32, #tpu.memory_space<vmem>>
      %dma_wait3A_160 = tpu.memref_squeeze %dma_wait3A_159 : memref<1x1x1x112xi32, #tpu.memory_space<vmem>> -> memref<112xi32, #tpu.memory_space<vmem>>
      %dma_wait3A_161 = arith.constant 0 : i32
      %dma_wait3A_162 = arith.constant 0 : i32
      %dma_wait3A_163 = tpu.memref_slice %arg2[%dma_wait3A_161, %dma_wait3A_162] : memref<10112x128xf32, #tpu.memory_space<hbm>> -> memref<10112x128xf32, #tpu.memory_space<hbm>>
      tpu.wait_indirect_dma semaphore(%arg11 : memref<!tpu.dma_semaphore, #tpu.memory_space<semaphore_mem>>) src(%dma_wait3A_163 : memref<10112x128xf32, #tpu.memory_space<hbm>>) dst(%dma_wait3A_157 : memref<112x128xf32, #tpu.memory_space<vmem>>)
      %sub3A_164 = arith.constant 1 : i32
      %sub3A_165 = arith.subi %sub3A_164, %rem3A_89 : i32
      %sub3A_166 = arith.constant 1 : i32
      %sub3A_167 = arith.subi %sub3A_166, %arg0 : i32
      %dma_start3A_168 = arith.constant 2 : i32
      %dma_start3A_169 = arith.constant 2 : i32
      %dma_start3A_170 = arith.constant 0 : i32
      %dma_start3A_171 = arith.constant 0 : i32
      %dma_start3A_172 = tpu.memref_slice %arg8[%dma_start3A_168, %dma_start3A_170, %dma_start3A_171] : memref<3x112x128xf32, #tpu.memory_space<vmem>> -> memref<1x112x128xf32, #tpu.memory_space<vmem>>
      %dma_start3A_173 = tpu.memref_squeeze %dma_start3A_172 : memref<1x112x128xf32, #tpu.memory_space<vmem>> -> memref<112x128xf32, #tpu.memory_space<vmem>>
      %dma_start3A_174 = arith.constant 0 : i32
      %dma_start3A_175 = tpu.memref_slice %arg7[%sub3A_165, %dma_start3A_169, %sub3A_167, %dma_start3A_174] : memref<2x3x2x112xi32, #tpu.memory_space<vmem>> -> memref<1x1x1x112xi32, #tpu.memory_space<vmem>>
      %dma_start3A_176 = tpu.memref_squeeze %dma_start3A_175 : memref<1x1x1x112xi32, #tpu.memory_space<vmem>> -> memref<112xi32, #tpu.memory_space<vmem>>
      %dma_start3A_177 = arith.constant 0 : i32
      %dma_start3A_178 = arith.constant 0 : i32
      %dma_start3A_179 = tpu.memref_slice %arg6[%dma_start3A_177, %dma_start3A_178] : memref<10112x128xf32, #tpu.memory_space<vmem_shared>> -> memref<10112x128xf32, #tpu.memory_space<vmem_shared>>
      tpu.enqueue_indirect_dma source(%dma_start3A_173 : memref<112x128xf32, #tpu.memory_space<vmem>>) target(%dma_start3A_179 : memref<10112x128xf32, #tpu.memory_space<vmem_shared>>) offsets(%dma_start3A_176 : memref<112xi32, #tpu.memory_space<vmem>>) semaphore(%arg14 : memref<!tpu.dma_semaphore, #tpu.memory_space<semaphore_mem>>) {add = true}
      %add3A_180 = arith.constant 0 : i32
      %add3A_181 = arith.addi %mul3A_88, %add3A_180 : i32
      %add3A_182 = arith.constant 3 : i32
      %add3A_183 = arith.addi %add3A_181, %add3A_182 : i32
      %lt3A = arith.constant 180 : i32
      %lt3A_184 = arith.cmpi slt, %add3A_183, %lt3A : i32
      %convert_element_type3A = arith.extui %lt3A_184 : i1 to i32
      %cond3A = arith.constant 0 : i32
      %cond3A_185 = arith.cmpi ne, %convert_element_type3A, %cond3A : i32
      scf.if %cond3A_185 {
        %sub3A_204 = arith.constant 1 : i32
        %sub3A_205 = arith.subi %sub3A_204, %rem3A_89 : i32
        %sub3A_206 = arith.constant 1 : i32
        %sub3A_207 = arith.subi %sub3A_206, %arg0 : i32
        %dma_wait3A_208 = arith.constant 0 : i32
        %dma_wait3A_209 = arith.constant 0 : i32
        %dma_wait3A_210 = arith.constant 0 : i32
        %dma_wait3A_211 = arith.constant 0 : i32
        %dma_wait3A_212 = tpu.memref_slice %arg8[%dma_wait3A_208, %dma_wait3A_210, %dma_wait3A_211] : memref<3x112x128xf32, #tpu.memory_space<vmem>> -> memref<1x112x128xf32, #tpu.memory_space<vmem>>
        %dma_wait3A_213 = tpu.memref_squeeze %dma_wait3A_212 : memref<1x112x128xf32, #tpu.memory_space<vmem>> -> memref<112x128xf32, #tpu.memory_space<vmem>>
        %dma_wait3A_214 = arith.constant 0 : i32
        %dma_wait3A_215 = tpu.memref_slice %arg7[%sub3A_205, %dma_wait3A_209, %sub3A_207, %dma_wait3A_214] : memref<2x3x2x112xi32, #tpu.memory_space<vmem>> -> memref<1x1x1x112xi32, #tpu.memory_space<vmem>>
        %dma_wait3A_216 = tpu.memref_squeeze %dma_wait3A_215 : memref<1x1x1x112xi32, #tpu.memory_space<vmem>> -> memref<112xi32, #tpu.memory_space<vmem>>
        %dma_wait3A_217 = arith.constant 0 : i32
        %dma_wait3A_218 = arith.constant 0 : i32
        %dma_wait3A_219 = tpu.memref_slice %arg6[%dma_wait3A_217, %dma_wait3A_218] : memref<10112x128xf32, #tpu.memory_space<vmem_shared>> -> memref<10112x128xf32, #tpu.memory_space<vmem_shared>>
        tpu.wait_indirect_dma semaphore(%arg12 : memref<!tpu.dma_semaphore, #tpu.memory_space<semaphore_mem>>) src(%dma_wait3A_213 : memref<112x128xf32, #tpu.memory_space<vmem>>) dst(%dma_wait3A_219 : memref<10112x128xf32, #tpu.memory_space<vmem_shared>>)
        %dma_start3A_220 = arith.constant 0 : i32
        %dma_start3A_221 = arith.constant 0 : i32
        %dma_start3A_222 = arith.constant 0 : i32
        %dma_start3A_223 = arith.constant 0 : i32
        %dma_start3A_224 = tpu.memref_slice %arg8[%dma_start3A_221, %dma_start3A_222, %dma_start3A_223] : memref<3x112x128xf32, #tpu.memory_space<vmem>> -> memref<1x112x128xf32, #tpu.memory_space<vmem>>
        %dma_start3A_225 = tpu.memref_squeeze %dma_start3A_224 : memref<1x112x128xf32, #tpu.memory_space<vmem>> -> memref<112x128xf32, #tpu.memory_space<vmem>>
        %dma_start3A_226 = arith.constant 0 : i32
        %dma_start3A_227 = tpu.memref_slice %arg7[%rem3A_89, %dma_start3A_220, %arg0, %dma_start3A_226] : memref<2x3x2x112xi32, #tpu.memory_space<vmem>> -> memref<1x1x1x112xi32, #tpu.memory_space<vmem>>
        %dma_start3A_228 = tpu.memref_squeeze %dma_start3A_227 : memref<1x1x1x112xi32, #tpu.memory_space<vmem>> -> memref<112xi32, #tpu.memory_space<vmem>>
        %dma_start3A_229 = arith.constant 0 : i32
        %dma_start3A_230 = arith.constant 0 : i32
        %dma_start3A_231 = tpu.memref_slice %arg2[%dma_start3A_229, %dma_start3A_230] : memref<10112x128xf32, #tpu.memory_space<hbm>> -> memref<10112x128xf32, #tpu.memory_space<hbm>>
        tpu.enqueue_indirect_dma source(%dma_start3A_231 : memref<10112x128xf32, #tpu.memory_space<hbm>>) target(%dma_start3A_225 : memref<112x128xf32, #tpu.memory_space<vmem>>) offsets(%dma_start3A_228 : memref<112xi32, #tpu.memory_space<vmem>>) semaphore(%arg9 : memref<!tpu.dma_semaphore, #tpu.memory_space<semaphore_mem>>)
      } else {
      }
      %add3A_186 = arith.constant 1 : i32
      %add3A_187 = arith.addi %mul3A_88, %add3A_186 : i32
      %add3A_188 = arith.constant 3 : i32
      %add3A_189 = arith.addi %add3A_187, %add3A_188 : i32
      %lt3A_190 = arith.constant 180 : i32
      %lt3A_191 = arith.cmpi slt, %add3A_189, %lt3A_190 : i32
      %convert_element_type3A_192 = arith.extui %lt3A_191 : i1 to i32
      %cond3A_193 = arith.constant 0 : i32
      %cond3A_194 = arith.cmpi ne, %convert_element_type3A_192, %cond3A_193 : i32
      scf.if %cond3A_194 {
        %sub3A_204 = arith.constant 1 : i32
        %sub3A_205 = arith.subi %sub3A_204, %rem3A_89 : i32
        %sub3A_206 = arith.constant 1 : i32
        %sub3A_207 = arith.subi %sub3A_206, %arg0 : i32
        %dma_wait3A_208 = arith.constant 1 : i32
        %dma_wait3A_209 = arith.constant 1 : i32
        %dma_wait3A_210 = arith.constant 0 : i32
        %dma_wait3A_211 = arith.constant 0 : i32
        %dma_wait3A_212 = tpu.memref_slice %arg8[%dma_wait3A_208, %dma_wait3A_210, %dma_wait3A_211] : memref<3x112x128xf32, #tpu.memory_space<vmem>> -> memref<1x112x128xf32, #tpu.memory_space<vmem>>
        %dma_wait3A_213 = tpu.memref_squeeze %dma_wait3A_212 : memref<1x112x128xf32, #tpu.memory_space<vmem>> -> memref<112x128xf32, #tpu.memory_space<vmem>>
        %dma_wait3A_214 = arith.constant 0 : i32
        %dma_wait3A_215 = tpu.memref_slice %arg7[%sub3A_205, %dma_wait3A_209, %sub3A_207, %dma_wait3A_214] : memref<2x3x2x112xi32, #tpu.memory_space<vmem>> -> memref<1x1x1x112xi32, #tpu.memory_space<vmem>>
        %dma_wait3A_216 = tpu.memref_squeeze %dma_wait3A_215 : memref<1x1x1x112xi32, #tpu.memory_space<vmem>> -> memref<112xi32, #tpu.memory_space<vmem>>
        %dma_wait3A_217 = arith.constant 0 : i32
        %dma_wait3A_218 = arith.constant 0 : i32
        %dma_wait3A_219 = tpu.memref_slice %arg6[%dma_wait3A_217, %dma_wait3A_218] : memref<10112x128xf32, #tpu.memory_space<vmem_shared>> -> memref<10112x128xf32, #tpu.memory_space<vmem_shared>>
        tpu.wait_indirect_dma semaphore(%arg13 : memref<!tpu.dma_semaphore, #tpu.memory_space<semaphore_mem>>) src(%dma_wait3A_213 : memref<112x128xf32, #tpu.memory_space<vmem>>) dst(%dma_wait3A_219 : memref<10112x128xf32, #tpu.memory_space<vmem_shared>>)
        %dma_start3A_220 = arith.constant 1 : i32
        %dma_start3A_221 = arith.constant 1 : i32
        %dma_start3A_222 = arith.constant 0 : i32
        %dma_start3A_223 = arith.constant 0 : i32
        %dma_start3A_224 = tpu.memref_slice %arg8[%dma_start3A_221, %dma_start3A_222, %dma_start3A_223] : memref<3x112x128xf32, #tpu.memory_space<vmem>> -> memref<1x112x128xf32, #tpu.memory_space<vmem>>
        %dma_start3A_225 = tpu.memref_squeeze %dma_start3A_224 : memref<1x112x128xf32, #tpu.memory_space<vmem>> -> memref<112x128xf32, #tpu.memory_space<vmem>>
        %dma_start3A_226 = arith.constant 0 : i32
        %dma_start3A_227 = tpu.memref_slice %arg7[%rem3A_89, %dma_start3A_220, %arg0, %dma_start3A_226] : memref<2x3x2x112xi32, #tpu.memory_space<vmem>> -> memref<1x1x1x112xi32, #tpu.memory_space<vmem>>
        %dma_start3A_228 = tpu.memref_squeeze %dma_start3A_227 : memref<1x1x1x112xi32, #tpu.memory_space<vmem>> -> memref<112xi32, #tpu.memory_space<vmem>>
        %dma_start3A_229 = arith.constant 0 : i32
        %dma_start3A_230 = arith.constant 0 : i32
        %dma_start3A_231 = tpu.memref_slice %arg2[%dma_start3A_229, %dma_start3A_230] : memref<10112x128xf32, #tpu.memory_space<hbm>> -> memref<10112x128xf32, #tpu.memory_space<hbm>>
        tpu.enqueue_indirect_dma source(%dma_start3A_231 : memref<10112x128xf32, #tpu.memory_space<hbm>>) target(%dma_start3A_225 : memref<112x128xf32, #tpu.memory_space<vmem>>) offsets(%dma_start3A_228 : memref<112xi32, #tpu.memory_space<vmem>>) semaphore(%arg10 : memref<!tpu.dma_semaphore, #tpu.memory_space<semaphore_mem>>)
      } else {
      }
      %add3A_195 = arith.constant 2 : i32
      %add3A_196 = arith.addi %mul3A_88, %add3A_195 : i32
      %add3A_197 = arith.constant 3 : i32
      %add3A_198 = arith.addi %add3A_196, %add3A_197 : i32
      %lt3A_199 = arith.constant 180 : i32
      %lt3A_200 = arith.cmpi slt, %add3A_198, %lt3A_199 : i32
      %convert_element_type3A_201 = arith.extui %lt3A_200 : i1 to i32
      %cond3A_202 = arith.constant 0 : i32
      %cond3A_203 = arith.cmpi ne, %convert_element_type3A_201, %cond3A_202 : i32
      scf.if %cond3A_203 {
        %sub3A_204 = arith.constant 1 : i32
        %sub3A_205 = arith.subi %sub3A_204, %rem3A_89 : i32
        %sub3A_206 = arith.constant 1 : i32
        %sub3A_207 = arith.subi %sub3A_206, %arg0 : i32
        %dma_wait3A_208 = arith.constant 2 : i32
        %dma_wait3A_209 = arith.constant 2 : i32
        %dma_wait3A_210 = arith.constant 0 : i32
        %dma_wait3A_211 = arith.constant 0 : i32
        %dma_wait3A_212 = tpu.memref_slice %arg8[%dma_wait3A_208, %dma_wait3A_210, %dma_wait3A_211] : memref<3x112x128xf32, #tpu.memory_space<vmem>> -> memref<1x112x128xf32, #tpu.memory_space<vmem>>
        %dma_wait3A_213 = tpu.memref_squeeze %dma_wait3A_212 : memref<1x112x128xf32, #tpu.memory_space<vmem>> -> memref<112x128xf32, #tpu.memory_space<vmem>>
        %dma_wait3A_214 = arith.constant 0 : i32
        %dma_wait3A_215 = tpu.memref_slice %arg7[%sub3A_205, %dma_wait3A_209, %sub3A_207, %dma_wait3A_214] : memref<2x3x2x112xi32, #tpu.memory_space<vmem>> -> memref<1x1x1x112xi32, #tpu.memory_space<vmem>>
        %dma_wait3A_216 = tpu.memref_squeeze %dma_wait3A_215 : memref<1x1x1x112xi32, #tpu.memory_space<vmem>> -> memref<112xi32, #tpu.memory_space<vmem>>
        %dma_wait3A_217 = arith.constant 0 : i32
        %dma_wait3A_218 = arith.constant 0 : i32
        %dma_wait3A_219 = tpu.memref_slice %arg6[%dma_wait3A_217, %dma_wait3A_218] : memref<10112x128xf32, #tpu.memory_space<vmem_shared>> -> memref<10112x128xf32, #tpu.memory_space<vmem_shared>>
        tpu.wait_indirect_dma semaphore(%arg14 : memref<!tpu.dma_semaphore, #tpu.memory_space<semaphore_mem>>) src(%dma_wait3A_213 : memref<112x128xf32, #tpu.memory_space<vmem>>) dst(%dma_wait3A_219 : memref<10112x128xf32, #tpu.memory_space<vmem_shared>>)
        %dma_start3A_220 = arith.constant 2 : i32
        %dma_start3A_221 = arith.constant 2 : i32
        %dma_start3A_222 = arith.constant 0 : i32
        %dma_start3A_223 = arith.constant 0 : i32
        %dma_start3A_224 = tpu.memref_slice %arg8[%dma_start3A_221, %dma_start3A_222, %dma_start3A_223] : memref<3x112x128xf32, #tpu.memory_space<vmem>> -> memref<1x112x128xf32, #tpu.memory_space<vmem>>
        %dma_start3A_225 = tpu.memref_squeeze %dma_start3A_224 : memref<1x112x128xf32, #tpu.memory_space<vmem>> -> memref<112x128xf32, #tpu.memory_space<vmem>>
        %dma_start3A_226 = arith.constant 0 : i32
        %dma_start3A_227 = tpu.memref_slice %arg7[%rem3A_89, %dma_start3A_220, %arg0, %dma_start3A_226] : memref<2x3x2x112xi32, #tpu.memory_space<vmem>> -> memref<1x1x1x112xi32, #tpu.memory_space<vmem>>
        %dma_start3A_228 = tpu.memref_squeeze %dma_start3A_227 : memref<1x1x1x112xi32, #tpu.memory_space<vmem>> -> memref<112xi32, #tpu.memory_space<vmem>>
        %dma_start3A_229 = arith.constant 0 : i32
        %dma_start3A_230 = arith.constant 0 : i32
        %dma_start3A_231 = tpu.memref_slice %arg2[%dma_start3A_229, %dma_start3A_230] : memref<10112x128xf32, #tpu.memory_space<hbm>> -> memref<10112x128xf32, #tpu.memory_space<hbm>>
        tpu.enqueue_indirect_dma source(%dma_start3A_231 : memref<10112x128xf32, #tpu.memory_space<hbm>>) target(%dma_start3A_225 : memref<112x128xf32, #tpu.memory_space<vmem>>) offsets(%dma_start3A_228 : memref<112xi32, #tpu.memory_space<vmem>>) semaphore(%arg11 : memref<!tpu.dma_semaphore, #tpu.memory_space<semaphore_mem>>)
      } else {
      }
    }
    %scan3A_43 = arith.constant 60 : i32
    %dma_wait3A = arith.constant 0 : i32
    %dma_wait3A_44 = arith.constant 0 : i32
    %dma_wait3A_45 = arith.constant 0 : i32
    %dma_wait3A_46 = arith.constant 1 : i32
    %dma_wait3A_47 = arith.constant 0 : i32
    %dma_wait3A_48 = arith.constant 0 : i32
    %dma_wait3A_49 = tpu.memref_slice %arg8[%dma_wait3A, %dma_wait3A_47, %dma_wait3A_48] : memref<3x112x128xf32, #tpu.memory_space<vmem>> -> memref<1x112x128xf32, #tpu.memory_space<vmem>>
    %dma_wait3A_50 = tpu.memref_squeeze %dma_wait3A_49 : memref<1x112x128xf32, #tpu.memory_space<vmem>> -> memref<112x128xf32, #tpu.memory_space<vmem>>
    %dma_wait3A_51 = arith.constant 0 : i32
    %dma_wait3A_52 = tpu.memref_slice %arg7[%dma_wait3A_44, %dma_wait3A_45, %dma_wait3A_46, %dma_wait3A_51] : memref<2x3x2x112xi32, #tpu.memory_space<vmem>> -> memref<1x1x1x112xi32, #tpu.memory_space<vmem>>
    %dma_wait3A_53 = tpu.memref_squeeze %dma_wait3A_52 : memref<1x1x1x112xi32, #tpu.memory_space<vmem>> -> memref<112xi32, #tpu.memory_space<vmem>>
    %dma_wait3A_54 = arith.constant 0 : i32
    %dma_wait3A_55 = arith.constant 0 : i32
    %dma_wait3A_56 = tpu.memref_slice %arg6[%dma_wait3A_54, %dma_wait3A_55] : memref<10112x128xf32, #tpu.memory_space<vmem_shared>> -> memref<10112x128xf32, #tpu.memory_space<vmem_shared>>
    tpu.wait_indirect_dma semaphore(%arg12 : memref<!tpu.dma_semaphore, #tpu.memory_space<semaphore_mem>>) src(%dma_wait3A_50 : memref<112x128xf32, #tpu.memory_space<vmem>>) dst(%dma_wait3A_56 : memref<10112x128xf32, #tpu.memory_space<vmem_shared>>)
    %dma_wait3A_57 = arith.constant 1 : i32
    %dma_wait3A_58 = arith.constant 0 : i32
    %dma_wait3A_59 = arith.constant 1 : i32
    %dma_wait3A_60 = arith.constant 1 : i32
    %dma_wait3A_61 = arith.constant 0 : i32
    %dma_wait3A_62 = arith.constant 0 : i32
    %dma_wait3A_63 = tpu.memref_slice %arg8[%dma_wait3A_57, %dma_wait3A_61, %dma_wait3A_62] : memref<3x112x128xf32, #tpu.memory_space<vmem>> -> memref<1x112x128xf32, #tpu.memory_space<vmem>>
    %dma_wait3A_64 = tpu.memref_squeeze %dma_wait3A_63 : memref<1x112x128xf32, #tpu.memory_space<vmem>> -> memref<112x128xf32, #tpu.memory_space<vmem>>
    %dma_wait3A_65 = arith.constant 0 : i32
    %dma_wait3A_66 = tpu.memref_slice %arg7[%dma_wait3A_58, %dma_wait3A_59, %dma_wait3A_60, %dma_wait3A_65] : memref<2x3x2x112xi32, #tpu.memory_space<vmem>> -> memref<1x1x1x112xi32, #tpu.memory_space<vmem>>
    %dma_wait3A_67 = tpu.memref_squeeze %dma_wait3A_66 : memref<1x1x1x112xi32, #tpu.memory_space<vmem>> -> memref<112xi32, #tpu.memory_space<vmem>>
    %dma_wait3A_68 = arith.constant 0 : i32
    %dma_wait3A_69 = arith.constant 0 : i32
    %dma_wait3A_70 = tpu.memref_slice %arg6[%dma_wait3A_68, %dma_wait3A_69] : memref<10112x128xf32, #tpu.memory_space<vmem_shared>> -> memref<10112x128xf32, #tpu.memory_space<vmem_shared>>
    tpu.wait_indirect_dma semaphore(%arg13 : memref<!tpu.dma_semaphore, #tpu.memory_space<semaphore_mem>>) src(%dma_wait3A_64 : memref<112x128xf32, #tpu.memory_space<vmem>>) dst(%dma_wait3A_70 : memref<10112x128xf32, #tpu.memory_space<vmem_shared>>)
    %dma_wait3A_71 = arith.constant 2 : i32
    %dma_wait3A_72 = arith.constant 0 : i32
    %dma_wait3A_73 = arith.constant 2 : i32
    %dma_wait3A_74 = arith.constant 1 : i32
    %dma_wait3A_75 = arith.constant 0 : i32
    %dma_wait3A_76 = arith.constant 0 : i32
    %dma_wait3A_77 = tpu.memref_slice %arg8[%dma_wait3A_71, %dma_wait3A_75, %dma_wait3A_76] : memref<3x112x128xf32, #tpu.memory_space<vmem>> -> memref<1x112x128xf32, #tpu.memory_space<vmem>>
    %dma_wait3A_78 = tpu.memref_squeeze %dma_wait3A_77 : memref<1x112x128xf32, #tpu.memory_space<vmem>> -> memref<112x128xf32, #tpu.memory_space<vmem>>
    %dma_wait3A_79 = arith.constant 0 : i32
    %dma_wait3A_80 = tpu.memref_slice %arg7[%dma_wait3A_72, %dma_wait3A_73, %dma_wait3A_74, %dma_wait3A_79] : memref<2x3x2x112xi32, #tpu.memory_space<vmem>> -> memref<1x1x1x112xi32, #tpu.memory_space<vmem>>
    %dma_wait3A_81 = tpu.memref_squeeze %dma_wait3A_80 : memref<1x1x1x112xi32, #tpu.memory_space<vmem>> -> memref<112xi32, #tpu.memory_space<vmem>>
    %dma_wait3A_82 = arith.constant 0 : i32
    %dma_wait3A_83 = arith.constant 0 : i32
    %dma_wait3A_84 = tpu.memref_slice %arg6[%dma_wait3A_82, %dma_wait3A_83] : memref<10112x128xf32, #tpu.memory_space<vmem_shared>> -> memref<10112x128xf32, #tpu.memory_space<vmem_shared>>
    tpu.wait_indirect_dma semaphore(%arg14 : memref<!tpu.dma_semaphore, #tpu.memory_space<semaphore_mem>>) src(%dma_wait3A_78 : memref<112x128xf32, #tpu.memory_space<vmem>>) dst(%dma_wait3A_84 : memref<10112x128xf32, #tpu.memory_space<vmem_shared>>)
    %barrier3A_85 = arith.constant 0 : index
    tpu.barrier barrier_id(%barrier3A_85)
    "tpu.region"() ({
      %run_scoped3A_86 = tpu.sem_alloc : memref<!tpu.dma_semaphore, #tpu.memory_space<semaphore_mem>>
      %dma_start3A_87 = arith.constant 0 : i32
      %dma_start3A_88 = tpu.memref_slice %arg5[%arg0, %mul3A_0, %dma_start3A_87] : memref<2x10112x128xf32, #tpu.memory_space<hbm>> -> memref<1x632x128xf32, #tpu.memory_space<hbm>>
      %dma_start3A_89 = tpu.memref_squeeze %dma_start3A_88 : memref<1x632x128xf32, #tpu.memory_space<hbm>> -> memref<632x128xf32, #tpu.memory_space<hbm>>
      %dma_start3A_90 = arith.constant 0 : i32
      %dma_start3A_91 = tpu.memref_slice %arg6[%mul3A_0, %dma_start3A_90] : memref<10112x128xf32, #tpu.memory_space<vmem_shared>> -> memref<632x128xf32, #tpu.memory_space<vmem_shared>>
      tpu.enqueue_dma source(%dma_start3A_91 : memref<632x128xf32, #tpu.memory_space<vmem_shared>>) target(%dma_start3A_89 : memref<632x128xf32, #tpu.memory_space<hbm>>) target_semaphore(%run_scoped3A_86 : memref<!tpu.dma_semaphore, #tpu.memory_space<semaphore_mem>>)
      %dma_wait3A_92 = arith.constant 0 : i32
      %dma_wait3A_93 = tpu.memref_slice %arg5[%arg0, %mul3A_0, %dma_wait3A_92] : memref<2x10112x128xf32, #tpu.memory_space<hbm>> -> memref<1x632x128xf32, #tpu.memory_space<hbm>>
      %dma_wait3A_94 = tpu.memref_squeeze %dma_wait3A_93 : memref<1x632x128xf32, #tpu.memory_space<hbm>> -> memref<632x128xf32, #tpu.memory_space<hbm>>
      %dma_wait3A_95 = arith.constant 0 : i32
      %dma_wait3A_96 = tpu.memref_slice %arg6[%mul3A_0, %dma_wait3A_95] : memref<10112x128xf32, #tpu.memory_space<vmem_shared>> -> memref<632x128xf32, #tpu.memory_space<vmem_shared>>
      tpu.wait_dma2 semaphore(%run_scoped3A_86 : memref<!tpu.dma_semaphore, #tpu.memory_space<semaphore_mem>>) src(%dma_wait3A_96 : memref<632x128xf32, #tpu.memory_space<vmem_shared>>) dst(%dma_wait3A_94 : memref<632x128xf32, #tpu.memory_space<hbm>>)
      tpu.yield
    }) : () -> ()
    return
  }
}

#map = affine_map<(d0, d1) -> (0, 0, 0, 0)>
#map1 = affine_map<(d0, d1) -> (0, 0)>
#map2 = affine_map<(d0, d1) -> (0, 0, 0)>
module attributes {stable_mosaic.version = 14 : i64} {
  func.func @_deg_kernel(%arg0: i32, %arg1: i32, %arg2: memref<16x183x2x112xi32, #tpu.memory_space<hbm>>, %arg3: memref<632x128xf32, #tpu.memory_space<hbm>>, %arg4: memref<112x128xf32, #tpu.memory_space<hbm>>, %arg5: memref<2x10112x128xf32, #tpu.memory_space<hbm>>, %arg6: memref<10112x128xf32, #tpu.memory_space<vmem_shared>>, %arg7: memref<2x3x2x112xi32, #tpu.memory_space<vmem>>, %arg8: memref<112x128xf32, #tpu.memory_space<vmem>>, %arg9: memref<!tpu.dma_semaphore, #tpu.memory_space<semaphore_mem>>, %arg10: memref<!tpu.dma_semaphore, #tpu.memory_space<semaphore_mem>>, %arg11: memref<!tpu.dma_semaphore, #tpu.memory_space<semaphore_mem>>) attributes {dimension_semantics = [#tpu.dimension_semantics<core_parallel>, #tpu.dimension_semantics<subcore_parallel>], iteration_bounds = array<i64: 2, 16>, scalar_prefetch = 0 : i64, scratch_operands = 6 : i64, tpu.core_type = #tpu.core_type<sc_vector_subcore>, window_params = [{transform_indices = #map}, {transform_indices = #map1}, {transform_indices = #map1}, {transform_indices = #map2}]} {
    %mul3A = arith.constant 632 : i32
    %mul3A_0 = arith.muli %arg1, %mul3A : i32
    "tpu.region"() ({
      %run_scoped3A_35 = tpu.sem_alloc : memref<!tpu.dma_semaphore, #tpu.memory_space<semaphore_mem>>
      %dma_start3A_36 = arith.constant 0 : i32
      %dma_start3A_37 = tpu.memref_slice %arg6[%mul3A_0, %dma_start3A_36] : memref<10112x128xf32, #tpu.memory_space<vmem_shared>> -> memref<632x128xf32, #tpu.memory_space<vmem_shared>>
      tpu.enqueue_dma source(%arg3 : memref<632x128xf32, #tpu.memory_space<hbm>>) target(%dma_start3A_37 : memref<632x128xf32, #tpu.memory_space<vmem_shared>>) target_semaphore(%run_scoped3A_35 : memref<!tpu.dma_semaphore, #tpu.memory_space<semaphore_mem>>)
      %dma_wait3A = arith.constant 0 : i32
      %dma_wait3A_38 = tpu.memref_slice %arg6[%mul3A_0, %dma_wait3A] : memref<10112x128xf32, #tpu.memory_space<vmem_shared>> -> memref<632x128xf32, #tpu.memory_space<vmem_shared>>
      tpu.wait_dma2 semaphore(%run_scoped3A_35 : memref<!tpu.dma_semaphore, #tpu.memory_space<semaphore_mem>>) src(%arg3 : memref<632x128xf32, #tpu.memory_space<hbm>>) dst(%dma_wait3A_38 : memref<632x128xf32, #tpu.memory_space<vmem_shared>>)
      tpu.yield
    }) : () -> ()
    "tpu.region"() ({
      %run_scoped3A_35 = tpu.sem_alloc : memref<!tpu.dma_semaphore, #tpu.memory_space<semaphore_mem>>
      tpu.enqueue_dma source(%arg4 : memref<112x128xf32, #tpu.memory_space<hbm>>) target(%arg8 : memref<112x128xf32, #tpu.memory_space<vmem>>) target_semaphore(%run_scoped3A_35 : memref<!tpu.dma_semaphore, #tpu.memory_space<semaphore_mem>>)
      tpu.wait_dma2 semaphore(%run_scoped3A_35 : memref<!tpu.dma_semaphore, #tpu.memory_space<semaphore_mem>>) src(%arg4 : memref<112x128xf32, #tpu.memory_space<hbm>>) dst(%arg8 : memref<112x128xf32, #tpu.memory_space<vmem>>)
      tpu.yield
    }) : () -> ()
    %barrier3A = arith.constant 0 : index
    tpu.barrier barrier_id(%barrier3A)
    %run_scoped3A = arith.constant 1 : i32
    "tpu.region"() ({
      %run_scoped3A_35 = tpu.sem_alloc : memref<!tpu.dma_semaphore, #tpu.memory_space<semaphore_mem>>
      %dma_start3A_36 = arith.constant 0 : i32
      %dma_start3A_37 = arith.constant 0 : i32
      %dma_start3A_38 = arith.constant 0 : i32
      %dma_start3A_39 = tpu.memref_slice %arg7[%run_scoped3A, %dma_start3A_36, %dma_start3A_37, %dma_start3A_38] : memref<2x3x2x112xi32, #tpu.memory_space<vmem>> -> memref<1x3x2x112xi32, #tpu.memory_space<vmem>>
      %dma_start3A_40 = tpu.memref_squeeze %dma_start3A_39 : memref<1x3x2x112xi32, #tpu.memory_space<vmem>> -> memref<3x2x112xi32, #tpu.memory_space<vmem>>
      %dma_start3A_41 = arith.constant 0 : i32
      %dma_start3A_42 = arith.constant 0 : i32
      %dma_start3A_43 = arith.constant 0 : i32
      %dma_start3A_44 = tpu.memref_slice %arg2[%arg1, %dma_start3A_41, %dma_start3A_42, %dma_start3A_43] : memref<16x183x2x112xi32, #tpu.memory_space<hbm>> -> memref<1x3x2x112xi32, #tpu.memory_space<hbm>>
      %dma_start3A_45 = tpu.memref_squeeze %dma_start3A_44 : memref<1x3x2x112xi32, #tpu.memory_space<hbm>> -> memref<3x2x112xi32, #tpu.memory_space<hbm>>
      %dma_start3A_46 = arith.constant 0 : i32
      %dma_start3A_47 = arith.constant 0 : i32
      %dma_start3A_48 = arith.constant 0 : i32
      %dma_start3A_49 = tpu.memref_slice %arg7[%run_scoped3A, %dma_start3A_46, %dma_start3A_47, %dma_start3A_48] : memref<2x3x2x112xi32, #tpu.memory_space<vmem>> -> memref<1x3x2x112xi32, #tpu.memory_space<vmem>>
      %dma_start3A_50 = tpu.memref_squeeze %dma_start3A_49 : memref<1x3x2x112xi32, #tpu.memory_space<vmem>> -> memref<3x2x112xi32, #tpu.memory_space<vmem>>
      %dma_start3A_51 = arith.constant 0 : i32
      %dma_start3A_52 = arith.constant 0 : i32
      %dma_start3A_53 = arith.constant 0 : i32
      %dma_start3A_54 = tpu.memref_slice %arg2[%arg1, %dma_start3A_51, %dma_start3A_52, %dma_start3A_53] : memref<16x183x2x112xi32, #tpu.memory_space<hbm>> -> memref<1x3x2x112xi32, #tpu.memory_space<hbm>>
      %dma_start3A_55 = tpu.memref_squeeze %dma_start3A_54 : memref<1x3x2x112xi32, #tpu.memory_space<hbm>> -> memref<3x2x112xi32, #tpu.memory_space<hbm>>
      tpu.enqueue_dma source(%dma_start3A_55 : memref<3x2x112xi32, #tpu.memory_space<hbm>>) target(%dma_start3A_50 : memref<3x2x112xi32, #tpu.memory_space<vmem>>) target_semaphore(%run_scoped3A_35 : memref<!tpu.dma_semaphore, #tpu.memory_space<semaphore_mem>>)
      %dma_wait3A = arith.constant 0 : i32
      %dma_wait3A_56 = arith.constant 0 : i32
      %dma_wait3A_57 = arith.constant 0 : i32
      %dma_wait3A_58 = tpu.memref_slice %arg7[%run_scoped3A, %dma_wait3A, %dma_wait3A_56, %dma_wait3A_57] : memref<2x3x2x112xi32, #tpu.memory_space<vmem>> -> memref<1x3x2x112xi32, #tpu.memory_space<vmem>>
      %dma_wait3A_59 = tpu.memref_squeeze %dma_wait3A_58 : memref<1x3x2x112xi32, #tpu.memory_space<vmem>> -> memref<3x2x112xi32, #tpu.memory_space<vmem>>
      %dma_wait3A_60 = arith.constant 0 : i32
      %dma_wait3A_61 = arith.constant 0 : i32
      %dma_wait3A_62 = arith.constant 0 : i32
      %dma_wait3A_63 = tpu.memref_slice %arg2[%arg1, %dma_wait3A_60, %dma_wait3A_61, %dma_wait3A_62] : memref<16x183x2x112xi32, #tpu.memory_space<hbm>> -> memref<1x3x2x112xi32, #tpu.memory_space<hbm>>
      %dma_wait3A_64 = tpu.memref_squeeze %dma_wait3A_63 : memref<1x3x2x112xi32, #tpu.memory_space<hbm>> -> memref<3x2x112xi32, #tpu.memory_space<hbm>>
      %dma_wait3A_65 = arith.constant 0 : i32
      %dma_wait3A_66 = arith.constant 0 : i32
      %dma_wait3A_67 = arith.constant 0 : i32
      %dma_wait3A_68 = tpu.memref_slice %arg7[%run_scoped3A, %dma_wait3A_65, %dma_wait3A_66, %dma_wait3A_67] : memref<2x3x2x112xi32, #tpu.memory_space<vmem>> -> memref<1x3x2x112xi32, #tpu.memory_space<vmem>>
      %dma_wait3A_69 = tpu.memref_squeeze %dma_wait3A_68 : memref<1x3x2x112xi32, #tpu.memory_space<vmem>> -> memref<3x2x112xi32, #tpu.memory_space<vmem>>
      %dma_wait3A_70 = arith.constant 0 : i32
      %dma_wait3A_71 = arith.constant 0 : i32
      %dma_wait3A_72 = arith.constant 0 : i32
      %dma_wait3A_73 = tpu.memref_slice %arg2[%arg1, %dma_wait3A_70, %dma_wait3A_71, %dma_wait3A_72] : memref<16x183x2x112xi32, #tpu.memory_space<hbm>> -> memref<1x3x2x112xi32, #tpu.memory_space<hbm>>
      %dma_wait3A_74 = tpu.memref_squeeze %dma_wait3A_73 : memref<1x3x2x112xi32, #tpu.memory_space<hbm>> -> memref<3x2x112xi32, #tpu.memory_space<hbm>>
      tpu.wait_dma2 semaphore(%run_scoped3A_35 : memref<!tpu.dma_semaphore, #tpu.memory_space<semaphore_mem>>) src(%dma_wait3A_74 : memref<3x2x112xi32, #tpu.memory_space<hbm>>) dst(%dma_wait3A_69 : memref<3x2x112xi32, #tpu.memory_space<vmem>>)
      tpu.yield
    }) : () -> ()
    %sub3A = arith.constant 1 : i32
    %sub3A_1 = arith.subi %sub3A, %arg0 : i32
    %dma_start3A = arith.constant 1 : i32
    %dma_start3A_2 = arith.constant 0 : i32
    %dma_start3A_3 = arith.constant 0 : i32
    %dma_start3A_4 = tpu.memref_slice %arg7[%dma_start3A, %dma_start3A_2, %sub3A_1, %dma_start3A_3] : memref<2x3x2x112xi32, #tpu.memory_space<vmem>> -> memref<1x1x1x112xi32, #tpu.memory_space<vmem>>
    %dma_start3A_5 = tpu.memref_squeeze %dma_start3A_4 : memref<1x1x1x112xi32, #tpu.memory_space<vmem>> -> memref<112xi32, #tpu.memory_space<vmem>>
    %dma_start3A_6 = arith.constant 0 : i32
    %dma_start3A_7 = arith.constant 0 : i32
    %dma_start3A_8 = tpu.memref_slice %arg6[%dma_start3A_6, %dma_start3A_7] : memref<10112x128xf32, #tpu.memory_space<vmem_shared>> -> memref<10112x128xf32, #tpu.memory_space<vmem_shared>>
    tpu.enqueue_indirect_dma source(%arg8 : memref<112x128xf32, #tpu.memory_space<vmem>>) target(%dma_start3A_8 : memref<10112x128xf32, #tpu.memory_space<vmem_shared>>) offsets(%dma_start3A_5 : memref<112xi32, #tpu.memory_space<vmem>>) semaphore(%arg9 : memref<!tpu.dma_semaphore, #tpu.memory_space<semaphore_mem>>) {add = true}
    %sub3A_9 = arith.constant 1 : i32
    %sub3A_10 = arith.subi %sub3A_9, %arg0 : i32
    %dma_start3A_11 = arith.constant 1 : i32
    %dma_start3A_12 = arith.constant 1 : i32
    %dma_start3A_13 = arith.constant 0 : i32
    %dma_start3A_14 = tpu.memref_slice %arg7[%dma_start3A_11, %dma_start3A_12, %sub3A_10, %dma_start3A_13] : memref<2x3x2x112xi32, #tpu.memory_space<vmem>> -> memref<1x1x1x112xi32, #tpu.memory_space<vmem>>
    %dma_start3A_15 = tpu.memref_squeeze %dma_start3A_14 : memref<1x1x1x112xi32, #tpu.memory_space<vmem>> -> memref<112xi32, #tpu.memory_space<vmem>>
    %dma_start3A_16 = arith.constant 0 : i32
    %dma_start3A_17 = arith.constant 0 : i32
    %dma_start3A_18 = tpu.memref_slice %arg6[%dma_start3A_16, %dma_start3A_17] : memref<10112x128xf32, #tpu.memory_space<vmem_shared>> -> memref<10112x128xf32, #tpu.memory_space<vmem_shared>>
    tpu.enqueue_indirect_dma source(%arg8 : memref<112x128xf32, #tpu.memory_space<vmem>>) target(%dma_start3A_18 : memref<10112x128xf32, #tpu.memory_space<vmem_shared>>) offsets(%dma_start3A_15 : memref<112xi32, #tpu.memory_space<vmem>>) semaphore(%arg10 : memref<!tpu.dma_semaphore, #tpu.memory_space<semaphore_mem>>) {add = true}
    %sub3A_19 = arith.constant 1 : i32
    %sub3A_20 = arith.subi %sub3A_19, %arg0 : i32
    %dma_start3A_21 = arith.constant 1 : i32
    %dma_start3A_22 = arith.constant 2 : i32
    %dma_start3A_23 = arith.constant 0 : i32
    %dma_start3A_24 = tpu.memref_slice %arg7[%dma_start3A_21, %dma_start3A_22, %sub3A_20, %dma_start3A_23] : memref<2x3x2x112xi32, #tpu.memory_space<vmem>> -> memref<1x1x1x112xi32, #tpu.memory_space<vmem>>
    %dma_start3A_25 = tpu.memref_squeeze %dma_start3A_24 : memref<1x1x1x112xi32, #tpu.memory_space<vmem>> -> memref<112xi32, #tpu.memory_space<vmem>>
    %dma_start3A_26 = arith.constant 0 : i32
    %dma_start3A_27 = arith.constant 0 : i32
    %dma_start3A_28 = tpu.memref_slice %arg6[%dma_start3A_26, %dma_start3A_27] : memref<10112x128xf32, #tpu.memory_space<vmem_shared>> -> memref<10112x128xf32, #tpu.memory_space<vmem_shared>>
    tpu.enqueue_indirect_dma source(%arg8 : memref<112x128xf32, #tpu.memory_space<vmem>>) target(%dma_start3A_28 : memref<10112x128xf32, #tpu.memory_space<vmem_shared>>) offsets(%dma_start3A_25 : memref<112xi32, #tpu.memory_space<vmem>>) semaphore(%arg11 : memref<!tpu.dma_semaphore, #tpu.memory_space<semaphore_mem>>) {add = true}
    %scan3A = arith.constant 0 : i32
    %scan3A_29 = arith.constant 0 : i32
    %scan3A_30 = arith.constant 60 : i32
    %scan3A_31 = arith.addi %scan3A_29, %scan3A_30 : i32
    %scan3A_32 = arith.constant 1 : i32
    scf.for %scan3A_35 = %scan3A_29 to %scan3A_31 step %scan3A_32  : i32 {
      %mul3A_36 = arith.constant 3 : i32
      %mul3A_37 = arith.muli %mul3A_36, %scan3A_35 : i32
      %rem3A = arith.constant 2 : i32
      %rem3A_38 = arith.remsi %scan3A_35, %rem3A : i32
      %add3A = arith.constant 3 : i32
      %add3A_39 = arith.addi %mul3A_37, %add3A : i32
      "tpu.region"() ({
        %run_scoped3A_96 = tpu.sem_alloc : memref<!tpu.dma_semaphore, #tpu.memory_space<semaphore_mem>>
        %dma_start3A_97 = arith.constant 0 : i32
        %dma_start3A_98 = arith.constant 0 : i32
        %dma_start3A_99 = arith.constant 0 : i32
        %dma_start3A_100 = tpu.memref_slice %arg7[%rem3A_38, %dma_start3A_97, %dma_start3A_98, %dma_start3A_99] : memref<2x3x2x112xi32, #tpu.memory_space<vmem>> -> memref<1x3x2x112xi32, #tpu.memory_space<vmem>>
        %dma_start3A_101 = tpu.memref_squeeze %dma_start3A_100 : memref<1x3x2x112xi32, #tpu.memory_space<vmem>> -> memref<3x2x112xi32, #tpu.memory_space<vmem>>
        %dma_start3A_102 = arith.constant 0 : i32
        %dma_start3A_103 = arith.constant 0 : i32
        %dma_start3A_104 = tpu.memref_slice %arg2[%arg1, %add3A_39, %dma_start3A_102, %dma_start3A_103] : memref<16x183x2x112xi32, #tpu.memory_space<hbm>> -> memref<1x3x2x112xi32, #tpu.memory_space<hbm>>
        %dma_start3A_105 = tpu.memref_squeeze %dma_start3A_104 : memref<1x3x2x112xi32, #tpu.memory_space<hbm>> -> memref<3x2x112xi32, #tpu.memory_space<hbm>>
        %dma_start3A_106 = arith.constant 0 : i32
        %dma_start3A_107 = arith.constant 0 : i32
        %dma_start3A_108 = arith.constant 0 : i32
        %dma_start3A_109 = tpu.memref_slice %arg7[%rem3A_38, %dma_start3A_106, %dma_start3A_107, %dma_start3A_108] : memref<2x3x2x112xi32, #tpu.memory_space<vmem>> -> memref<1x3x2x112xi32, #tpu.memory_space<vmem>>
        %dma_start3A_110 = tpu.memref_squeeze %dma_start3A_109 : memref<1x3x2x112xi32, #tpu.memory_space<vmem>> -> memref<3x2x112xi32, #tpu.memory_space<vmem>>
        %dma_start3A_111 = arith.constant 0 : i32
        %dma_start3A_112 = arith.constant 0 : i32
        %dma_start3A_113 = tpu.memref_slice %arg2[%arg1, %add3A_39, %dma_start3A_111, %dma_start3A_112] : memref<16x183x2x112xi32, #tpu.memory_space<hbm>> -> memref<1x3x2x112xi32, #tpu.memory_space<hbm>>
        %dma_start3A_114 = tpu.memref_squeeze %dma_start3A_113 : memref<1x3x2x112xi32, #tpu.memory_space<hbm>> -> memref<3x2x112xi32, #tpu.memory_space<hbm>>
        tpu.enqueue_dma source(%dma_start3A_114 : memref<3x2x112xi32, #tpu.memory_space<hbm>>) target(%dma_start3A_110 : memref<3x2x112xi32, #tpu.memory_space<vmem>>) target_semaphore(%run_scoped3A_96 : memref<!tpu.dma_semaphore, #tpu.memory_space<semaphore_mem>>)
        %dma_wait3A_115 = arith.constant 0 : i32
        %dma_wait3A_116 = arith.constant 0 : i32
        %dma_wait3A_117 = arith.constant 0 : i32
        %dma_wait3A_118 = tpu.memref_slice %arg7[%rem3A_38, %dma_wait3A_115, %dma_wait3A_116, %dma_wait3A_117] : memref<2x3x2x112xi32, #tpu.memory_space<vmem>> -> memref<1x3x2x112xi32, #tpu.memory_space<vmem>>
        %dma_wait3A_119 = tpu.memref_squeeze %dma_wait3A_118 : memref<1x3x2x112xi32, #tpu.memory_space<vmem>> -> memref<3x2x112xi32, #tpu.memory_space<vmem>>
        %dma_wait3A_120 = arith.constant 0 : i32
        %dma_wait3A_121 = arith.constant 0 : i32
        %dma_wait3A_122 = tpu.memref_slice %arg2[%arg1, %add3A_39, %dma_wait3A_120, %dma_wait3A_121] : memref<16x183x2x112xi32, #tpu.memory_space<hbm>> -> memref<1x3x2x112xi32, #tpu.memory_space<hbm>>
        %dma_wait3A_123 = tpu.memref_squeeze %dma_wait3A_122 : memref<1x3x2x112xi32, #tpu.memory_space<hbm>> -> memref<3x2x112xi32, #tpu.memory_space<hbm>>
        %dma_wait3A_124 = arith.constant 0 : i32
        %dma_wait3A_125 = arith.constant 0 : i32
        %dma_wait3A_126 = arith.constant 0 : i32
        %dma_wait3A_127 = tpu.memref_slice %arg7[%rem3A_38, %dma_wait3A_124, %dma_wait3A_125, %dma_wait3A_126] : memref<2x3x2x112xi32, #tpu.memory_space<vmem>> -> memref<1x3x2x112xi32, #tpu.memory_space<vmem>>
        %dma_wait3A_128 = tpu.memref_squeeze %dma_wait3A_127 : memref<1x3x2x112xi32, #tpu.memory_space<vmem>> -> memref<3x2x112xi32, #tpu.memory_space<vmem>>
        %dma_wait3A_129 = arith.constant 0 : i32
        %dma_wait3A_130 = arith.constant 0 : i32
        %dma_wait3A_131 = tpu.memref_slice %arg2[%arg1, %add3A_39, %dma_wait3A_129, %dma_wait3A_130] : memref<16x183x2x112xi32, #tpu.memory_space<hbm>> -> memref<1x3x2x112xi32, #tpu.memory_space<hbm>>
        %dma_wait3A_132 = tpu.memref_squeeze %dma_wait3A_131 : memref<1x3x2x112xi32, #tpu.memory_space<hbm>> -> memref<3x2x112xi32, #tpu.memory_space<hbm>>
        tpu.wait_dma2 semaphore(%run_scoped3A_96 : memref<!tpu.dma_semaphore, #tpu.memory_space<semaphore_mem>>) src(%dma_wait3A_132 : memref<3x2x112xi32, #tpu.memory_space<hbm>>) dst(%dma_wait3A_128 : memref<3x2x112xi32, #tpu.memory_space<vmem>>)
        tpu.yield
      }) : () -> ()
      %add3A_40 = arith.constant 0 : i32
      %add3A_41 = arith.addi %mul3A_37, %add3A_40 : i32
      %sub3A_42 = arith.constant 1 : i32
      %sub3A_43 = arith.subi %sub3A_42, %rem3A_38 : i32
      %sub3A_44 = arith.constant 1 : i32
      %sub3A_45 = arith.subi %sub3A_44, %arg0 : i32
      %dma_wait3A = arith.constant 0 : i32
      %dma_wait3A_46 = arith.constant 0 : i32
      %dma_wait3A_47 = tpu.memref_slice %arg7[%sub3A_43, %dma_wait3A, %sub3A_45, %dma_wait3A_46] : memref<2x3x2x112xi32, #tpu.memory_space<vmem>> -> memref<1x1x1x112xi32, #tpu.memory_space<vmem>>
      %dma_wait3A_48 = tpu.memref_squeeze %dma_wait3A_47 : memref<1x1x1x112xi32, #tpu.memory_space<vmem>> -> memref<112xi32, #tpu.memory_space<vmem>>
      %dma_wait3A_49 = arith.constant 0 : i32
      %dma_wait3A_50 = arith.constant 0 : i32
      %dma_wait3A_51 = tpu.memref_slice %arg6[%dma_wait3A_49, %dma_wait3A_50] : memref<10112x128xf32, #tpu.memory_space<vmem_shared>> -> memref<10112x128xf32, #tpu.memory_space<vmem_shared>>
      tpu.wait_indirect_dma semaphore(%arg9 : memref<!tpu.dma_semaphore, #tpu.memory_space<semaphore_mem>>) src(%arg8 : memref<112x128xf32, #tpu.memory_space<vmem>>) dst(%dma_wait3A_51 : memref<10112x128xf32, #tpu.memory_space<vmem_shared>>)
      %add3A_52 = arith.constant 3 : i32
      %add3A_53 = arith.addi %add3A_41, %add3A_52 : i32
      %lt3A = arith.constant 180 : i32
      %lt3A_54 = arith.cmpi slt, %add3A_53, %lt3A : i32
      %convert_element_type3A = arith.extui %lt3A_54 : i1 to i32
      %cond3A = arith.constant 0 : i32
      %cond3A_55 = arith.cmpi ne, %convert_element_type3A, %cond3A : i32
      scf.if %cond3A_55 {
        %sub3A_96 = arith.constant 1 : i32
        %sub3A_97 = arith.subi %sub3A_96, %arg0 : i32
        %dma_start3A_98 = arith.constant 0 : i32
        %dma_start3A_99 = arith.constant 0 : i32
        %dma_start3A_100 = tpu.memref_slice %arg7[%rem3A_38, %dma_start3A_98, %sub3A_97, %dma_start3A_99] : memref<2x3x2x112xi32, #tpu.memory_space<vmem>> -> memref<1x1x1x112xi32, #tpu.memory_space<vmem>>
        %dma_start3A_101 = tpu.memref_squeeze %dma_start3A_100 : memref<1x1x1x112xi32, #tpu.memory_space<vmem>> -> memref<112xi32, #tpu.memory_space<vmem>>
        %dma_start3A_102 = arith.constant 0 : i32
        %dma_start3A_103 = arith.constant 0 : i32
        %dma_start3A_104 = tpu.memref_slice %arg6[%dma_start3A_102, %dma_start3A_103] : memref<10112x128xf32, #tpu.memory_space<vmem_shared>> -> memref<10112x128xf32, #tpu.memory_space<vmem_shared>>
        tpu.enqueue_indirect_dma source(%arg8 : memref<112x128xf32, #tpu.memory_space<vmem>>) target(%dma_start3A_104 : memref<10112x128xf32, #tpu.memory_space<vmem_shared>>) offsets(%dma_start3A_101 : memref<112xi32, #tpu.memory_space<vmem>>) semaphore(%arg9 : memref<!tpu.dma_semaphore, #tpu.memory_space<semaphore_mem>>) {add = true}
      } else {
      }
      %add3A_56 = arith.constant 1 : i32
      %add3A_57 = arith.addi %mul3A_37, %add3A_56 : i32
      %sub3A_58 = arith.constant 1 : i32
      %sub3A_59 = arith.subi %sub3A_58, %rem3A_38 : i32
      %sub3A_60 = arith.constant 1 : i32
      %sub3A_61 = arith.subi %sub3A_60, %arg0 : i32
      %dma_wait3A_62 = arith.constant 1 : i32
      %dma_wait3A_63 = arith.constant 0 : i32
      %dma_wait3A_64 = tpu.memref_slice %arg7[%sub3A_59, %dma_wait3A_62, %sub3A_61, %dma_wait3A_63] : memref<2x3x2x112xi32, #tpu.memory_space<vmem>> -> memref<1x1x1x112xi32, #tpu.memory_space<vmem>>
      %dma_wait3A_65 = tpu.memref_squeeze %dma_wait3A_64 : memref<1x1x1x112xi32, #tpu.memory_space<vmem>> -> memref<112xi32, #tpu.memory_space<vmem>>
      %dma_wait3A_66 = arith.constant 0 : i32
      %dma_wait3A_67 = arith.constant 0 : i32
      %dma_wait3A_68 = tpu.memref_slice %arg6[%dma_wait3A_66, %dma_wait3A_67] : memref<10112x128xf32, #tpu.memory_space<vmem_shared>> -> memref<10112x128xf32, #tpu.memory_space<vmem_shared>>
      tpu.wait_indirect_dma semaphore(%arg10 : memref<!tpu.dma_semaphore, #tpu.memory_space<semaphore_mem>>) src(%arg8 : memref<112x128xf32, #tpu.memory_space<vmem>>) dst(%dma_wait3A_68 : memref<10112x128xf32, #tpu.memory_space<vmem_shared>>)
      %add3A_69 = arith.constant 3 : i32
      %add3A_70 = arith.addi %add3A_57, %add3A_69 : i32
      %lt3A_71 = arith.constant 180 : i32
      %lt3A_72 = arith.cmpi slt, %add3A_70, %lt3A_71 : i32
      %convert_element_type3A_73 = arith.extui %lt3A_72 : i1 to i32
      %cond3A_74 = arith.constant 0 : i32
      %cond3A_75 = arith.cmpi ne, %convert_element_type3A_73, %cond3A_74 : i32
      scf.if %cond3A_75 {
        %sub3A_96 = arith.constant 1 : i32
        %sub3A_97 = arith.subi %sub3A_96, %arg0 : i32
        %dma_start3A_98 = arith.constant 1 : i32
        %dma_start3A_99 = arith.constant 0 : i32
        %dma_start3A_100 = tpu.memref_slice %arg7[%rem3A_38, %dma_start3A_98, %sub3A_97, %dma_start3A_99] : memref<2x3x2x112xi32, #tpu.memory_space<vmem>> -> memref<1x1x1x112xi32, #tpu.memory_space<vmem>>
        %dma_start3A_101 = tpu.memref_squeeze %dma_start3A_100 : memref<1x1x1x112xi32, #tpu.memory_space<vmem>> -> memref<112xi32, #tpu.memory_space<vmem>>
        %dma_start3A_102 = arith.constant 0 : i32
        %dma_start3A_103 = arith.constant 0 : i32
        %dma_start3A_104 = tpu.memref_slice %arg6[%dma_start3A_102, %dma_start3A_103] : memref<10112x128xf32, #tpu.memory_space<vmem_shared>> -> memref<10112x128xf32, #tpu.memory_space<vmem_shared>>
        tpu.enqueue_indirect_dma source(%arg8 : memref<112x128xf32, #tpu.memory_space<vmem>>) target(%dma_start3A_104 : memref<10112x128xf32, #tpu.memory_space<vmem_shared>>) offsets(%dma_start3A_101 : memref<112xi32, #tpu.memory_space<vmem>>) semaphore(%arg10 : memref<!tpu.dma_semaphore, #tpu.memory_space<semaphore_mem>>) {add = true}
      } else {
      }
      %add3A_76 = arith.constant 2 : i32
      %add3A_77 = arith.addi %mul3A_37, %add3A_76 : i32
      %sub3A_78 = arith.constant 1 : i32
      %sub3A_79 = arith.subi %sub3A_78, %rem3A_38 : i32
      %sub3A_80 = arith.constant 1 : i32
      %sub3A_81 = arith.subi %sub3A_80, %arg0 : i32
      %dma_wait3A_82 = arith.constant 2 : i32
      %dma_wait3A_83 = arith.constant 0 : i32
      %dma_wait3A_84 = tpu.memref_slice %arg7[%sub3A_79, %dma_wait3A_82, %sub3A_81, %dma_wait3A_83] : memref<2x3x2x112xi32, #tpu.memory_space<vmem>> -> memref<1x1x1x112xi32, #tpu.memory_space<vmem>>
      %dma_wait3A_85 = tpu.memref_squeeze %dma_wait3A_84 : memref<1x1x1x112xi32, #tpu.memory_space<vmem>> -> memref<112xi32, #tpu.memory_space<vmem>>
      %dma_wait3A_86 = arith.constant 0 : i32
      %dma_wait3A_87 = arith.constant 0 : i32
      %dma_wait3A_88 = tpu.memref_slice %arg6[%dma_wait3A_86, %dma_wait3A_87] : memref<10112x128xf32, #tpu.memory_space<vmem_shared>> -> memref<10112x128xf32, #tpu.memory_space<vmem_shared>>
      tpu.wait_indirect_dma semaphore(%arg11 : memref<!tpu.dma_semaphore, #tpu.memory_space<semaphore_mem>>) src(%arg8 : memref<112x128xf32, #tpu.memory_space<vmem>>) dst(%dma_wait3A_88 : memref<10112x128xf32, #tpu.memory_space<vmem_shared>>)
      %add3A_89 = arith.constant 3 : i32
      %add3A_90 = arith.addi %add3A_77, %add3A_89 : i32
      %lt3A_91 = arith.constant 180 : i32
      %lt3A_92 = arith.cmpi slt, %add3A_90, %lt3A_91 : i32
      %convert_element_type3A_93 = arith.extui %lt3A_92 : i1 to i32
      %cond3A_94 = arith.constant 0 : i32
      %cond3A_95 = arith.cmpi ne, %convert_element_type3A_93, %cond3A_94 : i32
      scf.if %cond3A_95 {
        %sub3A_96 = arith.constant 1 : i32
        %sub3A_97 = arith.subi %sub3A_96, %arg0 : i32
        %dma_start3A_98 = arith.constant 2 : i32
        %dma_start3A_99 = arith.constant 0 : i32
        %dma_start3A_100 = tpu.memref_slice %arg7[%rem3A_38, %dma_start3A_98, %sub3A_97, %dma_start3A_99] : memref<2x3x2x112xi32, #tpu.memory_space<vmem>> -> memref<1x1x1x112xi32, #tpu.memory_space<vmem>>
        %dma_start3A_101 = tpu.memref_squeeze %dma_start3A_100 : memref<1x1x1x112xi32, #tpu.memory_space<vmem>> -> memref<112xi32, #tpu.memory_space<vmem>>
        %dma_start3A_102 = arith.constant 0 : i32
        %dma_start3A_103 = arith.constant 0 : i32
        %dma_start3A_104 = tpu.memref_slice %arg6[%dma_start3A_102, %dma_start3A_103] : memref<10112x128xf32, #tpu.memory_space<vmem_shared>> -> memref<10112x128xf32, #tpu.memory_space<vmem_shared>>
        tpu.enqueue_indirect_dma source(%arg8 : memref<112x128xf32, #tpu.memory_space<vmem>>) target(%dma_start3A_104 : memref<10112x128xf32, #tpu.memory_space<vmem_shared>>) offsets(%dma_start3A_101 : memref<112xi32, #tpu.memory_space<vmem>>) semaphore(%arg11 : memref<!tpu.dma_semaphore, #tpu.memory_space<semaphore_mem>>) {add = true}
      } else {
      }
    }
    %scan3A_33 = arith.constant 60 : i32
    %barrier3A_34 = arith.constant 0 : index
    tpu.barrier barrier_id(%barrier3A_34)
    "tpu.region"() ({
      %run_scoped3A_35 = tpu.sem_alloc : memref<!tpu.dma_semaphore, #tpu.memory_space<semaphore_mem>>
      %dma_start3A_36 = arith.constant 0 : i32
      %dma_start3A_37 = tpu.memref_slice %arg5[%arg0, %mul3A_0, %dma_start3A_36] : memref<2x10112x128xf32, #tpu.memory_space<hbm>> -> memref<1x632x128xf32, #tpu.memory_space<hbm>>
      %dma_start3A_38 = tpu.memref_squeeze %dma_start3A_37 : memref<1x632x128xf32, #tpu.memory_space<hbm>> -> memref<632x128xf32, #tpu.memory_space<hbm>>
      %dma_start3A_39 = arith.constant 0 : i32
      %dma_start3A_40 = tpu.memref_slice %arg6[%mul3A_0, %dma_start3A_39] : memref<10112x128xf32, #tpu.memory_space<vmem_shared>> -> memref<632x128xf32, #tpu.memory_space<vmem_shared>>
      tpu.enqueue_dma source(%dma_start3A_40 : memref<632x128xf32, #tpu.memory_space<vmem_shared>>) target(%dma_start3A_38 : memref<632x128xf32, #tpu.memory_space<hbm>>) target_semaphore(%run_scoped3A_35 : memref<!tpu.dma_semaphore, #tpu.memory_space<semaphore_mem>>)
      %dma_wait3A = arith.constant 0 : i32
      %dma_wait3A_41 = tpu.memref_slice %arg5[%arg0, %mul3A_0, %dma_wait3A] : memref<2x10112x128xf32, #tpu.memory_space<hbm>> -> memref<1x632x128xf32, #tpu.memory_space<hbm>>
      %dma_wait3A_42 = tpu.memref_squeeze %dma_wait3A_41 : memref<1x632x128xf32, #tpu.memory_space<hbm>> -> memref<632x128xf32, #tpu.memory_space<hbm>>
      %dma_wait3A_43 = arith.constant 0 : i32
      %dma_wait3A_44 = tpu.memref_slice %arg6[%mul3A_0, %dma_wait3A_43] : memref<10112x128xf32, #tpu.memory_space<vmem_shared>> -> memref<632x128xf32, #tpu.memory_space<vmem_shared>>
      tpu.wait_dma2 semaphore(%run_scoped3A_35 : memref<!tpu.dma_semaphore, #tpu.memory_space<semaphore_mem>>) src(%dma_wait3A_44 : memref<632x128xf32, #tpu.memory_space<vmem_shared>>) dst(%dma_wait3A_42 : memref<632x128xf32, #tpu.memory_space<hbm>>)
      tpu.yield
    }) : () -> ()
    return
  }
}

#map = affine_map<(d0, d1) -> (0, 0)>
#map1 = affine_map<(d0, d1) -> (0, 0, 0, 0)>
#map2 = affine_map<(d0, d1) -> (0, 0, 0)>
module attributes {stable_mosaic.version = 14 : i64} {
  func.func @_agg_kernel(%arg0: i32, %arg1: i32, %arg2: memref<10112x128xf32, #tpu.memory_space<hbm>>, %arg3: memref<16x183x2x112xi32, #tpu.memory_space<hbm>>, %arg4: memref<632x128xf32, #tpu.memory_space<hbm>>, %arg5: memref<2x10112x128xf32, #tpu.memory_space<hbm>>, %arg6: memref<10112x128xf32, #tpu.memory_space<vmem_shared>>, %arg7: memref<2x3x2x112xi32, #tpu.memory_space<vmem>>, %arg8: memref<3x112x128xf32, #tpu.memory_space<vmem>>, %arg9: memref<!tpu.dma_semaphore, #tpu.memory_space<semaphore_mem>>, %arg10: memref<!tpu.dma_semaphore, #tpu.memory_space<semaphore_mem>>, %arg11: memref<!tpu.dma_semaphore, #tpu.memory_space<semaphore_mem>>, %arg12: memref<!tpu.dma_semaphore, #tpu.memory_space<semaphore_mem>>, %arg13: memref<!tpu.dma_semaphore, #tpu.memory_space<semaphore_mem>>, %arg14: memref<!tpu.dma_semaphore, #tpu.memory_space<semaphore_mem>>) attributes {dimension_semantics = [#tpu.dimension_semantics<core_parallel>, #tpu.dimension_semantics<subcore_parallel>], iteration_bounds = array<i64: 2, 16>, scalar_prefetch = 0 : i64, scratch_operands = 9 : i64, tpu.core_type = #tpu.core_type<sc_vector_subcore>, window_params = [{transform_indices = #map}, {transform_indices = #map1}, {transform_indices = #map}, {transform_indices = #map2}]} {
    %mul3A = arith.constant 632 : i32
    %mul3A_0 = arith.muli %arg1, %mul3A : i32
    "tpu.region"() ({
      %run_scoped3A_86 = tpu.sem_alloc : memref<!tpu.dma_semaphore, #tpu.memory_space<semaphore_mem>>
      %dma_start3A_87 = arith.constant 0 : i32
      %dma_start3A_88 = tpu.memref_slice %arg6[%mul3A_0, %dma_start3A_87] : memref<10112x128xf32, #tpu.memory_space<vmem_shared>> -> memref<632x128xf32, #tpu.memory_space<vmem_shared>>
      tpu.enqueue_dma source(%arg4 : memref<632x128xf32, #tpu.memory_space<hbm>>) target(%dma_start3A_88 : memref<632x128xf32, #tpu.memory_space<vmem_shared>>) target_semaphore(%run_scoped3A_86 : memref<!tpu.dma_semaphore, #tpu.memory_space<semaphore_mem>>)
      %dma_wait3A_89 = arith.constant 0 : i32
      %dma_wait3A_90 = tpu.memref_slice %arg6[%mul3A_0, %dma_wait3A_89] : memref<10112x128xf32, #tpu.memory_space<vmem_shared>> -> memref<632x128xf32, #tpu.memory_space<vmem_shared>>
      tpu.wait_dma2 semaphore(%run_scoped3A_86 : memref<!tpu.dma_semaphore, #tpu.memory_space<semaphore_mem>>) src(%arg4 : memref<632x128xf32, #tpu.memory_space<hbm>>) dst(%dma_wait3A_90 : memref<632x128xf32, #tpu.memory_space<vmem_shared>>)
      tpu.yield
    }) : () -> ()
    %barrier3A = arith.constant 0 : index
    tpu.barrier barrier_id(%barrier3A)
    %run_scoped3A = arith.constant 1 : i32
    "tpu.region"() ({
      %run_scoped3A_86 = tpu.sem_alloc : memref<!tpu.dma_semaphore, #tpu.memory_space<semaphore_mem>>
      %dma_start3A_87 = arith.constant 0 : i32
      %dma_start3A_88 = arith.constant 0 : i32
      %dma_start3A_89 = arith.constant 0 : i32
      %dma_start3A_90 = tpu.memref_slice %arg7[%run_scoped3A, %dma_start3A_87, %dma_start3A_88, %dma_start3A_89] : memref<2x3x2x112xi32, #tpu.memory_space<vmem>> -> memref<1x3x2x112xi32, #tpu.memory_space<vmem>>
      %dma_start3A_91 = tpu.memref_squeeze %dma_start3A_90 : memref<1x3x2x112xi32, #tpu.memory_space<vmem>> -> memref<3x2x112xi32, #tpu.memory_space<vmem>>
      %dma_start3A_92 = arith.constant 0 : i32
      %dma_start3A_93 = arith.constant 0 : i32
      %dma_start3A_94 = arith.constant 0 : i32
      %dma_start3A_95 = tpu.memref_slice %arg3[%arg1, %dma_start3A_92, %dma_start3A_93, %dma_start3A_94] : memref<16x183x2x112xi32, #tpu.memory_space<hbm>> -> memref<1x3x2x112xi32, #tpu.memory_space<hbm>>
      %dma_start3A_96 = tpu.memref_squeeze %dma_start3A_95 : memref<1x3x2x112xi32, #tpu.memory_space<hbm>> -> memref<3x2x112xi32, #tpu.memory_space<hbm>>
      %dma_start3A_97 = arith.constant 0 : i32
      %dma_start3A_98 = arith.constant 0 : i32
      %dma_start3A_99 = arith.constant 0 : i32
      %dma_start3A_100 = tpu.memref_slice %arg7[%run_scoped3A, %dma_start3A_97, %dma_start3A_98, %dma_start3A_99] : memref<2x3x2x112xi32, #tpu.memory_space<vmem>> -> memref<1x3x2x112xi32, #tpu.memory_space<vmem>>
      %dma_start3A_101 = tpu.memref_squeeze %dma_start3A_100 : memref<1x3x2x112xi32, #tpu.memory_space<vmem>> -> memref<3x2x112xi32, #tpu.memory_space<vmem>>
      %dma_start3A_102 = arith.constant 0 : i32
      %dma_start3A_103 = arith.constant 0 : i32
      %dma_start3A_104 = arith.constant 0 : i32
      %dma_start3A_105 = tpu.memref_slice %arg3[%arg1, %dma_start3A_102, %dma_start3A_103, %dma_start3A_104] : memref<16x183x2x112xi32, #tpu.memory_space<hbm>> -> memref<1x3x2x112xi32, #tpu.memory_space<hbm>>
      %dma_start3A_106 = tpu.memref_squeeze %dma_start3A_105 : memref<1x3x2x112xi32, #tpu.memory_space<hbm>> -> memref<3x2x112xi32, #tpu.memory_space<hbm>>
      tpu.enqueue_dma source(%dma_start3A_106 : memref<3x2x112xi32, #tpu.memory_space<hbm>>) target(%dma_start3A_101 : memref<3x2x112xi32, #tpu.memory_space<vmem>>) target_semaphore(%run_scoped3A_86 : memref<!tpu.dma_semaphore, #tpu.memory_space<semaphore_mem>>)
      %dma_wait3A_107 = arith.constant 0 : i32
      %dma_wait3A_108 = arith.constant 0 : i32
      %dma_wait3A_109 = arith.constant 0 : i32
      %dma_wait3A_110 = tpu.memref_slice %arg7[%run_scoped3A, %dma_wait3A_107, %dma_wait3A_108, %dma_wait3A_109] : memref<2x3x2x112xi32, #tpu.memory_space<vmem>> -> memref<1x3x2x112xi32, #tpu.memory_space<vmem>>
      %dma_wait3A_111 = tpu.memref_squeeze %dma_wait3A_110 : memref<1x3x2x112xi32, #tpu.memory_space<vmem>> -> memref<3x2x112xi32, #tpu.memory_space<vmem>>
      %dma_wait3A_112 = arith.constant 0 : i32
      %dma_wait3A_113 = arith.constant 0 : i32
      %dma_wait3A_114 = arith.constant 0 : i32
      %dma_wait3A_115 = tpu.memref_slice %arg3[%arg1, %dma_wait3A_112, %dma_wait3A_113, %dma_wait3A_114] : memref<16x183x2x112xi32, #tpu.memory_space<hbm>> -> memref<1x3x2x112xi32, #tpu.memory_space<hbm>>
      %dma_wait3A_116 = tpu.memref_squeeze %dma_wait3A_115 : memref<1x3x2x112xi32, #tpu.memory_space<hbm>> -> memref<3x2x112xi32, #tpu.memory_space<hbm>>
      %dma_wait3A_117 = arith.constant 0 : i32
      %dma_wait3A_118 = arith.constant 0 : i32
      %dma_wait3A_119 = arith.constant 0 : i32
      %dma_wait3A_120 = tpu.memref_slice %arg7[%run_scoped3A, %dma_wait3A_117, %dma_wait3A_118, %dma_wait3A_119] : memref<2x3x2x112xi32, #tpu.memory_space<vmem>> -> memref<1x3x2x112xi32, #tpu.memory_space<vmem>>
      %dma_wait3A_121 = tpu.memref_squeeze %dma_wait3A_120 : memref<1x3x2x112xi32, #tpu.memory_space<vmem>> -> memref<3x2x112xi32, #tpu.memory_space<vmem>>
      %dma_wait3A_122 = arith.constant 0 : i32
      %dma_wait3A_123 = arith.constant 0 : i32
      %dma_wait3A_124 = arith.constant 0 : i32
      %dma_wait3A_125 = tpu.memref_slice %arg3[%arg1, %dma_wait3A_122, %dma_wait3A_123, %dma_wait3A_124] : memref<16x183x2x112xi32, #tpu.memory_space<hbm>> -> memref<1x3x2x112xi32, #tpu.memory_space<hbm>>
      %dma_wait3A_126 = tpu.memref_squeeze %dma_wait3A_125 : memref<1x3x2x112xi32, #tpu.memory_space<hbm>> -> memref<3x2x112xi32, #tpu.memory_space<hbm>>
      tpu.wait_dma2 semaphore(%run_scoped3A_86 : memref<!tpu.dma_semaphore, #tpu.memory_space<semaphore_mem>>) src(%dma_wait3A_126 : memref<3x2x112xi32, #tpu.memory_space<hbm>>) dst(%dma_wait3A_121 : memref<3x2x112xi32, #tpu.memory_space<vmem>>)
      tpu.yield
    }) : () -> ()
    %dma_start3A = arith.constant 1 : i32
    %dma_start3A_1 = arith.constant 0 : i32
    %dma_start3A_2 = arith.constant 0 : i32
    %dma_start3A_3 = arith.constant 0 : i32
    %dma_start3A_4 = arith.constant 0 : i32
    %dma_start3A_5 = tpu.memref_slice %arg8[%dma_start3A_2, %dma_start3A_3, %dma_start3A_4] : memref<3x112x128xf32, #tpu.memory_space<vmem>> -> memref<1x112x128xf32, #tpu.memory_space<vmem>>
    %dma_start3A_6 = tpu.memref_squeeze %dma_start3A_5 : memref<1x112x128xf32, #tpu.memory_space<vmem>> -> memref<112x128xf32, #tpu.memory_space<vmem>>
    %dma_start3A_7 = arith.constant 0 : i32
    %dma_start3A_8 = tpu.memref_slice %arg7[%dma_start3A, %dma_start3A_1, %arg0, %dma_start3A_7] : memref<2x3x2x112xi32, #tpu.memory_space<vmem>> -> memref<1x1x1x112xi32, #tpu.memory_space<vmem>>
    %dma_start3A_9 = tpu.memref_squeeze %dma_start3A_8 : memref<1x1x1x112xi32, #tpu.memory_space<vmem>> -> memref<112xi32, #tpu.memory_space<vmem>>
    %dma_start3A_10 = arith.constant 0 : i32
    %dma_start3A_11 = arith.constant 0 : i32
    %dma_start3A_12 = tpu.memref_slice %arg2[%dma_start3A_10, %dma_start3A_11] : memref<10112x128xf32, #tpu.memory_space<hbm>> -> memref<10112x128xf32, #tpu.memory_space<hbm>>
    tpu.enqueue_indirect_dma source(%dma_start3A_12 : memref<10112x128xf32, #tpu.memory_space<hbm>>) target(%dma_start3A_6 : memref<112x128xf32, #tpu.memory_space<vmem>>) offsets(%dma_start3A_9 : memref<112xi32, #tpu.memory_space<vmem>>) semaphore(%arg9 : memref<!tpu.dma_semaphore, #tpu.memory_space<semaphore_mem>>)
    %dma_start3A_13 = arith.constant 1 : i32
    %dma_start3A_14 = arith.constant 1 : i32
    %dma_start3A_15 = arith.constant 1 : i32
    %dma_start3A_16 = arith.constant 0 : i32
    %dma_start3A_17 = arith.constant 0 : i32
    %dma_start3A_18 = tpu.memref_slice %arg8[%dma_start3A_15, %dma_start3A_16, %dma_start3A_17] : memref<3x112x128xf32, #tpu.memory_space<vmem>> -> memref<1x112x128xf32, #tpu.memory_space<vmem>>
    %dma_start3A_19 = tpu.memref_squeeze %dma_start3A_18 : memref<1x112x128xf32, #tpu.memory_space<vmem>> -> memref<112x128xf32, #tpu.memory_space<vmem>>
    %dma_start3A_20 = arith.constant 0 : i32
    %dma_start3A_21 = tpu.memref_slice %arg7[%dma_start3A_13, %dma_start3A_14, %arg0, %dma_start3A_20] : memref<2x3x2x112xi32, #tpu.memory_space<vmem>> -> memref<1x1x1x112xi32, #tpu.memory_space<vmem>>
    %dma_start3A_22 = tpu.memref_squeeze %dma_start3A_21 : memref<1x1x1x112xi32, #tpu.memory_space<vmem>> -> memref<112xi32, #tpu.memory_space<vmem>>
    %dma_start3A_23 = arith.constant 0 : i32
    %dma_start3A_24 = arith.constant 0 : i32
    %dma_start3A_25 = tpu.memref_slice %arg2[%dma_start3A_23, %dma_start3A_24] : memref<10112x128xf32, #tpu.memory_space<hbm>> -> memref<10112x128xf32, #tpu.memory_space<hbm>>
    tpu.enqueue_indirect_dma source(%dma_start3A_25 : memref<10112x128xf32, #tpu.memory_space<hbm>>) target(%dma_start3A_19 : memref<112x128xf32, #tpu.memory_space<vmem>>) offsets(%dma_start3A_22 : memref<112xi32, #tpu.memory_space<vmem>>) semaphore(%arg10 : memref<!tpu.dma_semaphore, #tpu.memory_space<semaphore_mem>>)
    %dma_start3A_26 = arith.constant 1 : i32
    %dma_start3A_27 = arith.constant 2 : i32
    %dma_start3A_28 = arith.constant 2 : i32
    %dma_start3A_29 = arith.constant 0 : i32
    %dma_start3A_30 = arith.constant 0 : i32
    %dma_start3A_31 = tpu.memref_slice %arg8[%dma_start3A_28, %dma_start3A_29, %dma_start3A_30] : memref<3x112x128xf32, #tpu.memory_space<vmem>> -> memref<1x112x128xf32, #tpu.memory_space<vmem>>
    %dma_start3A_32 = tpu.memref_squeeze %dma_start3A_31 : memref<1x112x128xf32, #tpu.memory_space<vmem>> -> memref<112x128xf32, #tpu.memory_space<vmem>>
    %dma_start3A_33 = arith.constant 0 : i32
    %dma_start3A_34 = tpu.memref_slice %arg7[%dma_start3A_26, %dma_start3A_27, %arg0, %dma_start3A_33] : memref<2x3x2x112xi32, #tpu.memory_space<vmem>> -> memref<1x1x1x112xi32, #tpu.memory_space<vmem>>
    %dma_start3A_35 = tpu.memref_squeeze %dma_start3A_34 : memref<1x1x1x112xi32, #tpu.memory_space<vmem>> -> memref<112xi32, #tpu.memory_space<vmem>>
    %dma_start3A_36 = arith.constant 0 : i32
    %dma_start3A_37 = arith.constant 0 : i32
    %dma_start3A_38 = tpu.memref_slice %arg2[%dma_start3A_36, %dma_start3A_37] : memref<10112x128xf32, #tpu.memory_space<hbm>> -> memref<10112x128xf32, #tpu.memory_space<hbm>>
    tpu.enqueue_indirect_dma source(%dma_start3A_38 : memref<10112x128xf32, #tpu.memory_space<hbm>>) target(%dma_start3A_32 : memref<112x128xf32, #tpu.memory_space<vmem>>) offsets(%dma_start3A_35 : memref<112xi32, #tpu.memory_space<vmem>>) semaphore(%arg11 : memref<!tpu.dma_semaphore, #tpu.memory_space<semaphore_mem>>)
    %scan3A = arith.constant 0 : i32
    %scan3A_39 = arith.constant 0 : i32
    %scan3A_40 = arith.constant 60 : i32
    %scan3A_41 = arith.addi %scan3A_39, %scan3A_40 : i32
    %scan3A_42 = arith.constant 1 : i32
    scf.for %scan3A_86 = %scan3A_39 to %scan3A_41 step %scan3A_42  : i32 {
      %mul3A_87 = arith.constant 3 : i32
      %mul3A_88 = arith.muli %mul3A_87, %scan3A_86 : i32
      %rem3A = arith.constant 2 : i32
      %rem3A_89 = arith.remsi %scan3A_86, %rem3A : i32
      %add3A = arith.constant 3 : i32
      %add3A_90 = arith.addi %mul3A_88, %add3A : i32
      "tpu.region"() ({
        %run_scoped3A_204 = tpu.sem_alloc : memref<!tpu.dma_semaphore, #tpu.memory_space<semaphore_mem>>
        %dma_start3A_205 = arith.constant 0 : i32
        %dma_start3A_206 = arith.constant 0 : i32
        %dma_start3A_207 = arith.constant 0 : i32
        %dma_start3A_208 = tpu.memref_slice %arg7[%rem3A_89, %dma_start3A_205, %dma_start3A_206, %dma_start3A_207] : memref<2x3x2x112xi32, #tpu.memory_space<vmem>> -> memref<1x3x2x112xi32, #tpu.memory_space<vmem>>
        %dma_start3A_209 = tpu.memref_squeeze %dma_start3A_208 : memref<1x3x2x112xi32, #tpu.memory_space<vmem>> -> memref<3x2x112xi32, #tpu.memory_space<vmem>>
        %dma_start3A_210 = arith.constant 0 : i32
        %dma_start3A_211 = arith.constant 0 : i32
        %dma_start3A_212 = tpu.memref_slice %arg3[%arg1, %add3A_90, %dma_start3A_210, %dma_start3A_211] : memref<16x183x2x112xi32, #tpu.memory_space<hbm>> -> memref<1x3x2x112xi32, #tpu.memory_space<hbm>>
        %dma_start3A_213 = tpu.memref_squeeze %dma_start3A_212 : memref<1x3x2x112xi32, #tpu.memory_space<hbm>> -> memref<3x2x112xi32, #tpu.memory_space<hbm>>
        %dma_start3A_214 = arith.constant 0 : i32
        %dma_start3A_215 = arith.constant 0 : i32
        %dma_start3A_216 = arith.constant 0 : i32
        %dma_start3A_217 = tpu.memref_slice %arg7[%rem3A_89, %dma_start3A_214, %dma_start3A_215, %dma_start3A_216] : memref<2x3x2x112xi32, #tpu.memory_space<vmem>> -> memref<1x3x2x112xi32, #tpu.memory_space<vmem>>
        %dma_start3A_218 = tpu.memref_squeeze %dma_start3A_217 : memref<1x3x2x112xi32, #tpu.memory_space<vmem>> -> memref<3x2x112xi32, #tpu.memory_space<vmem>>
        %dma_start3A_219 = arith.constant 0 : i32
        %dma_start3A_220 = arith.constant 0 : i32
        %dma_start3A_221 = tpu.memref_slice %arg3[%arg1, %add3A_90, %dma_start3A_219, %dma_start3A_220] : memref<16x183x2x112xi32, #tpu.memory_space<hbm>> -> memref<1x3x2x112xi32, #tpu.memory_space<hbm>>
        %dma_start3A_222 = tpu.memref_squeeze %dma_start3A_221 : memref<1x3x2x112xi32, #tpu.memory_space<hbm>> -> memref<3x2x112xi32, #tpu.memory_space<hbm>>
        tpu.enqueue_dma source(%dma_start3A_222 : memref<3x2x112xi32, #tpu.memory_space<hbm>>) target(%dma_start3A_218 : memref<3x2x112xi32, #tpu.memory_space<vmem>>) target_semaphore(%run_scoped3A_204 : memref<!tpu.dma_semaphore, #tpu.memory_space<semaphore_mem>>)
        %dma_wait3A_223 = arith.constant 0 : i32
        %dma_wait3A_224 = arith.constant 0 : i32
        %dma_wait3A_225 = arith.constant 0 : i32
        %dma_wait3A_226 = tpu.memref_slice %arg7[%rem3A_89, %dma_wait3A_223, %dma_wait3A_224, %dma_wait3A_225] : memref<2x3x2x112xi32, #tpu.memory_space<vmem>> -> memref<1x3x2x112xi32, #tpu.memory_space<vmem>>
        %dma_wait3A_227 = tpu.memref_squeeze %dma_wait3A_226 : memref<1x3x2x112xi32, #tpu.memory_space<vmem>> -> memref<3x2x112xi32, #tpu.memory_space<vmem>>
        %dma_wait3A_228 = arith.constant 0 : i32
        %dma_wait3A_229 = arith.constant 0 : i32
        %dma_wait3A_230 = tpu.memref_slice %arg3[%arg1, %add3A_90, %dma_wait3A_228, %dma_wait3A_229] : memref<16x183x2x112xi32, #tpu.memory_space<hbm>> -> memref<1x3x2x112xi32, #tpu.memory_space<hbm>>
        %dma_wait3A_231 = tpu.memref_squeeze %dma_wait3A_230 : memref<1x3x2x112xi32, #tpu.memory_space<hbm>> -> memref<3x2x112xi32, #tpu.memory_space<hbm>>
        %dma_wait3A_232 = arith.constant 0 : i32
        %dma_wait3A_233 = arith.constant 0 : i32
        %dma_wait3A_234 = arith.constant 0 : i32
        %dma_wait3A_235 = tpu.memref_slice %arg7[%rem3A_89, %dma_wait3A_232, %dma_wait3A_233, %dma_wait3A_234] : memref<2x3x2x112xi32, #tpu.memory_space<vmem>> -> memref<1x3x2x112xi32, #tpu.memory_space<vmem>>
        %dma_wait3A_236 = tpu.memref_squeeze %dma_wait3A_235 : memref<1x3x2x112xi32, #tpu.memory_space<vmem>> -> memref<3x2x112xi32, #tpu.memory_space<vmem>>
        %dma_wait3A_237 = arith.constant 0 : i32
        %dma_wait3A_238 = arith.constant 0 : i32
        %dma_wait3A_239 = tpu.memref_slice %arg3[%arg1, %add3A_90, %dma_wait3A_237, %dma_wait3A_238] : memref<16x183x2x112xi32, #tpu.memory_space<hbm>> -> memref<1x3x2x112xi32, #tpu.memory_space<hbm>>
        %dma_wait3A_240 = tpu.memref_squeeze %dma_wait3A_239 : memref<1x3x2x112xi32, #tpu.memory_space<hbm>> -> memref<3x2x112xi32, #tpu.memory_space<hbm>>
        tpu.wait_dma2 semaphore(%run_scoped3A_204 : memref<!tpu.dma_semaphore, #tpu.memory_space<semaphore_mem>>) src(%dma_wait3A_240 : memref<3x2x112xi32, #tpu.memory_space<hbm>>) dst(%dma_wait3A_236 : memref<3x2x112xi32, #tpu.memory_space<vmem>>)
        tpu.yield
      }) : () -> ()
      %sub3A = arith.constant 1 : i32
      %sub3A_91 = arith.subi %sub3A, %rem3A_89 : i32
      %dma_wait3A_92 = arith.constant 0 : i32
      %dma_wait3A_93 = arith.constant 0 : i32
      %dma_wait3A_94 = arith.constant 0 : i32
      %dma_wait3A_95 = arith.constant 0 : i32
      %dma_wait3A_96 = tpu.memref_slice %arg8[%dma_wait3A_93, %dma_wait3A_94, %dma_wait3A_95] : memref<3x112x128xf32, #tpu.memory_space<vmem>> -> memref<1x112x128xf32, #tpu.memory_space<vmem>>
      %dma_wait3A_97 = tpu.memref_squeeze %dma_wait3A_96 : memref<1x112x128xf32, #tpu.memory_space<vmem>> -> memref<112x128xf32, #tpu.memory_space<vmem>>
      %dma_wait3A_98 = arith.constant 0 : i32
      %dma_wait3A_99 = tpu.memref_slice %arg7[%sub3A_91, %dma_wait3A_92, %arg0, %dma_wait3A_98] : memref<2x3x2x112xi32, #tpu.memory_space<vmem>> -> memref<1x1x1x112xi32, #tpu.memory_space<vmem>>
      %dma_wait3A_100 = tpu.memref_squeeze %dma_wait3A_99 : memref<1x1x1x112xi32, #tpu.memory_space<vmem>> -> memref<112xi32, #tpu.memory_space<vmem>>
      %dma_wait3A_101 = arith.constant 0 : i32
      %dma_wait3A_102 = arith.constant 0 : i32
      %dma_wait3A_103 = tpu.memref_slice %arg2[%dma_wait3A_101, %dma_wait3A_102] : memref<10112x128xf32, #tpu.memory_space<hbm>> -> memref<10112x128xf32, #tpu.memory_space<hbm>>
      tpu.wait_indirect_dma semaphore(%arg9 : memref<!tpu.dma_semaphore, #tpu.memory_space<semaphore_mem>>) src(%dma_wait3A_103 : memref<10112x128xf32, #tpu.memory_space<hbm>>) dst(%dma_wait3A_97 : memref<112x128xf32, #tpu.memory_space<vmem>>)
      %sub3A_104 = arith.constant 1 : i32
      %sub3A_105 = arith.subi %sub3A_104, %rem3A_89 : i32
      %sub3A_106 = arith.constant 1 : i32
      %sub3A_107 = arith.subi %sub3A_106, %arg0 : i32
      %dma_start3A_108 = arith.constant 0 : i32
      %dma_start3A_109 = arith.constant 0 : i32
      %dma_start3A_110 = arith.constant 0 : i32
      %dma_start3A_111 = arith.constant 0 : i32
      %dma_start3A_112 = tpu.memref_slice %arg8[%dma_start3A_108, %dma_start3A_110, %dma_start3A_111] : memref<3x112x128xf32, #tpu.memory_space<vmem>> -> memref<1x112x128xf32, #tpu.memory_space<vmem>>
      %dma_start3A_113 = tpu.memref_squeeze %dma_start3A_112 : memref<1x112x128xf32, #tpu.memory_space<vmem>> -> memref<112x128xf32, #tpu.memory_space<vmem>>
      %dma_start3A_114 = arith.constant 0 : i32
      %dma_start3A_115 = tpu.memref_slice %arg7[%sub3A_105, %dma_start3A_109, %sub3A_107, %dma_start3A_114] : memref<2x3x2x112xi32, #tpu.memory_space<vmem>> -> memref<1x1x1x112xi32, #tpu.memory_space<vmem>>
      %dma_start3A_116 = tpu.memref_squeeze %dma_start3A_115 : memref<1x1x1x112xi32, #tpu.memory_space<vmem>> -> memref<112xi32, #tpu.memory_space<vmem>>
      %dma_start3A_117 = arith.constant 0 : i32
      %dma_start3A_118 = arith.constant 0 : i32
      %dma_start3A_119 = tpu.memref_slice %arg6[%dma_start3A_117, %dma_start3A_118] : memref<10112x128xf32, #tpu.memory_space<vmem_shared>> -> memref<10112x128xf32, #tpu.memory_space<vmem_shared>>
      tpu.enqueue_indirect_dma source(%dma_start3A_113 : memref<112x128xf32, #tpu.memory_space<vmem>>) target(%dma_start3A_119 : memref<10112x128xf32, #tpu.memory_space<vmem_shared>>) offsets(%dma_start3A_116 : memref<112xi32, #tpu.memory_space<vmem>>) semaphore(%arg12 : memref<!tpu.dma_semaphore, #tpu.memory_space<semaphore_mem>>) {add = true}
      %sub3A_120 = arith.constant 1 : i32
      %sub3A_121 = arith.subi %sub3A_120, %rem3A_89 : i32
      %dma_wait3A_122 = arith.constant 1 : i32
      %dma_wait3A_123 = arith.constant 1 : i32
      %dma_wait3A_124 = arith.constant 0 : i32
      %dma_wait3A_125 = arith.constant 0 : i32
      %dma_wait3A_126 = tpu.memref_slice %arg8[%dma_wait3A_123, %dma_wait3A_124, %dma_wait3A_125] : memref<3x112x128xf32, #tpu.memory_space<vmem>> -> memref<1x112x128xf32, #tpu.memory_space<vmem>>
      %dma_wait3A_127 = tpu.memref_squeeze %dma_wait3A_126 : memref<1x112x128xf32, #tpu.memory_space<vmem>> -> memref<112x128xf32, #tpu.memory_space<vmem>>
      %dma_wait3A_128 = arith.constant 0 : i32
      %dma_wait3A_129 = tpu.memref_slice %arg7[%sub3A_121, %dma_wait3A_122, %arg0, %dma_wait3A_128] : memref<2x3x2x112xi32, #tpu.memory_space<vmem>> -> memref<1x1x1x112xi32, #tpu.memory_space<vmem>>
      %dma_wait3A_130 = tpu.memref_squeeze %dma_wait3A_129 : memref<1x1x1x112xi32, #tpu.memory_space<vmem>> -> memref<112xi32, #tpu.memory_space<vmem>>
      %dma_wait3A_131 = arith.constant 0 : i32
      %dma_wait3A_132 = arith.constant 0 : i32
      %dma_wait3A_133 = tpu.memref_slice %arg2[%dma_wait3A_131, %dma_wait3A_132] : memref<10112x128xf32, #tpu.memory_space<hbm>> -> memref<10112x128xf32, #tpu.memory_space<hbm>>
      tpu.wait_indirect_dma semaphore(%arg10 : memref<!tpu.dma_semaphore, #tpu.memory_space<semaphore_mem>>) src(%dma_wait3A_133 : memref<10112x128xf32, #tpu.memory_space<hbm>>) dst(%dma_wait3A_127 : memref<112x128xf32, #tpu.memory_space<vmem>>)
      %sub3A_134 = arith.constant 1 : i32
      %sub3A_135 = arith.subi %sub3A_134, %rem3A_89 : i32
      %sub3A_136 = arith.constant 1 : i32
      %sub3A_137 = arith.subi %sub3A_136, %arg0 : i32
      %dma_start3A_138 = arith.constant 1 : i32
      %dma_start3A_139 = arith.constant 1 : i32
      %dma_start3A_140 = arith.constant 0 : i32
      %dma_start3A_141 = arith.constant 0 : i32
      %dma_start3A_142 = tpu.memref_slice %arg8[%dma_start3A_138, %dma_start3A_140, %dma_start3A_141] : memref<3x112x128xf32, #tpu.memory_space<vmem>> -> memref<1x112x128xf32, #tpu.memory_space<vmem>>
      %dma_start3A_143 = tpu.memref_squeeze %dma_start3A_142 : memref<1x112x128xf32, #tpu.memory_space<vmem>> -> memref<112x128xf32, #tpu.memory_space<vmem>>
      %dma_start3A_144 = arith.constant 0 : i32
      %dma_start3A_145 = tpu.memref_slice %arg7[%sub3A_135, %dma_start3A_139, %sub3A_137, %dma_start3A_144] : memref<2x3x2x112xi32, #tpu.memory_space<vmem>> -> memref<1x1x1x112xi32, #tpu.memory_space<vmem>>
      %dma_start3A_146 = tpu.memref_squeeze %dma_start3A_145 : memref<1x1x1x112xi32, #tpu.memory_space<vmem>> -> memref<112xi32, #tpu.memory_space<vmem>>
      %dma_start3A_147 = arith.constant 0 : i32
      %dma_start3A_148 = arith.constant 0 : i32
      %dma_start3A_149 = tpu.memref_slice %arg6[%dma_start3A_147, %dma_start3A_148] : memref<10112x128xf32, #tpu.memory_space<vmem_shared>> -> memref<10112x128xf32, #tpu.memory_space<vmem_shared>>
      tpu.enqueue_indirect_dma source(%dma_start3A_143 : memref<112x128xf32, #tpu.memory_space<vmem>>) target(%dma_start3A_149 : memref<10112x128xf32, #tpu.memory_space<vmem_shared>>) offsets(%dma_start3A_146 : memref<112xi32, #tpu.memory_space<vmem>>) semaphore(%arg13 : memref<!tpu.dma_semaphore, #tpu.memory_space<semaphore_mem>>) {add = true}
      %sub3A_150 = arith.constant 1 : i32
      %sub3A_151 = arith.subi %sub3A_150, %rem3A_89 : i32
      %dma_wait3A_152 = arith.constant 2 : i32
      %dma_wait3A_153 = arith.constant 2 : i32
      %dma_wait3A_154 = arith.constant 0 : i32
      %dma_wait3A_155 = arith.constant 0 : i32
      %dma_wait3A_156 = tpu.memref_slice %arg8[%dma_wait3A_153, %dma_wait3A_154, %dma_wait3A_155] : memref<3x112x128xf32, #tpu.memory_space<vmem>> -> memref<1x112x128xf32, #tpu.memory_space<vmem>>
      %dma_wait3A_157 = tpu.memref_squeeze %dma_wait3A_156 : memref<1x112x128xf32, #tpu.memory_space<vmem>> -> memref<112x128xf32, #tpu.memory_space<vmem>>
      %dma_wait3A_158 = arith.constant 0 : i32
      %dma_wait3A_159 = tpu.memref_slice %arg7[%sub3A_151, %dma_wait3A_152, %arg0, %dma_wait3A_158] : memref<2x3x2x112xi32, #tpu.memory_space<vmem>> -> memref<1x1x1x112xi32, #tpu.memory_space<vmem>>
      %dma_wait3A_160 = tpu.memref_squeeze %dma_wait3A_159 : memref<1x1x1x112xi32, #tpu.memory_space<vmem>> -> memref<112xi32, #tpu.memory_space<vmem>>
      %dma_wait3A_161 = arith.constant 0 : i32
      %dma_wait3A_162 = arith.constant 0 : i32
      %dma_wait3A_163 = tpu.memref_slice %arg2[%dma_wait3A_161, %dma_wait3A_162] : memref<10112x128xf32, #tpu.memory_space<hbm>> -> memref<10112x128xf32, #tpu.memory_space<hbm>>
      tpu.wait_indirect_dma semaphore(%arg11 : memref<!tpu.dma_semaphore, #tpu.memory_space<semaphore_mem>>) src(%dma_wait3A_163 : memref<10112x128xf32, #tpu.memory_space<hbm>>) dst(%dma_wait3A_157 : memref<112x128xf32, #tpu.memory_space<vmem>>)
      %sub3A_164 = arith.constant 1 : i32
      %sub3A_165 = arith.subi %sub3A_164, %rem3A_89 : i32
      %sub3A_166 = arith.constant 1 : i32
      %sub3A_167 = arith.subi %sub3A_166, %arg0 : i32
      %dma_start3A_168 = arith.constant 2 : i32
      %dma_start3A_169 = arith.constant 2 : i32
      %dma_start3A_170 = arith.constant 0 : i32
      %dma_start3A_171 = arith.constant 0 : i32
      %dma_start3A_172 = tpu.memref_slice %arg8[%dma_start3A_168, %dma_start3A_170, %dma_start3A_171] : memref<3x112x128xf32, #tpu.memory_space<vmem>> -> memref<1x112x128xf32, #tpu.memory_space<vmem>>
      %dma_start3A_173 = tpu.memref_squeeze %dma_start3A_172 : memref<1x112x128xf32, #tpu.memory_space<vmem>> -> memref<112x128xf32, #tpu.memory_space<vmem>>
      %dma_start3A_174 = arith.constant 0 : i32
      %dma_start3A_175 = tpu.memref_slice %arg7[%sub3A_165, %dma_start3A_169, %sub3A_167, %dma_start3A_174] : memref<2x3x2x112xi32, #tpu.memory_space<vmem>> -> memref<1x1x1x112xi32, #tpu.memory_space<vmem>>
      %dma_start3A_176 = tpu.memref_squeeze %dma_start3A_175 : memref<1x1x1x112xi32, #tpu.memory_space<vmem>> -> memref<112xi32, #tpu.memory_space<vmem>>
      %dma_start3A_177 = arith.constant 0 : i32
      %dma_start3A_178 = arith.constant 0 : i32
      %dma_start3A_179 = tpu.memref_slice %arg6[%dma_start3A_177, %dma_start3A_178] : memref<10112x128xf32, #tpu.memory_space<vmem_shared>> -> memref<10112x128xf32, #tpu.memory_space<vmem_shared>>
      tpu.enqueue_indirect_dma source(%dma_start3A_173 : memref<112x128xf32, #tpu.memory_space<vmem>>) target(%dma_start3A_179 : memref<10112x128xf32, #tpu.memory_space<vmem_shared>>) offsets(%dma_start3A_176 : memref<112xi32, #tpu.memory_space<vmem>>) semaphore(%arg14 : memref<!tpu.dma_semaphore, #tpu.memory_space<semaphore_mem>>) {add = true}
      %add3A_180 = arith.constant 0 : i32
      %add3A_181 = arith.addi %mul3A_88, %add3A_180 : i32
      %add3A_182 = arith.constant 3 : i32
      %add3A_183 = arith.addi %add3A_181, %add3A_182 : i32
      %lt3A = arith.constant 180 : i32
      %lt3A_184 = arith.cmpi slt, %add3A_183, %lt3A : i32
      %convert_element_type3A = arith.extui %lt3A_184 : i1 to i32
      %cond3A = arith.constant 0 : i32
      %cond3A_185 = arith.cmpi ne, %convert_element_type3A, %cond3A : i32
      scf.if %cond3A_185 {
        %sub3A_204 = arith.constant 1 : i32
        %sub3A_205 = arith.subi %sub3A_204, %rem3A_89 : i32
        %sub3A_206 = arith.constant 1 : i32
        %sub3A_207 = arith.subi %sub3A_206, %arg0 : i32
        %dma_wait3A_208 = arith.constant 0 : i32
        %dma_wait3A_209 = arith.constant 0 : i32
        %dma_wait3A_210 = arith.constant 0 : i32
        %dma_wait3A_211 = arith.constant 0 : i32
        %dma_wait3A_212 = tpu.memref_slice %arg8[%dma_wait3A_208, %dma_wait3A_210, %dma_wait3A_211] : memref<3x112x128xf32, #tpu.memory_space<vmem>> -> memref<1x112x128xf32, #tpu.memory_space<vmem>>
        %dma_wait3A_213 = tpu.memref_squeeze %dma_wait3A_212 : memref<1x112x128xf32, #tpu.memory_space<vmem>> -> memref<112x128xf32, #tpu.memory_space<vmem>>
        %dma_wait3A_214 = arith.constant 0 : i32
        %dma_wait3A_215 = tpu.memref_slice %arg7[%sub3A_205, %dma_wait3A_209, %sub3A_207, %dma_wait3A_214] : memref<2x3x2x112xi32, #tpu.memory_space<vmem>> -> memref<1x1x1x112xi32, #tpu.memory_space<vmem>>
        %dma_wait3A_216 = tpu.memref_squeeze %dma_wait3A_215 : memref<1x1x1x112xi32, #tpu.memory_space<vmem>> -> memref<112xi32, #tpu.memory_space<vmem>>
        %dma_wait3A_217 = arith.constant 0 : i32
        %dma_wait3A_218 = arith.constant 0 : i32
        %dma_wait3A_219 = tpu.memref_slice %arg6[%dma_wait3A_217, %dma_wait3A_218] : memref<10112x128xf32, #tpu.memory_space<vmem_shared>> -> memref<10112x128xf32, #tpu.memory_space<vmem_shared>>
        tpu.wait_indirect_dma semaphore(%arg12 : memref<!tpu.dma_semaphore, #tpu.memory_space<semaphore_mem>>) src(%dma_wait3A_213 : memref<112x128xf32, #tpu.memory_space<vmem>>) dst(%dma_wait3A_219 : memref<10112x128xf32, #tpu.memory_space<vmem_shared>>)
        %dma_start3A_220 = arith.constant 0 : i32
        %dma_start3A_221 = arith.constant 0 : i32
        %dma_start3A_222 = arith.constant 0 : i32
        %dma_start3A_223 = arith.constant 0 : i32
        %dma_start3A_224 = tpu.memref_slice %arg8[%dma_start3A_221, %dma_start3A_222, %dma_start3A_223] : memref<3x112x128xf32, #tpu.memory_space<vmem>> -> memref<1x112x128xf32, #tpu.memory_space<vmem>>
        %dma_start3A_225 = tpu.memref_squeeze %dma_start3A_224 : memref<1x112x128xf32, #tpu.memory_space<vmem>> -> memref<112x128xf32, #tpu.memory_space<vmem>>
        %dma_start3A_226 = arith.constant 0 : i32
        %dma_start3A_227 = tpu.memref_slice %arg7[%rem3A_89, %dma_start3A_220, %arg0, %dma_start3A_226] : memref<2x3x2x112xi32, #tpu.memory_space<vmem>> -> memref<1x1x1x112xi32, #tpu.memory_space<vmem>>
        %dma_start3A_228 = tpu.memref_squeeze %dma_start3A_227 : memref<1x1x1x112xi32, #tpu.memory_space<vmem>> -> memref<112xi32, #tpu.memory_space<vmem>>
        %dma_start3A_229 = arith.constant 0 : i32
        %dma_start3A_230 = arith.constant 0 : i32
        %dma_start3A_231 = tpu.memref_slice %arg2[%dma_start3A_229, %dma_start3A_230] : memref<10112x128xf32, #tpu.memory_space<hbm>> -> memref<10112x128xf32, #tpu.memory_space<hbm>>
        tpu.enqueue_indirect_dma source(%dma_start3A_231 : memref<10112x128xf32, #tpu.memory_space<hbm>>) target(%dma_start3A_225 : memref<112x128xf32, #tpu.memory_space<vmem>>) offsets(%dma_start3A_228 : memref<112xi32, #tpu.memory_space<vmem>>) semaphore(%arg9 : memref<!tpu.dma_semaphore, #tpu.memory_space<semaphore_mem>>)
      } else {
      }
      %add3A_186 = arith.constant 1 : i32
      %add3A_187 = arith.addi %mul3A_88, %add3A_186 : i32
      %add3A_188 = arith.constant 3 : i32
      %add3A_189 = arith.addi %add3A_187, %add3A_188 : i32
      %lt3A_190 = arith.constant 180 : i32
      %lt3A_191 = arith.cmpi slt, %add3A_189, %lt3A_190 : i32
      %convert_element_type3A_192 = arith.extui %lt3A_191 : i1 to i32
      %cond3A_193 = arith.constant 0 : i32
      %cond3A_194 = arith.cmpi ne, %convert_element_type3A_192, %cond3A_193 : i32
      scf.if %cond3A_194 {
        %sub3A_204 = arith.constant 1 : i32
        %sub3A_205 = arith.subi %sub3A_204, %rem3A_89 : i32
        %sub3A_206 = arith.constant 1 : i32
        %sub3A_207 = arith.subi %sub3A_206, %arg0 : i32
        %dma_wait3A_208 = arith.constant 1 : i32
        %dma_wait3A_209 = arith.constant 1 : i32
        %dma_wait3A_210 = arith.constant 0 : i32
        %dma_wait3A_211 = arith.constant 0 : i32
        %dma_wait3A_212 = tpu.memref_slice %arg8[%dma_wait3A_208, %dma_wait3A_210, %dma_wait3A_211] : memref<3x112x128xf32, #tpu.memory_space<vmem>> -> memref<1x112x128xf32, #tpu.memory_space<vmem>>
        %dma_wait3A_213 = tpu.memref_squeeze %dma_wait3A_212 : memref<1x112x128xf32, #tpu.memory_space<vmem>> -> memref<112x128xf32, #tpu.memory_space<vmem>>
        %dma_wait3A_214 = arith.constant 0 : i32
        %dma_wait3A_215 = tpu.memref_slice %arg7[%sub3A_205, %dma_wait3A_209, %sub3A_207, %dma_wait3A_214] : memref<2x3x2x112xi32, #tpu.memory_space<vmem>> -> memref<1x1x1x112xi32, #tpu.memory_space<vmem>>
        %dma_wait3A_216 = tpu.memref_squeeze %dma_wait3A_215 : memref<1x1x1x112xi32, #tpu.memory_space<vmem>> -> memref<112xi32, #tpu.memory_space<vmem>>
        %dma_wait3A_217 = arith.constant 0 : i32
        %dma_wait3A_218 = arith.constant 0 : i32
        %dma_wait3A_219 = tpu.memref_slice %arg6[%dma_wait3A_217, %dma_wait3A_218] : memref<10112x128xf32, #tpu.memory_space<vmem_shared>> -> memref<10112x128xf32, #tpu.memory_space<vmem_shared>>
        tpu.wait_indirect_dma semaphore(%arg13 : memref<!tpu.dma_semaphore, #tpu.memory_space<semaphore_mem>>) src(%dma_wait3A_213 : memref<112x128xf32, #tpu.memory_space<vmem>>) dst(%dma_wait3A_219 : memref<10112x128xf32, #tpu.memory_space<vmem_shared>>)
        %dma_start3A_220 = arith.constant 1 : i32
        %dma_start3A_221 = arith.constant 1 : i32
        %dma_start3A_222 = arith.constant 0 : i32
        %dma_start3A_223 = arith.constant 0 : i32
        %dma_start3A_224 = tpu.memref_slice %arg8[%dma_start3A_221, %dma_start3A_222, %dma_start3A_223] : memref<3x112x128xf32, #tpu.memory_space<vmem>> -> memref<1x112x128xf32, #tpu.memory_space<vmem>>
        %dma_start3A_225 = tpu.memref_squeeze %dma_start3A_224 : memref<1x112x128xf32, #tpu.memory_space<vmem>> -> memref<112x128xf32, #tpu.memory_space<vmem>>
        %dma_start3A_226 = arith.constant 0 : i32
        %dma_start3A_227 = tpu.memref_slice %arg7[%rem3A_89, %dma_start3A_220, %arg0, %dma_start3A_226] : memref<2x3x2x112xi32, #tpu.memory_space<vmem>> -> memref<1x1x1x112xi32, #tpu.memory_space<vmem>>
        %dma_start3A_228 = tpu.memref_squeeze %dma_start3A_227 : memref<1x1x1x112xi32, #tpu.memory_space<vmem>> -> memref<112xi32, #tpu.memory_space<vmem>>
        %dma_start3A_229 = arith.constant 0 : i32
        %dma_start3A_230 = arith.constant 0 : i32
        %dma_start3A_231 = tpu.memref_slice %arg2[%dma_start3A_229, %dma_start3A_230] : memref<10112x128xf32, #tpu.memory_space<hbm>> -> memref<10112x128xf32, #tpu.memory_space<hbm>>
        tpu.enqueue_indirect_dma source(%dma_start3A_231 : memref<10112x128xf32, #tpu.memory_space<hbm>>) target(%dma_start3A_225 : memref<112x128xf32, #tpu.memory_space<vmem>>) offsets(%dma_start3A_228 : memref<112xi32, #tpu.memory_space<vmem>>) semaphore(%arg10 : memref<!tpu.dma_semaphore, #tpu.memory_space<semaphore_mem>>)
      } else {
      }
      %add3A_195 = arith.constant 2 : i32
      %add3A_196 = arith.addi %mul3A_88, %add3A_195 : i32
      %add3A_197 = arith.constant 3 : i32
      %add3A_198 = arith.addi %add3A_196, %add3A_197 : i32
      %lt3A_199 = arith.constant 180 : i32
      %lt3A_200 = arith.cmpi slt, %add3A_198, %lt3A_199 : i32
      %convert_element_type3A_201 = arith.extui %lt3A_200 : i1 to i32
      %cond3A_202 = arith.constant 0 : i32
      %cond3A_203 = arith.cmpi ne, %convert_element_type3A_201, %cond3A_202 : i32
      scf.if %cond3A_203 {
        %sub3A_204 = arith.constant 1 : i32
        %sub3A_205 = arith.subi %sub3A_204, %rem3A_89 : i32
        %sub3A_206 = arith.constant 1 : i32
        %sub3A_207 = arith.subi %sub3A_206, %arg0 : i32
        %dma_wait3A_208 = arith.constant 2 : i32
        %dma_wait3A_209 = arith.constant 2 : i32
        %dma_wait3A_210 = arith.constant 0 : i32
        %dma_wait3A_211 = arith.constant 0 : i32
        %dma_wait3A_212 = tpu.memref_slice %arg8[%dma_wait3A_208, %dma_wait3A_210, %dma_wait3A_211] : memref<3x112x128xf32, #tpu.memory_space<vmem>> -> memref<1x112x128xf32, #tpu.memory_space<vmem>>
        %dma_wait3A_213 = tpu.memref_squeeze %dma_wait3A_212 : memref<1x112x128xf32, #tpu.memory_space<vmem>> -> memref<112x128xf32, #tpu.memory_space<vmem>>
        %dma_wait3A_214 = arith.constant 0 : i32
        %dma_wait3A_215 = tpu.memref_slice %arg7[%sub3A_205, %dma_wait3A_209, %sub3A_207, %dma_wait3A_214] : memref<2x3x2x112xi32, #tpu.memory_space<vmem>> -> memref<1x1x1x112xi32, #tpu.memory_space<vmem>>
        %dma_wait3A_216 = tpu.memref_squeeze %dma_wait3A_215 : memref<1x1x1x112xi32, #tpu.memory_space<vmem>> -> memref<112xi32, #tpu.memory_space<vmem>>
        %dma_wait3A_217 = arith.constant 0 : i32
        %dma_wait3A_218 = arith.constant 0 : i32
        %dma_wait3A_219 = tpu.memref_slice %arg6[%dma_wait3A_217, %dma_wait3A_218] : memref<10112x128xf32, #tpu.memory_space<vmem_shared>> -> memref<10112x128xf32, #tpu.memory_space<vmem_shared>>
        tpu.wait_indirect_dma semaphore(%arg14 : memref<!tpu.dma_semaphore, #tpu.memory_space<semaphore_mem>>) src(%dma_wait3A_213 : memref<112x128xf32, #tpu.memory_space<vmem>>) dst(%dma_wait3A_219 : memref<10112x128xf32, #tpu.memory_space<vmem_shared>>)
        %dma_start3A_220 = arith.constant 2 : i32
        %dma_start3A_221 = arith.constant 2 : i32
        %dma_start3A_222 = arith.constant 0 : i32
        %dma_start3A_223 = arith.constant 0 : i32
        %dma_start3A_224 = tpu.memref_slice %arg8[%dma_start3A_221, %dma_start3A_222, %dma_start3A_223] : memref<3x112x128xf32, #tpu.memory_space<vmem>> -> memref<1x112x128xf32, #tpu.memory_space<vmem>>
        %dma_start3A_225 = tpu.memref_squeeze %dma_start3A_224 : memref<1x112x128xf32, #tpu.memory_space<vmem>> -> memref<112x128xf32, #tpu.memory_space<vmem>>
        %dma_start3A_226 = arith.constant 0 : i32
        %dma_start3A_227 = tpu.memref_slice %arg7[%rem3A_89, %dma_start3A_220, %arg0, %dma_start3A_226] : memref<2x3x2x112xi32, #tpu.memory_space<vmem>> -> memref<1x1x1x112xi32, #tpu.memory_space<vmem>>
        %dma_start3A_228 = tpu.memref_squeeze %dma_start3A_227 : memref<1x1x1x112xi32, #tpu.memory_space<vmem>> -> memref<112xi32, #tpu.memory_space<vmem>>
        %dma_start3A_229 = arith.constant 0 : i32
        %dma_start3A_230 = arith.constant 0 : i32
        %dma_start3A_231 = tpu.memref_slice %arg2[%dma_start3A_229, %dma_start3A_230] : memref<10112x128xf32, #tpu.memory_space<hbm>> -> memref<10112x128xf32, #tpu.memory_space<hbm>>
        tpu.enqueue_indirect_dma source(%dma_start3A_231 : memref<10112x128xf32, #tpu.memory_space<hbm>>) target(%dma_start3A_225 : memref<112x128xf32, #tpu.memory_space<vmem>>) offsets(%dma_start3A_228 : memref<112xi32, #tpu.memory_space<vmem>>) semaphore(%arg11 : memref<!tpu.dma_semaphore, #tpu.memory_space<semaphore_mem>>)
      } else {
      }
    }
    %scan3A_43 = arith.constant 60 : i32
    %dma_wait3A = arith.constant 0 : i32
    %dma_wait3A_44 = arith.constant 0 : i32
    %dma_wait3A_45 = arith.constant 0 : i32
    %dma_wait3A_46 = arith.constant 1 : i32
    %dma_wait3A_47 = arith.constant 0 : i32
    %dma_wait3A_48 = arith.constant 0 : i32
    %dma_wait3A_49 = tpu.memref_slice %arg8[%dma_wait3A, %dma_wait3A_47, %dma_wait3A_48] : memref<3x112x128xf32, #tpu.memory_space<vmem>> -> memref<1x112x128xf32, #tpu.memory_space<vmem>>
    %dma_wait3A_50 = tpu.memref_squeeze %dma_wait3A_49 : memref<1x112x128xf32, #tpu.memory_space<vmem>> -> memref<112x128xf32, #tpu.memory_space<vmem>>
    %dma_wait3A_51 = arith.constant 0 : i32
    %dma_wait3A_52 = tpu.memref_slice %arg7[%dma_wait3A_44, %dma_wait3A_45, %dma_wait3A_46, %dma_wait3A_51] : memref<2x3x2x112xi32, #tpu.memory_space<vmem>> -> memref<1x1x1x112xi32, #tpu.memory_space<vmem>>
    %dma_wait3A_53 = tpu.memref_squeeze %dma_wait3A_52 : memref<1x1x1x112xi32, #tpu.memory_space<vmem>> -> memref<112xi32, #tpu.memory_space<vmem>>
    %dma_wait3A_54 = arith.constant 0 : i32
    %dma_wait3A_55 = arith.constant 0 : i32
    %dma_wait3A_56 = tpu.memref_slice %arg6[%dma_wait3A_54, %dma_wait3A_55] : memref<10112x128xf32, #tpu.memory_space<vmem_shared>> -> memref<10112x128xf32, #tpu.memory_space<vmem_shared>>
    tpu.wait_indirect_dma semaphore(%arg12 : memref<!tpu.dma_semaphore, #tpu.memory_space<semaphore_mem>>) src(%dma_wait3A_50 : memref<112x128xf32, #tpu.memory_space<vmem>>) dst(%dma_wait3A_56 : memref<10112x128xf32, #tpu.memory_space<vmem_shared>>)
    %dma_wait3A_57 = arith.constant 1 : i32
    %dma_wait3A_58 = arith.constant 0 : i32
    %dma_wait3A_59 = arith.constant 1 : i32
    %dma_wait3A_60 = arith.constant 1 : i32
    %dma_wait3A_61 = arith.constant 0 : i32
    %dma_wait3A_62 = arith.constant 0 : i32
    %dma_wait3A_63 = tpu.memref_slice %arg8[%dma_wait3A_57, %dma_wait3A_61, %dma_wait3A_62] : memref<3x112x128xf32, #tpu.memory_space<vmem>> -> memref<1x112x128xf32, #tpu.memory_space<vmem>>
    %dma_wait3A_64 = tpu.memref_squeeze %dma_wait3A_63 : memref<1x112x128xf32, #tpu.memory_space<vmem>> -> memref<112x128xf32, #tpu.memory_space<vmem>>
    %dma_wait3A_65 = arith.constant 0 : i32
    %dma_wait3A_66 = tpu.memref_slice %arg7[%dma_wait3A_58, %dma_wait3A_59, %dma_wait3A_60, %dma_wait3A_65] : memref<2x3x2x112xi32, #tpu.memory_space<vmem>> -> memref<1x1x1x112xi32, #tpu.memory_space<vmem>>
    %dma_wait3A_67 = tpu.memref_squeeze %dma_wait3A_66 : memref<1x1x1x112xi32, #tpu.memory_space<vmem>> -> memref<112xi32, #tpu.memory_space<vmem>>
    %dma_wait3A_68 = arith.constant 0 : i32
    %dma_wait3A_69 = arith.constant 0 : i32
    %dma_wait3A_70 = tpu.memref_slice %arg6[%dma_wait3A_68, %dma_wait3A_69] : memref<10112x128xf32, #tpu.memory_space<vmem_shared>> -> memref<10112x128xf32, #tpu.memory_space<vmem_shared>>
    tpu.wait_indirect_dma semaphore(%arg13 : memref<!tpu.dma_semaphore, #tpu.memory_space<semaphore_mem>>) src(%dma_wait3A_64 : memref<112x128xf32, #tpu.memory_space<vmem>>) dst(%dma_wait3A_70 : memref<10112x128xf32, #tpu.memory_space<vmem_shared>>)
    %dma_wait3A_71 = arith.constant 2 : i32
    %dma_wait3A_72 = arith.constant 0 : i32
    %dma_wait3A_73 = arith.constant 2 : i32
    %dma_wait3A_74 = arith.constant 1 : i32
    %dma_wait3A_75 = arith.constant 0 : i32
    %dma_wait3A_76 = arith.constant 0 : i32
    %dma_wait3A_77 = tpu.memref_slice %arg8[%dma_wait3A_71, %dma_wait3A_75, %dma_wait3A_76] : memref<3x112x128xf32, #tpu.memory_space<vmem>> -> memref<1x112x128xf32, #tpu.memory_space<vmem>>
    %dma_wait3A_78 = tpu.memref_squeeze %dma_wait3A_77 : memref<1x112x128xf32, #tpu.memory_space<vmem>> -> memref<112x128xf32, #tpu.memory_space<vmem>>
    %dma_wait3A_79 = arith.constant 0 : i32
    %dma_wait3A_80 = tpu.memref_slice %arg7[%dma_wait3A_72, %dma_wait3A_73, %dma_wait3A_74, %dma_wait3A_79] : memref<2x3x2x112xi32, #tpu.memory_space<vmem>> -> memref<1x1x1x112xi32, #tpu.memory_space<vmem>>
    %dma_wait3A_81 = tpu.memref_squeeze %dma_wait3A_80 : memref<1x1x1x112xi32, #tpu.memory_space<vmem>> -> memref<112xi32, #tpu.memory_space<vmem>>
    %dma_wait3A_82 = arith.constant 0 : i32
    %dma_wait3A_83 = arith.constant 0 : i32
    %dma_wait3A_84 = tpu.memref_slice %arg6[%dma_wait3A_82, %dma_wait3A_83] : memref<10112x128xf32, #tpu.memory_space<vmem_shared>> -> memref<10112x128xf32, #tpu.memory_space<vmem_shared>>
    tpu.wait_indirect_dma semaphore(%arg14 : memref<!tpu.dma_semaphore, #tpu.memory_space<semaphore_mem>>) src(%dma_wait3A_78 : memref<112x128xf32, #tpu.memory_space<vmem>>) dst(%dma_wait3A_84 : memref<10112x128xf32, #tpu.memory_space<vmem_shared>>)
    %barrier3A_85 = arith.constant 0 : index
    tpu.barrier barrier_id(%barrier3A_85)
    "tpu.region"() ({
      %run_scoped3A_86 = tpu.sem_alloc : memref<!tpu.dma_semaphore, #tpu.memory_space<semaphore_mem>>
      %dma_start3A_87 = arith.constant 0 : i32
      %dma_start3A_88 = tpu.memref_slice %arg5[%arg0, %mul3A_0, %dma_start3A_87] : memref<2x10112x128xf32, #tpu.memory_space<hbm>> -> memref<1x632x128xf32, #tpu.memory_space<hbm>>
      %dma_start3A_89 = tpu.memref_squeeze %dma_start3A_88 : memref<1x632x128xf32, #tpu.memory_space<hbm>> -> memref<632x128xf32, #tpu.memory_space<hbm>>
      %dma_start3A_90 = arith.constant 0 : i32
      %dma_start3A_91 = tpu.memref_slice %arg6[%mul3A_0, %dma_start3A_90] : memref<10112x128xf32, #tpu.memory_space<vmem_shared>> -> memref<632x128xf32, #tpu.memory_space<vmem_shared>>
      tpu.enqueue_dma source(%dma_start3A_91 : memref<632x128xf32, #tpu.memory_space<vmem_shared>>) target(%dma_start3A_89 : memref<632x128xf32, #tpu.memory_space<hbm>>) target_semaphore(%run_scoped3A_86 : memref<!tpu.dma_semaphore, #tpu.memory_space<semaphore_mem>>)
      %dma_wait3A_92 = arith.constant 0 : i32
      %dma_wait3A_93 = tpu.memref_slice %arg5[%arg0, %mul3A_0, %dma_wait3A_92] : memref<2x10112x128xf32, #tpu.memory_space<hbm>> -> memref<1x632x128xf32, #tpu.memory_space<hbm>>
      %dma_wait3A_94 = tpu.memref_squeeze %dma_wait3A_93 : memref<1x632x128xf32, #tpu.memory_space<hbm>> -> memref<632x128xf32, #tpu.memory_space<hbm>>
      %dma_wait3A_95 = arith.constant 0 : i32
      %dma_wait3A_96 = tpu.memref_slice %arg6[%mul3A_0, %dma_wait3A_95] : memref<10112x128xf32, #tpu.memory_space<vmem_shared>> -> memref<632x128xf32, #tpu.memory_space<vmem_shared>>
      tpu.wait_dma2 semaphore(%run_scoped3A_86 : memref<!tpu.dma_semaphore, #tpu.memory_space<semaphore_mem>>) src(%dma_wait3A_96 : memref<632x128xf32, #tpu.memory_space<vmem_shared>>) dst(%dma_wait3A_94 : memref<632x128xf32, #tpu.memory_space<hbm>>)
      tpu.yield
    }) : () -> ()
    return
  }
}

module attributes {stable_mosaic.version = 14 : i64} {
  func.func @_mm_stats_body(%arg0: i32, %arg1: memref<1000x128xf32, #tpu.memory_space<vmem>>, %arg2: memref<1x1000x128xf32, #tpu.memory_space<vmem>>, %arg3: memref<1x1000x128xf32, #tpu.memory_space<vmem>>, %arg4: memref<1000x128xf32, #tpu.memory_space<vmem>>, %arg5: memref<1000x128xf32, #tpu.memory_space<vmem>>, %arg6: memref<1x1x1000xi32, #tpu.memory_space<vmem>>, %arg7: memref<128x128xf32, #tpu.memory_space<vmem>>, %arg8: memref<128x128xf32, #tpu.memory_space<vmem>>, %arg9: memref<1x128xf32, #tpu.memory_space<vmem>>, %arg10: memref<1000x128xf32, #tpu.memory_space<vmem>>, %arg11: memref<8x128xf32, #tpu.memory_space<vmem>>, %arg12: memref<8x128xf32, #tpu.memory_space<vmem>>, %arg13: memref<8x128xf32, #tpu.memory_space<vmem>>, %arg14: memref<8x128xf32, #tpu.memory_space<vmem>>, %arg15: memref<8x128xf32, #tpu.memory_space<vmem>>, %arg16: memref<8x128xf32, #tpu.memory_space<vmem>>) attributes {dimension_semantics = [#tpu.dimension_semantics<arbitrary>], iteration_bounds = array<i64: 10>, scalar_prefetch = 0 : i64, scratch_operands = 3 : i64, tpu.core_type = #tpu.core_type<tc>, window_params = [{transform_indices = @transform_0, window_bounds = array<i64: 1000, 128>}, {transform_indices = @transform_1, window_bounds = array<i64: 1, 1000, 128>}, {transform_indices = @transform_2, window_bounds = array<i64: 1, 1000, 128>}, {transform_indices = @transform_3, window_bounds = array<i64: 1000, 128>}, {transform_indices = @transform_4, window_bounds = array<i64: 1000, 128>}, {transform_indices = @transform_5, window_bounds = array<i64: 1, 1, 1000>}, {pipeline_mode = #tpu.pipeline_mode<synchronous>, transform_indices = @transform_6, window_bounds = array<i64: 128, 128>}, {pipeline_mode = #tpu.pipeline_mode<synchronous>, transform_indices = @transform_7, window_bounds = array<i64: 128, 128>}, {pipeline_mode = #tpu.pipeline_mode<synchronous>, transform_indices = @transform_8, window_bounds = array<i64: 1, 128>}, {transform_indices = @transform_9, window_bounds = array<i64: 1000, 128>}, {pipeline_mode = #tpu.pipeline_mode<synchronous>, transform_indices = @transform_10, window_bounds = array<i64: 8, 128>}, {pipeline_mode = #tpu.pipeline_mode<synchronous>, transform_indices = @transform_11, window_bounds = array<i64: 8, 128>}, {pipeline_mode = #tpu.pipeline_mode<synchronous>, transform_indices = @transform_12, window_bounds = array<i64: 8, 128>}]} {
    %eq3A = arith.constant 0 : i32
    %eq3A_0 = arith.cmpi eq, %arg0, %eq3A : i32
    %convert_element_type3A = arith.extui %eq3A_0 : i1 to i32
    %cond3A = arith.constant 0 : i32
    %cond3A_1 = arith.cmpi ne, %convert_element_type3A, %cond3A : i32
    scf.if %cond3A_1 {
      %broadcast_in_dim3A_85 = arith.constant 0.000000e+00 : f32
      %broadcast_in_dim3A_86 = vector.broadcast %broadcast_in_dim3A_85 : f32 to vector<8x128xf32>
      %swap3A_87 = arith.constant 0 : index
      %swap3A_88 = arith.constant 0 : index
      %swap3A_89 = vector.load %arg14[%swap3A_87, %swap3A_88] : memref<8x128xf32, #tpu.memory_space<vmem>>, vector<8x128xf32>
      tpu.vector_store %arg14[%swap3A_87, %swap3A_88], %broadcast_in_dim3A_86 {strides = array<i32>} : memref<8x128xf32, #tpu.memory_space<vmem>>, vector<8x128xf32>,
      %broadcast_in_dim3A_90 = arith.constant 0.000000e+00 : f32
      %broadcast_in_dim3A_91 = vector.broadcast %broadcast_in_dim3A_90 : f32 to vector<8x128xf32>
      %swap3A_92 = arith.constant 0 : index
      %swap3A_93 = arith.constant 0 : index
      %swap3A_94 = vector.load %arg15[%swap3A_92, %swap3A_93] : memref<8x128xf32, #tpu.memory_space<vmem>>, vector<8x128xf32>
      tpu.vector_store %arg15[%swap3A_92, %swap3A_93], %broadcast_in_dim3A_91 {strides = array<i32>} : memref<8x128xf32, #tpu.memory_space<vmem>>, vector<8x128xf32>,
      %broadcast_in_dim3A_95 = arith.constant 0.000000e+00 : f32
      %broadcast_in_dim3A_96 = vector.broadcast %broadcast_in_dim3A_95 : f32 to vector<8x128xf32>
      %swap3A_97 = arith.constant 0 : index
      %swap3A_98 = arith.constant 0 : index
      %swap3A_99 = vector.load %arg16[%swap3A_97, %swap3A_98] : memref<8x128xf32, #tpu.memory_space<vmem>>, vector<8x128xf32>
      tpu.vector_store %arg16[%swap3A_97, %swap3A_98], %broadcast_in_dim3A_96 {strides = array<i32>} : memref<8x128xf32, #tpu.memory_space<vmem>>, vector<8x128xf32>,
    } else {
    }
    %get3A = arith.constant 0 : index
    %get3A_2 = arith.constant 0 : index
    %get3A_3 = arith.constant 0 : index
    %get3A_4 = vector.load %arg2[%get3A, %get3A_2, %get3A_3] : memref<1x1000x128xf32, #tpu.memory_space<vmem>>, vector<1x1000x128xf32>
    %get3A_5 = vector.shape_cast %get3A_4 : vector<1x1000x128xf32> to vector<1000x128xf32>
    %get3A_6 = arith.constant 0 : index
    %get3A_7 = arith.constant 0 : index
    %get3A_8 = vector.load %arg4[%get3A_6, %get3A_7] : memref<1000x128xf32, #tpu.memory_space<vmem>>, vector<1000x128xf32>
    %mul3A = arith.mulf %get3A_5, %get3A_8 : vector<1000x128xf32>
    %get3A_9 = arith.constant 0 : index
    %get3A_10 = arith.constant 0 : index
    %get3A_11 = arith.constant 0 : index
    %get3A_12 = vector.load %arg3[%get3A_9, %get3A_10, %get3A_11] : memref<1x1000x128xf32, #tpu.memory_space<vmem>>, vector<1x1000x128xf32>
    %get3A_13 = vector.shape_cast %get3A_12 : vector<1x1000x128xf32> to vector<1000x128xf32>
    %get3A_14 = arith.constant 0 : index
    %get3A_15 = arith.constant 0 : index
    %get3A_16 = vector.load %arg5[%get3A_14, %get3A_15] : memref<1000x128xf32, #tpu.memory_space<vmem>>, vector<1000x128xf32>
    %mul3A_17 = arith.mulf %get3A_13, %get3A_16 : vector<1000x128xf32>
    %add3A = arith.addf %mul3A, %mul3A_17 : vector<1000x128xf32>
    %mul3A_18 = arith.constant 5.000000e-01 : f32
    %mul3A_19 = vector.broadcast %mul3A_18 : f32 to vector<1000x128xf32>
    %mul3A_20 = arith.mulf %mul3A_19, %add3A : vector<1000x128xf32>
    %get3A_21 = arith.constant 0 : index
    %get3A_22 = arith.constant 0 : index
    %get3A_23 = vector.load %arg7[%get3A_21, %get3A_22] : memref<128x128xf32, #tpu.memory_space<vmem>>, vector<128x128xf32>
    %dot_general3A = arith.constant dense<0.000000e+00> : vector<1000x128xf32>
    %dot_general3A_24 = tpu.matmul %mul3A_20, %get3A_23, %dot_general3A {dimension_numbers = #tpu.dot_dimension_numbers<[1], [0], [0], [1], [0, 0, 1, 1], [], []>, transpose_lhs_hint = false} : vector<1000x128xf32>, vector<128x128xf32>, vector<1000x128xf32> -> vector<1000x128xf32>
    %get3A_25 = arith.constant 0 : index
    %get3A_26 = arith.constant 0 : index
    %get3A_27 = vector.load %arg1[%get3A_25, %get3A_26] : memref<1000x128xf32, #tpu.memory_space<vmem>>, vector<1000x128xf32>
    %get3A_28 = arith.constant 0 : index
    %get3A_29 = arith.constant 0 : index
    %get3A_30 = vector.load %arg8[%get3A_28, %get3A_29] : memref<128x128xf32, #tpu.memory_space<vmem>>, vector<128x128xf32>
    %dot_general3A_31 = arith.constant dense<0.000000e+00> : vector<1000x128xf32>
    %dot_general3A_32 = tpu.matmul %get3A_27, %get3A_30, %dot_general3A_31 {dimension_numbers = #tpu.dot_dimension_numbers<[1], [0], [0], [1], [0, 0, 1, 1], [], []>, transpose_lhs_hint = false} : vector<1000x128xf32>, vector<128x128xf32>, vector<1000x128xf32> -> vector<1000x128xf32>
    %add3A_33 = arith.addf %dot_general3A_24, %dot_general3A_32 : vector<1000x128xf32>
    %get3A_34 = arith.constant 0 : index
    %get3A_35 = arith.constant 0 : index
    %get3A_36 = vector.load %arg9[%get3A_34, %get3A_35] : memref<1x128xf32, #tpu.memory_space<vmem>>, vector<1x128xf32>
    %add3A_37 = vector.broadcast %get3A_36 : vector<1x128xf32> to vector<1000x128xf32>
    %add3A_38 = arith.addf %add3A_33, %add3A_37 : vector<1000x128xf32>
    %swap3A = arith.constant 0 : index
    %swap3A_39 = arith.constant 0 : index
    %swap3A_40 = vector.load %arg10[%swap3A, %swap3A_39] : memref<1000x128xf32, #tpu.memory_space<vmem>>, vector<1000x128xf32>
    tpu.vector_store %arg10[%swap3A, %swap3A_39], %add3A_38 {strides = array<i32>} : memref<1000x128xf32, #tpu.memory_space<vmem>>, vector<1000x128xf32>,
    %get3A_41 = arith.constant 0 : index
    %get3A_42 = arith.constant 0 : index
    %get3A_43 = arith.constant 0 : index
    %get3A_44 = vector.load %arg6[%get3A_41, %get3A_42, %get3A_43] : memref<1x1x1000xi32, #tpu.memory_space<vmem>>, vector<1x1x1000xi32>
    %get3A_45 = vector.shape_cast %get3A_44 : vector<1x1x1000xi32> to vector<1000xi32>
    %iota3A = tpu.iota {dimensions = array<i32: 0>} : vector<8x1000xi32>
    %broadcast_in_dim3A = vector.shape_cast %get3A_45 : vector<1000xi32> to vector<1x1000xi32>
    %eq3A_46 = vector.broadcast %broadcast_in_dim3A : vector<1x1000xi32> to vector<8x1000xi32>
    %eq3A_47 = arith.cmpi eq, %iota3A, %eq3A_46 : vector<8x1000xi32>
    %convert_element_type3A_48 = arith.extui %eq3A_47 : vector<8x1000xi1> to vector<8x1000xi32>
    %convert_element_type3A_49 = arith.sitofp %convert_element_type3A_48 : vector<8x1000xi32> to vector<8x1000xf32>
    %get3A_50 = arith.constant 0 : index
    %get3A_51 = arith.constant 0 : index
    %get3A_52 = vector.load %arg14[%get3A_50, %get3A_51] : memref<8x128xf32, #tpu.memory_space<vmem>>, vector<8x128xf32>
    %dot_general3A_53 = arith.constant dense<0.000000e+00> : vector<8x128xf32>
    %dot_general3A_54 = tpu.matmul %convert_element_type3A_49, %add3A_38, %dot_general3A_53 {dimension_numbers = #tpu.dot_dimension_numbers<[1], [0], [0], [1], [0, 0, 1, 1], [], []>, transpose_lhs_hint = false} : vector<8x1000xf32>, vector<1000x128xf32>, vector<8x128xf32> -> vector<8x128xf32>
    %add3A_55 = arith.addf %get3A_52, %dot_general3A_54 : vector<8x128xf32>
    %swap3A_56 = arith.constant 0 : index
    %swap3A_57 = arith.constant 0 : index
    %swap3A_58 = vector.load %arg14[%swap3A_56, %swap3A_57] : memref<8x128xf32, #tpu.memory_space<vmem>>, vector<8x128xf32>
    tpu.vector_store %arg14[%swap3A_56, %swap3A_57], %add3A_55 {strides = array<i32>} : memref<8x128xf32, #tpu.memory_space<vmem>>, vector<8x128xf32>,
    %get3A_59 = arith.constant 0 : index
    %get3A_60 = arith.constant 0 : index
    %get3A_61 = vector.load %arg15[%get3A_59, %get3A_60] : memref<8x128xf32, #tpu.memory_space<vmem>>, vector<8x128xf32>
    %mul3A_62 = arith.mulf %add3A_38, %add3A_38 : vector<1000x128xf32>
    %dot_general3A_63 = arith.constant dense<0.000000e+00> : vector<8x128xf32>
    %dot_general3A_64 = tpu.matmul %convert_element_type3A_49, %mul3A_62, %dot_general3A_63 {dimension_numbers = #tpu.dot_dimension_numbers<[1], [0], [0], [1], [0, 0, 1, 1], [], []>, transpose_lhs_hint = false} : vector<8x1000xf32>, vector<1000x128xf32>, vector<8x128xf32> -> vector<8x128xf32>
    %add3A_65 = arith.addf %get3A_61, %dot_general3A_64 : vector<8x128xf32>
    %swap3A_66 = arith.constant 0 : index
    %swap3A_67 = arith.constant 0 : index
    %swap3A_68 = vector.load %arg15[%swap3A_66, %swap3A_67] : memref<8x128xf32, #tpu.memory_space<vmem>>, vector<8x128xf32>
    tpu.vector_store %arg15[%swap3A_66, %swap3A_67], %add3A_65 {strides = array<i32>} : memref<8x128xf32, #tpu.memory_space<vmem>>, vector<8x128xf32>,
    %get3A_69 = arith.constant 0 : index
    %get3A_70 = arith.constant 0 : index
    %get3A_71 = vector.load %arg16[%get3A_69, %get3A_70] : memref<8x128xf32, #tpu.memory_space<vmem>>, vector<8x128xf32>
    %reduce_sum3A = arith.constant dense<0.000000e+00> : vector<8xf32>
    %reduce_sum3A_72 = vector.multi_reduction <add>, %convert_element_type3A_49, %reduce_sum3A [1] : vector<8x1000xf32> to vector<8xf32>
    %broadcast_in_dim3A_73 = vector.shape_cast %reduce_sum3A_72 : vector<8xf32> to vector<8x1xf32>
    %broadcast_in_dim3A_74 = vector.shape_cast %broadcast_in_dim3A_73 : vector<8x1xf32> to vector<8x1xf32>
    %broadcast_in_dim3A_75 = vector.broadcast %broadcast_in_dim3A_74 : vector<8x1xf32> to vector<8x128xf32>
    %add3A_76 = arith.addf %get3A_71, %broadcast_in_dim3A_75 : vector<8x128xf32>
    %swap3A_77 = arith.constant 0 : index
    %swap3A_78 = arith.constant 0 : index
    %swap3A_79 = vector.load %arg16[%swap3A_77, %swap3A_78] : memref<8x128xf32, #tpu.memory_space<vmem>>, vector<8x128xf32>
    tpu.vector_store %arg16[%swap3A_77, %swap3A_78], %add3A_76 {strides = array<i32>} : memref<8x128xf32, #tpu.memory_space<vmem>>, vector<8x128xf32>,
    %eq3A_80 = arith.constant 9 : i32
    %eq3A_81 = arith.cmpi eq, %arg0, %eq3A_80 : i32
    %convert_element_type3A_82 = arith.extui %eq3A_81 : i1 to i32
    %cond3A_83 = arith.constant 0 : i32
    %cond3A_84 = arith.cmpi ne, %convert_element_type3A_82, %cond3A_83 : i32
    scf.if %cond3A_84 {
      %get3A_85 = arith.constant 0 : index
      %get3A_86 = arith.constant 0 : index
      %get3A_87 = vector.load %arg14[%get3A_85, %get3A_86] : memref<8x128xf32, #tpu.memory_space<vmem>>, vector<8x128xf32>
      %swap3A_88 = arith.constant 0 : index
      %swap3A_89 = arith.constant 0 : index
      %swap3A_90 = vector.load %arg11[%swap3A_88, %swap3A_89] : memref<8x128xf32, #tpu.memory_space<vmem>>, vector<8x128xf32>
      tpu.vector_store %arg11[%swap3A_88, %swap3A_89], %get3A_87 {strides = array<i32>} : memref<8x128xf32, #tpu.memory_space<vmem>>, vector<8x128xf32>,
      %get3A_91 = arith.constant 0 : index
      %get3A_92 = arith.constant 0 : index
      %get3A_93 = vector.load %arg15[%get3A_91, %get3A_92] : memref<8x128xf32, #tpu.memory_space<vmem>>, vector<8x128xf32>
      %swap3A_94 = arith.constant 0 : index
      %swap3A_95 = arith.constant 0 : index
      %swap3A_96 = vector.load %arg12[%swap3A_94, %swap3A_95] : memref<8x128xf32, #tpu.memory_space<vmem>>, vector<8x128xf32>
      tpu.vector_store %arg12[%swap3A_94, %swap3A_95], %get3A_93 {strides = array<i32>} : memref<8x128xf32, #tpu.memory_space<vmem>>, vector<8x128xf32>,
      %get3A_97 = arith.constant 0 : index
      %get3A_98 = arith.constant 0 : index
      %get3A_99 = vector.load %arg16[%get3A_97, %get3A_98] : memref<8x128xf32, #tpu.memory_space<vmem>>, vector<8x128xf32>
      %swap3A_100 = arith.constant 0 : index
      %swap3A_101 = arith.constant 0 : index
      %swap3A_102 = vector.load %arg13[%swap3A_100, %swap3A_101] : memref<8x128xf32, #tpu.memory_space<vmem>>, vector<8x128xf32>
      tpu.vector_store %arg13[%swap3A_100, %swap3A_101], %get3A_99 {strides = array<i32>} : memref<8x128xf32, #tpu.memory_space<vmem>>, vector<8x128xf32>,
    } else {
    }
    return
  }
  func.func @transform_0(%arg0: i32) -> (i32, i32) {
    %c0_i32 = arith.constant 0 : i32
    %c0_i32_0 = arith.constant 0 : i32
    return %arg0, %c0_i32 : i32, i32
  }
  func.func @transform_1(%arg0: i32) -> (i32, i32, i32) {
    %c0_i32 = arith.constant 0 : i32
    %c0_i32_0 = arith.constant 0 : i32
    %c0_i32_1 = arith.constant 0 : i32
    return %c0_i32, %arg0, %c0_i32_0 : i32, i32, i32
  }
  func.func @transform_2(%arg0: i32) -> (i32, i32, i32) {
    %c1_i32 = arith.constant 1 : i32
    %c0_i32 = arith.constant 0 : i32
    %c0_i32_0 = arith.constant 0 : i32
    return %c1_i32, %arg0, %c0_i32 : i32, i32, i32
  }
  func.func @transform_3(%arg0: i32) -> (i32, i32) {
    %c0_i32 = arith.constant 0 : i32
    %c0_i32_0 = arith.constant 0 : i32
    return %arg0, %c0_i32 : i32, i32
  }
  func.func @transform_4(%arg0: i32) -> (i32, i32) {
    %c0_i32 = arith.constant 0 : i32
    %c0_i32_0 = arith.constant 0 : i32
    return %arg0, %c0_i32 : i32, i32
  }
  func.func @transform_5(%arg0: i32) -> (i32, i32, i32) {
    %c0_i32 = arith.constant 0 : i32
    %c0_i32_0 = arith.constant 0 : i32
    %c0_i32_1 = arith.constant 0 : i32
    return %arg0, %c0_i32, %c0_i32_0 : i32, i32, i32
  }
  func.func @transform_6(%arg0: i32) -> (i32, i32) {
    %c0_i32 = arith.constant 0 : i32
    %c0_i32_0 = arith.constant 0 : i32
    %c0_i32_1 = arith.constant 0 : i32
    return %c0_i32, %c0_i32_0 : i32, i32
  }
  func.func @transform_7(%arg0: i32) -> (i32, i32) {
    %c0_i32 = arith.constant 0 : i32
    %c0_i32_0 = arith.constant 0 : i32
    %c0_i32_1 = arith.constant 0 : i32
    return %c0_i32, %c0_i32_0 : i32, i32
  }
  func.func @transform_8(%arg0: i32) -> (i32, i32) {
    %c0_i32 = arith.constant 0 : i32
    %c0_i32_0 = arith.constant 0 : i32
    %c0_i32_1 = arith.constant 0 : i32
    return %c0_i32, %c0_i32_0 : i32, i32
  }
  func.func @transform_9(%arg0: i32) -> (i32, i32) {
    %c0_i32 = arith.constant 0 : i32
    %c0_i32_0 = arith.constant 0 : i32
    return %arg0, %c0_i32 : i32, i32
  }
  func.func @transform_10(%arg0: i32) -> (i32, i32) {
    %c0_i32 = arith.constant 0 : i32
    %c0_i32_0 = arith.constant 0 : i32
    %c0_i32_1 = arith.constant 0 : i32
    return %c0_i32, %c0_i32_0 : i32, i32
  }
  func.func @transform_11(%arg0: i32) -> (i32, i32) {
    %c0_i32 = arith.constant 0 : i32
    %c0_i32_0 = arith.constant 0 : i32
    %c0_i32_1 = arith.constant 0 : i32
    return %c0_i32, %c0_i32_0 : i32, i32
  }
  func.func @transform_12(%arg0: i32) -> (i32, i32) {
    %c0_i32 = arith.constant 0 : i32
    %c0_i32_0 = arith.constant 0 : i32
    %c0_i32_1 = arith.constant 0 : i32
    return %c0_i32, %c0_i32_0 : i32, i32
  }
}

module attributes {stable_mosaic.version = 14 : i64} {
  func.func @_norm_body(%arg0: i32, %arg1: memref<1000x128xf32, #tpu.memory_space<vmem>>, %arg2: memref<1000x128xf32, #tpu.memory_space<vmem>>, %arg3: memref<1x1x1000xi32, #tpu.memory_space<vmem>>, %arg4: memref<8x128xf32, #tpu.memory_space<vmem>>, %arg5: memref<8x128xf32, #tpu.memory_space<vmem>>, %arg6: memref<8x128xf32, #tpu.memory_space<vmem>>, %arg7: memref<1x128xf32, #tpu.memory_space<vmem>>, %arg8: memref<1x128xf32, #tpu.memory_space<vmem>>, %arg9: memref<1x128xf32, #tpu.memory_space<vmem>>, %arg10: memref<1000x128xf32, #tpu.memory_space<vmem>>) attributes {dimension_semantics = [#tpu.dimension_semantics<arbitrary>], iteration_bounds = array<i64: 10>, scalar_prefetch = 0 : i64, scratch_operands = 0 : i64, tpu.core_type = #tpu.core_type<tc>, window_params = [{transform_indices = @transform_0, window_bounds = array<i64: 1000, 128>}, {transform_indices = @transform_1, window_bounds = array<i64: 1000, 128>}, {transform_indices = @transform_2, window_bounds = array<i64: 1, 1, 1000>}, {pipeline_mode = #tpu.pipeline_mode<synchronous>, transform_indices = @transform_3, window_bounds = array<i64: 8, 128>}, {pipeline_mode = #tpu.pipeline_mode<synchronous>, transform_indices = @transform_4, window_bounds = array<i64: 8, 128>}, {pipeline_mode = #tpu.pipeline_mode<synchronous>, transform_indices = @transform_5, window_bounds = array<i64: 8, 128>}, {pipeline_mode = #tpu.pipeline_mode<synchronous>, transform_indices = @transform_6, window_bounds = array<i64: 1, 128>}, {pipeline_mode = #tpu.pipeline_mode<synchronous>, transform_indices = @transform_7, window_bounds = array<i64: 1, 128>}, {pipeline_mode = #tpu.pipeline_mode<synchronous>, transform_indices = @transform_8, window_bounds = array<i64: 1, 128>}, {transform_indices = @transform_9, window_bounds = array<i64: 1000, 128>}]} {
    %get3A = arith.constant 0 : index
    %get3A_0 = arith.constant 0 : index
    %get3A_1 = vector.load %arg6[%get3A, %get3A_0] : memref<8x128xf32, #tpu.memory_space<vmem>>, vector<8x128xf32>
    %max3A = arith.constant 1.000000e+00 : f32
    %max3A_2 = vector.broadcast %max3A : f32 to vector<8x128xf32>
    %max3A_3 = arith.maximumf %get3A_1, %max3A_2 : vector<8x128xf32>
    %get3A_4 = arith.constant 0 : index
    %get3A_5 = arith.constant 0 : index
    %get3A_6 = vector.load %arg4[%get3A_4, %get3A_5] : memref<8x128xf32, #tpu.memory_space<vmem>>, vector<8x128xf32>
    %div3A = arith.divf %get3A_6, %max3A_3 : vector<8x128xf32>
    %get3A_7 = arith.constant 0 : index
    %get3A_8 = arith.constant 0 : index
    %get3A_9 = vector.load %arg9[%get3A_7, %get3A_8] : memref<1x128xf32, #tpu.memory_space<vmem>>, vector<1x128xf32>
    %get3A_10 = arith.constant 0 : index
    %get3A_11 = arith.constant 0 : index
    %get3A_12 = vector.load %arg5[%get3A_10, %get3A_11] : memref<8x128xf32, #tpu.memory_space<vmem>>, vector<8x128xf32>
    %div3A_13 = arith.divf %get3A_12, %max3A_3 : vector<8x128xf32>
    %mul3A = arith.constant 2.000000e+00 : f32
    %mul3A_14 = vector.broadcast %mul3A : f32 to vector<1x128xf32>
    %mul3A_15 = arith.mulf %mul3A_14, %get3A_9 : vector<1x128xf32>
    %mul3A_16 = arith.mulf %get3A_9, %get3A_9 : vector<1x128xf32>
    %sub3A = arith.subf %mul3A_15, %mul3A_16 : vector<1x128xf32>
    %mul3A_17 = vector.broadcast %sub3A : vector<1x128xf32> to vector<8x128xf32>
    %mul3A_18 = arith.mulf %mul3A_17, %div3A : vector<8x128xf32>
    %mul3A_19 = arith.mulf %mul3A_18, %div3A : vector<8x128xf32>
    %sub3A_20 = arith.subf %div3A_13, %mul3A_19 : vector<8x128xf32>
    %add3A = arith.constant 9.99999974E-6 : f32
    %add3A_21 = vector.broadcast %add3A : f32 to vector<8x128xf32>
    %add3A_22 = arith.addf %sub3A_20, %add3A_21 : vector<8x128xf32>
    %rsqrt3A = math.rsqrt %add3A_22 : vector<8x128xf32>
    %get3A_23 = arith.constant 0 : index
    %get3A_24 = arith.constant 0 : index
    %get3A_25 = arith.constant 0 : index
    %get3A_26 = vector.load %arg3[%get3A_23, %get3A_24, %get3A_25] : memref<1x1x1000xi32, #tpu.memory_space<vmem>>, vector<1x1x1000xi32>
    %get3A_27 = vector.shape_cast %get3A_26 : vector<1x1x1000xi32> to vector<1000xi32>
    %iota3A = tpu.iota {dimensions = array<i32: 0>} : vector<8x1000xi32>
    %broadcast_in_dim3A = vector.shape_cast %get3A_27 : vector<1000xi32> to vector<1x1000xi32>
    %eq3A = vector.broadcast %broadcast_in_dim3A : vector<1x1000xi32> to vector<8x1000xi32>
    %eq3A_28 = arith.cmpi eq, %iota3A, %eq3A : vector<8x1000xi32>
    %convert_element_type3A = arith.extui %eq3A_28 : vector<8x1000xi1> to vector<8x1000xi32>
    %convert_element_type3A_29 = arith.sitofp %convert_element_type3A : vector<8x1000xi32> to vector<8x1000xf32>
    %dot_general3A = arith.constant dense<0.000000e+00> : vector<1000x128xf32>
    %dot_general3A_30 = tpu.matmul %convert_element_type3A_29, %div3A, %dot_general3A {dimension_numbers = #tpu.dot_dimension_numbers<[0], [0], [1], [1], [0, 1, 1, 1], [], []>, transpose_lhs_hint = false} : vector<8x1000xf32>, vector<8x128xf32>, vector<1000x128xf32> -> vector<1000x128xf32>
    %dot_general3A_31 = arith.constant dense<0.000000e+00> : vector<1000x128xf32>
    %dot_general3A_32 = tpu.matmul %convert_element_type3A_29, %rsqrt3A, %dot_general3A_31 {dimension_numbers = #tpu.dot_dimension_numbers<[0], [0], [1], [1], [0, 1, 1, 1], [], []>, transpose_lhs_hint = false} : vector<8x1000xf32>, vector<8x128xf32>, vector<1000x128xf32> -> vector<1000x128xf32>
    %get3A_33 = arith.constant 0 : index
    %get3A_34 = arith.constant 0 : index
    %get3A_35 = vector.load %arg7[%get3A_33, %get3A_34] : memref<1x128xf32, #tpu.memory_space<vmem>>, vector<1x128xf32>
    %get3A_36 = arith.constant 0 : index
    %get3A_37 = arith.constant 0 : index
    %get3A_38 = vector.load %arg1[%get3A_36, %get3A_37] : memref<1000x128xf32, #tpu.memory_space<vmem>>, vector<1000x128xf32>
    %mul3A_39 = vector.broadcast %get3A_9 : vector<1x128xf32> to vector<1000x128xf32>
    %mul3A_40 = arith.mulf %mul3A_39, %dot_general3A_30 : vector<1000x128xf32>
    %sub3A_41 = arith.subf %get3A_38, %mul3A_40 : vector<1000x128xf32>
    %mul3A_42 = vector.broadcast %get3A_35 : vector<1x128xf32> to vector<1000x128xf32>
    %mul3A_43 = arith.mulf %mul3A_42, %sub3A_41 : vector<1000x128xf32>
    %mul3A_44 = arith.mulf %mul3A_43, %dot_general3A_32 : vector<1000x128xf32>
    %get3A_45 = arith.constant 0 : index
    %get3A_46 = arith.constant 0 : index
    %get3A_47 = vector.load %arg8[%get3A_45, %get3A_46] : memref<1x128xf32, #tpu.memory_space<vmem>>, vector<1x128xf32>
    %add3A_48 = vector.broadcast %get3A_47 : vector<1x128xf32> to vector<1000x128xf32>
    %add3A_49 = arith.addf %mul3A_44, %add3A_48 : vector<1000x128xf32>
    %ge3A = arith.constant 0.000000e+00 : f32
    %ge3A_50 = vector.broadcast %ge3A : f32 to vector<1000x128xf32>
    %ge3A_51 = arith.cmpf oge, %add3A_49, %ge3A_50 : vector<1000x128xf32>
    %mul3A_52 = arith.constant 0.00999999977 : f32
    %mul3A_53 = vector.broadcast %mul3A_52 : f32 to vector<1000x128xf32>
    %mul3A_54 = arith.mulf %mul3A_53, %add3A_49 : vector<1000x128xf32>
    %select_n3A = arith.select %ge3A_51, %add3A_49, %mul3A_54 : vector<1000x128xi1>, vector<1000x128xf32>
    %swap3A = arith.constant 0 : index
    %swap3A_55 = arith.constant 0 : index
    %swap3A_56 = vector.load %arg10[%swap3A, %swap3A_55] : memref<1000x128xf32, #tpu.memory_space<vmem>>, vector<1000x128xf32>
    tpu.vector_store %arg10[%swap3A, %swap3A_55], %select_n3A {strides = array<i32>} : memref<1000x128xf32, #tpu.memory_space<vmem>>, vector<1000x128xf32>,
    return
  }
  func.func @transform_0(%arg0: i32) -> (i32, i32) {
    %c0_i32 = arith.constant 0 : i32
    %c0_i32_0 = arith.constant 0 : i32
    return %arg0, %c0_i32 : i32, i32
  }
  func.func @transform_1(%arg0: i32) -> (i32, i32) {
    %c0_i32 = arith.constant 0 : i32
    %c0_i32_0 = arith.constant 0 : i32
    return %arg0, %c0_i32 : i32, i32
  }
  func.func @transform_2(%arg0: i32) -> (i32, i32, i32) {
    %c0_i32 = arith.constant 0 : i32
    %c0_i32_0 = arith.constant 0 : i32
    %c0_i32_1 = arith.constant 0 : i32
    return %arg0, %c0_i32, %c0_i32_0 : i32, i32, i32
  }
  func.func @transform_3(%arg0: i32) -> (i32, i32) {
    %c0_i32 = arith.constant 0 : i32
    %c0_i32_0 = arith.constant 0 : i32
    %c0_i32_1 = arith.constant 0 : i32
    return %c0_i32, %c0_i32_0 : i32, i32
  }
  func.func @transform_4(%arg0: i32) -> (i32, i32) {
    %c0_i32 = arith.constant 0 : i32
    %c0_i32_0 = arith.constant 0 : i32
    %c0_i32_1 = arith.constant 0 : i32
    return %c0_i32, %c0_i32_0 : i32, i32
  }
  func.func @transform_5(%arg0: i32) -> (i32, i32) {
    %c0_i32 = arith.constant 0 : i32
    %c0_i32_0 = arith.constant 0 : i32
    %c0_i32_1 = arith.constant 0 : i32
    return %c0_i32, %c0_i32_0 : i32, i32
  }
  func.func @transform_6(%arg0: i32) -> (i32, i32) {
    %c0_i32 = arith.constant 0 : i32
    %c0_i32_0 = arith.constant 0 : i32
    %c0_i32_1 = arith.constant 0 : i32
    return %c0_i32, %c0_i32_0 : i32, i32
  }
  func.func @transform_7(%arg0: i32) -> (i32, i32) {
    %c0_i32 = arith.constant 0 : i32
    %c0_i32_0 = arith.constant 0 : i32
    %c0_i32_1 = arith.constant 0 : i32
    return %c0_i32, %c0_i32_0 : i32, i32
  }
  func.func @transform_8(%arg0: i32) -> (i32, i32) {
    %c0_i32 = arith.constant 0 : i32
    %c0_i32_0 = arith.constant 0 : i32
    %c0_i32_1 = arith.constant 0 : i32
    return %c0_i32, %c0_i32_0 : i32, i32
  }
  func.func @transform_9(%arg0: i32) -> (i32, i32) {
    %c0_i32 = arith.constant 0 : i32
    %c0_i32_0 = arith.constant 0 : i32
    return %arg0, %c0_i32 : i32, i32
  }
}

module attributes {stable_mosaic.version = 14 : i64} {
  func.func @_norm_body(%arg0: i32, %arg1: memref<1000x128xf32, #tpu.memory_space<vmem>>, %arg2: memref<1000x128xf32, #tpu.memory_space<vmem>>, %arg3: memref<1x1x1000xi32, #tpu.memory_space<vmem>>, %arg4: memref<8x128xf32, #tpu.memory_space<vmem>>, %arg5: memref<8x128xf32, #tpu.memory_space<vmem>>, %arg6: memref<8x128xf32, #tpu.memory_space<vmem>>, %arg7: memref<1x128xf32, #tpu.memory_space<vmem>>, %arg8: memref<1x128xf32, #tpu.memory_space<vmem>>, %arg9: memref<1x128xf32, #tpu.memory_space<vmem>>, %arg10: memref<1000x128xf32, #tpu.memory_space<vmem>>) attributes {dimension_semantics = [#tpu.dimension_semantics<arbitrary>], iteration_bounds = array<i64: 10>, scalar_prefetch = 0 : i64, scratch_operands = 0 : i64, tpu.core_type = #tpu.core_type<tc>, window_params = [{transform_indices = @transform_0, window_bounds = array<i64: 1000, 128>}, {transform_indices = @transform_1, window_bounds = array<i64: 1000, 128>}, {transform_indices = @transform_2, window_bounds = array<i64: 1, 1, 1000>}, {pipeline_mode = #tpu.pipeline_mode<synchronous>, transform_indices = @transform_3, window_bounds = array<i64: 8, 128>}, {pipeline_mode = #tpu.pipeline_mode<synchronous>, transform_indices = @transform_4, window_bounds = array<i64: 8, 128>}, {pipeline_mode = #tpu.pipeline_mode<synchronous>, transform_indices = @transform_5, window_bounds = array<i64: 8, 128>}, {pipeline_mode = #tpu.pipeline_mode<synchronous>, transform_indices = @transform_6, window_bounds = array<i64: 1, 128>}, {pipeline_mode = #tpu.pipeline_mode<synchronous>, transform_indices = @transform_7, window_bounds = array<i64: 1, 128>}, {pipeline_mode = #tpu.pipeline_mode<synchronous>, transform_indices = @transform_8, window_bounds = array<i64: 1, 128>}, {transform_indices = @transform_9, window_bounds = array<i64: 1000, 128>}]} {
    %get3A = arith.constant 0 : index
    %get3A_0 = arith.constant 0 : index
    %get3A_1 = vector.load %arg6[%get3A, %get3A_0] : memref<8x128xf32, #tpu.memory_space<vmem>>, vector<8x128xf32>
    %max3A = arith.constant 1.000000e+00 : f32
    %max3A_2 = vector.broadcast %max3A : f32 to vector<8x128xf32>
    %max3A_3 = arith.maximumf %get3A_1, %max3A_2 : vector<8x128xf32>
    %get3A_4 = arith.constant 0 : index
    %get3A_5 = arith.constant 0 : index
    %get3A_6 = vector.load %arg4[%get3A_4, %get3A_5] : memref<8x128xf32, #tpu.memory_space<vmem>>, vector<8x128xf32>
    %div3A = arith.divf %get3A_6, %max3A_3 : vector<8x128xf32>
    %get3A_7 = arith.constant 0 : index
    %get3A_8 = arith.constant 0 : index
    %get3A_9 = vector.load %arg9[%get3A_7, %get3A_8] : memref<1x128xf32, #tpu.memory_space<vmem>>, vector<1x128xf32>
    %get3A_10 = arith.constant 0 : index
    %get3A_11 = arith.constant 0 : index
    %get3A_12 = vector.load %arg5[%get3A_10, %get3A_11] : memref<8x128xf32, #tpu.memory_space<vmem>>, vector<8x128xf32>
    %div3A_13 = arith.divf %get3A_12, %max3A_3 : vector<8x128xf32>
    %mul3A = arith.constant 2.000000e+00 : f32
    %mul3A_14 = vector.broadcast %mul3A : f32 to vector<1x128xf32>
    %mul3A_15 = arith.mulf %mul3A_14, %get3A_9 : vector<1x128xf32>
    %mul3A_16 = arith.mulf %get3A_9, %get3A_9 : vector<1x128xf32>
    %sub3A = arith.subf %mul3A_15, %mul3A_16 : vector<1x128xf32>
    %mul3A_17 = vector.broadcast %sub3A : vector<1x128xf32> to vector<8x128xf32>
    %mul3A_18 = arith.mulf %mul3A_17, %div3A : vector<8x128xf32>
    %mul3A_19 = arith.mulf %mul3A_18, %div3A : vector<8x128xf32>
    %sub3A_20 = arith.subf %div3A_13, %mul3A_19 : vector<8x128xf32>
    %add3A = arith.constant 9.99999974E-6 : f32
    %add3A_21 = vector.broadcast %add3A : f32 to vector<8x128xf32>
    %add3A_22 = arith.addf %sub3A_20, %add3A_21 : vector<8x128xf32>
    %rsqrt3A = math.rsqrt %add3A_22 : vector<8x128xf32>
    %get3A_23 = arith.constant 0 : index
    %get3A_24 = arith.constant 0 : index
    %get3A_25 = arith.constant 0 : index
    %get3A_26 = vector.load %arg3[%get3A_23, %get3A_24, %get3A_25] : memref<1x1x1000xi32, #tpu.memory_space<vmem>>, vector<1x1x1000xi32>
    %get3A_27 = vector.shape_cast %get3A_26 : vector<1x1x1000xi32> to vector<1000xi32>
    %iota3A = tpu.iota {dimensions = array<i32: 0>} : vector<8x1000xi32>
    %broadcast_in_dim3A = vector.shape_cast %get3A_27 : vector<1000xi32> to vector<1x1000xi32>
    %eq3A = vector.broadcast %broadcast_in_dim3A : vector<1x1000xi32> to vector<8x1000xi32>
    %eq3A_28 = arith.cmpi eq, %iota3A, %eq3A : vector<8x1000xi32>
    %convert_element_type3A = arith.extui %eq3A_28 : vector<8x1000xi1> to vector<8x1000xi32>
    %convert_element_type3A_29 = arith.sitofp %convert_element_type3A : vector<8x1000xi32> to vector<8x1000xf32>
    %dot_general3A = arith.constant dense<0.000000e+00> : vector<1000x128xf32>
    %dot_general3A_30 = tpu.matmul %convert_element_type3A_29, %div3A, %dot_general3A {dimension_numbers = #tpu.dot_dimension_numbers<[0], [0], [1], [1], [0, 1, 1, 1], [], []>, transpose_lhs_hint = false} : vector<8x1000xf32>, vector<8x128xf32>, vector<1000x128xf32> -> vector<1000x128xf32>
    %dot_general3A_31 = arith.constant dense<0.000000e+00> : vector<1000x128xf32>
    %dot_general3A_32 = tpu.matmul %convert_element_type3A_29, %rsqrt3A, %dot_general3A_31 {dimension_numbers = #tpu.dot_dimension_numbers<[0], [0], [1], [1], [0, 1, 1, 1], [], []>, transpose_lhs_hint = false} : vector<8x1000xf32>, vector<8x128xf32>, vector<1000x128xf32> -> vector<1000x128xf32>
    %get3A_33 = arith.constant 0 : index
    %get3A_34 = arith.constant 0 : index
    %get3A_35 = vector.load %arg7[%get3A_33, %get3A_34] : memref<1x128xf32, #tpu.memory_space<vmem>>, vector<1x128xf32>
    %get3A_36 = arith.constant 0 : index
    %get3A_37 = arith.constant 0 : index
    %get3A_38 = vector.load %arg1[%get3A_36, %get3A_37] : memref<1000x128xf32, #tpu.memory_space<vmem>>, vector<1000x128xf32>
    %mul3A_39 = vector.broadcast %get3A_9 : vector<1x128xf32> to vector<1000x128xf32>
    %mul3A_40 = arith.mulf %mul3A_39, %dot_general3A_30 : vector<1000x128xf32>
    %sub3A_41 = arith.subf %get3A_38, %mul3A_40 : vector<1000x128xf32>
    %mul3A_42 = vector.broadcast %get3A_35 : vector<1x128xf32> to vector<1000x128xf32>
    %mul3A_43 = arith.mulf %mul3A_42, %sub3A_41 : vector<1000x128xf32>
    %mul3A_44 = arith.mulf %mul3A_43, %dot_general3A_32 : vector<1000x128xf32>
    %get3A_45 = arith.constant 0 : index
    %get3A_46 = arith.constant 0 : index
    %get3A_47 = vector.load %arg8[%get3A_45, %get3A_46] : memref<1x128xf32, #tpu.memory_space<vmem>>, vector<1x128xf32>
    %add3A_48 = vector.broadcast %get3A_47 : vector<1x128xf32> to vector<1000x128xf32>
    %add3A_49 = arith.addf %mul3A_44, %add3A_48 : vector<1000x128xf32>
    %ge3A = arith.constant 0.000000e+00 : f32
    %ge3A_50 = vector.broadcast %ge3A : f32 to vector<1000x128xf32>
    %ge3A_51 = arith.cmpf oge, %add3A_49, %ge3A_50 : vector<1000x128xf32>
    %mul3A_52 = arith.constant 0.00999999977 : f32
    %mul3A_53 = vector.broadcast %mul3A_52 : f32 to vector<1000x128xf32>
    %mul3A_54 = arith.mulf %mul3A_53, %add3A_49 : vector<1000x128xf32>
    %select_n3A = arith.select %ge3A_51, %add3A_49, %mul3A_54 : vector<1000x128xi1>, vector<1000x128xf32>
    %get3A_55 = arith.constant 0 : index
    %get3A_56 = arith.constant 0 : index
    %get3A_57 = vector.load %arg2[%get3A_55, %get3A_56] : memref<1000x128xf32, #tpu.memory_space<vmem>>, vector<1000x128xf32>
    %add3A_58 = arith.addf %select_n3A, %get3A_57 : vector<1000x128xf32>
    %swap3A = arith.constant 0 : index
    %swap3A_59 = arith.constant 0 : index
    %swap3A_60 = vector.load %arg10[%swap3A, %swap3A_59] : memref<1000x128xf32, #tpu.memory_space<vmem>>, vector<1000x128xf32>
    tpu.vector_store %arg10[%swap3A, %swap3A_59], %add3A_58 {strides = array<i32>} : memref<1000x128xf32, #tpu.memory_space<vmem>>, vector<1000x128xf32>,
    return
  }
  func.func @transform_0(%arg0: i32) -> (i32, i32) {
    %c0_i32 = arith.constant 0 : i32
    %c0_i32_0 = arith.constant 0 : i32
    return %arg0, %c0_i32 : i32, i32
  }
  func.func @transform_1(%arg0: i32) -> (i32, i32) {
    %c0_i32 = arith.constant 0 : i32
    %c0_i32_0 = arith.constant 0 : i32
    return %arg0, %c0_i32 : i32, i32
  }
  func.func @transform_2(%arg0: i32) -> (i32, i32, i32) {
    %c0_i32 = arith.constant 0 : i32
    %c0_i32_0 = arith.constant 0 : i32
    %c0_i32_1 = arith.constant 0 : i32
    return %arg0, %c0_i32, %c0_i32_0 : i32, i32, i32
  }
  func.func @transform_3(%arg0: i32) -> (i32, i32) {
    %c0_i32 = arith.constant 0 : i32
    %c0_i32_0 = arith.constant 0 : i32
    %c0_i32_1 = arith.constant 0 : i32
    return %c0_i32, %c0_i32_0 : i32, i32
  }
  func.func @transform_4(%arg0: i32) -> (i32, i32) {
    %c0_i32 = arith.constant 0 : i32
    %c0_i32_0 = arith.constant 0 : i32
    %c0_i32_1 = arith.constant 0 : i32
    return %c0_i32, %c0_i32_0 : i32, i32
  }
  func.func @transform_5(%arg0: i32) -> (i32, i32) {
    %c0_i32 = arith.constant 0 : i32
    %c0_i32_0 = arith.constant 0 : i32
    %c0_i32_1 = arith.constant 0 : i32
    return %c0_i32, %c0_i32_0 : i32, i32
  }
  func.func @transform_6(%arg0: i32) -> (i32, i32) {
    %c0_i32 = arith.constant 0 : i32
    %c0_i32_0 = arith.constant 0 : i32
    %c0_i32_1 = arith.constant 0 : i32
    return %c0_i32, %c0_i32_0 : i32, i32
  }
  func.func @transform_7(%arg0: i32) -> (i32, i32) {
    %c0_i32 = arith.constant 0 : i32
    %c0_i32_0 = arith.constant 0 : i32
    %c0_i32_1 = arith.constant 0 : i32
    return %c0_i32, %c0_i32_0 : i32, i32
  }
  func.func @transform_8(%arg0: i32) -> (i32, i32) {
    %c0_i32 = arith.constant 0 : i32
    %c0_i32_0 = arith.constant 0 : i32
    %c0_i32_1 = arith.constant 0 : i32
    return %c0_i32, %c0_i32_0 : i32, i32
  }
  func.func @transform_9(%arg0: i32) -> (i32, i32) {
    %c0_i32 = arith.constant 0 : i32
    %c0_i32_0 = arith.constant 0 : i32
    return %arg0, %c0_i32 : i32, i32
  }
}

module attributes {stable_mosaic.version = 14 : i64} {
  func.func @_norm_body(%arg0: i32, %arg1: memref<1000x128xf32, #tpu.memory_space<vmem>>, %arg2: memref<1000x128xf32, #tpu.memory_space<vmem>>, %arg3: memref<1x1x1000xi32, #tpu.memory_space<vmem>>, %arg4: memref<8x128xf32, #tpu.memory_space<vmem>>, %arg5: memref<8x128xf32, #tpu.memory_space<vmem>>, %arg6: memref<8x128xf32, #tpu.memory_space<vmem>>, %arg7: memref<1x128xf32, #tpu.memory_space<vmem>>, %arg8: memref<1x128xf32, #tpu.memory_space<vmem>>, %arg9: memref<1x128xf32, #tpu.memory_space<vmem>>, %arg10: memref<8x128xf32, #tpu.memory_space<vmem>>, %arg11: memref<8x128xf32, #tpu.memory_space<vmem>>) attributes {dimension_semantics = [#tpu.dimension_semantics<arbitrary>], iteration_bounds = array<i64: 10>, scalar_prefetch = 0 : i64, scratch_operands = 1 : i64, tpu.core_type = #tpu.core_type<tc>, window_params = [{transform_indices = @transform_0, window_bounds = array<i64: 1000, 128>}, {transform_indices = @transform_1, window_bounds = array<i64: 1000, 128>}, {transform_indices = @transform_2, window_bounds = array<i64: 1, 1, 1000>}, {pipeline_mode = #tpu.pipeline_mode<synchronous>, transform_indices = @transform_3, window_bounds = array<i64: 8, 128>}, {pipeline_mode = #tpu.pipeline_mode<synchronous>, transform_indices = @transform_4, window_bounds = array<i64: 8, 128>}, {pipeline_mode = #tpu.pipeline_mode<synchronous>, transform_indices = @transform_5, window_bounds = array<i64: 8, 128>}, {pipeline_mode = #tpu.pipeline_mode<synchronous>, transform_indices = @transform_6, window_bounds = array<i64: 1, 128>}, {pipeline_mode = #tpu.pipeline_mode<synchronous>, transform_indices = @transform_7, window_bounds = array<i64: 1, 128>}, {pipeline_mode = #tpu.pipeline_mode<synchronous>, transform_indices = @transform_8, window_bounds = array<i64: 1, 128>}, {pipeline_mode = #tpu.pipeline_mode<synchronous>, transform_indices = @transform_9, window_bounds = array<i64: 8, 128>}]} {
    %get3A = arith.constant 0 : index
    %get3A_0 = arith.constant 0 : index
    %get3A_1 = vector.load %arg6[%get3A, %get3A_0] : memref<8x128xf32, #tpu.memory_space<vmem>>, vector<8x128xf32>
    %max3A = arith.constant 1.000000e+00 : f32
    %max3A_2 = vector.broadcast %max3A : f32 to vector<8x128xf32>
    %max3A_3 = arith.maximumf %get3A_1, %max3A_2 : vector<8x128xf32>
    %get3A_4 = arith.constant 0 : index
    %get3A_5 = arith.constant 0 : index
    %get3A_6 = vector.load %arg4[%get3A_4, %get3A_5] : memref<8x128xf32, #tpu.memory_space<vmem>>, vector<8x128xf32>
    %div3A = arith.divf %get3A_6, %max3A_3 : vector<8x128xf32>
    %get3A_7 = arith.constant 0 : index
    %get3A_8 = arith.constant 0 : index
    %get3A_9 = vector.load %arg9[%get3A_7, %get3A_8] : memref<1x128xf32, #tpu.memory_space<vmem>>, vector<1x128xf32>
    %get3A_10 = arith.constant 0 : index
    %get3A_11 = arith.constant 0 : index
    %get3A_12 = vector.load %arg5[%get3A_10, %get3A_11] : memref<8x128xf32, #tpu.memory_space<vmem>>, vector<8x128xf32>
    %div3A_13 = arith.divf %get3A_12, %max3A_3 : vector<8x128xf32>
    %mul3A = arith.constant 2.000000e+00 : f32
    %mul3A_14 = vector.broadcast %mul3A : f32 to vector<1x128xf32>
    %mul3A_15 = arith.mulf %mul3A_14, %get3A_9 : vector<1x128xf32>
    %mul3A_16 = arith.mulf %get3A_9, %get3A_9 : vector<1x128xf32>
    %sub3A = arith.subf %mul3A_15, %mul3A_16 : vector<1x128xf32>
    %mul3A_17 = vector.broadcast %sub3A : vector<1x128xf32> to vector<8x128xf32>
    %mul3A_18 = arith.mulf %mul3A_17, %div3A : vector<8x128xf32>
    %mul3A_19 = arith.mulf %mul3A_18, %div3A : vector<8x128xf32>
    %sub3A_20 = arith.subf %div3A_13, %mul3A_19 : vector<8x128xf32>
    %add3A = arith.constant 9.99999974E-6 : f32
    %add3A_21 = vector.broadcast %add3A : f32 to vector<8x128xf32>
    %add3A_22 = arith.addf %sub3A_20, %add3A_21 : vector<8x128xf32>
    %rsqrt3A = math.rsqrt %add3A_22 : vector<8x128xf32>
    %get3A_23 = arith.constant 0 : index
    %get3A_24 = arith.constant 0 : index
    %get3A_25 = arith.constant 0 : index
    %get3A_26 = vector.load %arg3[%get3A_23, %get3A_24, %get3A_25] : memref<1x1x1000xi32, #tpu.memory_space<vmem>>, vector<1x1x1000xi32>
    %get3A_27 = vector.shape_cast %get3A_26 : vector<1x1x1000xi32> to vector<1000xi32>
    %iota3A = tpu.iota {dimensions = array<i32: 0>} : vector<8x1000xi32>
    %broadcast_in_dim3A = vector.shape_cast %get3A_27 : vector<1000xi32> to vector<1x1000xi32>
    %eq3A = vector.broadcast %broadcast_in_dim3A : vector<1x1000xi32> to vector<8x1000xi32>
    %eq3A_28 = arith.cmpi eq, %iota3A, %eq3A : vector<8x1000xi32>
    %convert_element_type3A = arith.extui %eq3A_28 : vector<8x1000xi1> to vector<8x1000xi32>
    %convert_element_type3A_29 = arith.sitofp %convert_element_type3A : vector<8x1000xi32> to vector<8x1000xf32>
    %dot_general3A = arith.constant dense<0.000000e+00> : vector<1000x128xf32>
    %dot_general3A_30 = tpu.matmul %convert_element_type3A_29, %div3A, %dot_general3A {dimension_numbers = #tpu.dot_dimension_numbers<[0], [0], [1], [1], [0, 1, 1, 1], [], []>, transpose_lhs_hint = false} : vector<8x1000xf32>, vector<8x128xf32>, vector<1000x128xf32> -> vector<1000x128xf32>
    %dot_general3A_31 = arith.constant dense<0.000000e+00> : vector<1000x128xf32>
    %dot_general3A_32 = tpu.matmul %convert_element_type3A_29, %rsqrt3A, %dot_general3A_31 {dimension_numbers = #tpu.dot_dimension_numbers<[0], [0], [1], [1], [0, 1, 1, 1], [], []>, transpose_lhs_hint = false} : vector<8x1000xf32>, vector<8x128xf32>, vector<1000x128xf32> -> vector<1000x128xf32>
    %get3A_33 = arith.constant 0 : index
    %get3A_34 = arith.constant 0 : index
    %get3A_35 = vector.load %arg7[%get3A_33, %get3A_34] : memref<1x128xf32, #tpu.memory_space<vmem>>, vector<1x128xf32>
    %get3A_36 = arith.constant 0 : index
    %get3A_37 = arith.constant 0 : index
    %get3A_38 = vector.load %arg1[%get3A_36, %get3A_37] : memref<1000x128xf32, #tpu.memory_space<vmem>>, vector<1000x128xf32>
    %mul3A_39 = vector.broadcast %get3A_9 : vector<1x128xf32> to vector<1000x128xf32>
    %mul3A_40 = arith.mulf %mul3A_39, %dot_general3A_30 : vector<1000x128xf32>
    %sub3A_41 = arith.subf %get3A_38, %mul3A_40 : vector<1000x128xf32>
    %mul3A_42 = vector.broadcast %get3A_35 : vector<1x128xf32> to vector<1000x128xf32>
    %mul3A_43 = arith.mulf %mul3A_42, %sub3A_41 : vector<1000x128xf32>
    %mul3A_44 = arith.mulf %mul3A_43, %dot_general3A_32 : vector<1000x128xf32>
    %get3A_45 = arith.constant 0 : index
    %get3A_46 = arith.constant 0 : index
    %get3A_47 = vector.load %arg8[%get3A_45, %get3A_46] : memref<1x128xf32, #tpu.memory_space<vmem>>, vector<1x128xf32>
    %add3A_48 = vector.broadcast %get3A_47 : vector<1x128xf32> to vector<1000x128xf32>
    %add3A_49 = arith.addf %mul3A_44, %add3A_48 : vector<1000x128xf32>
    %ge3A = arith.constant 0.000000e+00 : f32
    %ge3A_50 = vector.broadcast %ge3A : f32 to vector<1000x128xf32>
    %ge3A_51 = arith.cmpf oge, %add3A_49, %ge3A_50 : vector<1000x128xf32>
    %mul3A_52 = arith.constant 0.00999999977 : f32
    %mul3A_53 = vector.broadcast %mul3A_52 : f32 to vector<1000x128xf32>
    %mul3A_54 = arith.mulf %mul3A_53, %add3A_49 : vector<1000x128xf32>
    %select_n3A = arith.select %ge3A_51, %add3A_49, %mul3A_54 : vector<1000x128xi1>, vector<1000x128xf32>
    %get3A_55 = arith.constant 0 : index
    %get3A_56 = arith.constant 0 : index
    %get3A_57 = vector.load %arg2[%get3A_55, %get3A_56] : memref<1000x128xf32, #tpu.memory_space<vmem>>, vector<1000x128xf32>
    %add3A_58 = arith.addf %select_n3A, %get3A_57 : vector<1000x128xf32>
    %eq3A_59 = arith.constant 0 : i32
    %eq3A_60 = arith.cmpi eq, %arg0, %eq3A_59 : i32
    %convert_element_type3A_61 = arith.extui %eq3A_60 : i1 to i32
    %cond3A = arith.constant 0 : i32
    %cond3A_62 = arith.cmpi ne, %convert_element_type3A_61, %cond3A : i32
    scf.if %cond3A_62 {
      %broadcast_in_dim3A_76 = arith.constant 0.000000e+00 : f32
      %broadcast_in_dim3A_77 = vector.broadcast %broadcast_in_dim3A_76 : f32 to vector<8x128xf32>
      %swap3A_78 = arith.constant 0 : index
      %swap3A_79 = arith.constant 0 : index
      %swap3A_80 = vector.load %arg11[%swap3A_78, %swap3A_79] : memref<8x128xf32, #tpu.memory_space<vmem>>, vector<8x128xf32>
      tpu.vector_store %arg11[%swap3A_78, %swap3A_79], %broadcast_in_dim3A_77 {strides = array<i32>} : memref<8x128xf32, #tpu.memory_space<vmem>>, vector<8x128xf32>,
    } else {
    }
    %get3A_63 = arith.constant 0 : index
    %get3A_64 = arith.constant 0 : index
    %get3A_65 = vector.load %arg11[%get3A_63, %get3A_64] : memref<8x128xf32, #tpu.memory_space<vmem>>, vector<8x128xf32>
    %dot_general3A_66 = arith.constant dense<0.000000e+00> : vector<8x128xf32>
    %dot_general3A_67 = tpu.matmul %convert_element_type3A_29, %add3A_58, %dot_general3A_66 {dimension_numbers = #tpu.dot_dimension_numbers<[1], [0], [0], [1], [0, 0, 1, 1], [], []>, transpose_lhs_hint = false} : vector<8x1000xf32>, vector<1000x128xf32>, vector<8x128xf32> -> vector<8x128xf32>
    %add3A_68 = arith.addf %get3A_65, %dot_general3A_67 : vector<8x128xf32>
    %swap3A = arith.constant 0 : index
    %swap3A_69 = arith.constant 0 : index
    %swap3A_70 = vector.load %arg11[%swap3A, %swap3A_69] : memref<8x128xf32, #tpu.memory_space<vmem>>, vector<8x128xf32>
    tpu.vector_store %arg11[%swap3A, %swap3A_69], %add3A_68 {strides = array<i32>} : memref<8x128xf32, #tpu.memory_space<vmem>>, vector<8x128xf32>,
    %eq3A_71 = arith.constant 9 : i32
    %eq3A_72 = arith.cmpi eq, %arg0, %eq3A_71 : i32
    %convert_element_type3A_73 = arith.extui %eq3A_72 : i1 to i32
    %cond3A_74 = arith.constant 0 : i32
    %cond3A_75 = arith.cmpi ne, %convert_element_type3A_73, %cond3A_74 : i32
    scf.if %cond3A_75 {
      %get3A_76 = arith.constant 0 : index
      %get3A_77 = arith.constant 0 : index
      %get3A_78 = vector.load %arg11[%get3A_76, %get3A_77] : memref<8x128xf32, #tpu.memory_space<vmem>>, vector<8x128xf32>
      %div3A_79 = arith.divf %get3A_78, %max3A_3 : vector<8x128xf32>
      %swap3A_80 = arith.constant 0 : index
      %swap3A_81 = arith.constant 0 : index
      %swap3A_82 = vector.load %arg10[%swap3A_80, %swap3A_81] : memref<8x128xf32, #tpu.memory_space<vmem>>, vector<8x128xf32>
      tpu.vector_store %arg10[%swap3A_80, %swap3A_81], %div3A_79 {strides = array<i32>} : memref<8x128xf32, #tpu.memory_space<vmem>>, vector<8x128xf32>,
    } else {
    }
    return
  }
  func.func @transform_0(%arg0: i32) -> (i32, i32) {
    %c0_i32 = arith.constant 0 : i32
    %c0_i32_0 = arith.constant 0 : i32
    return %arg0, %c0_i32 : i32, i32
  }
  func.func @transform_1(%arg0: i32) -> (i32, i32) {
    %c0_i32 = arith.constant 0 : i32
    %c0_i32_0 = arith.constant 0 : i32
    return %arg0, %c0_i32 : i32, i32
  }
  func.func @transform_2(%arg0: i32) -> (i32, i32, i32) {
    %c0_i32 = arith.constant 0 : i32
    %c0_i32_0 = arith.constant 0 : i32
    %c0_i32_1 = arith.constant 0 : i32
    return %arg0, %c0_i32, %c0_i32_0 : i32, i32, i32
  }
  func.func @transform_3(%arg0: i32) -> (i32, i32) {
    %c0_i32 = arith.constant 0 : i32
    %c0_i32_0 = arith.constant 0 : i32
    %c0_i32_1 = arith.constant 0 : i32
    return %c0_i32, %c0_i32_0 : i32, i32
  }
  func.func @transform_4(%arg0: i32) -> (i32, i32) {
    %c0_i32 = arith.constant 0 : i32
    %c0_i32_0 = arith.constant 0 : i32
    %c0_i32_1 = arith.constant 0 : i32
    return %c0_i32, %c0_i32_0 : i32, i32
  }
  func.func @transform_5(%arg0: i32) -> (i32, i32) {
    %c0_i32 = arith.constant 0 : i32
    %c0_i32_0 = arith.constant 0 : i32
    %c0_i32_1 = arith.constant 0 : i32
    return %c0_i32, %c0_i32_0 : i32, i32
  }
  func.func @transform_6(%arg0: i32) -> (i32, i32) {
    %c0_i32 = arith.constant 0 : i32
    %c0_i32_0 = arith.constant 0 : i32
    %c0_i32_1 = arith.constant 0 : i32
    return %c0_i32, %c0_i32_0 : i32, i32
  }
  func.func @transform_7(%arg0: i32) -> (i32, i32) {
    %c0_i32 = arith.constant 0 : i32
    %c0_i32_0 = arith.constant 0 : i32
    %c0_i32_1 = arith.constant 0 : i32
    return %c0_i32, %c0_i32_0 : i32, i32
  }
  func.func @transform_8(%arg0: i32) -> (i32, i32) {
    %c0_i32 = arith.constant 0 : i32
    %c0_i32_0 = arith.constant 0 : i32
    %c0_i32_1 = arith.constant 0 : i32
    return %c0_i32, %c0_i32_0 : i32, i32
  }
  func.func @transform_9(%arg0: i32) -> (i32, i32) {
    %c0_i32 = arith.constant 0 : i32
    %c0_i32_0 = arith.constant 0 : i32
    %c0_i32_1 = arith.constant 0 : i32
    return %c0_i32, %c0_i32_0 : i32, i32
  }
}

</mosaic_0001>

<sc_bundles>
// kernel: kernel.12.cloned.1.call-start
scs
__scs_entry_jumppad:
0x0: {  	(pc) =	sbr.rel $0x88, $3  }
0x1: {  	(tag) =	ssettag $0x0;
	lr =	simm.s32 $0x1  }
0x2: {  	[smem:$0x3F98] =	sst lr;
	_ =	strace $0xD0000000  }
0x3: {  	_ = 	snop  }
0x4: {  	_ = 	snop  }
0x5: {  	_ = 	snop  }
0x6: {  	_ = 	snop  }
0x7: {  	_ = 	snop  }
__scs_overlays_trampoline_lowered:
0x8: {  	[smem:$0x3FA7] =	sst s0  }
0x9: {  	[smem:$0x3FA8] =	sst s1  }
0xa: {  	[smem:$0x3FA9] =	sst s2  }
0xb: {  	[smem:$0x3FAA] =	sst s3  }
0xc: {  	[smem:$0x3FAB] =	sst s4  }
0xd: {  	[smem:$0x3FAC] =	sst s5  }
0xe: {  	[smem:$0x3FAD] =	sst s6  }
0xf: {  	[smem:$0x3FAE] =	sst s7  }
0x10: {  	[smem:$0x3FAF] =	sst s8  }
0x11: {  	[smem:$0x3FB0] =	sst s9;
	s0 =	simm.s32 @!p0 $0x0  }
0x12: {  	s1 =	sld [smem:$0x3F96];
	s0 =	simm.s32 @p0 $0x1  }
0x13: {  	[smem:$0x3FB1] =	sst s0;
	s0 =	simm.s32 @!p1 $0x0  }
0x14: {  	s2 =	sld [smem:$0x3F95];
	s0 =	simm.s32 @p1 $0x1  }
0x15: {  	[smem:$0x3FB2] =	sst s0;
	s0 =	simm.s32 @!p2 $0x0  }
0x16: {  	s3 =	sld [smem:$0x3FDB];
	s0 =	simm.s32 @p2 $0x1  }
0x17: {  	s4 =	simm.s32 $0x1BF5;
	[smem:$0x3FB4] =	sst s0  }
0x18: {  	s0 =	sld [smem:$0x3F97];
	_ =	swait.ge [sflag:s4], $0x0  }
0x19: {  	s7 =	sld [smem:$0x3F98]  }
0x1a: {  	s8 =	sadd.s32 $0xFFFFE003, lr  }
0x1b: {  	s9 =	sadd.s32 $0xFFFFFEF7, lr;
	s5 =	simm.s32 $0xFFFFFFFF;
	p2 =	slt.u32 s8, $0xFFFFF086  }
0x1c: {  	p1 =	slt.u32 s9, $0xF7A;
	s5 =	simm.s32 @!p2 $0x0  }
0x1d: {  	s5 =	simm.s32 @p1 $0x1;
	p0 =	seq.s32 s7, s2  }
0x1e: {  	s7 =	smul.u32 @!p0 $0xF7A, s2;
	p2 =	seq.s32 @!p0 s5, $0x0  }
0x1f: {  	s9 =	smul.u32 $0xF7A, s1;
	s8 =	simm.s32 @!p0 $0x1BF5;
	p2 =	por !p2, p0  }
0x20: {  	[sflag:s8] =	ssyncset.s32 @!p0 $0xFFFFF086;
	s6 =	sadd.s32 @!p0 s3, s7;
	s7 =	simm.s32 @!p0 $0x108  }
0x21: {  	s3 =	sadd.s32 s3, s9;
	s6 =	sadd.s32 @!p0 $0x88, s6;
	s7 =	simm.s32 @p2 $0x1082  }
0x22: {  	[simem:s7], [sflag:s8] =	dma.local @!p0 [hbm:s6], $0xF7A  }
0x23: {  	s9 =	sor.u32 $0xD0000000, s2;
	s6 =	simm.s32 $0x108;
	_ =	swait.ge @!p0 [sflag:s8], $0x0  }
0x24: {  	s3 =	sadd.s32 $0x88, s3;
	s6 =	simm.s32 @!p1 $0x1082;
	[sflag:s4] =	ssyncset.s32 $0xFFFFF086  }
0x25: {  	[simem:s6], [sflag:s4] =	dma.local [hbm:s3], $0xF7A  }
0x26: {  	[smem:$0x3F98] =	sst s1;
	(tag) =	ssettag s2;
	_ =	strace s9  }
0x27: {  	s1 =	sld [smem:$0x3FA8]  }
0x28: {  	s2 =	sld [smem:$0x3FA9]  }
0x29: {  	s4 =	sld [smem:$0x3FAB]  }
0x2a: {  	p0 =	seq.s32 s5, $0x0;
	s5 =	sld [smem:$0x3FAC]  }
0x2b: {  	s6 =	sld [smem:$0x3FAD]  }
0x2c: {  	s7 =	sld [smem:$0x3FAE]  }
0x2d: {  	s3 =	simm.s32 $0x108;
	s8 =	sld [smem:$0x3FAF]  }
0x2e: {  	s3 =	simm.s32 @!p0 $0x1082;
	s9 =	sld [smem:$0x3FB0]  }
0x2f: {  	lr =	sadd.s32 s0, s3;
	s0 =	sld [smem:$0x3FA7]  }
0x30: {  	s3 =	sld [smem:$0x3FAA]  }
0x31: {  	[smem:$0x3FB3] =	sst s10  }
0x32: {  	s10 =	sld [smem:$0x3FB1];
	_ =	sdelay $0x3  }
0x33: {  	p0 =	seq.s32 s10, $0x1;
	s10 =	sld [smem:$0x3FB3];
	_ =	sdelay $0x3  }
0x34: {  	[smem:$0x3FB3] =	sst s10  }
0x35: {  	s10 =	sld [smem:$0x3FB2];
	_ =	sdelay $0x3  }
0x36: {  	p1 =	seq.s32 s10, $0x1;
	s10 =	sld [smem:$0x3FB3];
	_ =	sdelay $0x3  }
0x37: {  	[smem:$0x3FB3] =	sst s10  }
0x38: {  	s10 =	sld [smem:$0x3FB4]  }
0x39: {  	_ = 	snop;
	(pc) =	sbr.ind lr, $3  }
0x3a: {  	_ = 	snop  }
0x3b: {  	_ = 	snop  }
0x3c: {  	p2 =	seq.s32 s10, $0x1;
	s10 =	sld [smem:$0x3FB3]  }
0x3d: {  	_ =	shalt  }
0x3e: {  	_ =	shalt  }
0x3f: {  	_ =	shalt  }
0x40: {  	_ =	shalt  }
0x41: {  	_ =	shalt  }
0x42: {  	_ =	shalt  }
0x43: {  	_ =	shalt  }
0x44: {  	_ =	shalt  }
0x45: {  	_ =	shalt  }
0x46: {  	_ =	shalt  }
0x47: {  	_ =	shalt  }
0x48: {  	_ =	shalt  }
0x49: {  	_ =	shalt  }
0x4a: {  	_ =	shalt  }
0x4b: {  	_ =	shalt  }
0x4c: {  	_ =	shalt  }
0x4d: {  	_ =	shalt  }
0x4e: {  	_ =	shalt  }
0x4f: {  	_ =	shalt  }
0x50: {  	_ =	shalt  }
0x51: {  	_ =	shalt  }
0x52: {  	_ =	shalt  }
0x53: {  	_ =	shalt  }
0x54: {  	_ =	shalt  }
0x55: {  	_ =	shalt  }
0x56: {  	_ =	shalt  }
0x57: {  	_ =	shalt  }
0x58: {  	_ =	shalt  }
0x59: {  	_ =	shalt  }
0x5a: {  	_ =	shalt  }
0x5b: {  	_ =	shalt  }
0x5c: {  	_ =	shalt  }
0x5d: {  	_ =	shalt  }
0x5e: {  	_ =	shalt  }
0x5f: {  	_ =	shalt  }
0x60: {  	_ =	shalt  }
0x61: {  	_ =	shalt  }
0x62: {  	_ =	shalt  }
0x63: {  	_ =	shalt  }
0x64: {  	_ =	shalt  }
0x65: {  	_ =	shalt  }
0x66: {  	_ =	shalt  }
0x67: {  	_ =	shalt  }
0x68: {  	_ =	shalt  }
0x69: {  	_ =	shalt  }
0x6a: {  	_ =	shalt  }
0x6b: {  	_ =	shalt  }
0x6c: {  	_ =	shalt  }
0x6d: {  	_ =	shalt  }
0x6e: {  	_ =	shalt  }
0x6f: {  	_ =	shalt  }
0x70: {  	_ =	shalt  }
0x71: {  	_ =	shalt  }
0x72: {  	_ =	shalt  }
0x73: {  	_ =	shalt  }
0x74: {  	_ =	shalt  }
0x75: {  	_ =	shalt  }
0x76: {  	_ =	shalt  }
0x77: {  	_ =	shalt  }
0x78: {  	_ =	shalt  }
0x79: {  	_ =	shalt  }
0x7a: {  	_ =	shalt  }
0x7b: {  	_ =	shalt  }
0x7c: {  	_ =	shalt  }
0x7d: {  	_ =	shalt  }
0x7e: {  	_ =	shalt  }
0x7f: {  	_ =	shalt  }
0x80: {  	_ =	shalt  }
0x81: {  	_ =	shalt  }
0x82: {  	_ =	shalt  }
0x83: {  	_ =	shalt  }
0x84: {  	_ =	shalt  }
0x85: {  	_ =	shalt  }
0x86: {  	_ =	shalt  }
0x87: {  	_ =	shalt  }
.Lfunc_end0:
.L_simem_size_0:
called_computation_lowered:
.L_overlay_start_0:
0x88: {  	s2 =	sld [smem:$0x3FD9]  }
0x89: {  	s3 =	sld [smem:$0x3FFE];
	_ =	sdelay $0x1  }
0x8a: {  	s1 =	srdreg.scid  }
0x8b: {  	s0 =	sand.u32 $0x1, s1  }
0x8c: {  	s16 =	sshll.u32 s0, $0xA;
	s2 =	sadd.s32 s3, s2  }
0x8d: {  	s2 =	sadd.s32 s2, s16  }
0x8e: {  	[smem:$0x3FBF] =	sst s2  }
0x8f: {  	_ = 	snop  }
0x90: {  	(tm) =	ssettm $0x1  }
0x91: {  	s17 =	sld [smem:$0x3FFB];
	_ =	sdelay $0x3  }
0x92: {  	_ =	strace s17  }
0x93: {  	s2 =	sld [smem:$0x3FFC];
	_ =	sdelay $0x3  }
0x94: {  	_ =	strace s2  }
0x95: {  	s2 =	sld [smem:$0x3FFD];
	_ =	sdelay $0x3  }
0x96: {  	_ =	strace s2  }
0x97: {  	_ =	strace $0x8FFFFFFF  }
0x98: {  	s18 =	sld [smem:$0x3FDB];
	_ =	sdelay $0x1  }
0x99: {  	s19 =	simm.s32 $_scs_section_size  }
0x9a: {  	s4 =	simm.s32 $_size__tile_overlayer_lowered;
	s5 =	simm.s32 $_tile_overlayer_lowered  }
0x9b: {  	s22 =	simm.s32 $0x1BFF;
	s21 =	sshll.u32 s5, $0x1;
	s2 =	sadd.s32 s19, s18  }
0x9c: {  	s6 =	simm.s32 $0x0;
	s20 =	sshll.u32 s4, $0x1;
	s4 =	sadd.s32 s21, s2  }
0x9d: {  	[timem:s6], [sflag:s22] =	dma.local [hbm:s4], s20  }
0x9e: {  	_ =	swait.ge [sflag:s22], s20  }
0x9f: {  	s3 =	ssub.s32 $0x0, s20;
	[sflag:s22] =	ssyncset.done $0x0  }
0xa0: {  	[sflag:s22] =	ssyncadd.s32 s3;
	_ =	sdelay $0x1  }
0xa1: {  	s23 =	simm.s32 $0x1B8B  }
0xa2: {  	_ =	swait.ge [sflag:s23], $0x1  }
0xa3: {  	[sflag:s23] =	ssyncset.done $0x0  }
0xa4: {  	s25 =	simm.s32 $0x1B8E;
	s24 =	sld [smem:$0x3FFE];
	[sflag:s23] =	ssyncadd.s32 $0xFFFFFFFF  }
0xa5: {  	s26 =	simm.s32 $execute0_lowered;
	[smem:$0x3FD2] =	sst s25  }
0xa6: {  	s4 =	sshll.u32 s26, $0x1;
	_ =	strace $0x80000046;
	[dreg:$0x1] =	wrdreg $0xFFFFFFFF  }
0xa7: {  	s28 =	simm.s32 $_size_execute0_lowered;
	s2 =	sadd.s32 s2, s4;
	[dreg:$0x0] =	wrdreg $0x0  }
0xa8: {  	s4 =	sshll.u32 s28, $0x1;
	[dreg:$0x2] =	wrdreg s2  }
0xa9: {  	[dreg:$0x3] =	wrdreg s4  }
0xaa: {  	[dreg:$0x4] =	wrdreg $0xC0  }
0xab: {  	_ =	task [dreg:s6], $0x5FFFF  }
0xac: {  	[dreg:$0x1] =	wrdreg $0xFFFFFFFF  }
0xad: {  	[dreg:$0x0] =	wrdreg $0x60  }
0xae: {  	[dreg:$0x2] =	wrdreg s24  }
0xaf: {  	[dreg:$0x3] =	wrdreg $0x0  }
0xb0: {  	[dreg:$0x4] =	wrdreg $0x9  }
0xb1: {  	_ =	task.clear_ibuf [dreg:s6], $0x5FFFF;
	_ =	strace $0x90000046  }
0xb2: {  	s29 =	simm.s32 $0x9;
	_ =	strace $0x80000048  }
0xb3: {  	_ =	swait.ge [sflag:s29], $0x1  }
0xb4: {  	[sflag:s29] =	ssyncadd.s32 $0xFFFFFFFF  }
0xb5: {  	_ =	strace $0x90000048  }
0xb6: {  	_ =	sfence  }
0xb7: {  	s30 =	sld [smem:$0x0];
	_ =	sdelay $0x2  }
0xb8: {  	s31 =	sshll.u32 s1, $0xD;
	s1 =	sshrl.u32 s1, $0x2  }
0xb9: {  	s3 =	sand.u32 $0x4000, s31;
	s1 =	sadd.s32 s1, s30  }
0xba: {  	s0 =	sor.u32 s3, s0;
	s1 =	sshll.u32 s1, $0x11  }
0xbb: {  	s0 =	sor.u32 s1, s0  }
0xbc: {  	s0 =	sadd.s32 $0x8F2B, s0  }
0xbd: {  	[sflag:s0] =	ssyncadd.remote.s32 $0x1  }
0xbe: {  	_ =	sfence.sel $0xFFFF  }
0xbf: {  	[dreg:$0x0] =	wrdreg $0xFFFFFFFF;
	(pc) =	sbr.abs _section_cstart, $3  }
0xc0: {  	[dreg:$0x1] =	wrdreg $0xFFFFFFFF  }
0xc1: {  	_ =	task.clear_ibuf [dreg:s6], $0x2FFFF;
	_ =	strace $0x9FFFFFFF  }
0xc2: {  	(tm) =	ssettm $0x7FFFFFFF  }
0xc3: {  	_ =	shalt  }
tec
execute0_lowered:
.L_overlay_start_1:
0x0: {  	(tag) =	ssettag $0x1  }
0x1: {  	s6 =	rddreg [dreg:$0x0]  }
0x2: {  	s1 =	rddreg [dreg:$0x1];
	s2 =	srdreg.scid  }
0x3: {  	s0 =	rddreg [dreg:$0x2];
	s3 =	simm.s32 $0x0;
	s17 =	simm.s32 $0x4  }
0x4: {  	s18 =	simm.s32 $0x14200;
	s19 =	simm.s32 $0x13F00;
	s20 =	simm.s32 $0x70  }
0x5: {  	s21 =	simm.s32 $0x1;
	s22 =	simm.s32 $0x2;
	s23 =	simm.s32 $0x3  }
0x6: {  	s24 =	simm.s32 $0x0;
	s8 =	sand.u32 $0x1, s2;
	s2 =	stileid.u32  }
0x7: {  	[smem:$0x7FF] =	sst s3;
	s13 =	sadd.s32 $0x4200, s6;
	s7 =	smul.u32 $0x13C000, s8  }
0x8: {  	s4 =	sadd.s32 $0x1B000, s6;
	s5 =	sadd.s32 $0x1D800, s6;
	s9 =	smul.u32 $0x13C00, s2  }
0x9: {  	_ =	strace $0x80000047;
	s26 =	ssub.s32 $0x2, s8;
	s10 =	smul.u32 $0x4F000, s2  }
0xa: {  	s29 =	smul.u32 $0xB700, s2;
	s31 =	sshll.u32 s2, $0x6;
	s11 =	sshll.u32 s8, $0x7  }
0xb: {  	s15 =	smul.u32 $0x16E0, s2;
	s28 =	sshrl.u32 s26, $0x1;
	s8 =	sxor.u32 $0x80, s11  }
0xc: {  	s7 =	sadd.s32 s9, s7;
	s14 =	ssub.s32 s26, s28;
	s30 =	sshrl.u32 s10, $0x2  }
0xd: {  	s9 =	sxor.u32 $0x13F80, s11;
	s10 =	sxor.u32 $0x14080, s11;
	s11 =	sxor.u32 $0x14180, s11  }
0xe: {  	s15 =	sadd.s32 s15, s13;
	s7 =	sshrl.u32 s7, $0x3;
	s16 =	sadd.s32 s30, s1  }
0xf: {  	s15 =	sadd.s32 $0x60, s15;
	s12 =	sadd.s32 s7, s6;
	s7 =	sshrl.u32 s29, $0x3  }
0x10: {  	s6 =	sor.u32 $0x1C04, s31;
	s16 =	sshrl.u32 s16, $0x3;
	s7 =	sadd.s32 s13, s7  }
0x11: {  	s12 =	sadd.s32 $0x1E000, s12;
	s13 =	smax.u32 s14, $0x1;
	s14 =	sadd.s32 $0x1680, s7  }
.LBB2_1:
0x12: {  	[spmem:s16], [sflag:s6] =	dma.local [hbm:s4], $0x2780  }
0x13: {  	_ =	swait.ge [sflag:s17], $0x2780  }
0x14: {  	[sflag:s17] =	ssyncset.done $0x0  }
0x15: {  	[sflag:s17] =	ssyncadd.s32 $0xFFFFD880  }
0x16: {  	[tilespmem:s18], [sflag:$0x4] =	stream.linear.gather [hbm4b:s5+s3], $0x3800, $0x38;
	[tilespmem:$0x17A00] =	vst v63  }
0x17: {  	_ =	swait.ge [sflag:s17], $0x3800  }
0x18: {  	[sflag:s17] =	ssyncset.done $0x0  }
0x19: {  	[sflag:s17] =	ssyncadd.s32 $0xFFFFC800  }
0x1a: {  	[bflag:$0x0] =	sbarrier.arrive $0xFFFF  }
0x1b: {  	[tilespmem:s19], [sflag:$0x4] =	stream.linear.gather [hbm4b:s7+s3], $0x300, $0x38;
	[tilespmem:$0x17A00] =	vst v63  }
0x1c: {  	_ =	swait.ge [sflag:s17], $0x300  }
0x1d: {  	[sflag:s17] =	ssyncset.done $0x0  }
0x1e: {  	[sflag:s17] =	ssyncadd.s32 $0xFFFFFD00  }
0x1f: {  	[spmem:s1] =	stream.indirect.scatter.add.f32 [tilespmem:s18], [sflag:$0x1], $0x80, s9, s20, $0xb8;
	[tilespmem:$0x17A00] =	vst v63  }
0x20: {  	s25 =	sand.u32 $0x1, s3  }
0x21: {  	[spmem:s1] =	stream.indirect.scatter.add.f32 [tilespmem:s18], [sflag:$0x2], $0x80, s10, s20, $0xb8;
	[tilespmem:$0x17A00] =	vst v63  }
0x22: {  	p0 =	seq.s32 s25, $0x1;
	s25 =	simm.s32 $0x13F00  }
0x23: {  	[spmem:s1] =	stream.indirect.scatter.add.f32 [tilespmem:s18], [sflag:$0x3], $0x80, s11, s20, $0xb8;
	[tilespmem:$0x17A00] =	vst v63  }
0x24: {  	s25 =	simm.s32 @!p0 $0x13C00  }
0x25: {  	[tilespmem:s25], [sflag:$0x4] =	stream.linear.gather [hbm4b:s15+s3], $0x300, $0x38;
	[tilespmem:$0x17A00] =	vst v63  }
0x26: {  	_ =	swait.ge [sflag:s17], $0x300  }
0x27: {  	[sflag:s17] =	ssyncset.done $0x0  }
0x28: {  	[sflag:s17] =	ssyncadd.s32 $0xFFFFFD00  }
0x29: {  	_ =	swait.ge [sflag:s21], $0x3800  }
0x2a: {  	[sflag:s21] =	ssyncset.done $0x0  }
0x2b: {  	s29 =	sor.u32 s8, s25;
	[sflag:s21] =	ssyncadd.s32 $0xFFFFC800  }
0x2c: {  	[spmem:s1] =	stream.indirect.scatter.add.f32 [tilespmem:s18], [sflag:$0x1], $0x80, s29, s20, $0xb8;
	[tilespmem:$0x17A00] =	vst v63  }
0x2d: {  	_ =	swait.ge [sflag:s22], $0x3800  }
0x2e: {  	[sflag:s22] =	ssyncset.done $0x0  }
0x2f: {  	s28 =	simm.s32 $0x1;
	s25 =	sadd.s32 $0x100, s29;
	[sflag:s22] =	ssyncadd.s32 $0xFFFFC800  }
0x30: {  	[spmem:s1] =	stream.indirect.scatter.add.f32 [tilespmem:s18], [sflag:$0x2], $0x80, s25, s20, $0xb8;
	[tilespmem:$0x17A00] =	vst v63  }
0x31: {  	s26 =	simm.s32 $0x2;
	s28 =	sand.u32 $0x1, s28;
	_ =	swait.ge [sflag:s23], $0x3800  }
0x32: {  	s29 =	sadd.s32 $0x200, s29;
	s25 =	sadd.s32 $0x60, s15;
	[sflag:s23] =	ssyncset.done $0x0  }
.LBB2_2:
0x33: {  	p1 =	seq.s32 s28, $0x1;
	[sflag:s23] =	ssyncadd.s32 $0xFFFFC800;
	s28 =	smov.u32 s26  }
0x34: {  	s30 =	sadd.s32 $0x1, s26;
	p0 =	sne.s32 s26, $0x3A;
	s26 =	simm.s32 $0x13F00  }
0x35: {  	[spmem:s1] =	stream.indirect.scatter.add.f32 [tilespmem:s18], [sflag:$0x3], $0x80, s29, s20, $0xb8;
	[tilespmem:$0x17A00] =	vst v63  }
0x36: {  	s26 =	simm.s32 @!p1 $0x13C00  }
0x37: {  	[tilespmem:s26], [sflag:$0x4] =	stream.linear.gather [hbm4b:s25+s3], $0x300, $0x38;
	[tilespmem:$0x17A00] =	vst v63  }
0x38: {  	_ =	swait.ge [sflag:s17], $0x300  }
0x39: {  	[sflag:s17] =	ssyncset.done $0x0  }
0x3a: {  	[sflag:s17] =	ssyncadd.s32 $0xFFFFFD00  }
0x3b: {  	_ =	swait.ge [sflag:s21], $0x3800  }
0x3c: {  	[sflag:s21] =	ssyncset.done $0x0  }
0x3d: {  	s26 =	sor.u32 s8, s26;
	[sflag:s21] =	ssyncadd.s32 $0xFFFFC800  }
0x3e: {  	[spmem:s1] =	stream.indirect.scatter.add.f32 [tilespmem:s18], [sflag:$0x1], $0x80, s26, s20, $0xb8;
	[tilespmem:$0x17A00] =	vst v63  }
0x3f: {  	_ =	swait.ge [sflag:s22], $0x3800  }
.Ltmp0:
0x40: {  	[sflag:s22] =	ssyncset.done $0x0;
	(pc) =	sbr.rel @p0 .LBB2_2-.Ltmp0, $4  }
0x41: {  	s29 =	sadd.s32 $0x100, s26;
	[sflag:s22] =	ssyncadd.s32 $0xFFFFC800  }
0x42: {  	[spmem:s1] =	stream.indirect.scatter.add.f32 [tilespmem:s18], [sflag:$0x2], $0x80, s29, s20, $0xb8;
	[tilespmem:$0x17A00] =	vst v63  }
0x43: {  	s28 =	sand.u32 $0x1, s28;
	s25 =	sadd.s32 $0x60, s25;
	_ =	swait.ge [sflag:s23], $0x3800  }
0x44: {  	s29 =	sadd.s32 $0x200, s26;
	s26 =	smov.u32 s30;
	[sflag:s23] =	ssyncset.done $0x0  }
0x45: {  	[sflag:s23] =	ssyncadd.s32 $0xFFFFC800;
	p0 =	seq.s32 s28, $0x1;
	s26 =	simm.s32 $0x13F00  }
0x46: {  	[spmem:s1] =	stream.indirect.scatter.add.f32 [tilespmem:s18], [sflag:$0x3], $0x80, s29, s20, $0xb8;
	[tilespmem:$0x17A00] =	vst v63  }
0x47: {  	s26 =	simm.s32 @!p0 $0x13C00  }
0x48: {  	[tilespmem:s26], [sflag:$0x4] =	stream.linear.gather [hbm4b:s25+s3], $0x300, $0x38;
	[tilespmem:$0x17A00] =	vst v63  }
0x49: {  	_ =	swait.ge [sflag:s17], $0x300  }
0x4a: {  	[sflag:s17] =	ssyncset.done $0x0  }
0x4b: {  	[sflag:s17] =	ssyncadd.s32 $0xFFFFFD00  }
0x4c: {  	_ =	swait.ge [sflag:s21], $0x3800  }
0x4d: {  	[sflag:s21] =	ssyncset.done $0x0  }
0x4e: {  	s31 =	sor.u32 s8, s26;
	[sflag:s21] =	ssyncadd.s32 $0xFFFFC800  }
0x4f: {  	[spmem:s1] =	stream.indirect.scatter.add.f32 [tilespmem:s18], [sflag:$0x1], $0x80, s31, s20, $0xb8;
	[tilespmem:$0x17A00] =	vst v63  }
0x50: {  	_ =	swait.ge [sflag:s22], $0x3800  }
0x51: {  	[sflag:s22] =	ssyncset.done $0x0  }
0x52: {  	s26 =	sadd.s32 $0x100, s31;
	[sflag:s22] =	ssyncadd.s32 $0xFFFFC800  }
0x53: {  	[spmem:s1] =	stream.indirect.scatter.add.f32 [tilespmem:s18], [sflag:$0x2], $0x80, s26, s20, $0xb8;
	[tilespmem:$0x17A00] =	vst v63  }
0x54: {  	_ =	swait.ge [sflag:s23], $0x3800  }
0x55: {  	[sflag:s23] =	ssyncset.done $0x0  }
0x56: {  	s25 =	sadd.s32 $0x200, s31;
	[sflag:s23] =	ssyncadd.s32 $0xFFFFC800  }
0x57: {  	[spmem:s1] =	stream.indirect.scatter.add.f32 [tilespmem:s18], [sflag:$0x3], $0x80, s25, s20, $0xb8;
	[tilespmem:$0x17A00] =	vst v63  }
0x58: {  	_ = 	snop  }
0x59: {  	[tilespmem:s19], [sflag:$0x4] =	stream.linear.gather [hbm4b:s14+s3], $0x300, $0x38;
	[tilespmem:$0x17A00] =	vst v63  }
0x5a: {  	_ =	swait.ge [sflag:s17], $0x300  }
0x5b: {  	[sflag:s17] =	ssyncset.done $0x0  }
0x5c: {  	[sflag:s17] =	ssyncadd.s32 $0xFFFFFD00  }
0x5d: {  	_ =	swait.ge [sflag:s21], $0x3800  }
0x5e: {  	[sflag:s21] =	ssyncset.done $0x0  }
0x5f: {  	[sflag:s21] =	ssyncadd.s32 $0xFFFFC800  }
0x60: {  	_ =	swait.ge [sflag:s22], $0x3800  }
0x61: {  	[sflag:s22] =	ssyncset.done $0x0  }
0x62: {  	[sflag:s22] =	ssyncadd.s32 $0xFFFFC800  }
0x63: {  	_ =	swait.ge [sflag:s23], $0x3800  }
0x64: {  	s24 =	sadd.s32 $0x1, s24;
	[sflag:s23] =	ssyncset.done $0x0  }
0x65: {  	p0 =	sne.s32 s24, s13;
	[sflag:s23] =	ssyncadd.s32 $0xFFFFC800  }
.Ltmp1:
0x66: {  	[bflag:$0x0] =	sbarrier.arrive $0xFFFF;
	(pc) =	sbr.rel @p0 .LBB2_1-.Ltmp1, $4  }
0x67: {  	[hbm:s12], [sflag:s6] =	dma.local [spmem:s16], $0x2780  }
0x68: {  	_ =	swait.ge [sflag:s17], $0x2780  }
0x69: {  	[sflag:s17] =	ssyncset.done $0x0  }
0x6a: {  	[sflag:s17] =	ssyncadd.s32 $0xFFFFD880  }
0x6b: {  	_ =	sfence.sel $0x180000  }
0x6c: {  	[bflag:$0x0] =	sbarrier.arrive $0xFFFF  }
0x6d: {  	p0 =	sne.s32 s2, $0x0;
	_ =	strace $0x90000047  }
0x6e: {  	s0 =	sadd.s32 @!p0 $0x100000, s0;
	[bflag:$0x2] =	sbarrier.arrive $0xFFFF  }
0x6f: {  	[sflag:s0] =	ssyncadd.tile.s32 @!p0 $0x1;
	_ =	shalt  }
.Lfunc_end2:
_tile_overlayer_lowered:
.L_overlay_start_2:
0x70: {  	(tag) =	ssettag $0x2  }
0x71: {  	s0 =	rddreg [dreg:$0x0];
	s2 =	stileid.u32  }
0x72: {  	s1 =	rddreg [dreg:$0x1];
	p0 =	sne.s32 s2, $0x0  }
0x73: {  	s3 =	rddreg [dreg:$0x2];
	[bflag:$0x3] =	sbarrier.arrive $0xFFFF;
	s2 =	simm.s32 @!p0 $0x1C04  }
0x74: {  	[timem:s3], [sflag:s2] =	dma.local @!p0 [hbm:s0], s1  }
0x75: {  	s0 =	simm.s32 @!p0 $0x4  }
0x76: {  	_ =	swait.ge @!p0 [sflag:s0], s1  }
0x77: {  	s1 =	ssub.s32 @!p0 $0x0, s1;
	[sflag:s0] =	ssyncset.done @!p0 $0x0  }
0x78: {  	[sflag:s0] =	ssyncadd.s32 @!p0 s1  }
0x79: {  	[bflag:$0x3] =	sbarrier.arrive $0xFFFF  }
0x7a: {  	_ =	shalt  }

// kernel: kernel.15.cloned.1.call-start
scs
__scs_entry_jumppad:
0x0: {  	(pc) =	sbr.rel $0x88, $3  }
0x1: {  	(tag) =	ssettag $0x0;
	lr =	simm.s32 $0x1  }
0x2: {  	[smem:$0x3F98] =	sst lr;
	_ =	strace $0xD0000000  }
0x3: {  	_ = 	snop  }
0x4: {  	_ = 	snop  }
0x5: {  	_ = 	snop  }
0x6: {  	_ = 	snop  }
0x7: {  	_ = 	snop  }
__scs_overlays_trampoline_lowered:
0x8: {  	[smem:$0x3FA7] =	sst s0  }
0x9: {  	[smem:$0x3FA8] =	sst s1  }
0xa: {  	[smem:$0x3FA9] =	sst s2  }
0xb: {  	[smem:$0x3FAA] =	sst s3  }
0xc: {  	[smem:$0x3FAB] =	sst s4  }
0xd: {  	[smem:$0x3FAC] =	sst s5  }
0xe: {  	[smem:$0x3FAD] =	sst s6  }
0xf: {  	[smem:$0x3FAE] =	sst s7  }
0x10: {  	[smem:$0x3FAF] =	sst s8  }
0x11: {  	[smem:$0x3FB0] =	sst s9;
	s0 =	simm.s32 @!p0 $0x0  }
0x12: {  	s1 =	sld [smem:$0x3F96];
	s0 =	simm.s32 @p0 $0x1  }
0x13: {  	[smem:$0x3FB1] =	sst s0;
	s0 =	simm.s32 @!p1 $0x0  }
0x14: {  	s2 =	sld [smem:$0x3F95];
	s0 =	simm.s32 @p1 $0x1  }
0x15: {  	[smem:$0x3FB2] =	sst s0;
	s0 =	simm.s32 @!p2 $0x0  }
0x16: {  	s3 =	sld [smem:$0x3FDB];
	s0 =	simm.s32 @p2 $0x1  }
0x17: {  	s4 =	simm.s32 $0x1BF5;
	[smem:$0x3FB4] =	sst s0  }
0x18: {  	s0 =	sld [smem:$0x3F97];
	_ =	swait.ge [sflag:s4], $0x0  }
0x19: {  	s7 =	sld [smem:$0x3F98]  }
0x1a: {  	s8 =	sadd.s32 $0xFFFFE003, lr  }
0x1b: {  	s9 =	sadd.s32 $0xFFFFFEF7, lr;
	s5 =	simm.s32 $0xFFFFFFFF;
	p2 =	slt.u32 s8, $0xFFFFF086  }
0x1c: {  	p1 =	slt.u32 s9, $0xF7A;
	s5 =	simm.s32 @!p2 $0x0  }
0x1d: {  	s5 =	simm.s32 @p1 $0x1;
	p0 =	seq.s32 s7, s2  }
0x1e: {  	s7 =	smul.u32 @!p0 $0xF7A, s2;
	p2 =	seq.s32 @!p0 s5, $0x0  }
0x1f: {  	s9 =	smul.u32 $0xF7A, s1;
	s8 =	simm.s32 @!p0 $0x1BF5;
	p2 =	por !p2, p0  }
0x20: {  	[sflag:s8] =	ssyncset.s32 @!p0 $0xFFFFF086;
	s6 =	sadd.s32 @!p0 s3, s7;
	s7 =	simm.s32 @!p0 $0x108  }
0x21: {  	s3 =	sadd.s32 s3, s9;
	s6 =	sadd.s32 @!p0 $0x88, s6;
	s7 =	simm.s32 @p2 $0x1082  }
0x22: {  	[simem:s7], [sflag:s8] =	dma.local @!p0 [hbm:s6], $0xF7A  }
0x23: {  	s9 =	sor.u32 $0xD0000000, s2;
	s6 =	simm.s32 $0x108;
	_ =	swait.ge @!p0 [sflag:s8], $0x0  }
0x24: {  	s3 =	sadd.s32 $0x88, s3;
	s6 =	simm.s32 @!p1 $0x1082;
	[sflag:s4] =	ssyncset.s32 $0xFFFFF086  }
0x25: {  	[simem:s6], [sflag:s4] =	dma.local [hbm:s3], $0xF7A  }
0x26: {  	[smem:$0x3F98] =	sst s1;
	(tag) =	ssettag s2;
	_ =	strace s9  }
0x27: {  	s1 =	sld [smem:$0x3FA8]  }
0x28: {  	s2 =	sld [smem:$0x3FA9]  }
0x29: {  	s4 =	sld [smem:$0x3FAB]  }
0x2a: {  	p0 =	seq.s32 s5, $0x0;
	s5 =	sld [smem:$0x3FAC]  }
0x2b: {  	s6 =	sld [smem:$0x3FAD]  }
0x2c: {  	s7 =	sld [smem:$0x3FAE]  }
0x2d: {  	s3 =	simm.s32 $0x108;
	s8 =	sld [smem:$0x3FAF]  }
0x2e: {  	s3 =	simm.s32 @!p0 $0x1082;
	s9 =	sld [smem:$0x3FB0]  }
0x2f: {  	lr =	sadd.s32 s0, s3;
	s0 =	sld [smem:$0x3FA7]  }
0x30: {  	s3 =	sld [smem:$0x3FAA]  }
0x31: {  	[smem:$0x3FB3] =	sst s10  }
0x32: {  	s10 =	sld [smem:$0x3FB1];
	_ =	sdelay $0x3  }
0x33: {  	p0 =	seq.s32 s10, $0x1;
	s10 =	sld [smem:$0x3FB3];
	_ =	sdelay $0x3  }
0x34: {  	[smem:$0x3FB3] =	sst s10  }
0x35: {  	s10 =	sld [smem:$0x3FB2];
	_ =	sdelay $0x3  }
0x36: {  	p1 =	seq.s32 s10, $0x1;
	s10 =	sld [smem:$0x3FB3];
	_ =	sdelay $0x3  }
0x37: {  	[smem:$0x3FB3] =	sst s10  }
0x38: {  	s10 =	sld [smem:$0x3FB4]  }
0x39: {  	_ = 	snop;
	(pc) =	sbr.ind lr, $3  }
0x3a: {  	_ = 	snop  }
0x3b: {  	_ = 	snop  }
0x3c: {  	p2 =	seq.s32 s10, $0x1;
	s10 =	sld [smem:$0x3FB3]  }
0x3d: {  	_ =	shalt  }
0x3e: {  	_ =	shalt  }
0x3f: {  	_ =	shalt  }
0x40: {  	_ =	shalt  }
0x41: {  	_ =	shalt  }
0x42: {  	_ =	shalt  }
0x43: {  	_ =	shalt  }
0x44: {  	_ =	shalt  }
0x45: {  	_ =	shalt  }
0x46: {  	_ =	shalt  }
0x47: {  	_ =	shalt  }
0x48: {  	_ =	shalt  }
0x49: {  	_ =	shalt  }
0x4a: {  	_ =	shalt  }
0x4b: {  	_ =	shalt  }
0x4c: {  	_ =	shalt  }
0x4d: {  	_ =	shalt  }
0x4e: {  	_ =	shalt  }
0x4f: {  	_ =	shalt  }
0x50: {  	_ =	shalt  }
0x51: {  	_ =	shalt  }
0x52: {  	_ =	shalt  }
0x53: {  	_ =	shalt  }
0x54: {  	_ =	shalt  }
0x55: {  	_ =	shalt  }
0x56: {  	_ =	shalt  }
0x57: {  	_ =	shalt  }
0x58: {  	_ =	shalt  }
0x59: {  	_ =	shalt  }
0x5a: {  	_ =	shalt  }
0x5b: {  	_ =	shalt  }
0x5c: {  	_ =	shalt  }
0x5d: {  	_ =	shalt  }
0x5e: {  	_ =	shalt  }
0x5f: {  	_ =	shalt  }
0x60: {  	_ =	shalt  }
0x61: {  	_ =	shalt  }
0x62: {  	_ =	shalt  }
0x63: {  	_ =	shalt  }
0x64: {  	_ =	shalt  }
0x65: {  	_ =	shalt  }
0x66: {  	_ =	shalt  }
0x67: {  	_ =	shalt  }
0x68: {  	_ =	shalt  }
0x69: {  	_ =	shalt  }
0x6a: {  	_ =	shalt  }
0x6b: {  	_ =	shalt  }
0x6c: {  	_ =	shalt  }
0x6d: {  	_ =	shalt  }
0x6e: {  	_ =	shalt  }
0x6f: {  	_ =	shalt  }
0x70: {  	_ =	shalt  }
0x71: {  	_ =	shalt  }
0x72: {  	_ =	shalt  }
0x73: {  	_ =	shalt  }
0x74: {  	_ =	shalt  }
0x75: {  	_ =	shalt  }
0x76: {  	_ =	shalt  }
0x77: {  	_ =	shalt  }
0x78: {  	_ =	shalt  }
0x79: {  	_ =	shalt  }
0x7a: {  	_ =	shalt  }
0x7b: {  	_ =	shalt  }
0x7c: {  	_ =	shalt  }
0x7d: {  	_ =	shalt  }
0x7e: {  	_ =	shalt  }
0x7f: {  	_ =	shalt  }
0x80: {  	_ =	shalt  }
0x81: {  	_ =	shalt  }
0x82: {  	_ =	shalt  }
0x83: {  	_ =	shalt  }
0x84: {  	_ =	shalt  }
0x85: {  	_ =	shalt  }
0x86: {  	_ =	shalt  }
0x87: {  	_ =	shalt  }
.Lfunc_end0:
.L_simem_size_0:
called_computation.1_lowered:
.L_overlay_start_0:
0x88: {  	s2 =	sld [smem:$0x3FD9]  }
0x89: {  	s3 =	sld [smem:$0x3FFE];
	_ =	sdelay $0x1  }
0x8a: {  	s1 =	srdreg.scid  }
0x8b: {  	s0 =	sand.u32 $0x1, s1  }
0x8c: {  	s17 =	sshll.u32 s0, $0xA;
	s2 =	sadd.s32 s3, s2  }
0x8d: {  	s2 =	sadd.s32 s2, s17  }
0x8e: {  	[smem:$0x3FBF] =	sst s2  }
0x8f: {  	_ = 	snop  }
0x90: {  	(tm) =	ssettm $0x1  }
0x91: {  	s18 =	sld [smem:$0x3FFB];
	_ =	sdelay $0x3  }
0x92: {  	_ =	strace s18  }
0x93: {  	s2 =	sld [smem:$0x3FFC];
	_ =	sdelay $0x3  }
0x94: {  	_ =	strace s2  }
0x95: {  	s2 =	sld [smem:$0x3FFD];
	_ =	sdelay $0x3  }
0x96: {  	_ =	strace s2  }
0x97: {  	_ =	strace $0x8FFFFFFF  }
0x98: {  	s19 =	sld [smem:$0x3FDB];
	_ =	sdelay $0x1  }
0x99: {  	s20 =	simm.s32 $_scs_section_size  }
0x9a: {  	s4 =	simm.s32 $_size__tile_overlayer_lowered;
	s5 =	simm.s32 $_tile_overlayer_lowered  }
0x9b: {  	s6 =	simm.s32 $0x1BFF;
	s21 =	sshll.u32 s5, $0x1;
	s3 =	sadd.s32 s20, s19  }
0x9c: {  	s22 =	simm.s32 $0x0;
	s4 =	sshll.u32 s4, $0x1;
	s5 =	sadd.s32 s21, s3  }
0x9d: {  	[timem:s22], [sflag:s6] =	dma.local [hbm:s5], s4  }
0x9e: {  	_ =	swait.ge [sflag:s6], s4  }
0x9f: {  	s4 =	ssub.s32 $0x0, s4;
	[sflag:s6] =	ssyncset.done $0x0  }
0xa0: {  	[sflag:s6] =	ssyncadd.s32 s4;
	_ =	sdelay $0x1  }
0xa1: {  	s23 =	simm.s32 $0x1B8B  }
0xa2: {  	_ =	swait.ge [sflag:s23], $0x1  }
0xa3: {  	[sflag:s23] =	ssyncset.done $0x0  }
0xa4: {  	[sflag:s23] =	ssyncadd.s32 $0xFFFFFFFF  }
0xa5: {  	s4 =	sld [smem:$0x0]  }
0xa6: {  	s5 =	sand.u32 $0xFFFFFFFE, s1  }
0xa7: {  	p0 =	sne.s32 s1, s5  }
0xa8: {  	s5 =	sshll.u32 @p0 s5, $0xE  }
0xa9: {  	s5 =	sadd.s32 @p0 $0x11B8D, s5;
	s6 =	sshll.u32 @p0 s4, $0x11  }
0xaa: {  	s5 =	sor.u32 @p0 s6, s5  }
0xab: {  	[sflag:s5] =	ssyncadd.remote.s32 @p0 $0x1;
	_ =	sdelay $0x1  }
0xac: {  	s5 =	simm.s32 @p0 $0x1B8D  }
0xad: {  	_ =	swait.eq @p0 [sflag:s5], $0x1  }
0xae: {  	[sflag:s5] =	ssyncadd.s32 @p0 $0xFFFFFFFF  }
0xaf: {  	s6 =	sshll.u32 @!p0 s1, $0xE  }
0xb0: {  	s6 =	sor.u32 @!p0 $0x4000, s6;
	s5 =	simm.s32 @!p0 $0x1B8D  }
0xb1: {  	s4 =	sshll.u32 @!p0 s4, $0x11;
	s6 =	sadd.s32 @!p0 $0x11B8D, s6;
	_ =	swait.eq @!p0 [sflag:s5], $0x1  }
0xb2: {  	s4 =	sor.u32 @!p0 s4, s6;
	[sflag:s5] =	ssyncadd.s32 @!p0 $0xFFFFFFFF  }
0xb3: {  	s25 =	simm.s32 $0x1B8E;
	s24 =	sld [smem:$0x3FFE];
	[sflag:s4] =	ssyncadd.remote.s32 @!p0 $0x1  }
0xb4: {  	s26 =	simm.s32 $execute0_lowered;
	[smem:$0x3FD2] =	sst s25  }
0xb5: {  	s5 =	sshll.u32 s26, $0x1;
	_ =	strace $0x80000049;
	[dreg:$0x1] =	wrdreg $0xFFFFFFFF  }
0xb6: {  	s28 =	simm.s32 $_size_execute0_lowered;
	s3 =	sadd.s32 s3, s5;
	[dreg:$0x0] =	wrdreg $0x0  }
0xb7: {  	s5 =	sshll.u32 s28, $0x1;
	[dreg:$0x2] =	wrdreg s3  }
0xb8: {  	[dreg:$0x3] =	wrdreg s5  }
0xb9: {  	[dreg:$0x4] =	wrdreg $0xC0  }
0xba: {  	_ =	task [dreg:s22], $0x5FFFF  }
0xbb: {  	[dreg:$0x1] =	wrdreg $0xFFFFFFFF  }
0xbc: {  	[dreg:$0x0] =	wrdreg $0x60  }
0xbd: {  	[dreg:$0x2] =	wrdreg s24  }
0xbe: {  	[dreg:$0x3] =	wrdreg $0x0  }
0xbf: {  	[dreg:$0x4] =	wrdreg $0xA  }
0xc0: {  	_ =	task.clear_ibuf [dreg:s22], $0x5FFFF;
	_ =	strace $0x90000049  }
0xc1: {  	s29 =	simm.s32 $0xA;
	_ =	strace $0x8000004B  }
0xc2: {  	_ =	swait.ge [sflag:s29], $0x1  }
0xc3: {  	[sflag:s29] =	ssyncadd.s32 $0xFFFFFFFF  }
0xc4: {  	_ =	strace $0x9000004B  }
0xc5: {  	_ =	sfence  }
0xc6: {  	s30 =	sld [smem:$0x0];
	_ =	sdelay $0x2  }
0xc7: {  	s31 =	sshll.u32 s1, $0xD;
	s1 =	sshrl.u32 s1, $0x2  }
0xc8: {  	s4 =	sand.u32 $0x4000, s31;
	s1 =	sadd.s32 s1, s30  }
0xc9: {  	s0 =	sor.u32 s4, s0;
	s1 =	sshll.u32 s1, $0x11  }
0xca: {  	s0 =	sor.u32 s1, s0  }
0xcb: {  	s0 =	sadd.s32 $0x8F2B, s0  }
0xcc: {  	[sflag:s0] =	ssyncadd.remote.s32 $0x1  }
0xcd: {  	_ =	sfence.sel $0xFFFF  }
0xce: {  	[dreg:$0x0] =	wrdreg $0xFFFFFFFF;
	(pc) =	sbr.abs _section_cstart, $3  }
0xcf: {  	[dreg:$0x1] =	wrdreg $0xFFFFFFFF  }
0xd0: {  	_ =	task.clear_ibuf [dreg:s22], $0x2FFFF;
	_ =	strace $0x9FFFFFFF  }
0xd1: {  	(tm) =	ssettm $0x7FFFFFFF  }
tec
execute0_lowered:
.L_overlay_start_1:
0x0: {  	(tag) =	ssettag $0x1  }
0x1: {  	s0 =	rddreg [dreg:$0x0];
	s1 =	srdreg.scid  }
0x2: {  	s2 =	rddreg [dreg:$0x1];
	s11 =	stileid.u32  }
0x3: {  	s3 =	simm.s32 $0x0;
	s28 =	simm.s32 $0x2;
	s29 =	simm.s32 $0x3  }
0x4: {  	s30 =	simm.s32 $0x4;
	s31 =	simm.s32 $0x5;
	s6 =	smul.u32 $0x13C00, s11  }
0x5: {  	s1 =	sand.u32 $0x1, s1;
	[smem:$0x7FF] =	sst s3;
	s18 =	smul.u32 $0x4F000, s11  }
0x6: {  	s4 =	sadd.s32 $0x6D000, s0;
	s9 =	sadd.s32 $0x4200, s0;
	s8 =	smul.u32 $0xB700, s11  }
0x7: {  	s7 =	sadd.s32 $0x1B000, s0;
	s21 =	sshll.u32 s11, $0x6;
	s24 =	smul.u32 $0x16E0, s11  }
0x8: {  	s5 =	smul.u32 $0x13C000, s1;
	_ =	strace $0x8000004A;
	s19 =	ssub.s32 $0x2, s1  }
0x9: {  	[dreg:$0x3] =	wrdreg s7;
	s7 =	sshll.u32 s1, $0x7;
	s20 =	sshrl.u32 s19, $0x1  }
0xa: {  	s8 =	sshrl.u32 s8, $0x3;
	s1 =	sor.u32 $0x13F00, s7;
	s22 =	sor.u32 $0x14000, s7  }
0xb: {  	s23 =	sor.u32 $0x14100, s7;
	s15 =	sxor.u32 $0x13C80, s7;
	s16 =	sxor.u32 $0x13D80, s7  }
0xc: {  	s17 =	sxor.u32 $0x13E80, s7;
	s5 =	sadd.s32 s6, s5;
	[dreg:$0x4] =	wrdreg s1  }
0xd: {  	s6 =	sshrl.u32 s18, $0x2;
	s8 =	sadd.s32 s9, s8;
	[dreg:$0x5] =	wrdreg s22  }
0xe: {  	[dreg:$0x6] =	wrdreg s23;
	s22 =	simm.s32 $0x70;
	s23 =	simm.s32 $0x14200  }
0xf: {  	s1 =	simm.s32 $0x0;
	s5 =	sshrl.u32 s5, $0x3;
	s10 =	sadd.s32 s6, s2  }
0x10: {  	s6 =	sor.u32 $0x1C07, s21;
	s26 =	sadd.s32 $0x1680, s8;
	s21 =	simm.s32 $0x13F00  }
0x11: {  	s0 =	sadd.s32 s5, s0;
	s5 =	ssub.s32 s19, s20;
	[dreg:$0x9] =	wrdreg s26  }
0x12: {  	s19 =	sshrl.u32 s10, $0x3;
	s20 =	simm.s32 $0x7;
	s0 =	sadd.s32 $0x94800, s0  }
0x13: {  	s26 =	simm.s32 $0x1;
	s25 =	smax.u32 s5, $0x1;
	[dreg:$0x7] =	wrdreg s0  }
0x14: {  	[dreg:$0x8] =	wrdreg s25;
	s0 =	sadd.s32 s24, s9;
	s24 =	simm.s32 $0x17A00  }
0x15: {  	s25 =	simm.s32 $0x1B200;
	s18 =	sadd.s32 $0x60, s0;
	s0 =	simm.s32 $0x6  }
.LBB2_1:
0x16: {  	s5 =	rddreg [dreg:$0x3]  }
0x17: {  	[spmem:s19], [sflag:s6] =	dma.local [hbm:s5], $0x2780  }
0x18: {  	_ =	swait.ge [sflag:s20], $0x2780  }
0x19: {  	[sflag:s20] =	ssyncset.done $0x0  }
0x1a: {  	[sflag:s20] =	ssyncadd.s32 $0xFFFFD880  }
0x1b: {  	[bflag:$0x0] =	sbarrier.arrive $0xFFFF  }
0x1c: {  	[tilespmem:s21], [sflag:$0x7] =	stream.linear.gather [hbm4b:s8+s3], $0x300, $0x38;
	[tilespmem:$0x1EA00] =	vst v63  }
0x1d: {  	_ =	swait.ge [sflag:s20], $0x300  }
0x1e: {  	[sflag:s20] =	ssyncset.done $0x0  }
0x1f: {  	s11 =	sand.u32 $0x1, s3;
	s9 =	rddreg [dreg:$0x4];
	[sflag:s20] =	ssyncadd.s32 $0xFFFFFD00  }
0x20: {  	[tilespmem:s23], [sflag:$0x1] =	stream.indirect.gather [hbm4b:s4+s22], $0x80, s9, s22, $0xb8;
	[tilespmem:$0x1EA00] =	vst v63  }
0x21: {  	s10 =	rddreg [dreg:$0x5];
	s9 =	smul.u32 $0xC00, s11  }
0x22: {  	[tilespmem:s24], [sflag:$0x2] =	stream.indirect.gather [hbm4b:s4+s22], $0x80, s10, s22, $0xb8;
	[tilespmem:$0x1EA00] =	vst v63  }
0x23: {  	s10 =	rddreg [dreg:$0x6];
	s9 =	sshrl.u32 s9, $0x2  }
0x24: {  	[tilespmem:s25], [sflag:$0x3] =	stream.indirect.gather [hbm4b:s4+s22], $0x80, s10, s22, $0xb8;
	[tilespmem:$0x1EA00] =	vst v63  }
0x25: {  	s9 =	sor.u32 $0x13C00, s9  }
0x26: {  	[tilespmem:s9], [sflag:$0x7] =	stream.linear.gather [hbm4b:s18+s3], $0x300, $0x38;
	[tilespmem:$0x1EA00] =	vst v63  }
0x27: {  	_ =	swait.ge [sflag:s20], $0x300  }
0x28: {  	s5 =	sxor.u32 $0x1, s11;
	[sflag:s20] =	ssyncset.done $0x0  }
0x29: {  	s5 =	smul.u32 $0x300, s5;
	[sflag:s20] =	ssyncadd.s32 $0xFFFFFD00  }
0x2a: {  	_ =	swait.ge [sflag:s26], $0x3800  }
0x2b: {  	s5 =	ssub.s32 s5, s7;
	[sflag:s26] =	ssyncset.done $0x0  }
0x2c: {  	s12 =	sadd.s32 $0x13C80, s5;
	[sflag:s26] =	ssyncadd.s32 $0xFFFFC800  }
0x2d: {  	[spmem:s2] =	stream.indirect.scatter.add.f32 [tilespmem:s23], [sflag:$0x4], $0x80, s12, s22, $0xb8;
	[tilespmem:$0x1EA00] =	vst v63  }
0x2e: {  	_ =	swait.ge [sflag:s28], $0x3800  }
0x2f: {  	[sflag:s28] =	ssyncset.done $0x0  }
0x30: {  	s13 =	sadd.s32 $0x13D80, s5;
	[sflag:s28] =	ssyncadd.s32 $0xFFFFC800  }
0x31: {  	[spmem:s2] =	stream.indirect.scatter.add.f32 [tilespmem:s24], [sflag:$0x5], $0x80, s13, s22, $0xb8;
	[tilespmem:$0x1EA00] =	vst v63  }
0x32: {  	_ =	swait.ge [sflag:s29], $0x3800  }
0x33: {  	[sflag:s29] =	ssyncset.done $0x0  }
0x34: {  	s5 =	sadd.s32 $0x13E80, s5;
	[sflag:s29] =	ssyncadd.s32 $0xFFFFC800  }
0x35: {  	[spmem:s2] =	stream.indirect.scatter.add.f32 [tilespmem:s25], [sflag:$0x6], $0x80, s5, s22, $0xb8;
	[tilespmem:$0x1EA00] =	vst v63  }
0x36: {  	_ =	swait.ge [sflag:s30], $0x3800  }
0x37: {  	[sflag:s30] =	ssyncset.done $0x0  }
0x38: {  	s11 =	sor.u32 s7, s9;
	[sflag:s30] =	ssyncadd.s32 $0xFFFFC800  }
0x39: {  	[tilespmem:s23], [sflag:$0x1] =	stream.indirect.gather [hbm4b:s4+s22], $0x80, s11, s22, $0xb8;
	[tilespmem:$0x1EA00] =	vst v63  }
0x3a: {  	s14 =	simm.s32 $0x1;
	_ =	swait.ge [sflag:s31], $0x3800  }
0x3b: {  	s10 =	sand.u32 $0x1, s14;
	s9 =	simm.s32 $0x2;
	[sflag:s31] =	ssyncset.done $0x0  }
0x3c: {  	s12 =	sadd.s32 $0x100, s11;
	s13 =	sadd.s32 $0x200, s11;
	[sflag:s31] =	ssyncadd.s32 $0xFFFFC800  }
0x3d: {  	[tilespmem:s24], [sflag:$0x2] =	stream.indirect.gather [hbm4b:s4+s22], $0x80, s12, s22, $0xb8;
	[tilespmem:$0x1EA00] =	vst v63  }
0x3e: {  	s12 =	smul.u32 $0xC00, s10;
	s10 =	sxor.u32 $0x1, s10;
	_ =	swait.ge [sflag:s0], $0x3800  }
0x3f: {  	s5 =	sadd.s32 $0x60, s18;
	s10 =	smul.u32 $0x300, s10;
	[sflag:s0] =	ssyncset.done $0x0  }
.LBB2_2:
0x40: {  	s12 =	sshrl.u32 s12, $0x2  }
0x41: {  	[sflag:s0] =	ssyncadd.s32 $0xFFFFC800;
	s14 =	smov.u32 s9;
	s11 =	sadd.s32 $0x1, s9  }
0x42: {  	[tilespmem:s25], [sflag:$0x3] =	stream.indirect.gather [hbm4b:s4+s22], $0x80, s13, s22, $0xb8;
	[tilespmem:$0x1EA00] =	vst v63  }
0x43: {  	p0 =	sne.s32 s9, $0x3A;
	s9 =	sor.u32 $0x13C00, s12;
	s10 =	ssub.s32 s10, s7  }
0x44: {  	[tilespmem:s9], [sflag:$0x7] =	stream.linear.gather [hbm4b:s5+s3], $0x300, $0x38;
	[tilespmem:$0x1EA00] =	vst v63  }
0x45: {  	_ =	swait.ge [sflag:s20], $0x300  }
0x46: {  	[sflag:s20] =	ssyncset.done $0x0  }
0x47: {  	[sflag:s20] =	ssyncadd.s32 $0xFFFFFD00  }
0x48: {  	_ =	swait.ge [sflag:s26], $0x3800  }
0x49: {  	[sflag:s26] =	ssyncset.done $0x0  }
0x4a: {  	s12 =	sadd.s32 $0x13C80, s10;
	[sflag:s26] =	ssyncadd.s32 $0xFFFFC800  }
0x4b: {  	[spmem:s2] =	stream.indirect.scatter.add.f32 [tilespmem:s23], [sflag:$0x4], $0x80, s12, s22, $0xb8;
	[tilespmem:$0x1EA00] =	vst v63  }
0x4c: {  	_ =	swait.ge [sflag:s28], $0x3800  }
0x4d: {  	[sflag:s28] =	ssyncset.done $0x0  }
0x4e: {  	s12 =	sadd.s32 $0x13D80, s10;
	[sflag:s28] =	ssyncadd.s32 $0xFFFFC800  }
0x4f: {  	[spmem:s2] =	stream.indirect.scatter.add.f32 [tilespmem:s24], [sflag:$0x5], $0x80, s12, s22, $0xb8;
	[tilespmem:$0x1EA00] =	vst v63  }
0x50: {  	_ =	swait.ge [sflag:s29], $0x3800  }
0x51: {  	[sflag:s29] =	ssyncset.done $0x0  }
0x52: {  	s10 =	sadd.s32 $0x13E80, s10;
	[sflag:s29] =	ssyncadd.s32 $0xFFFFC800  }
0x53: {  	[spmem:s2] =	stream.indirect.scatter.add.f32 [tilespmem:s25], [sflag:$0x6], $0x80, s10, s22, $0xb8;
	[tilespmem:$0x1EA00] =	vst v63  }
0x54: {  	_ =	swait.ge [sflag:s30], $0x3800  }
0x55: {  	[sflag:s30] =	ssyncset.done $0x0  }
0x56: {  	s9 =	sor.u32 s7, s9;
	[sflag:s30] =	ssyncadd.s32 $0xFFFFC800  }
0x57: {  	[tilespmem:s23], [sflag:$0x1] =	stream.indirect.gather [hbm4b:s4+s22], $0x80, s9, s22, $0xb8;
	[tilespmem:$0x1EA00] =	vst v63  }
0x58: {  	s5 =	sadd.s32 $0x60, s5;
	_ =	swait.ge [sflag:s31], $0x3800  }
.Ltmp0:
0x59: {  	s13 =	sadd.s32 $0x200, s9;
	[sflag:s31] =	ssyncset.done $0x0;
	(pc) =	sbr.rel @p0 .LBB2_2-.Ltmp0, $4  }
0x5a: {  	s12 =	sadd.s32 $0x100, s9;
	s10 =	sand.u32 $0x1, s14;
	[sflag:s31] =	ssyncadd.s32 $0xFFFFC800  }
0x5b: {  	[tilespmem:s24], [sflag:$0x2] =	stream.indirect.gather [hbm4b:s4+s22], $0x80, s12, s22, $0xb8;
	[tilespmem:$0x1EA00] =	vst v63  }
0x5c: {  	s12 =	smul.u32 $0xC00, s10;
	s10 =	sxor.u32 $0x1, s10;
	_ =	swait.ge [sflag:s0], $0x3800  }
0x5d: {  	s9 =	smov.u32 s11;
	s10 =	smul.u32 $0x300, s10;
	[sflag:s0] =	ssyncset.done $0x0  }
0x5e: {  	[sflag:s0] =	ssyncadd.s32 $0xFFFFC800;
	s9 =	sshrl.u32 s12, $0x2  }
0x5f: {  	[tilespmem:s25], [sflag:$0x3] =	stream.indirect.gather [hbm4b:s4+s22], $0x80, s13, s22, $0xb8;
	[tilespmem:$0x1EA00] =	vst v63  }
0x60: {  	s9 =	sor.u32 $0x13C00, s9  }
0x61: {  	[tilespmem:s9], [sflag:$0x7] =	stream.linear.gather [hbm4b:s5+s3], $0x300, $0x38;
	[tilespmem:$0x1EA00] =	vst v63  }
0x62: {  	_ =	swait.ge [sflag:s20], $0x300  }
0x63: {  	[sflag:s20] =	ssyncset.done $0x0  }
0x64: {  	[sflag:s20] =	ssyncadd.s32 $0xFFFFFD00  }
0x65: {  	_ =	swait.ge [sflag:s26], $0x3800  }
0x66: {  	s13 =	ssub.s32 s10, s7;
	[sflag:s26] =	ssyncset.done $0x0  }
0x67: {  	s10 =	sadd.s32 $0x13C80, s13;
	[sflag:s26] =	ssyncadd.s32 $0xFFFFC800  }
0x68: {  	[spmem:s2] =	stream.indirect.scatter.add.f32 [tilespmem:s23], [sflag:$0x4], $0x80, s10, s22, $0xb8;
	[tilespmem:$0x1EA00] =	vst v63  }
0x69: {  	_ =	swait.ge [sflag:s28], $0x3800  }
0x6a: {  	[sflag:s28] =	ssyncset.done $0x0  }
0x6b: {  	s14 =	sadd.s32 $0x13D80, s13;
	[sflag:s28] =	ssyncadd.s32 $0xFFFFC800  }
0x6c: {  	[spmem:s2] =	stream.indirect.scatter.add.f32 [tilespmem:s24], [sflag:$0x5], $0x80, s14, s22, $0xb8;
	[tilespmem:$0x1EA00] =	vst v63  }
0x6d: {  	_ =	swait.ge [sflag:s29], $0x3800  }
0x6e: {  	[sflag:s29] =	ssyncset.done $0x0  }
0x6f: {  	s5 =	sadd.s32 $0x13E80, s13;
	[sflag:s29] =	ssyncadd.s32 $0xFFFFC800  }
0x70: {  	[spmem:s2] =	stream.indirect.scatter.add.f32 [tilespmem:s25], [sflag:$0x6], $0x80, s5, s22, $0xb8;
	[tilespmem:$0x1EA00] =	vst v63  }
0x71: {  	_ =	swait.ge [sflag:s30], $0x3800  }
0x72: {  	[sflag:s30] =	ssyncset.done $0x0  }
0x73: {  	s11 =	sor.u32 s7, s9;
	[sflag:s30] =	ssyncadd.s32 $0xFFFFC800  }
0x74: {  	[tilespmem:s23], [sflag:$0x1] =	stream.indirect.gather [hbm4b:s4+s22], $0x80, s11, s22, $0xb8;
	[tilespmem:$0x1EA00] =	vst v63  }
0x75: {  	_ =	swait.ge [sflag:s31], $0x3800  }
0x76: {  	[sflag:s31] =	ssyncset.done $0x0  }
0x77: {  	s9 =	sadd.s32 $0x100, s11;
	[sflag:s31] =	ssyncadd.s32 $0xFFFFC800  }
0x78: {  	[tilespmem:s24], [sflag:$0x2] =	stream.indirect.gather [hbm4b:s4+s22], $0x80, s9, s22, $0xb8;
	[tilespmem:$0x1EA00] =	vst v63  }
0x79: {  	_ =	swait.ge [sflag:s0], $0x3800  }
0x7a: {  	[sflag:s0] =	ssyncset.done $0x0  }
0x7b: {  	s5 =	sadd.s32 $0x200, s11;
	[sflag:s0] =	ssyncadd.s32 $0xFFFFC800  }
0x7c: {  	[tilespmem:s25], [sflag:$0x3] =	stream.indirect.gather [hbm4b:s4+s22], $0x80, s5, s22, $0xb8;
	[tilespmem:$0x1EA00] =	vst v63  }
0x7d: {  	s12 =	rddreg [dreg:$0x9]  }
0x7e: {  	[tilespmem:s21], [sflag:$0x7] =	stream.linear.gather [hbm4b:s12+s3], $0x300, $0x38;
	[tilespmem:$0x1EA00] =	vst v63  }
0x7f: {  	_ =	swait.ge [sflag:s20], $0x300  }
0x80: {  	[sflag:s20] =	ssyncset.done $0x0  }
0x81: {  	[sflag:s20] =	ssyncadd.s32 $0xFFFFFD00  }
0x82: {  	_ =	swait.ge [sflag:s26], $0x3800  }
0x83: {  	[sflag:s26] =	ssyncset.done $0x0  }
0x84: {  	[sflag:s26] =	ssyncadd.s32 $0xFFFFC800  }
0x85: {  	[spmem:s2] =	stream.indirect.scatter.add.f32 [tilespmem:s23], [sflag:$0x4], $0x80, s15, s22, $0xb8;
	[tilespmem:$0x1EA00] =	vst v63  }
0x86: {  	_ =	swait.ge [sflag:s28], $0x3800  }
0x87: {  	[sflag:s28] =	ssyncset.done $0x0  }
0x88: {  	[sflag:s28] =	ssyncadd.s32 $0xFFFFC800  }
0x89: {  	[spmem:s2] =	stream.indirect.scatter.add.f32 [tilespmem:s24], [sflag:$0x5], $0x80, s16, s22, $0xb8;
	[tilespmem:$0x1EA00] =	vst v63  }
0x8a: {  	_ =	swait.ge [sflag:s29], $0x3800  }
0x8b: {  	[sflag:s29] =	ssyncset.done $0x0  }
0x8c: {  	[sflag:s29] =	ssyncadd.s32 $0xFFFFC800  }
0x8d: {  	[spmem:s2] =	stream.indirect.scatter.add.f32 [tilespmem:s25], [sflag:$0x6], $0x80, s17, s22, $0xb8;
	[tilespmem:$0x1EA00] =	vst v63  }
0x8e: {  	_ =	swait.ge [sflag:s30], $0x3800  }
0x8f: {  	[sflag:s30] =	ssyncset.done $0x0  }
0x90: {  	[sflag:s30] =	ssyncadd.s32 $0xFFFFC800  }
0x91: {  	_ =	swait.ge [sflag:s31], $0x3800  }
0x92: {  	[sflag:s31] =	ssyncset.done $0x0  }
0x93: {  	[sflag:s31] =	ssyncadd.s32 $0xFFFFC800  }
0x94: {  	_ =	swait.ge [sflag:s0], $0x3800  }
0x95: {  	[sflag:s0] =	ssyncset.done $0x0  }
0x96: {  	[sflag:s0] =	ssyncadd.s32 $0xFFFFC800  }
0x97: {  	[bflag:$0x0] =	sbarrier.arrive $0xFFFF  }
0x98: {  	s13 =	rddreg [dreg:$0x7]  }
0x99: {  	[hbm:s13], [sflag:s6] =	dma.local [spmem:s19], $0x2780  }
0x9a: {  	_ =	swait.ge [sflag:s20], $0x2780  }
0x9b: {  	s1 =	sadd.s32 $0x1, s1;
	s14 =	rddreg [dreg:$0x8]  }
0x9c: {  	p0 =	sne.s32 s1, s14  }
.Ltmp1:
0x9d: {  	_ = 	snop;
	(pc) =	sbr.rel @p0 .LBB2_1-.Ltmp1, $3  }
0x9e: {  	_ =	sdelay $0x1  }
0x9f: {  	[sflag:s20] =	ssyncset.done $0x0  }
0xa0: {  	[sflag:s20] =	ssyncadd.s32 $0xFFFFD880  }
0xa1: {  	_ =	sfence.sel $0x180000  }
0xa2: {  	[bflag:$0x0] =	sbarrier.arrive $0xFFFF  }
0xa3: {  	_ =	strace $0x9000004A  }
0xa4: {  	s0 =	stileid.u32;
	[bflag:$0x2] =	sbarrier.arrive $0xFFFF  }
0xa5: {  	p0 =	sne.s32 s0, $0x0;
	s0 =	rddreg [dreg:$0x2]  }
0xa6: {  	s0 =	sadd.s32 @!p0 $0x100000, s0  }
0xa7: {  	[sflag:s0] =	ssyncadd.tile.s32 @!p0 $0x1;
	_ =	shalt  }
.Lfunc_end2:
_tile_overlayer_lowered:
.L_overlay_start_2:
0xa8: {  	(tag) =	ssettag $0x2  }
0xa9: {  	s0 =	rddreg [dreg:$0x0];
	s2 =	stileid.u32  }
0xaa: {  	s1 =	rddreg [dreg:$0x1];
	p0 =	sne.s32 s2, $0x0  }
0xab: {  	s3 =	rddreg [dreg:$0x2];
	[bflag:$0x3] =	sbarrier.arrive $0xFFFF;
	s2 =	simm.s32 @!p0 $0x1C07  }
0xac: {  	[timem:s3], [sflag:s2] =	dma.local @!p0 [hbm:s0], s1  }
0xad: {  	s0 =	simm.s32 @!p0 $0x7  }
0xae: {  	_ =	swait.ge @!p0 [sflag:s0], s1  }
0xaf: {  	s1 =	ssub.s32 @!p0 $0x0, s1;
	[sflag:s0] =	ssyncset.done @!p0 $0x0  }
0xb0: {  	[sflag:s0] =	ssyncadd.s32 @!p0 s1  }
0xb1: {  	[bflag:$0x3] =	sbarrier.arrive $0xFFFF  }
0xb2: {  	_ =	shalt  }

// kernel: kernel.18.cloned.1.call-start
scs
__scs_entry_jumppad:
0x0: {  	(pc) =	sbr.rel $0x88, $3  }
0x1: {  	(tag) =	ssettag $0x0;
	lr =	simm.s32 $0x1  }
0x2: {  	[smem:$0x3F98] =	sst lr;
	_ =	strace $0xD0000000  }
0x3: {  	_ = 	snop  }
0x4: {  	_ = 	snop  }
0x5: {  	_ = 	snop  }
0x6: {  	_ = 	snop  }
0x7: {  	_ = 	snop  }
__scs_overlays_trampoline_lowered:
0x8: {  	[smem:$0x3FA7] =	sst s0  }
0x9: {  	[smem:$0x3FA8] =	sst s1  }
0xa: {  	[smem:$0x3FA9] =	sst s2  }
0xb: {  	[smem:$0x3FAA] =	sst s3  }
0xc: {  	[smem:$0x3FAB] =	sst s4  }
0xd: {  	[smem:$0x3FAC] =	sst s5  }
0xe: {  	[smem:$0x3FAD] =	sst s6  }
0xf: {  	[smem:$0x3FAE] =	sst s7  }
0x10: {  	[smem:$0x3FAF] =	sst s8  }
0x11: {  	[smem:$0x3FB0] =	sst s9;
	s0 =	simm.s32 @!p0 $0x0  }
0x12: {  	s1 =	sld [smem:$0x3F96];
	s0 =	simm.s32 @p0 $0x1  }
0x13: {  	[smem:$0x3FB1] =	sst s0;
	s0 =	simm.s32 @!p1 $0x0  }
0x14: {  	s2 =	sld [smem:$0x3F95];
	s0 =	simm.s32 @p1 $0x1  }
0x15: {  	[smem:$0x3FB2] =	sst s0;
	s0 =	simm.s32 @!p2 $0x0  }
0x16: {  	s3 =	sld [smem:$0x3FDB];
	s0 =	simm.s32 @p2 $0x1  }
0x17: {  	s4 =	simm.s32 $0x1BF5;
	[smem:$0x3FB4] =	sst s0  }
0x18: {  	s0 =	sld [smem:$0x3F97];
	_ =	swait.ge [sflag:s4], $0x0  }
0x19: {  	s7 =	sld [smem:$0x3F98]  }
0x1a: {  	s8 =	sadd.s32 $0xFFFFE003, lr  }
0x1b: {  	s9 =	sadd.s32 $0xFFFFFEF7, lr;
	s5 =	simm.s32 $0xFFFFFFFF;
	p2 =	slt.u32 s8, $0xFFFFF086  }
0x1c: {  	p1 =	slt.u32 s9, $0xF7A;
	s5 =	simm.s32 @!p2 $0x0  }
0x1d: {  	s5 =	simm.s32 @p1 $0x1;
	p0 =	seq.s32 s7, s2  }
0x1e: {  	s7 =	smul.u32 @!p0 $0xF7A, s2;
	p2 =	seq.s32 @!p0 s5, $0x0  }
0x1f: {  	s9 =	smul.u32 $0xF7A, s1;
	s8 =	simm.s32 @!p0 $0x1BF5;
	p2 =	por !p2, p0  }
0x20: {  	[sflag:s8] =	ssyncset.s32 @!p0 $0xFFFFF086;
	s6 =	sadd.s32 @!p0 s3, s7;
	s7 =	simm.s32 @!p0 $0x108  }
0x21: {  	s3 =	sadd.s32 s3, s9;
	s6 =	sadd.s32 @!p0 $0x88, s6;
	s7 =	simm.s32 @p2 $0x1082  }
0x22: {  	[simem:s7], [sflag:s8] =	dma.local @!p0 [hbm:s6], $0xF7A  }
0x23: {  	s9 =	sor.u32 $0xD0000000, s2;
	s6 =	simm.s32 $0x108;
	_ =	swait.ge @!p0 [sflag:s8], $0x0  }
0x24: {  	s3 =	sadd.s32 $0x88, s3;
	s6 =	simm.s32 @!p1 $0x1082;
	[sflag:s4] =	ssyncset.s32 $0xFFFFF086  }
0x25: {  	[simem:s6], [sflag:s4] =	dma.local [hbm:s3], $0xF7A  }
0x26: {  	[smem:$0x3F98] =	sst s1;
	(tag) =	ssettag s2;
	_ =	strace s9  }
0x27: {  	s1 =	sld [smem:$0x3FA8]  }
0x28: {  	s2 =	sld [smem:$0x3FA9]  }
0x29: {  	s4 =	sld [smem:$0x3FAB]  }
0x2a: {  	p0 =	seq.s32 s5, $0x0;
	s5 =	sld [smem:$0x3FAC]  }
0x2b: {  	s6 =	sld [smem:$0x3FAD]  }
0x2c: {  	s7 =	sld [smem:$0x3FAE]  }
0x2d: {  	s3 =	simm.s32 $0x108;
	s8 =	sld [smem:$0x3FAF]  }
0x2e: {  	s3 =	simm.s32 @!p0 $0x1082;
	s9 =	sld [smem:$0x3FB0]  }
0x2f: {  	lr =	sadd.s32 s0, s3;
	s0 =	sld [smem:$0x3FA7]  }
0x30: {  	s3 =	sld [smem:$0x3FAA]  }
0x31: {  	[smem:$0x3FB3] =	sst s10  }
0x32: {  	s10 =	sld [smem:$0x3FB1];
	_ =	sdelay $0x3  }
0x33: {  	p0 =	seq.s32 s10, $0x1;
	s10 =	sld [smem:$0x3FB3];
	_ =	sdelay $0x3  }
0x34: {  	[smem:$0x3FB3] =	sst s10  }
0x35: {  	s10 =	sld [smem:$0x3FB2];
	_ =	sdelay $0x3  }
0x36: {  	p1 =	seq.s32 s10, $0x1;
	s10 =	sld [smem:$0x3FB3];
	_ =	sdelay $0x3  }
0x37: {  	[smem:$0x3FB3] =	sst s10  }
0x38: {  	s10 =	sld [smem:$0x3FB4]  }
0x39: {  	_ = 	snop;
	(pc) =	sbr.ind lr, $3  }
0x3a: {  	_ = 	snop  }
0x3b: {  	_ = 	snop  }
0x3c: {  	p2 =	seq.s32 s10, $0x1;
	s10 =	sld [smem:$0x3FB3]  }
0x3d: {  	_ =	shalt  }
0x3e: {  	_ =	shalt  }
0x3f: {  	_ =	shalt  }
0x40: {  	_ =	shalt  }
0x41: {  	_ =	shalt  }
0x42: {  	_ =	shalt  }
0x43: {  	_ =	shalt  }
0x44: {  	_ =	shalt  }
0x45: {  	_ =	shalt  }
0x46: {  	_ =	shalt  }
0x47: {  	_ =	shalt  }
0x48: {  	_ =	shalt  }
0x49: {  	_ =	shalt  }
0x4a: {  	_ =	shalt  }
0x4b: {  	_ =	shalt  }
0x4c: {  	_ =	shalt  }
0x4d: {  	_ =	shalt  }
0x4e: {  	_ =	shalt  }
0x4f: {  	_ =	shalt  }
0x50: {  	_ =	shalt  }
0x51: {  	_ =	shalt  }
0x52: {  	_ =	shalt  }
0x53: {  	_ =	shalt  }
0x54: {  	_ =	shalt  }
0x55: {  	_ =	shalt  }
0x56: {  	_ =	shalt  }
0x57: {  	_ =	shalt  }
0x58: {  	_ =	shalt  }
0x59: {  	_ =	shalt  }
0x5a: {  	_ =	shalt  }
0x5b: {  	_ =	shalt  }
0x5c: {  	_ =	shalt  }
0x5d: {  	_ =	shalt  }
0x5e: {  	_ =	shalt  }
0x5f: {  	_ =	shalt  }
0x60: {  	_ =	shalt  }
0x61: {  	_ =	shalt  }
0x62: {  	_ =	shalt  }
0x63: {  	_ =	shalt  }
0x64: {  	_ =	shalt  }
0x65: {  	_ =	shalt  }
0x66: {  	_ =	shalt  }
0x67: {  	_ =	shalt  }
0x68: {  	_ =	shalt  }
0x69: {  	_ =	shalt  }
0x6a: {  	_ =	shalt  }
0x6b: {  	_ =	shalt  }
0x6c: {  	_ =	shalt  }
0x6d: {  	_ =	shalt  }
0x6e: {  	_ =	shalt  }
0x6f: {  	_ =	shalt  }
0x70: {  	_ =	shalt  }
0x71: {  	_ =	shalt  }
0x72: {  	_ =	shalt  }
0x73: {  	_ =	shalt  }
0x74: {  	_ =	shalt  }
0x75: {  	_ =	shalt  }
0x76: {  	_ =	shalt  }
0x77: {  	_ =	shalt  }
0x78: {  	_ =	shalt  }
0x79: {  	_ =	shalt  }
0x7a: {  	_ =	shalt  }
0x7b: {  	_ =	shalt  }
0x7c: {  	_ =	shalt  }
0x7d: {  	_ =	shalt  }
0x7e: {  	_ =	shalt  }
0x7f: {  	_ =	shalt  }
0x80: {  	_ =	shalt  }
0x81: {  	_ =	shalt  }
0x82: {  	_ =	shalt  }
0x83: {  	_ =	shalt  }
0x84: {  	_ =	shalt  }
0x85: {  	_ =	shalt  }
0x86: {  	_ =	shalt  }
0x87: {  	_ =	shalt  }
.Lfunc_end0:
.L_simem_size_0:
called_computation.2_lowered:
.L_overlay_start_0:
0x88: {  	s2 =	sld [smem:$0x3FD9]  }
0x89: {  	s3 =	sld [smem:$0x3FFE];
	_ =	sdelay $0x1  }
0x8a: {  	s1 =	srdreg.scid  }
0x8b: {  	s0 =	sand.u32 $0x1, s1  }
0x8c: {  	s16 =	sshll.u32 s0, $0xA;
	s2 =	sadd.s32 s3, s2  }
0x8d: {  	s2 =	sadd.s32 s2, s16  }
0x8e: {  	[smem:$0x3FBF] =	sst s2  }
0x8f: {  	_ = 	snop  }
0x90: {  	(tm) =	ssettm $0x1  }
0x91: {  	s17 =	sld [smem:$0x3FFB];
	_ =	sdelay $0x3  }
0x92: {  	_ =	strace s17  }
0x93: {  	s2 =	sld [smem:$0x3FFC];
	_ =	sdelay $0x3  }
0x94: {  	_ =	strace s2  }
0x95: {  	s2 =	sld [smem:$0x3FFD];
	_ =	sdelay $0x3  }
0x96: {  	_ =	strace s2  }
0x97: {  	_ =	strace $0x8FFFFFFF  }
0x98: {  	s18 =	sld [smem:$0x3FDB];
	_ =	sdelay $0x1  }
0x99: {  	s19 =	simm.s32 $_scs_section_size  }
0x9a: {  	s4 =	simm.s32 $_size__tile_overlayer_lowered;
	s5 =	simm.s32 $_tile_overlayer_lowered  }
0x9b: {  	s22 =	simm.s32 $0x1BFF;
	s21 =	sshll.u32 s5, $0x1;
	s2 =	sadd.s32 s19, s18  }
0x9c: {  	s6 =	simm.s32 $0x0;
	s20 =	sshll.u32 s4, $0x1;
	s4 =	sadd.s32 s21, s2  }
0x9d: {  	[timem:s6], [sflag:s22] =	dma.local [hbm:s4], s20  }
0x9e: {  	_ =	swait.ge [sflag:s22], s20  }
0x9f: {  	s3 =	ssub.s32 $0x0, s20;
	[sflag:s22] =	ssyncset.done $0x0  }
0xa0: {  	[sflag:s22] =	ssyncadd.s32 s3;
	_ =	sdelay $0x1  }
0xa1: {  	s23 =	simm.s32 $0x1B8B  }
0xa2: {  	_ =	swait.ge [sflag:s23], $0x1  }
0xa3: {  	[sflag:s23] =	ssyncset.done $0x0  }
0xa4: {  	s25 =	simm.s32 $0x1B8E;
	s24 =	sld [smem:$0x3FFE];
	[sflag:s23] =	ssyncadd.s32 $0xFFFFFFFF  }
0xa5: {  	s26 =	simm.s32 $execute0_lowered;
	[smem:$0x3FD2] =	sst s25  }
0xa6: {  	s4 =	sshll.u32 s26, $0x1;
	_ =	strace $0x8000004C;
	[dreg:$0x1] =	wrdreg $0xFFFFFFFF  }
0xa7: {  	s28 =	simm.s32 $_size_execute0_lowered;
	s2 =	sadd.s32 s2, s4;
	[dreg:$0x0] =	wrdreg $0x0  }
0xa8: {  	s4 =	sshll.u32 s28, $0x1;
	[dreg:$0x2] =	wrdreg s2  }
0xa9: {  	[dreg:$0x3] =	wrdreg s4  }
0xaa: {  	[dreg:$0x4] =	wrdreg $0xC0  }
0xab: {  	_ =	task [dreg:s6], $0x5FFFF  }
0xac: {  	[dreg:$0x1] =	wrdreg $0xFFFFFFFF  }
0xad: {  	[dreg:$0x0] =	wrdreg $0x60  }
0xae: {  	[dreg:$0x2] =	wrdreg s24  }
0xaf: {  	[dreg:$0x3] =	wrdreg $0x0  }
0xb0: {  	[dreg:$0x4] =	wrdreg $0x9  }
0xb1: {  	_ =	task.clear_ibuf [dreg:s6], $0x5FFFF;
	_ =	strace $0x9000004C  }
0xb2: {  	s29 =	simm.s32 $0x9;
	_ =	strace $0x8000004E  }
0xb3: {  	_ =	swait.ge [sflag:s29], $0x1  }
0xb4: {  	[sflag:s29] =	ssyncadd.s32 $0xFFFFFFFF  }
0xb5: {  	_ =	strace $0x9000004E  }
0xb6: {  	_ =	sfence  }
0xb7: {  	s30 =	sld [smem:$0x0];
	_ =	sdelay $0x2  }
0xb8: {  	s31 =	sshll.u32 s1, $0xD;
	s1 =	sshrl.u32 s1, $0x2  }
0xb9: {  	s3 =	sand.u32 $0x4000, s31;
	s1 =	sadd.s32 s1, s30  }
0xba: {  	s0 =	sor.u32 s3, s0;
	s1 =	sshll.u32 s1, $0x11  }
0xbb: {  	s0 =	sor.u32 s1, s0  }
0xbc: {  	s0 =	sadd.s32 $0x8F2B, s0  }
0xbd: {  	[sflag:s0] =	ssyncadd.remote.s32 $0x1  }
0xbe: {  	_ =	sfence.sel $0xFFFF  }
0xbf: {  	[dreg:$0x0] =	wrdreg $0xFFFFFFFF;
	(pc) =	sbr.abs _section_cstart, $3  }
0xc0: {  	[dreg:$0x1] =	wrdreg $0xFFFFFFFF  }
0xc1: {  	_ =	task.clear_ibuf [dreg:s6], $0x2FFFF;
	_ =	strace $0x9FFFFFFF  }
0xc2: {  	(tm) =	ssettm $0x7FFFFFFF  }
0xc3: {  	_ =	shalt  }
tec
execute0_lowered:
.L_overlay_start_1:
0x0: {  	(tag) =	ssettag $0x1  }
0x1: {  	s0 =	rddreg [dreg:$0x0];
	s1 =	srdreg.scid  }
0x2: {  	s2 =	rddreg [dreg:$0x1];
	s11 =	stileid.u32  }
0x3: {  	s3 =	simm.s32 $0x0;
	s28 =	simm.s32 $0x2;
	s29 =	simm.s32 $0x3  }
0x4: {  	s30 =	simm.s32 $0x4;
	s31 =	simm.s32 $0x5;
	s6 =	smul.u32 $0x13C00, s11  }
0x5: {  	s1 =	sand.u32 $0x1, s1;
	[smem:$0x7FF] =	sst s3;
	s18 =	smul.u32 $0x4F000, s11  }
0x6: {  	s4 =	sadd.s32 $0x44A00, s0;
	s9 =	sadd.s32 $0x4200, s0;
	s8 =	smul.u32 $0xB700, s11  }
0x7: {  	s7 =	sadd.s32 $0x1B000, s0;
	s21 =	sshll.u32 s11, $0x6;
	s24 =	smul.u32 $0x16E0, s11  }
0x8: {  	s5 =	smul.u32 $0x13C000, s1;
	_ =	strace $0x8000004D;
	s19 =	ssub.s32 $0x2, s1  }
0x9: {  	[dreg:$0x3] =	wrdreg s7;
	s7 =	sshll.u32 s1, $0x7;
	s20 =	sshrl.u32 s19, $0x1  }
0xa: {  	s8 =	sshrl.u32 s8, $0x3;
	s1 =	sor.u32 $0x13F00, s7;
	s22 =	sor.u32 $0x14000, s7  }
0xb: {  	s23 =	sor.u32 $0x14100, s7;
	s15 =	sxor.u32 $0x13C80, s7;
	s16 =	sxor.u32 $0x13D80, s7  }
0xc: {  	s17 =	sxor.u32 $0x13E80, s7;
	s5 =	sadd.s32 s6, s5;
	[dreg:$0x4] =	wrdreg s1  }
0xd: {  	s6 =	sshrl.u32 s18, $0x2;
	s8 =	sadd.s32 s9, s8;
	[dreg:$0x5] =	wrdreg s22  }
0xe: {  	[dreg:$0x6] =	wrdreg s23;
	s22 =	simm.s32 $0x70;
	s23 =	simm.s32 $0x14200  }
0xf: {  	s1 =	simm.s32 $0x0;
	s5 =	sshrl.u32 s5, $0x3;
	s10 =	sadd.s32 s6, s2  }
0x10: {  	s6 =	sor.u32 $0x1C07, s21;
	s26 =	sadd.s32 $0x1680, s8;
	s21 =	simm.s32 $0x13F00  }
0x11: {  	s0 =	sadd.s32 s5, s0;
	s5 =	ssub.s32 s19, s20;
	[dreg:$0x9] =	wrdreg s26  }
0x12: {  	s19 =	sshrl.u32 s10, $0x3;
	s20 =	simm.s32 $0x7;
	s0 =	sadd.s32 $0x6C200, s0  }
0x13: {  	s26 =	simm.s32 $0x1;
	s25 =	smax.u32 s5, $0x1;
	[dreg:$0x7] =	wrdreg s0  }
0x14: {  	[dreg:$0x8] =	wrdreg s25;
	s0 =	sadd.s32 s24, s9;
	s24 =	simm.s32 $0x17A00  }
0x15: {  	s25 =	simm.s32 $0x1B200;
	s18 =	sadd.s32 $0x60, s0;
	s0 =	simm.s32 $0x6  }
.LBB2_1:
0x16: {  	s5 =	rddreg [dreg:$0x3]  }
0x17: {  	[spmem:s19], [sflag:s6] =	dma.local [hbm:s5], $0x2780  }
0x18: {  	_ =	swait.ge [sflag:s20], $0x2780  }
0x19: {  	[sflag:s20] =	ssyncset.done $0x0  }
0x1a: {  	[sflag:s20] =	ssyncadd.s32 $0xFFFFD880  }
0x1b: {  	[bflag:$0x0] =	sbarrier.arrive $0xFFFF  }
0x1c: {  	[tilespmem:s21], [sflag:$0x7] =	stream.linear.gather [hbm4b:s8+s3], $0x300, $0x38;
	[tilespmem:$0x1EA00] =	vst v63  }
0x1d: {  	_ =	swait.ge [sflag:s20], $0x300  }
0x1e: {  	[sflag:s20] =	ssyncset.done $0x0  }
0x1f: {  	s11 =	sand.u32 $0x1, s3;
	s9 =	rddreg [dreg:$0x4];
	[sflag:s20] =	ssyncadd.s32 $0xFFFFFD00  }
0x20: {  	[tilespmem:s23], [sflag:$0x1] =	stream.indirect.gather [hbm4b:s4+s22], $0x80, s9, s22, $0xb8;
	[tilespmem:$0x1EA00] =	vst v63  }
0x21: {  	s10 =	rddreg [dreg:$0x5];
	s9 =	smul.u32 $0xC00, s11  }
0x22: {  	[tilespmem:s24], [sflag:$0x2] =	stream.indirect.gather [hbm4b:s4+s22], $0x80, s10, s22, $0xb8;
	[tilespmem:$0x1EA00] =	vst v63  }
0x23: {  	s10 =	rddreg [dreg:$0x6];
	s9 =	sshrl.u32 s9, $0x2  }
0x24: {  	[tilespmem:s25], [sflag:$0x3] =	stream.indirect.gather [hbm4b:s4+s22], $0x80, s10, s22, $0xb8;
	[tilespmem:$0x1EA00] =	vst v63  }
0x25: {  	s9 =	sor.u32 $0x13C00, s9  }
0x26: {  	[tilespmem:s9], [sflag:$0x7] =	stream.linear.gather [hbm4b:s18+s3], $0x300, $0x38;
	[tilespmem:$0x1EA00] =	vst v63  }
0x27: {  	_ =	swait.ge [sflag:s20], $0x300  }
0x28: {  	s5 =	sxor.u32 $0x1, s11;
	[sflag:s20] =	ssyncset.done $0x0  }
0x29: {  	s5 =	smul.u32 $0x300, s5;
	[sflag:s20] =	ssyncadd.s32 $0xFFFFFD00  }
0x2a: {  	_ =	swait.ge [sflag:s26], $0x3800  }
0x2b: {  	s5 =	ssub.s32 s5, s7;
	[sflag:s26] =	ssyncset.done $0x0  }
0x2c: {  	s12 =	sadd.s32 $0x13C80, s5;
	[sflag:s26] =	ssyncadd.s32 $0xFFFFC800  }
0x2d: {  	[spmem:s2] =	stream.indirect.scatter.add.f32 [tilespmem:s23], [sflag:$0x4], $0x80, s12, s22, $0xb8;
	[tilespmem:$0x1EA00] =	vst v63  }
0x2e: {  	_ =	swait.ge [sflag:s28], $0x3800  }
0x2f: {  	[sflag:s28] =	ssyncset.done $0x0  }
0x30: {  	s13 =	sadd.s32 $0x13D80, s5;
	[sflag:s28] =	ssyncadd.s32 $0xFFFFC800  }
0x31: {  	[spmem:s2] =	stream.indirect.scatter.add.f32 [tilespmem:s24], [sflag:$0x5], $0x80, s13, s22, $0xb8;
	[tilespmem:$0x1EA00] =	vst v63  }
0x32: {  	_ =	swait.ge [sflag:s29], $0x3800  }
0x33: {  	[sflag:s29] =	ssyncset.done $0x0  }
0x34: {  	s5 =	sadd.s32 $0x13E80, s5;
	[sflag:s29] =	ssyncadd.s32 $0xFFFFC800  }
0x35: {  	[spmem:s2] =	stream.indirect.scatter.add.f32 [tilespmem:s25], [sflag:$0x6], $0x80, s5, s22, $0xb8;
	[tilespmem:$0x1EA00] =	vst v63  }
0x36: {  	_ =	swait.ge [sflag:s30], $0x3800  }
0x37: {  	[sflag:s30] =	ssyncset.done $0x0  }
0x38: {  	s11 =	sor.u32 s7, s9;
	[sflag:s30] =	ssyncadd.s32 $0xFFFFC800  }
0x39: {  	[tilespmem:s23], [sflag:$0x1] =	stream.indirect.gather [hbm4b:s4+s22], $0x80, s11, s22, $0xb8;
	[tilespmem:$0x1EA00] =	vst v63  }
0x3a: {  	s14 =	simm.s32 $0x1;
	_ =	swait.ge [sflag:s31], $0x3800  }
0x3b: {  	s10 =	sand.u32 $0x1, s14;
	s9 =	simm.s32 $0x2;
	[sflag:s31] =	ssyncset.done $0x0  }
0x3c: {  	s12 =	sadd.s32 $0x100, s11;
	s13 =	sadd.s32 $0x200, s11;
	[sflag:s31] =	ssyncadd.s32 $0xFFFFC800  }
0x3d: {  	[tilespmem:s24], [sflag:$0x2] =	stream.indirect.gather [hbm4b:s4+s22], $0x80, s12, s22, $0xb8;
	[tilespmem:$0x1EA00] =	vst v63  }
0x3e: {  	s12 =	smul.u32 $0xC00, s10;
	s10 =	sxor.u32 $0x1, s10;
	_ =	swait.ge [sflag:s0], $0x3800  }
0x3f: {  	s5 =	sadd.s32 $0x60, s18;
	s10 =	smul.u32 $0x300, s10;
	[sflag:s0] =	ssyncset.done $0x0  }
.LBB2_2:
0x40: {  	s12 =	sshrl.u32 s12, $0x2  }
0x41: {  	[sflag:s0] =	ssyncadd.s32 $0xFFFFC800;
	s14 =	smov.u32 s9;
	s11 =	sadd.s32 $0x1, s9  }
0x42: {  	[tilespmem:s25], [sflag:$0x3] =	stream.indirect.gather [hbm4b:s4+s22], $0x80, s13, s22, $0xb8;
	[tilespmem:$0x1EA00] =	vst v63  }
0x43: {  	p0 =	sne.s32 s9, $0x3A;
	s9 =	sor.u32 $0x13C00, s12;
	s10 =	ssub.s32 s10, s7  }
0x44: {  	[tilespmem:s9], [sflag:$0x7] =	stream.linear.gather [hbm4b:s5+s3], $0x300, $0x38;
	[tilespmem:$0x1EA00] =	vst v63  }
0x45: {  	_ =	swait.ge [sflag:s20], $0x300  }
0x46: {  	[sflag:s20] =	ssyncset.done $0x0  }
0x47: {  	[sflag:s20] =	ssyncadd.s32 $0xFFFFFD00  }
0x48: {  	_ =	swait.ge [sflag:s26], $0x3800  }
0x49: {  	[sflag:s26] =	ssyncset.done $0x0  }
0x4a: {  	s12 =	sadd.s32 $0x13C80, s10;
	[sflag:s26] =	ssyncadd.s32 $0xFFFFC800  }
0x4b: {  	[spmem:s2] =	stream.indirect.scatter.add.f32 [tilespmem:s23], [sflag:$0x4], $0x80, s12, s22, $0xb8;
	[tilespmem:$0x1EA00] =	vst v63  }
0x4c: {  	_ =	swait.ge [sflag:s28], $0x3800  }
0x4d: {  	[sflag:s28] =	ssyncset.done $0x0  }
0x4e: {  	s12 =	sadd.s32 $0x13D80, s10;
	[sflag:s28] =	ssyncadd.s32 $0xFFFFC800  }
0x4f: {  	[spmem:s2] =	stream.indirect.scatter.add.f32 [tilespmem:s24], [sflag:$0x5], $0x80, s12, s22, $0xb8;
	[tilespmem:$0x1EA00] =	vst v63  }
0x50: {  	_ =	swait.ge [sflag:s29], $0x3800  }
0x51: {  	[sflag:s29] =	ssyncset.done $0x0  }
0x52: {  	s10 =	sadd.s32 $0x13E80, s10;
	[sflag:s29] =	ssyncadd.s32 $0xFFFFC800  }
0x53: {  	[spmem:s2] =	stream.indirect.scatter.add.f32 [tilespmem:s25], [sflag:$0x6], $0x80, s10, s22, $0xb8;
	[tilespmem:$0x1EA00] =	vst v63  }
0x54: {  	_ =	swait.ge [sflag:s30], $0x3800  }
0x55: {  	[sflag:s30] =	ssyncset.done $0x0  }
0x56: {  	s9 =	sor.u32 s7, s9;
	[sflag:s30] =	ssyncadd.s32 $0xFFFFC800  }
0x57: {  	[tilespmem:s23], [sflag:$0x1] =	stream.indirect.gather [hbm4b:s4+s22], $0x80, s9, s22, $0xb8;
	[tilespmem:$0x1EA00] =	vst v63  }
0x58: {  	s5 =	sadd.s32 $0x60, s5;
	_ =	swait.ge [sflag:s31], $0x3800  }
.Ltmp0:
0x59: {  	s13 =	sadd.s32 $0x200, s9;
	[sflag:s31] =	ssyncset.done $0x0;
	(pc) =	sbr.rel @p0 .LBB2_2-.Ltmp0, $4  }
0x5a: {  	s12 =	sadd.s32 $0x100, s9;
	s10 =	sand.u32 $0x1, s14;
	[sflag:s31] =	ssyncadd.s32 $0xFFFFC800  }
0x5b: {  	[tilespmem:s24], [sflag:$0x2] =	stream.indirect.gather [hbm4b:s4+s22], $0x80, s12, s22, $0xb8;
	[tilespmem:$0x1EA00] =	vst v63  }
0x5c: {  	s12 =	smul.u32 $0xC00, s10;
	s10 =	sxor.u32 $0x1, s10;
	_ =	swait.ge [sflag:s0], $0x3800  }
0x5d: {  	s9 =	smov.u32 s11;
	s10 =	smul.u32 $0x300, s10;
	[sflag:s0] =	ssyncset.done $0x0  }
0x5e: {  	[sflag:s0] =	ssyncadd.s32 $0xFFFFC800;
	s9 =	sshrl.u32 s12, $0x2  }
0x5f: {  	[tilespmem:s25], [sflag:$0x3] =	stream.indirect.gather [hbm4b:s4+s22], $0x80, s13, s22, $0xb8;
	[tilespmem:$0x1EA00] =	vst v63  }
0x60: {  	s9 =	sor.u32 $0x13C00, s9  }
0x61: {  	[tilespmem:s9], [sflag:$0x7] =	stream.linear.gather [hbm4b:s5+s3], $0x300, $0x38;
	[tilespmem:$0x1EA00] =	vst v63  }
0x62: {  	_ =	swait.ge [sflag:s20], $0x300  }
0x63: {  	[sflag:s20] =	ssyncset.done $0x0  }
0x64: {  	[sflag:s20] =	ssyncadd.s32 $0xFFFFFD00  }
0x65: {  	_ =	swait.ge [sflag:s26], $0x3800  }
0x66: {  	s13 =	ssub.s32 s10, s7;
	[sflag:s26] =	ssyncset.done $0x0  }
0x67: {  	s10 =	sadd.s32 $0x13C80, s13;
	[sflag:s26] =	ssyncadd.s32 $0xFFFFC800  }
0x68: {  	[spmem:s2] =	stream.indirect.scatter.add.f32 [tilespmem:s23], [sflag:$0x4], $0x80, s10, s22, $0xb8;
	[tilespmem:$0x1EA00] =	vst v63  }
0x69: {  	_ =	swait.ge [sflag:s28], $0x3800  }
0x6a: {  	[sflag:s28] =	ssyncset.done $0x0  }
0x6b: {  	s14 =	sadd.s32 $0x13D80, s13;
	[sflag:s28] =	ssyncadd.s32 $0xFFFFC800  }
0x6c: {  	[spmem:s2] =	stream.indirect.scatter.add.f32 [tilespmem:s24], [sflag:$0x5], $0x80, s14, s22, $0xb8;
	[tilespmem:$0x1EA00] =	vst v63  }
0x6d: {  	_ =	swait.ge [sflag:s29], $0x3800  }
0x6e: {  	[sflag:s29] =	ssyncset.done $0x0  }
0x6f: {  	s5 =	sadd.s32 $0x13E80, s13;
	[sflag:s29] =	ssyncadd.s32 $0xFFFFC800  }
0x70: {  	[spmem:s2] =	stream.indirect.scatter.add.f32 [tilespmem:s25], [sflag:$0x6], $0x80, s5, s22, $0xb8;
	[tilespmem:$0x1EA00] =	vst v63  }
0x71: {  	_ =	swait.ge [sflag:s30], $0x3800  }
0x72: {  	[sflag:s30] =	ssyncset.done $0x0  }
0x73: {  	s11 =	sor.u32 s7, s9;
	[sflag:s30] =	ssyncadd.s32 $0xFFFFC800  }
0x74: {  	[tilespmem:s23], [sflag:$0x1] =	stream.indirect.gather [hbm4b:s4+s22], $0x80, s11, s22, $0xb8;
	[tilespmem:$0x1EA00] =	vst v63  }
0x75: {  	_ =	swait.ge [sflag:s31], $0x3800  }
0x76: {  	[sflag:s31] =	ssyncset.done $0x0  }
0x77: {  	s9 =	sadd.s32 $0x100, s11;
	[sflag:s31] =	ssyncadd.s32 $0xFFFFC800  }
0x78: {  	[tilespmem:s24], [sflag:$0x2] =	stream.indirect.gather [hbm4b:s4+s22], $0x80, s9, s22, $0xb8;
	[tilespmem:$0x1EA00] =	vst v63  }
0x79: {  	_ =	swait.ge [sflag:s0], $0x3800  }
0x7a: {  	[sflag:s0] =	ssyncset.done $0x0  }
0x7b: {  	s5 =	sadd.s32 $0x200, s11;
	[sflag:s0] =	ssyncadd.s32 $0xFFFFC800  }
0x7c: {  	[tilespmem:s25], [sflag:$0x3] =	stream.indirect.gather [hbm4b:s4+s22], $0x80, s5, s22, $0xb8;
	[tilespmem:$0x1EA00] =	vst v63  }
0x7d: {  	s12 =	rddreg [dreg:$0x9]  }
0x7e: {  	[tilespmem:s21], [sflag:$0x7] =	stream.linear.gather [hbm4b:s12+s3], $0x300, $0x38;
	[tilespmem:$0x1EA00] =	vst v63  }
0x7f: {  	_ =	swait.ge [sflag:s20], $0x300  }
0x80: {  	[sflag:s20] =	ssyncset.done $0x0  }
0x81: {  	[sflag:s20] =	ssyncadd.s32 $0xFFFFFD00  }
0x82: {  	_ =	swait.ge [sflag:s26], $0x3800  }
0x83: {  	[sflag:s26] =	ssyncset.done $0x0  }
0x84: {  	[sflag:s26] =	ssyncadd.s32 $0xFFFFC800  }
0x85: {  	[spmem:s2] =	stream.indirect.scatter.add.f32 [tilespmem:s23], [sflag:$0x4], $0x80, s15, s22, $0xb8;
	[tilespmem:$0x1EA00] =	vst v63  }
0x86: {  	_ =	swait.ge [sflag:s28], $0x3800  }
0x87: {  	[sflag:s28] =	ssyncset.done $0x0  }
0x88: {  	[sflag:s28] =	ssyncadd.s32 $0xFFFFC800  }
0x89: {  	[spmem:s2] =	stream.indirect.scatter.add.f32 [tilespmem:s24], [sflag:$0x5], $0x80, s16, s22, $0xb8;
	[tilespmem:$0x1EA00] =	vst v63  }
0x8a: {  	_ =	swait.ge [sflag:s29], $0x3800  }
0x8b: {  	[sflag:s29] =	ssyncset.done $0x0  }
0x8c: {  	[sflag:s29] =	ssyncadd.s32 $0xFFFFC800  }
0x8d: {  	[spmem:s2] =	stream.indirect.scatter.add.f32 [tilespmem:s25], [sflag:$0x6], $0x80, s17, s22, $0xb8;
	[tilespmem:$0x1EA00] =	vst v63  }
0x8e: {  	_ =	swait.ge [sflag:s30], $0x3800  }
0x8f: {  	[sflag:s30] =	ssyncset.done $0x0  }
0x90: {  	[sflag:s30] =	ssyncadd.s32 $0xFFFFC800  }
0x91: {  	_ =	swait.ge [sflag:s31], $0x3800  }
0x92: {  	[sflag:s31] =	ssyncset.done $0x0  }
0x93: {  	[sflag:s31] =	ssyncadd.s32 $0xFFFFC800  }
0x94: {  	_ =	swait.ge [sflag:s0], $0x3800  }
0x95: {  	[sflag:s0] =	ssyncset.done $0x0  }
0x96: {  	[sflag:s0] =	ssyncadd.s32 $0xFFFFC800  }
0x97: {  	[bflag:$0x0] =	sbarrier.arrive $0xFFFF  }
0x98: {  	s13 =	rddreg [dreg:$0x7]  }
0x99: {  	[hbm:s13], [sflag:s6] =	dma.local [spmem:s19], $0x2780  }
0x9a: {  	_ =	swait.ge [sflag:s20], $0x2780  }
0x9b: {  	s1 =	sadd.s32 $0x1, s1;
	s14 =	rddreg [dreg:$0x8]  }
0x9c: {  	p0 =	sne.s32 s1, s14  }
.Ltmp1:
0x9d: {  	_ = 	snop;
	(pc) =	sbr.rel @p0 .LBB2_1-.Ltmp1, $3  }
0x9e: {  	_ =	sdelay $0x1  }
0x9f: {  	[sflag:s20] =	ssyncset.done $0x0  }
0xa0: {  	[sflag:s20] =	ssyncadd.s32 $0xFFFFD880  }
0xa1: {  	_ =	sfence.sel $0x180000  }
0xa2: {  	[bflag:$0x0] =	sbarrier.arrive $0xFFFF  }
0xa3: {  	_ =	strace $0x9000004D  }
0xa4: {  	s0 =	stileid.u32;
	[bflag:$0x2] =	sbarrier.arrive $0xFFFF  }
0xa5: {  	p0 =	sne.s32 s0, $0x0;
	s0 =	rddreg [dreg:$0x2]  }
0xa6: {  	s0 =	sadd.s32 @!p0 $0x100000, s0  }
0xa7: {  	[sflag:s0] =	ssyncadd.tile.s32 @!p0 $0x1;
	_ =	shalt  }
.Lfunc_end2:
_tile_overlayer_lowered:
.L_overlay_start_2:
0xa8: {  	(tag) =	ssettag $0x2  }
0xa9: {  	s0 =	rddreg [dreg:$0x0];
	s2 =	stileid.u32  }
0xaa: {  	s1 =	rddreg [dreg:$0x1];
	p0 =	sne.s32 s2, $0x0  }
0xab: {  	s3 =	rddreg [dreg:$0x2];
	[bflag:$0x3] =	sbarrier.arrive $0xFFFF;
	s2 =	simm.s32 @!p0 $0x1C07  }
0xac: {  	[timem:s3], [sflag:s2] =	dma.local @!p0 [hbm:s0], s1  }
0xad: {  	s0 =	simm.s32 @!p0 $0x7  }
0xae: {  	_ =	swait.ge @!p0 [sflag:s0], s1  }
0xaf: {  	s1 =	ssub.s32 @!p0 $0x0, s1;
	[sflag:s0] =	ssyncset.done @!p0 $0x0  }
0xb0: {  	[sflag:s0] =	ssyncadd.s32 @!p0 s1  }
0xb1: {  	[bflag:$0x3] =	sbarrier.arrive $0xFFFF  }
0xb2: {  	_ =	shalt  }

// kernel: kernel.21.cloned.1.call-start
scs
__scs_entry_jumppad:
0x0: {  	(pc) =	sbr.rel $0x88, $3  }
0x1: {  	(tag) =	ssettag $0x0;
	lr =	simm.s32 $0x1  }
0x2: {  	[smem:$0x3F98] =	sst lr;
	_ =	strace $0xD0000000  }
0x3: {  	_ = 	snop  }
0x4: {  	_ = 	snop  }
0x5: {  	_ = 	snop  }
0x6: {  	_ = 	snop  }
0x7: {  	_ = 	snop  }
__scs_overlays_trampoline_lowered:
0x8: {  	[smem:$0x3FA7] =	sst s0  }
0x9: {  	[smem:$0x3FA8] =	sst s1  }
0xa: {  	[smem:$0x3FA9] =	sst s2  }
0xb: {  	[smem:$0x3FAA] =	sst s3  }
0xc: {  	[smem:$0x3FAB] =	sst s4  }
0xd: {  	[smem:$0x3FAC] =	sst s5  }
0xe: {  	[smem:$0x3FAD] =	sst s6  }
0xf: {  	[smem:$0x3FAE] =	sst s7  }
0x10: {  	[smem:$0x3FAF] =	sst s8  }
0x11: {  	[smem:$0x3FB0] =	sst s9;
	s0 =	simm.s32 @!p0 $0x0  }
0x12: {  	s1 =	sld [smem:$0x3F96];
	s0 =	simm.s32 @p0 $0x1  }
0x13: {  	[smem:$0x3FB1] =	sst s0;
	s0 =	simm.s32 @!p1 $0x0  }
0x14: {  	s2 =	sld [smem:$0x3F95];
	s0 =	simm.s32 @p1 $0x1  }
0x15: {  	[smem:$0x3FB2] =	sst s0;
	s0 =	simm.s32 @!p2 $0x0  }
0x16: {  	s3 =	sld [smem:$0x3FDB];
	s0 =	simm.s32 @p2 $0x1  }
0x17: {  	s4 =	simm.s32 $0x1BF5;
	[smem:$0x3FB4] =	sst s0  }
0x18: {  	s0 =	sld [smem:$0x3F97];
	_ =	swait.ge [sflag:s4], $0x0  }
0x19: {  	s7 =	sld [smem:$0x3F98]  }
0x1a: {  	s8 =	sadd.s32 $0xFFFFE003, lr  }
0x1b: {  	s9 =	sadd.s32 $0xFFFFFEF7, lr;
	s5 =	simm.s32 $0xFFFFFFFF;
	p2 =	slt.u32 s8, $0xFFFFF086  }
0x1c: {  	p1 =	slt.u32 s9, $0xF7A;
	s5 =	simm.s32 @!p2 $0x0  }
0x1d: {  	s5 =	simm.s32 @p1 $0x1;
	p0 =	seq.s32 s7, s2  }
0x1e: {  	s7 =	smul.u32 @!p0 $0xF7A, s2;
	p2 =	seq.s32 @!p0 s5, $0x0  }
0x1f: {  	s9 =	smul.u32 $0xF7A, s1;
	s8 =	simm.s32 @!p0 $0x1BF5;
	p2 =	por !p2, p0  }
0x20: {  	[sflag:s8] =	ssyncset.s32 @!p0 $0xFFFFF086;
	s6 =	sadd.s32 @!p0 s3, s7;
	s7 =	simm.s32 @!p0 $0x108  }
0x21: {  	s3 =	sadd.s32 s3, s9;
	s6 =	sadd.s32 @!p0 $0x88, s6;
	s7 =	simm.s32 @p2 $0x1082  }
0x22: {  	[simem:s7], [sflag:s8] =	dma.local @!p0 [hbm:s6], $0xF7A  }
0x23: {  	s9 =	sor.u32 $0xD0000000, s2;
	s6 =	simm.s32 $0x108;
	_ =	swait.ge @!p0 [sflag:s8], $0x0  }
0x24: {  	s3 =	sadd.s32 $0x88, s3;
	s6 =	simm.s32 @!p1 $0x1082;
	[sflag:s4] =	ssyncset.s32 $0xFFFFF086  }
0x25: {  	[simem:s6], [sflag:s4] =	dma.local [hbm:s3], $0xF7A  }
0x26: {  	[smem:$0x3F98] =	sst s1;
	(tag) =	ssettag s2;
	_ =	strace s9  }
0x27: {  	s1 =	sld [smem:$0x3FA8]  }
0x28: {  	s2 =	sld [smem:$0x3FA9]  }
0x29: {  	s4 =	sld [smem:$0x3FAB]  }
0x2a: {  	p0 =	seq.s32 s5, $0x0;
	s5 =	sld [smem:$0x3FAC]  }
0x2b: {  	s6 =	sld [smem:$0x3FAD]  }
0x2c: {  	s7 =	sld [smem:$0x3FAE]  }
0x2d: {  	s3 =	simm.s32 $0x108;
	s8 =	sld [smem:$0x3FAF]  }
0x2e: {  	s3 =	simm.s32 @!p0 $0x1082;
	s9 =	sld [smem:$0x3FB0]  }
0x2f: {  	lr =	sadd.s32 s0, s3;
	s0 =	sld [smem:$0x3FA7]  }
0x30: {  	s3 =	sld [smem:$0x3FAA]  }
0x31: {  	[smem:$0x3FB3] =	sst s10  }
0x32: {  	s10 =	sld [smem:$0x3FB1];
	_ =	sdelay $0x3  }
0x33: {  	p0 =	seq.s32 s10, $0x1;
	s10 =	sld [smem:$0x3FB3];
	_ =	sdelay $0x3  }
0x34: {  	[smem:$0x3FB3] =	sst s10  }
0x35: {  	s10 =	sld [smem:$0x3FB2];
	_ =	sdelay $0x3  }
0x36: {  	p1 =	seq.s32 s10, $0x1;
	s10 =	sld [smem:$0x3FB3];
	_ =	sdelay $0x3  }
0x37: {  	[smem:$0x3FB3] =	sst s10  }
0x38: {  	s10 =	sld [smem:$0x3FB4]  }
0x39: {  	_ = 	snop;
	(pc) =	sbr.ind lr, $3  }
0x3a: {  	_ = 	snop  }
0x3b: {  	_ = 	snop  }
0x3c: {  	p2 =	seq.s32 s10, $0x1;
	s10 =	sld [smem:$0x3FB3]  }
0x3d: {  	_ =	shalt  }
0x3e: {  	_ =	shalt  }
0x3f: {  	_ =	shalt  }
0x40: {  	_ =	shalt  }
0x41: {  	_ =	shalt  }
0x42: {  	_ =	shalt  }
0x43: {  	_ =	shalt  }
0x44: {  	_ =	shalt  }
0x45: {  	_ =	shalt  }
0x46: {  	_ =	shalt  }
0x47: {  	_ =	shalt  }
0x48: {  	_ =	shalt  }
0x49: {  	_ =	shalt  }
0x4a: {  	_ =	shalt  }
0x4b: {  	_ =	shalt  }
0x4c: {  	_ =	shalt  }
0x4d: {  	_ =	shalt  }
0x4e: {  	_ =	shalt  }
0x4f: {  	_ =	shalt  }
0x50: {  	_ =	shalt  }
0x51: {  	_ =	shalt  }
0x52: {  	_ =	shalt  }
0x53: {  	_ =	shalt  }
0x54: {  	_ =	shalt  }
0x55: {  	_ =	shalt  }
0x56: {  	_ =	shalt  }
0x57: {  	_ =	shalt  }
0x58: {  	_ =	shalt  }
0x59: {  	_ =	shalt  }
0x5a: {  	_ =	shalt  }
0x5b: {  	_ =	shalt  }
0x5c: {  	_ =	shalt  }
0x5d: {  	_ =	shalt  }
0x5e: {  	_ =	shalt  }
0x5f: {  	_ =	shalt  }
0x60: {  	_ =	shalt  }
0x61: {  	_ =	shalt  }
0x62: {  	_ =	shalt  }
0x63: {  	_ =	shalt  }
0x64: {  	_ =	shalt  }
0x65: {  	_ =	shalt  }
0x66: {  	_ =	shalt  }
0x67: {  	_ =	shalt  }
0x68: {  	_ =	shalt  }
0x69: {  	_ =	shalt  }
0x6a: {  	_ =	shalt  }
0x6b: {  	_ =	shalt  }
0x6c: {  	_ =	shalt  }
0x6d: {  	_ =	shalt  }
0x6e: {  	_ =	shalt  }
0x6f: {  	_ =	shalt  }
0x70: {  	_ =	shalt  }
0x71: {  	_ =	shalt  }
0x72: {  	_ =	shalt  }
0x73: {  	_ =	shalt  }
0x74: {  	_ =	shalt  }
0x75: {  	_ =	shalt  }
0x76: {  	_ =	shalt  }
0x77: {  	_ =	shalt  }
0x78: {  	_ =	shalt  }
0x79: {  	_ =	shalt  }
0x7a: {  	_ =	shalt  }
0x7b: {  	_ =	shalt  }
0x7c: {  	_ =	shalt  }
0x7d: {  	_ =	shalt  }
0x7e: {  	_ =	shalt  }
0x7f: {  	_ =	shalt  }
0x80: {  	_ =	shalt  }
0x81: {  	_ =	shalt  }
0x82: {  	_ =	shalt  }
0x83: {  	_ =	shalt  }
0x84: {  	_ =	shalt  }
0x85: {  	_ =	shalt  }
0x86: {  	_ =	shalt  }
0x87: {  	_ =	shalt  }
.Lfunc_end0:
.L_simem_size_0:
called_computation.3_lowered:
.L_overlay_start_0:
0x88: {  	s2 =	sld [smem:$0x3FD9]  }
0x89: {  	s3 =	sld [smem:$0x3FFE];
	_ =	sdelay $0x1  }
0x8a: {  	s1 =	srdreg.scid  }
0x8b: {  	s0 =	sand.u32 $0x1, s1  }
0x8c: {  	s16 =	sshll.u32 s0, $0xA;
	s2 =	sadd.s32 s3, s2  }
0x8d: {  	s2 =	sadd.s32 s2, s16  }
0x8e: {  	[smem:$0x3FBF] =	sst s2  }
0x8f: {  	_ = 	snop  }
0x90: {  	(tm) =	ssettm $0x1  }
0x91: {  	s17 =	sld [smem:$0x3FFB];
	_ =	sdelay $0x3  }
0x92: {  	_ =	strace s17  }
0x93: {  	s2 =	sld [smem:$0x3FFC];
	_ =	sdelay $0x3  }
0x94: {  	_ =	strace s2  }
0x95: {  	s2 =	sld [smem:$0x3FFD];
	_ =	sdelay $0x3  }
0x96: {  	_ =	strace s2  }
0x97: {  	_ =	strace $0x8FFFFFFF  }
0x98: {  	s18 =	sld [smem:$0x3FDB];
	_ =	sdelay $0x1  }
0x99: {  	s19 =	simm.s32 $_scs_section_size  }
0x9a: {  	s4 =	simm.s32 $_size__tile_overlayer_lowered;
	s5 =	simm.s32 $_tile_overlayer_lowered  }
0x9b: {  	s22 =	simm.s32 $0x1BFF;
	s21 =	sshll.u32 s5, $0x1;
	s2 =	sadd.s32 s19, s18  }
0x9c: {  	s6 =	simm.s32 $0x0;
	s20 =	sshll.u32 s4, $0x1;
	s4 =	sadd.s32 s21, s2  }
0x9d: {  	[timem:s6], [sflag:s22] =	dma.local [hbm:s4], s20  }
0x9e: {  	_ =	swait.ge [sflag:s22], s20  }
0x9f: {  	s3 =	ssub.s32 $0x0, s20;
	[sflag:s22] =	ssyncset.done $0x0  }
0xa0: {  	[sflag:s22] =	ssyncadd.s32 s3;
	_ =	sdelay $0x1  }
0xa1: {  	s23 =	simm.s32 $0x1B8B  }
0xa2: {  	_ =	swait.ge [sflag:s23], $0x1  }
0xa3: {  	[sflag:s23] =	ssyncset.done $0x0  }
0xa4: {  	s25 =	simm.s32 $0x1B8E;
	s24 =	sld [smem:$0x3FFE];
	[sflag:s23] =	ssyncadd.s32 $0xFFFFFFFF  }
0xa5: {  	s26 =	simm.s32 $execute0_lowered;
	[smem:$0x3FD2] =	sst s25  }
0xa6: {  	s4 =	sshll.u32 s26, $0x1;
	_ =	strace $0x8000004F;
	[dreg:$0x1] =	wrdreg $0xFFFFFFFF  }
0xa7: {  	s28 =	simm.s32 $_size_execute0_lowered;
	s2 =	sadd.s32 s2, s4;
	[dreg:$0x0] =	wrdreg $0x0  }
0xa8: {  	s4 =	sshll.u32 s28, $0x1;
	[dreg:$0x2] =	wrdreg s2  }
0xa9: {  	[dreg:$0x3] =	wrdreg s4  }
0xaa: {  	[dreg:$0x4] =	wrdreg $0xC0  }
0xab: {  	_ =	task [dreg:s6], $0x5FFFF  }
0xac: {  	[dreg:$0x1] =	wrdreg $0xFFFFFFFF  }
0xad: {  	[dreg:$0x0] =	wrdreg $0x60  }
0xae: {  	[dreg:$0x2] =	wrdreg s24  }
0xaf: {  	[dreg:$0x3] =	wrdreg $0x0  }
0xb0: {  	[dreg:$0x4] =	wrdreg $0x9  }
0xb1: {  	_ =	task.clear_ibuf [dreg:s6], $0x5FFFF;
	_ =	strace $0x9000004F  }
0xb2: {  	s29 =	simm.s32 $0x9;
	_ =	strace $0x80000051  }
0xb3: {  	_ =	swait.ge [sflag:s29], $0x1  }
0xb4: {  	[sflag:s29] =	ssyncadd.s32 $0xFFFFFFFF  }
0xb5: {  	_ =	strace $0x90000051  }
0xb6: {  	_ =	sfence  }
0xb7: {  	s30 =	sld [smem:$0x0];
	_ =	sdelay $0x2  }
0xb8: {  	s31 =	sshll.u32 s1, $0xD;
	s1 =	sshrl.u32 s1, $0x2  }
0xb9: {  	s3 =	sand.u32 $0x4000, s31;
	s1 =	sadd.s32 s1, s30  }
0xba: {  	s0 =	sor.u32 s3, s0;
	s1 =	sshll.u32 s1, $0x11  }
0xbb: {  	s0 =	sor.u32 s1, s0  }
0xbc: {  	s0 =	sadd.s32 $0x8F2B, s0  }
0xbd: {  	[sflag:s0] =	ssyncadd.remote.s32 $0x1  }
0xbe: {  	_ =	sfence.sel $0xFFFF  }
0xbf: {  	[dreg:$0x0] =	wrdreg $0xFFFFFFFF;
	(pc) =	sbr.abs _section_cstart, $3  }
0xc0: {  	[dreg:$0x1] =	wrdreg $0xFFFFFFFF  }
0xc1: {  	_ =	task.clear_ibuf [dreg:s6], $0x2FFFF;
	_ =	strace $0x9FFFFFFF  }
0xc2: {  	(tm) =	ssettm $0x7FFFFFFF  }
0xc3: {  	_ =	shalt  }
tec
execute0_lowered:
.L_overlay_start_1:
0x0: {  	(tag) =	ssettag $0x1  }
0x1: {  	s0 =	rddreg [dreg:$0x0];
	s1 =	srdreg.scid  }
0x2: {  	s2 =	rddreg [dreg:$0x1];
	s11 =	stileid.u32  }
0x3: {  	s3 =	simm.s32 $0x0;
	s28 =	simm.s32 $0x2;
	s29 =	simm.s32 $0x3  }
0x4: {  	s30 =	simm.s32 $0x4;
	s31 =	simm.s32 $0x5;
	s6 =	smul.u32 $0x13C00, s11  }
0x5: {  	s1 =	sand.u32 $0x1, s1;
	[smem:$0x7FF] =	sst s3;
	s18 =	smul.u32 $0x4F000, s11  }
0x6: {  	s4 =	sadd.s32 $0x44A00, s0;
	s9 =	sadd.s32 $0x4200, s0;
	s8 =	smul.u32 $0xB700, s11  }
0x7: {  	s7 =	sadd.s32 $0x1B000, s0;
	s21 =	sshll.u32 s11, $0x6;
	s24 =	smul.u32 $0x16E0, s11  }
0x8: {  	s5 =	smul.u32 $0x13C000, s1;
	_ =	strace $0x80000050;
	s19 =	ssub.s32 $0x2, s1  }
0x9: {  	[dreg:$0x3] =	wrdreg s7;
	s7 =	sshll.u32 s1, $0x7;
	s20 =	sshrl.u32 s19, $0x1  }
0xa: {  	s8 =	sshrl.u32 s8, $0x3;
	s1 =	sor.u32 $0x13F00, s7;
	s22 =	sor.u32 $0x14000, s7  }
0xb: {  	s23 =	sor.u32 $0x14100, s7;
	s15 =	sxor.u32 $0x13C80, s7;
	s16 =	sxor.u32 $0x13D80, s7  }
0xc: {  	s17 =	sxor.u32 $0x13E80, s7;
	s5 =	sadd.s32 s6, s5;
	[dreg:$0x4] =	wrdreg s1  }
0xd: {  	s6 =	sshrl.u32 s18, $0x2;
	s8 =	sadd.s32 s9, s8;
	[dreg:$0x5] =	wrdreg s22  }
0xe: {  	[dreg:$0x6] =	wrdreg s23;
	s22 =	simm.s32 $0x70;
	s23 =	simm.s32 $0x14200  }
0xf: {  	s1 =	simm.s32 $0x0;
	s5 =	sshrl.u32 s5, $0x3;
	s10 =	sadd.s32 s6, s2  }
0x10: {  	s6 =	sor.u32 $0x1C07, s21;
	s26 =	sadd.s32 $0x1680, s8;
	s21 =	simm.s32 $0x13F00  }
0x11: {  	s0 =	sadd.s32 s5, s0;
	s5 =	ssub.s32 s19, s20;
	[dreg:$0x9] =	wrdreg s26  }
0x12: {  	s19 =	sshrl.u32 s10, $0x3;
	s20 =	simm.s32 $0x7;
	s0 =	sadd.s32 $0x6C200, s0  }
0x13: {  	s26 =	simm.s32 $0x1;
	s25 =	smax.u32 s5, $0x1;
	[dreg:$0x7] =	wrdreg s0  }
0x14: {  	[dreg:$0x8] =	wrdreg s25;
	s0 =	sadd.s32 s24, s9;
	s24 =	simm.s32 $0x17A00  }
0x15: {  	s25 =	simm.s32 $0x1B200;
	s18 =	sadd.s32 $0x60, s0;
	s0 =	simm.s32 $0x6  }
.LBB2_1:
0x16: {  	s5 =	rddreg [dreg:$0x3]  }
0x17: {  	[spmem:s19], [sflag:s6] =	dma.local [hbm:s5], $0x2780  }
0x18: {  	_ =	swait.ge [sflag:s20], $0x2780  }
0x19: {  	[sflag:s20] =	ssyncset.done $0x0  }
0x1a: {  	[sflag:s20] =	ssyncadd.s32 $0xFFFFD880  }
0x1b: {  	[bflag:$0x0] =	sbarrier.arrive $0xFFFF  }
0x1c: {  	[tilespmem:s21], [sflag:$0x7] =	stream.linear.gather [hbm4b:s8+s3], $0x300, $0x38;
	[tilespmem:$0x1EA00] =	vst v63  }
0x1d: {  	_ =	swait.ge [sflag:s20], $0x300  }
0x1e: {  	[sflag:s20] =	ssyncset.done $0x0  }
0x1f: {  	s11 =	sand.u32 $0x1, s3;
	s9 =	rddreg [dreg:$0x4];
	[sflag:s20] =	ssyncadd.s32 $0xFFFFFD00  }
0x20: {  	[tilespmem:s23], [sflag:$0x1] =	stream.indirect.gather [hbm4b:s4+s22], $0x80, s9, s22, $0xb8;
	[tilespmem:$0x1EA00] =	vst v63  }
0x21: {  	s10 =	rddreg [dreg:$0x5];
	s9 =	smul.u32 $0xC00, s11  }
0x22: {  	[tilespmem:s24], [sflag:$0x2] =	stream.indirect.gather [hbm4b:s4+s22], $0x80, s10, s22, $0xb8;
	[tilespmem:$0x1EA00] =	vst v63  }
0x23: {  	s10 =	rddreg [dreg:$0x6];
	s9 =	sshrl.u32 s9, $0x2  }
0x24: {  	[tilespmem:s25], [sflag:$0x3] =	stream.indirect.gather [hbm4b:s4+s22], $0x80, s10, s22, $0xb8;
	[tilespmem:$0x1EA00] =	vst v63  }
0x25: {  	s9 =	sor.u32 $0x13C00, s9  }
0x26: {  	[tilespmem:s9], [sflag:$0x7] =	stream.linear.gather [hbm4b:s18+s3], $0x300, $0x38;
	[tilespmem:$0x1EA00] =	vst v63  }
0x27: {  	_ =	swait.ge [sflag:s20], $0x300  }
0x28: {  	s5 =	sxor.u32 $0x1, s11;
	[sflag:s20] =	ssyncset.done $0x0  }
0x29: {  	s5 =	smul.u32 $0x300, s5;
	[sflag:s20] =	ssyncadd.s32 $0xFFFFFD00  }
0x2a: {  	_ =	swait.ge [sflag:s26], $0x3800  }
0x2b: {  	s5 =	ssub.s32 s5, s7;
	[sflag:s26] =	ssyncset.done $0x0  }
0x2c: {  	s12 =	sadd.s32 $0x13C80, s5;
	[sflag:s26] =	ssyncadd.s32 $0xFFFFC800  }
0x2d: {  	[spmem:s2] =	stream.indirect.scatter.add.f32 [tilespmem:s23], [sflag:$0x4], $0x80, s12, s22, $0xb8;
	[tilespmem:$0x1EA00] =	vst v63  }
0x2e: {  	_ =	swait.ge [sflag:s28], $0x3800  }
0x2f: {  	[sflag:s28] =	ssyncset.done $0x0  }
0x30: {  	s13 =	sadd.s32 $0x13D80, s5;
	[sflag:s28] =	ssyncadd.s32 $0xFFFFC800  }
0x31: {  	[spmem:s2] =	stream.indirect.scatter.add.f32 [tilespmem:s24], [sflag:$0x5], $0x80, s13, s22, $0xb8;
	[tilespmem:$0x1EA00] =	vst v63  }
0x32: {  	_ =	swait.ge [sflag:s29], $0x3800  }
0x33: {  	[sflag:s29] =	ssyncset.done $0x0  }
0x34: {  	s5 =	sadd.s32 $0x13E80, s5;
	[sflag:s29] =	ssyncadd.s32 $0xFFFFC800  }
0x35: {  	[spmem:s2] =	stream.indirect.scatter.add.f32 [tilespmem:s25], [sflag:$0x6], $0x80, s5, s22, $0xb8;
	[tilespmem:$0x1EA00] =	vst v63  }
0x36: {  	_ =	swait.ge [sflag:s30], $0x3800  }
0x37: {  	[sflag:s30] =	ssyncset.done $0x0  }
0x38: {  	s11 =	sor.u32 s7, s9;
	[sflag:s30] =	ssyncadd.s32 $0xFFFFC800  }
0x39: {  	[tilespmem:s23], [sflag:$0x1] =	stream.indirect.gather [hbm4b:s4+s22], $0x80, s11, s22, $0xb8;
	[tilespmem:$0x1EA00] =	vst v63  }
0x3a: {  	s14 =	simm.s32 $0x1;
	_ =	swait.ge [sflag:s31], $0x3800  }
0x3b: {  	s10 =	sand.u32 $0x1, s14;
	s9 =	simm.s32 $0x2;
	[sflag:s31] =	ssyncset.done $0x0  }
0x3c: {  	s12 =	sadd.s32 $0x100, s11;
	s13 =	sadd.s32 $0x200, s11;
	[sflag:s31] =	ssyncadd.s32 $0xFFFFC800  }
0x3d: {  	[tilespmem:s24], [sflag:$0x2] =	stream.indirect.gather [hbm4b:s4+s22], $0x80, s12, s22, $0xb8;
	[tilespmem:$0x1EA00] =	vst v63  }
0x3e: {  	s12 =	smul.u32 $0xC00, s10;
	s10 =	sxor.u32 $0x1, s10;
	_ =	swait.ge [sflag:s0], $0x3800  }
0x3f: {  	s5 =	sadd.s32 $0x60, s18;
	s10 =	smul.u32 $0x300, s10;
	[sflag:s0] =	ssyncset.done $0x0  }
.LBB2_2:
0x40: {  	s12 =	sshrl.u32 s12, $0x2  }
0x41: {  	[sflag:s0] =	ssyncadd.s32 $0xFFFFC800;
	s14 =	smov.u32 s9;
	s11 =	sadd.s32 $0x1, s9  }
0x42: {  	[tilespmem:s25], [sflag:$0x3] =	stream.indirect.gather [hbm4b:s4+s22], $0x80, s13, s22, $0xb8;
	[tilespmem:$0x1EA00] =	vst v63  }
0x43: {  	p0 =	sne.s32 s9, $0x3A;
	s9 =	sor.u32 $0x13C00, s12;
	s10 =	ssub.s32 s10, s7  }
0x44: {  	[tilespmem:s9], [sflag:$0x7] =	stream.linear.gather [hbm4b:s5+s3], $0x300, $0x38;
	[tilespmem:$0x1EA00] =	vst v63  }
0x45: {  	_ =	swait.ge [sflag:s20], $0x300  }
0x46: {  	[sflag:s20] =	ssyncset.done $0x0  }
0x47: {  	[sflag:s20] =	ssyncadd.s32 $0xFFFFFD00  }
0x48: {  	_ =	swait.ge [sflag:s26], $0x3800  }
0x49: {  	[sflag:s26] =	ssyncset.done $0x0  }
0x4a: {  	s12 =	sadd.s32 $0x13C80, s10;
	[sflag:s26] =	ssyncadd.s32 $0xFFFFC800  }
0x4b: {  	[spmem:s2] =	stream.indirect.scatter.add.f32 [tilespmem:s23], [sflag:$0x4], $0x80, s12, s22, $0xb8;
	[tilespmem:$0x1EA00] =	vst v63  }
0x4c: {  	_ =	swait.ge [sflag:s28], $0x3800  }
0x4d: {  	[sflag:s28] =	ssyncset.done $0x0  }
0x4e: {  	s12 =	sadd.s32 $0x13D80, s10;
	[sflag:s28] =	ssyncadd.s32 $0xFFFFC800  }
0x4f: {  	[spmem:s2] =	stream.indirect.scatter.add.f32 [tilespmem:s24], [sflag:$0x5], $0x80, s12, s22, $0xb8;
	[tilespmem:$0x1EA00] =	vst v63  }
0x50: {  	_ =	swait.ge [sflag:s29], $0x3800  }
0x51: {  	[sflag:s29] =	ssyncset.done $0x0  }
0x52: {  	s10 =	sadd.s32 $0x13E80, s10;
	[sflag:s29] =	ssyncadd.s32 $0xFFFFC800  }
0x53: {  	[spmem:s2] =	stream.indirect.scatter.add.f32 [tilespmem:s25], [sflag:$0x6], $0x80, s10, s22, $0xb8;
	[tilespmem:$0x1EA00] =	vst v63  }
0x54: {  	_ =	swait.ge [sflag:s30], $0x3800  }
0x55: {  	[sflag:s30] =	ssyncset.done $0x0  }
0x56: {  	s9 =	sor.u32 s7, s9;
	[sflag:s30] =	ssyncadd.s32 $0xFFFFC800  }
0x57: {  	[tilespmem:s23], [sflag:$0x1] =	stream.indirect.gather [hbm4b:s4+s22], $0x80, s9, s22, $0xb8;
	[tilespmem:$0x1EA00] =	vst v63  }
0x58: {  	s5 =	sadd.s32 $0x60, s5;
	_ =	swait.ge [sflag:s31], $0x3800  }
.Ltmp0:
0x59: {  	s13 =	sadd.s32 $0x200, s9;
	[sflag:s31] =	ssyncset.done $0x0;
	(pc) =	sbr.rel @p0 .LBB2_2-.Ltmp0, $4  }
0x5a: {  	s12 =	sadd.s32 $0x100, s9;
	s10 =	sand.u32 $0x1, s14;
	[sflag:s31] =	ssyncadd.s32 $0xFFFFC800  }
0x5b: {  	[tilespmem:s24], [sflag:$0x2] =	stream.indirect.gather [hbm4b:s4+s22], $0x80, s12, s22, $0xb8;
	[tilespmem:$0x1EA00] =	vst v63  }
0x5c: {  	s12 =	smul.u32 $0xC00, s10;
	s10 =	sxor.u32 $0x1, s10;
	_ =	swait.ge [sflag:s0], $0x3800  }
0x5d: {  	s9 =	smov.u32 s11;
	s10 =	smul.u32 $0x300, s10;
	[sflag:s0] =	ssyncset.done $0x0  }
0x5e: {  	[sflag:s0] =	ssyncadd.s32 $0xFFFFC800;
	s9 =	sshrl.u32 s12, $0x2  }
0x5f: {  	[tilespmem:s25], [sflag:$0x3] =	stream.indirect.gather [hbm4b:s4+s22], $0x80, s13, s22, $0xb8;
	[tilespmem:$0x1EA00] =	vst v63  }
0x60: {  	s9 =	sor.u32 $0x13C00, s9  }
0x61: {  	[tilespmem:s9], [sflag:$0x7] =	stream.linear.gather [hbm4b:s5+s3], $0x300, $0x38;
	[tilespmem:$0x1EA00] =	vst v63  }
0x62: {  	_ =	swait.ge [sflag:s20], $0x300  }
0x63: {  	[sflag:s20] =	ssyncset.done $0x0  }
0x64: {  	[sflag:s20] =	ssyncadd.s32 $0xFFFFFD00  }
0x65: {  	_ =	swait.ge [sflag:s26], $0x3800  }
0x66: {  	s13 =	ssub.s32 s10, s7;
	[sflag:s26] =	ssyncset.done $0x0  }
0x67: {  	s10 =	sadd.s32 $0x13C80, s13;
	[sflag:s26] =	ssyncadd.s32 $0xFFFFC800  }
0x68: {  	[spmem:s2] =	stream.indirect.scatter.add.f32 [tilespmem:s23], [sflag:$0x4], $0x80, s10, s22, $0xb8;
	[tilespmem:$0x1EA00] =	vst v63  }
0x69: {  	_ =	swait.ge [sflag:s28], $0x3800  }
0x6a: {  	[sflag:s28] =	ssyncset.done $0x0  }
0x6b: {  	s14 =	sadd.s32 $0x13D80, s13;
	[sflag:s28] =	ssyncadd.s32 $0xFFFFC800  }
0x6c: {  	[spmem:s2] =	stream.indirect.scatter.add.f32 [tilespmem:s24], [sflag:$0x5], $0x80, s14, s22, $0xb8;
	[tilespmem:$0x1EA00] =	vst v63  }
0x6d: {  	_ =	swait.ge [sflag:s29], $0x3800  }
0x6e: {  	[sflag:s29] =	ssyncset.done $0x0  }
0x6f: {  	s5 =	sadd.s32 $0x13E80, s13;
	[sflag:s29] =	ssyncadd.s32 $0xFFFFC800  }
0x70: {  	[spmem:s2] =	stream.indirect.scatter.add.f32 [tilespmem:s25], [sflag:$0x6], $0x80, s5, s22, $0xb8;
	[tilespmem:$0x1EA00] =	vst v63  }
0x71: {  	_ =	swait.ge [sflag:s30], $0x3800  }
0x72: {  	[sflag:s30] =	ssyncset.done $0x0  }
0x73: {  	s11 =	sor.u32 s7, s9;
	[sflag:s30] =	ssyncadd.s32 $0xFFFFC800  }
0x74: {  	[tilespmem:s23], [sflag:$0x1] =	stream.indirect.gather [hbm4b:s4+s22], $0x80, s11, s22, $0xb8;
	[tilespmem:$0x1EA00] =	vst v63  }
0x75: {  	_ =	swait.ge [sflag:s31], $0x3800  }
0x76: {  	[sflag:s31] =	ssyncset.done $0x0  }
0x77: {  	s9 =	sadd.s32 $0x100, s11;
	[sflag:s31] =	ssyncadd.s32 $0xFFFFC800  }
0x78: {  	[tilespmem:s24], [sflag:$0x2] =	stream.indirect.gather [hbm4b:s4+s22], $0x80, s9, s22, $0xb8;
	[tilespmem:$0x1EA00] =	vst v63  }
0x79: {  	_ =	swait.ge [sflag:s0], $0x3800  }
0x7a: {  	[sflag:s0] =	ssyncset.done $0x0  }
0x7b: {  	s5 =	sadd.s32 $0x200, s11;
	[sflag:s0] =	ssyncadd.s32 $0xFFFFC800  }
0x7c: {  	[tilespmem:s25], [sflag:$0x3] =	stream.indirect.gather [hbm4b:s4+s22], $0x80, s5, s22, $0xb8;
	[tilespmem:$0x1EA00] =	vst v63  }
0x7d: {  	s12 =	rddreg [dreg:$0x9]  }
0x7e: {  	[tilespmem:s21], [sflag:$0x7] =	stream.linear.gather [hbm4b:s12+s3], $0x300, $0x38;
	[tilespmem:$0x1EA00] =	vst v63  }
0x7f: {  	_ =	swait.ge [sflag:s20], $0x300  }
0x80: {  	[sflag:s20] =	ssyncset.done $0x0  }
0x81: {  	[sflag:s20] =	ssyncadd.s32 $0xFFFFFD00  }
0x82: {  	_ =	swait.ge [sflag:s26], $0x3800  }
0x83: {  	[sflag:s26] =	ssyncset.done $0x0  }
0x84: {  	[sflag:s26] =	ssyncadd.s32 $0xFFFFC800  }
0x85: {  	[spmem:s2] =	stream.indirect.scatter.add.f32 [tilespmem:s23], [sflag:$0x4], $0x80, s15, s22, $0xb8;
	[tilespmem:$0x1EA00] =	vst v63  }
0x86: {  	_ =	swait.ge [sflag:s28], $0x3800  }
0x87: {  	[sflag:s28] =	ssyncset.done $0x0  }
0x88: {  	[sflag:s28] =	ssyncadd.s32 $0xFFFFC800  }
0x89: {  	[spmem:s2] =	stream.indirect.scatter.add.f32 [tilespmem:s24], [sflag:$0x5], $0x80, s16, s22, $0xb8;
	[tilespmem:$0x1EA00] =	vst v63  }
0x8a: {  	_ =	swait.ge [sflag:s29], $0x3800  }
0x8b: {  	[sflag:s29] =	ssyncset.done $0x0  }
0x8c: {  	[sflag:s29] =	ssyncadd.s32 $0xFFFFC800  }
0x8d: {  	[spmem:s2] =	stream.indirect.scatter.add.f32 [tilespmem:s25], [sflag:$0x6], $0x80, s17, s22, $0xb8;
	[tilespmem:$0x1EA00] =	vst v63  }
0x8e: {  	_ =	swait.ge [sflag:s30], $0x3800  }
0x8f: {  	[sflag:s30] =	ssyncset.done $0x0  }
0x90: {  	[sflag:s30] =	ssyncadd.s32 $0xFFFFC800  }
0x91: {  	_ =	swait.ge [sflag:s31], $0x3800  }
0x92: {  	[sflag:s31] =	ssyncset.done $0x0  }
0x93: {  	[sflag:s31] =	ssyncadd.s32 $0xFFFFC800  }
0x94: {  	_ =	swait.ge [sflag:s0], $0x3800  }
0x95: {  	[sflag:s0] =	ssyncset.done $0x0  }
0x96: {  	[sflag:s0] =	ssyncadd.s32 $0xFFFFC800  }
0x97: {  	[bflag:$0x0] =	sbarrier.arrive $0xFFFF  }
0x98: {  	s13 =	rddreg [dreg:$0x7]  }
0x99: {  	[hbm:s13], [sflag:s6] =	dma.local [spmem:s19], $0x2780  }
0x9a: {  	_ =	swait.ge [sflag:s20], $0x2780  }
0x9b: {  	s1 =	sadd.s32 $0x1, s1;
	s14 =	rddreg [dreg:$0x8]  }
0x9c: {  	p0 =	sne.s32 s1, s14  }
.Ltmp1:
0x9d: {  	_ = 	snop;
	(pc) =	sbr.rel @p0 .LBB2_1-.Ltmp1, $3  }
0x9e: {  	_ =	sdelay $0x1  }
0x9f: {  	[sflag:s20] =	ssyncset.done $0x0  }
0xa0: {  	[sflag:s20] =	ssyncadd.s32 $0xFFFFD880  }
0xa1: {  	_ =	sfence.sel $0x180000  }
0xa2: {  	[bflag:$0x0] =	sbarrier.arrive $0xFFFF  }
0xa3: {  	_ =	strace $0x90000050  }
0xa4: {  	s0 =	stileid.u32;
	[bflag:$0x2] =	sbarrier.arrive $0xFFFF  }
0xa5: {  	p0 =	sne.s32 s0, $0x0;
	s0 =	rddreg [dreg:$0x2]  }
0xa6: {  	s0 =	sadd.s32 @!p0 $0x100000, s0  }
0xa7: {  	[sflag:s0] =	ssyncadd.tile.s32 @!p0 $0x1;
	_ =	shalt  }
.Lfunc_end2:
_tile_overlayer_lowered:
.L_overlay_start_2:
0xa8: {  	(tag) =	ssettag $0x2  }
0xa9: {  	s0 =	rddreg [dreg:$0x0];
	s2 =	stileid.u32  }
0xaa: {  	s1 =	rddreg [dreg:$0x1];
	p0 =	sne.s32 s2, $0x0  }
0xab: {  	s3 =	rddreg [dreg:$0x2];
	[bflag:$0x3] =	sbarrier.arrive $0xFFFF;
	s2 =	simm.s32 @!p0 $0x1C07  }
0xac: {  	[timem:s3], [sflag:s2] =	dma.local @!p0 [hbm:s0], s1  }
0xad: {  	s0 =	simm.s32 @!p0 $0x7  }
0xae: {  	_ =	swait.ge @!p0 [sflag:s0], s1  }
0xaf: {  	s1 =	ssub.s32 @!p0 $0x0, s1;
	[sflag:s0] =	ssyncset.done @!p0 $0x0  }
0xb0: {  	[sflag:s0] =	ssyncadd.s32 @!p0 s1  }
0xb1: {  	[bflag:$0x3] =	sbarrier.arrive $0xFFFF  }
0xb2: {  	_ =	shalt  }

</sc_bundles>
